<compile_context>
chip_gen: v7x
topology: tpu7x:2x2x1
jax: 0.10.2.dev20260603
libtpu: 0.0.44.dev20260713+nightly
codegen_flags: <defaults>
</compile_context>

<pallas_src>
import functools

import jax
import jax.numpy as jnp
from jax import lax
from jax.experimental import pallas as pl
from jax.experimental.pallas import tpu as pltpu
from jax.experimental.pallas import tpu_sc as plsc

_HID = 128
_ATT = 64
_K = 20
_NC = 2
_NS = 16
_NW = _NC * _NS


def _sc_mesh():
    return plsc.VectorSubcoreMesh(core_axis_name="c", subcore_axis_name="s",
                                  num_cores=_NC, num_subcores=_NS)


_SC_PARAMS = pltpu.CompilerParams(needs_layout_passes=False,
                                  use_tc_tiling_on_sc=True)


def _widx():
    return lax.axis_index("s") * _NC + lax.axis_index("c")


def _gather_rows_sc(table, idx):
    B = idx.shape[0]
    D = table.shape[1]
    per = B // _NW
    ch = 64
    nch = per // ch

    @functools.partial(
        pl.kernel,
        mesh=_sc_mesh(),
        out_type=jax.ShapeDtypeStruct((B, D), jnp.float32),
        compiler_params=_SC_PARAMS,
        scratch_types=[
            pltpu.VMEM((ch,), jnp.int32),
            pltpu.VMEM((ch, D), jnp.float32),
            pltpu.SemaphoreType.DMA,
        ],
    )
    def k(tab_h, idx_h, out_h, idx_v, rows_v, sem):
        base = _widx() * per

        def chunk(i, c):
            off = base + i * ch
            pltpu.sync_copy(idx_h.at[pl.ds(off, ch)], idx_v)
            pltpu.async_copy(tab_h.at[idx_v], rows_v, sem).wait()
            pltpu.sync_copy(rows_v, out_h.at[pl.ds(off, ch)])
            return c

        lax.fori_loop(0, nch, chunk, 0)

    return k(table, idx)


_NB = 2


def _gather_pairs_sc(table, i0, i1, att=None):
    B = i0.shape[0]
    D = table.shape[1]
    per = B // _NW
    ch = 128
    nch = per // ch
    nrounds = nch // _NB
    with_att = att is not None

    out_type = [
        jax.ShapeDtypeStruct((B, D), jnp.float32),
        jax.ShapeDtypeStruct((B, D), jnp.float32),
    ]
    scratch = [
        [pltpu.VMEM((ch,), jnp.int32) for _ in range(_NB)],
        [pltpu.VMEM((ch,), jnp.int32) for _ in range(_NB)],
        [pltpu.VMEM((ch, D), jnp.float32) for _ in range(_NB)],
        [pltpu.VMEM((ch, D), jnp.float32) for _ in range(_NB)],
        [pltpu.SemaphoreType.DMA for _ in range(_NB)],
        [pltpu.SemaphoreType.DMA for _ in range(_NB)],
        [pltpu.SemaphoreType.DMA for _ in range(_NB)],
        [pltpu.SemaphoreType.DMA for _ in range(_NB)],
        [pltpu.SemaphoreType.DMA for _ in range(_NB)],
        [pltpu.SemaphoreType.DMA for _ in range(_NB)],
    ]
    if with_att:
        out_type += [
            jax.ShapeDtypeStruct((B,), jnp.int32),
            jax.ShapeDtypeStruct((B,), jnp.int32),
        ]
        scratch += [
            pltpu.VMEM((att.shape[0],), jnp.int32),
            [pltpu.VMEM((ch,), jnp.int32) for _ in range(_NB)],
            [pltpu.VMEM((ch,), jnp.int32) for _ in range(_NB)],
            [pltpu.SemaphoreType.DMA for _ in range(_NB)],
            [pltpu.SemaphoreType.DMA for _ in range(_NB)],
        ]

    def body(tab_h, i0_h, i1_h, *rest):
        if with_att:
            (att_h, r0_h, r1_h, a0_h, a1_h,
             idx0, idx1, rows0, rows1, semE0, semE1, semG0, semG1, semW0, semW1,
             att_v, a0_v, a1_v, semA0, semA1) = rest
        else:
            (r0_h, r1_h,
             idx0, idx1, rows0, rows1,
             semE0, semE1, semG0, semG1, semW0, semW1) = rest
        base = _widx() * per
        if with_att:
            pltpu.sync_copy(att_h, att_v)

        def rnd(t, c):
            @pl.when(t > 0)
            def _():
                for b in range(_NB):
                    pltpu.make_async_copy(r0_h.at[pl.ds(0, ch)], rows0[b], semW0[b]).wait()
                    pltpu.make_async_copy(r1_h.at[pl.ds(0, ch)], rows1[b], semW1[b]).wait()
                    if with_att:
                        pltpu.make_async_copy(a0_h.at[pl.ds(0, ch)], a0_v[b], semA0[b]).wait()
                        pltpu.make_async_copy(a1_h.at[pl.ds(0, ch)], a1_v[b], semA1[b]).wait()

            offs = [base + (t * _NB + b) * ch for b in range(_NB)]
            ecps = []
            for b in range(_NB):
                c0 = pltpu.async_copy(i0_h.at[pl.ds(offs[b], ch)], idx0[b], semE0[b])
                c1 = pltpu.async_copy(i1_h.at[pl.ds(offs[b], ch)], idx1[b], semE1[b])
                ecps.append((c0, c1))
            gcps = []
            for b in range(_NB):
                ecps[b][0].wait()
                ecps[b][1].wait()
                g0 = pltpu.async_copy(tab_h.at[idx0[b]], rows0[b], semG0[b])
                g1 = pltpu.async_copy(tab_h.at[idx1[b]], rows1[b], semG1[b])
                gcps.append((g0, g1))
                if with_att:
                    for j in range(ch // 16):
                        s = pl.ds(j * 16, 16)
                        a0_v[b][s] = plsc.load_gather(att_v, [idx0[b][s]])
                        a1_v[b][s] = plsc.load_gather(att_v, [idx1[b][s]])
            for b in range(_NB):
                gcps[b][0].wait()
                pltpu.async_copy(rows0[b], r0_h.at[pl.ds(offs[b], ch)], semW0[b])
                gcps[b][1].wait()
                pltpu.async_copy(rows1[b], r1_h.at[pl.ds(offs[b], ch)], semW1[b])
                if with_att:
                    pltpu.async_copy(a0_v[b], a0_h.at[pl.ds(offs[b], ch)], semA0[b])
                    pltpu.async_copy(a1_v[b], a1_h.at[pl.ds(offs[b], ch)], semA1[b])
            return c

        lax.fori_loop(0, nrounds, rnd, 0)
        for b in range(_NB):
            pltpu.make_async_copy(r0_h.at[pl.ds(0, ch)], rows0[b], semW0[b]).wait()
            pltpu.make_async_copy(r1_h.at[pl.ds(0, ch)], rows1[b], semW1[b]).wait()
            if with_att:
                pltpu.make_async_copy(a0_h.at[pl.ds(0, ch)], a0_v[b], semA0[b]).wait()
                pltpu.make_async_copy(a1_h.at[pl.ds(0, ch)], a1_v[b], semA1[b]).wait()

    args = (table, i0, i1) + ((att,) if with_att else ())
    return pl.kernel(
        body, mesh=_sc_mesh(), out_type=out_type, scratch_types=scratch,
        compiler_params=_SC_PARAMS,
    )(*args)


def _scatter_add_sc(msg0, msg1, dst0, dst1, n_rows):
    B = msg0.shape[0] * 2
    D = msg0.shape[1]
    half = B // 2
    per = half // _NS
    ch = 64
    nch = per // ch
    nrounds = nch // _NB
    zr = 16
    rows_per_tile = n_rows // _NS
    nzb = rows_per_tile // zr

    @functools.partial(
        pl.kernel,
        mesh=_sc_mesh(),
        out_type=jax.ShapeDtypeStruct((2 * n_rows, D), jnp.float32),
        compiler_params=_SC_PARAMS,
        scratch_types=[
            pltpu.VMEM_SHARED((n_rows, D), jnp.float32),
            [pltpu.VMEM((ch,), jnp.int32) for _ in range(_NB)],
            [pltpu.VMEM((ch, D), jnp.float32) for _ in range(_NB)],
            [pltpu.SemaphoreType.DMA for _ in range(_NB)],
            [pltpu.SemaphoreType.DMA for _ in range(_NB)],
            [pltpu.SemaphoreType.DMA for _ in range(_NB)],
            pltpu.VMEM((zr, D), jnp.float32),
        ],
    )
    def k(msg0_h, msg1_h, dst0_h, dst1_h, out_h, acc_sh, idx1, rows_v,
          semE, semM, semS, zero_v):
        c = lax.axis_index("c")
        s = lax.axis_index("s")

        def zrow(r, carry):
            for j in range(D // 16):
                zero_v[r, pl.ds(j * 16, 16)] = jnp.zeros((16,), jnp.float32)
            return carry

        lax.fori_loop(0, zr, zrow, 0)

        def zcp(t, carry):
            pltpu.sync_copy(zero_v, acc_sh.at[pl.ds(s * rows_per_tile + t * zr, zr)])
            return carry

        lax.fori_loop(0, nzb, zcp, 0)
        plsc.subcore_barrier()

        base = s * per

        def scan_half(msg_h, dst_h):
            def rnd(t, carry):
                @pl.when(t > 0)
                def _():
                    for b in range(_NB):
                        pltpu.make_async_copy(msg_h.at[pl.ds(0, ch)], rows_v[b], semS[b]).wait()

                offs = [base + (t * _NB + b) * ch for b in range(_NB)]
                cps = []
                for b in range(_NB):
                    ce = pltpu.async_copy(dst_h.at[pl.ds(offs[b], ch)], idx1[b], semE[b])
                    cm = pltpu.async_copy(msg_h.at[pl.ds(offs[b], ch)], rows_v[b], semM[b])
                    cps.append((ce, cm))
                for b in range(_NB):
                    cps[b][0].wait()
                    cps[b][1].wait()
                    pltpu.async_copy(rows_v[b], acc_sh.at[idx1[b]], semS[b], add=True)
                return carry

            lax.fori_loop(0, nrounds, rnd, 0)
            for b in range(_NB):
                pltpu.make_async_copy(msg_h.at[pl.ds(0, ch)], rows_v[b], semS[b]).wait()

        @pl.when(c == 0)
        def _():
            scan_half(msg0_h, dst0_h)

        @pl.when(c == 1)
        def _():
            scan_half(msg1_h, dst1_h)

        plsc.subcore_barrier()

        def wb(t, carry):
            r0 = s * rows_per_tile + t * zr
            pltpu.sync_copy(acc_sh.at[pl.ds(r0, zr)],
                            out_h.at[pl.ds(c * n_rows + r0, zr)])
            return carry

        lax.fori_loop(0, nzb, wb, 0)

    return k(msg0, msg1, dst0, dst1)


def _mm_t(x, w):
    return lax.dot_general(x, w, (((1,), (1,)), ((), ())),
                           preferred_element_type=jnp.float32)



def _node_feat_tc(A_pad, W, b):
    G, _, Nm, _ = A_pad.shape
    gb = 4
    grid = (G // gb,)

    def body(a_r, w_r, b_r, o_r):
        rmask = lax.broadcasted_iota(jnp.int32, (512, 1), 0) < Nm
        for g in range(gb):
            a = a_r[g, 0]
            az = jnp.concatenate(
                [a, jnp.zeros((512 - Nm, Nm), jnp.float32)], axis=0)
            o_r[g] = _mm_t(az, w_r[...]) + jnp.where(rmask, b_r[...], 0.0)

    return pl.pallas_call(
        body,
        grid=grid,
        in_specs=[
            pl.BlockSpec((gb, 1, Nm, Nm), lambda i: (i, 0, 0, 0)),
            pl.BlockSpec(W.shape, lambda i: (0, 0)),
            pl.BlockSpec(b.shape, lambda i: (0, 0)),
        ],
        out_specs=pl.BlockSpec((gb, 512, _HID), lambda i: (i, 0, 0)),
        out_shape=jax.ShapeDtypeStruct((G, 512, _HID), jnp.float32),
    )(A_pad, W, b)


def _edge_mlp_tc(r0, r1, a0, a1, w1s, w1a, b1, wm2, bm2, wa2, ba2):
    B = r0.shape[0]
    blk = 2048
    grid = (B // blk,)

    def body(r0_r, r1_r, a0_r, a1_r, w1s_r, w1a_r, b1_r, wm2_r, bm2_r,
             wa2_r, ba2_r, o_r):
        diff = r0_r[...] - r1_r[...]
        av0 = a0_r[...]
        av1 = a1_r[...]
        iot_s = lax.broadcasted_iota(jnp.int32, (2 * _ATT, 128), 0)
        att_parts = []
        for k in range(blk // 128):
            sel_t = jnp.where(iot_s < _ATT, av0[k:k + 1, :],
                              av1[k:k + 1, :] + _ATT)
            oh_t = (sel_t == iot_s).astype(jnp.float32)
            att_parts.append(lax.dot_general(
                oh_t, w1a_r[...], (((0,), (1,)), ((), ())),
                preferred_element_type=jnp.float32))
        pre_att = jnp.concatenate(att_parts, axis=0)
        pre = _mm_t(diff, w1s_r[...]) + pre_att + b1_r[...]
        h = jnp.maximum(pre, 0.0)
        msg0 = _mm_t(h[:, :_HID], wm2_r[...]) + bm2_r[...]
        attw = jax.nn.sigmoid(_mm_t(h[:, _HID:], wa2_r[...]) + ba2_r[...])
        o_r[...] = msg0 * attw

    full = lambda a: pl.BlockSpec(a.shape, lambda i: (0,) * a.ndim)
    return pl.pallas_call(
        body,
        grid=grid,
        in_specs=[
            pl.BlockSpec((blk, _HID), lambda i: (i, 0)),
            pl.BlockSpec((blk, _HID), lambda i: (i, 0)),
            pl.BlockSpec((blk // 128, 128), lambda i: (i, 0)),
            pl.BlockSpec((blk // 128, 128), lambda i: (i, 0)),
            full(w1s), full(w1a), full(b1), full(wm2), full(bm2),
            full(wa2), full(ba2),
        ],
        out_specs=pl.BlockSpec((blk, _HID), lambda i: (i, 0)),
        out_shape=jax.ShapeDtypeStruct((B, _HID), jnp.float32),
    )(r0, r1, a0, a1, w1s, w1a, b1, wm2, bm2, wa2, ba2)


def _gru_tc(parts, st, wih, whh, bih, bhh):
    M = st.shape[0]
    blk = 2048
    grid = (M // blk,)
    nb = M // blk

    def body(p0_r, p1_r, st_r, wih_r, whh_r, bih_r, bhh_r, o_r):
        sm = p0_r[...] + p1_r[...]
        s = st_r[...]
        gi = _mm_t(sm, wih_r[...]) + bih_r[...]
        gh = _mm_t(s, whh_r[...]) + bhh_r[...]
        r = jax.nn.sigmoid(gi[:, :_HID] + gh[:, :_HID])
        z = jax.nn.sigmoid(gi[:, _HID:2 * _HID] + gh[:, _HID:2 * _HID])
        n = jnp.tanh(gi[:, 2 * _HID:] + r * gh[:, 2 * _HID:])
        o_r[...] = (1.0 - z) * n + z * s

    full = lambda a: pl.BlockSpec(a.shape, lambda i: (0,) * a.ndim)
    return pl.pallas_call(
        body,
        grid=grid,
        in_specs=[
            pl.BlockSpec((blk, _HID), lambda i: (i, 0)),
            pl.BlockSpec((blk, _HID), lambda i: (i + nb, 0)),
            pl.BlockSpec((blk, _HID), lambda i: (i, 0)),
            full(wih), full(whh), full(bih), full(bhh),
        ],
        out_specs=pl.BlockSpec((blk, _HID), lambda i: (i, 0)),
        out_shape=jax.ShapeDtypeStruct((M, _HID), jnp.float32),
    )(parts, parts, st, wih, whh, bih, bhh)


def _heads_tc(ne, d0, d1, w1, b1, wt2, bt2, wp2, bp2, wt3, bt3, wp3, bp3):
    blk = 2048
    grid = (-(-ne // blk),)

    def body(d0_r, d1_r, w1_r, b1_r, wt2_r, bt2_r, wp2_r, bp2_r, wt3_r,
             bt3_r, wp3_r, bp3_r, ot_r, oa_r):
        diff = d0_r[...] - d1_r[...]
        h = jnp.maximum(_mm_t(diff, w1_r[...]) + b1_r[...], 0.0)
        t = jnp.maximum(_mm_t(h[:, :_HID], wt2_r[...]) + bt2_r[...], 0.0)
        ot_r[...] = lax.dot_general(
            wt3_r[...], t, (((1,), (1,)), ((), ())),
            preferred_element_type=jnp.float32) + bt3_r[...]
        a = jnp.maximum(_mm_t(h[:, _HID:], wp2_r[...]) + bp2_r[...], 0.0)
        lp = lax.dot_general(
            wp3_r[...], a, (((1,), (1,)), ((), ())),
            preferred_element_type=jnp.float32) + bp3_r[...]
        m = jnp.max(lp, axis=0, keepdims=True)
        ls = jnp.log(jnp.sum(jnp.exp(lp - m), axis=0, keepdims=True)) + m
        oa_r[...] = lp - ls

    full = lambda a: pl.BlockSpec(a.shape, lambda i: (0,) * a.ndim)
    return pl.pallas_call(
        body,
        grid=grid,
        in_specs=[
            pl.BlockSpec((blk, _HID), lambda i: (i, 0)),
            pl.BlockSpec((blk, _HID), lambda i: (i, 0)),
            full(w1), full(b1), full(wt2), full(bt2), full(wp2), full(bp2),
            full(wt3), full(bt3), full(wp3), full(bp3),
        ],
        out_specs=[
            pl.BlockSpec((_K, blk), lambda i: (0, i)),
            pl.BlockSpec((_K, blk), lambda i: (0, i)),
        ],
        out_shape=[
            jax.ShapeDtypeStruct((_K, ne), jnp.float32),
            jax.ShapeDtypeStruct((_K, ne), jnp.float32),
        ],
    )(d0, d1, w1, b1, wt2, bt2, wp2, bp2, wt3, bt3, wp3, bp3)


def kernel(A_pad, edges, node_idx_gnn, node_idx_feat, att_idx, params):
    p = params
    Gg, Cc, Nm, _ = A_pad.shape
    NN = Gg * Cc * Nm
    NE = edges.shape[0]
    EPAD = -(-NE // 4096) * 4096
    NPAD = -(-NN // 2048) * 2048

    nf3 = _node_feat_tc(A_pad, p['W_di'], p['b_di'].reshape(1, -1))
    nf_tbl = nf3.reshape(Gg * 512, _HID)
    nif = node_idx_feat.astype(jnp.int32)
    j = nif - 1
    nif2 = jnp.where(nif == 0, Nm, j + (512 - Nm) * (j // Nm))
    nif_full = jnp.concatenate(
        [nif2, jnp.full((NPAD - NN,), Nm, jnp.int32)])
    state = _gather_rows_sc(nf_tbl, nif_full)

    H = EPAD // 2
    ed = edges.astype(jnp.int32)
    spread = (lax.iota(jnp.int32, EPAD - NE) * 8) % NPAD
    e0 = jnp.concatenate([ed[:, 0], spread])
    e1g = jnp.concatenate([ed[:, 1], spread])
    e1s = jnp.concatenate([ed[:, 1],
                           jnp.full((EPAD - NE,), NPAD - 1, jnp.int32)])
    att32 = att_idx.astype(jnp.int32)

    w1s = jnp.concatenate([p['W_m1'][:, :_HID], p['W_a1'][:, :_HID]], axis=0)
    w1a = jnp.concatenate([p['W_m1'][:, _HID:], p['W_a1'][:, _HID:]], axis=0)
    b1e = jnp.concatenate([p['b_m1'], p['b_a1']]).reshape(1, -1)
    msgs = []
    for h in range(2):
        sl = slice(h * H, (h + 1) * H)
        r0, r1, a0, a1 = _gather_pairs_sc(state, e0[sl], e1g[sl], att32)
        msgs.append(_edge_mlp_tc(r0, r1, a0.reshape(-1, 128),
                                 a1.reshape(-1, 128),
                                 w1s, w1a, b1e,
                                 p['W_m2'], p['b_m2'].reshape(1, -1),
                                 p['W_a2'], p['b_a2'].reshape(1, -1)))

    parts = _scatter_add_sc(msgs[0], msgs[1], e1s[:H], e1s[H:], NPAD)

    new_state = _gru_tc(parts, state,
                        p['W_ih'], p['W_hh'],
                        p['b_ih'].reshape(1, -1), p['b_hh'].reshape(1, -1))

    gd = node_idx_gnn.astype(jnp.int32)
    n0 = jnp.concatenate([gd[:, 0], spread])
    n1 = jnp.concatenate([gd[:, 1], spread])

    w1h = jnp.concatenate([p['W_t1'], p['W_p1']], axis=0)
    b1h = jnp.concatenate([p['b_t1'], p['b_p1']]).reshape(1, -1)
    outs = []
    for h in range(2):
        sl = slice(h * H, (h + 1) * H)
        ne_h = min(NE - h * H, H)
        d0, d1 = _gather_pairs_sc(new_state, n0[sl], n1[sl])
        outs.append(_heads_tc(
            ne_h, d0, d1, w1h, b1h,
            p['W_t2'], p['b_t2'].reshape(1, -1),
            p['W_p2'], p['b_p2'].reshape(1, -1),
            p['W_t3'], p['b_t3'].reshape(-1, 1),
            p['W_p3'], p['b_p3'].reshape(-1, 1)))
    log_theta = jnp.concatenate([outs[0][0], outs[1][0]], axis=1).T
    log_alpha = jnp.concatenate([outs[0][1], outs[1][1]], axis=1).T
    return log_theta, log_alpha

# --- scband reference (transcript-rebuilt; emitter-appended) ---
"""Pipeline reference for scband-granmixture-bernoulli-15298673508739 (READ-ONLY COPY).

The authoritative reference and input builder live on the scoring server;
editing this copy changes nothing except your own understanding.
"""

import jax, jax.numpy as jnp
import numpy as np

HID = 128
N_MAX = 500
ATT_DIM = 64
K_MIX = 20
N_NODES = 10000
N_EDGES = 160000


def _linear(x, W, b):
    return x @ W.T + b


def _make_params(key):
    ks = jax.random.split(key, 30)
    s = 0.05
    p = {}
    p['W_di'] = jax.random.normal(ks[0], (HID, N_MAX), dtype=jnp.float32) * s
    p['b_di'] = jnp.zeros((HID,), dtype=jnp.float32)
    ein = HID + 2 * ATT_DIM
    p['W_m1'] = jax.random.normal(ks[1], (HID, ein), dtype=jnp.float32) * s
    p['b_m1'] = jnp.zeros((HID,), dtype=jnp.float32)
    p['W_m2'] = jax.random.normal(ks[2], (HID, HID), dtype=jnp.float32) * s
    p['b_m2'] = jnp.zeros((HID,), dtype=jnp.float32)
    p['W_a1'] = jax.random.normal(ks[3], (128, ein), dtype=jnp.float32) * s
    p['b_a1'] = jnp.zeros((128,), dtype=jnp.float32)
    p['W_a2'] = jax.random.normal(ks[4], (HID, 128), dtype=jnp.float32) * s
    p['b_a2'] = jnp.zeros((HID,), dtype=jnp.float32)
    p['W_ih'] = jax.random.normal(ks[5], (3 * HID, HID), dtype=jnp.float32) * s
    p['W_hh'] = jax.random.normal(ks[6], (3 * HID, HID), dtype=jnp.float32) * s
    p['b_ih'] = jnp.zeros((3 * HID,), dtype=jnp.float32)
    p['b_hh'] = jnp.zeros((3 * HID,), dtype=jnp.float32)
    p['W_t1'] = jax.random.normal(ks[7], (HID, HID), dtype=jnp.float32) * s
    p['b_t1'] = jnp.zeros((HID,), dtype=jnp.float32)
    p['W_t2'] = jax.random.normal(ks[8], (HID, HID), dtype=jnp.float32) * s
    p['b_t2'] = jnp.zeros((HID,), dtype=jnp.float32)
    p['W_t3'] = jax.random.normal(ks[9], (K_MIX, HID), dtype=jnp.float32) * s
    p['b_t3'] = jnp.zeros((K_MIX,), dtype=jnp.float32)
    p['W_p1'] = jax.random.normal(ks[10], (HID, HID), dtype=jnp.float32) * s
    p['b_p1'] = jnp.zeros((HID,), dtype=jnp.float32)
    p['W_p2'] = jax.random.normal(ks[11], (HID, HID), dtype=jnp.float32) * s
    p['b_p2'] = jnp.zeros((HID,), dtype=jnp.float32)
    p['W_p3'] = jax.random.normal(ks[12], (K_MIX, HID), dtype=jnp.float32) * s
    p['b_p3'] = jnp.zeros((K_MIX,), dtype=jnp.float32)
    return p


def setup_inputs(seed: int = 0):
    key = jax.random.key(seed)
    ks = jax.random.split(key, 8)
    A_pad = jax.random.uniform(ks[0], (20, 1, N_MAX, N_MAX), dtype=jnp.float32)
    edges = jax.random.randint(ks[1], (N_EDGES, 2), 0, N_NODES, dtype=jnp.int32)
    node_idx_gnn = jax.random.randint(ks[2], (N_EDGES, 2), 0, N_NODES, dtype=jnp.int32)
    node_idx_feat = jax.random.randint(ks[3], (N_NODES,), 0, N_NODES + 1, dtype=jnp.int32)
    att_idx = jax.random.randint(ks[4], (N_NODES,), 0, ATT_DIM, dtype=jnp.int32)
    params = _make_params(ks[5])
    return {'A_pad': A_pad, 'edges': edges, 'node_idx_gnn': node_idx_gnn,
            'node_idx_feat': node_idx_feat, 'att_idx': att_idx, 'params': params}


def reference(A_pad, edges, node_idx_gnn, node_idx_feat, att_idx, params):
    p = params
    B, C, Nm, _ = A_pad.shape
    A = A_pad.reshape(B * C * Nm, Nm)
    node_feat = _linear(A, p['W_di'], p['b_di'])
    node_feat = jnp.pad(node_feat, ((1, 0), (0, 0)))
    # symmetry-breaking attention edge features (one-hot scatter, torch .scatter equiv)
    a0 = att_idx[edges[:, 0]]
    a1 = att_idx[edges[:, 1]]
    att_edge_feat = jnp.concatenate([jax.nn.one_hot(a0, ATT_DIM, dtype=jnp.float32),
                                     jax.nn.one_hot(a1, ATT_DIM, dtype=jnp.float32)], axis=1)
    # gather node states for GNN graph
    state = node_feat[node_idx_feat]
    # one propagation step (num_GNN_layers=1, num_GNN_prop=1)
    state_diff = state[edges[:, 0], :] - state[edges[:, 1], :]
    edge_input = jnp.concatenate([state_diff, att_edge_feat], axis=1)
    h1 = jax.nn.relu(_linear(edge_input, p['W_m1'], p['b_m1']))
    msg = _linear(h1, p['W_m2'], p['b_m2'])
    ah = jax.nn.relu(_linear(edge_input, p['W_a1'], p['b_a1']))
    att_w = jax.nn.sigmoid(_linear(ah, p['W_a2'], p['b_a2']))
    msg = msg * att_w
    state_msg = jax.ops.segment_sum(msg, edges[:, 1], num_segments=state.shape[0])
    # GRUCell update (torch gate order: r, z, n)
    gi = state_msg @ p['W_ih'].T + p['b_ih']
    gh = state @ p['W_hh'].T + p['b_hh']
    i_r, i_z, i_n = jnp.split(gi, 3, axis=1)
    h_r, h_z, h_n = jnp.split(gh, 3, axis=1)
    r = jax.nn.sigmoid(i_r + h_r)
    z = jax.nn.sigmoid(i_z + h_z)
    n = jnp.tanh(i_n + r * h_n)
    state = (1.0 - z) * n + z * state
    # pairwise edge prediction heads
    diff = state[node_idx_gnn[:, 0], :] - state[node_idx_gnn[:, 1], :]
    t = jax.nn.relu(_linear(diff, p['W_t1'], p['b_t1']))
    t = jax.nn.relu(_linear(t, p['W_t2'], p['b_t2']))
    log_theta = _linear(t, p['W_t3'], p['b_t3']).reshape(-1, K_MIX)
    a = jax.nn.relu(_linear(diff, p['W_p1'], p['b_p1']))
    a = jax.nn.relu(_linear(a, p['W_p2'], p['b_p2']))
    log_alpha = jax.nn.log_softmax(_linear(a, p['W_p3'], p['b_p3']), axis=1).reshape(-1, K_MIX)
    return log_theta, log_alpha

if __name__ == "__main__":
    import jax
    _d = setup_inputs()
    print(jax.jit(kernel)(*tuple(_d.values())))

</pallas_src>

<mosaic_0001>
#map = affine_map<(d0, d1) -> (0, 0)>
#map1 = affine_map<(d0, d1) -> (0)>
module attributes {stable_mosaic.version = 14 : i64} {
  func.func @body(%arg0: i32, %arg1: i32, %arg2: memref<10240x128xf32, #tpu.memory_space<hbm>>, %arg3: memref<81920xi32, #tpu.memory_space<hbm>>, %arg4: memref<81920xi32, #tpu.memory_space<hbm>>, %arg5: memref<10000xi32, #tpu.memory_space<hbm>>, %arg6: memref<81920x128xf32, #tpu.memory_space<hbm>>, %arg7: memref<81920x128xf32, #tpu.memory_space<hbm>>, %arg8: memref<81920xi32, #tpu.memory_space<hbm>>, %arg9: memref<81920xi32, #tpu.memory_space<hbm>>, %arg10: memref<128xi32, #tpu.memory_space<vmem>>, %arg11: memref<128xi32, #tpu.memory_space<vmem>>, %arg12: memref<128xi32, #tpu.memory_space<vmem>>, %arg13: memref<128xi32, #tpu.memory_space<vmem>>, %arg14: memref<128x128xf32, #tpu.memory_space<vmem>>, %arg15: memref<128x128xf32, #tpu.memory_space<vmem>>, %arg16: memref<128x128xf32, #tpu.memory_space<vmem>>, %arg17: memref<128x128xf32, #tpu.memory_space<vmem>>, %arg18: memref<!tpu.dma_semaphore, #tpu.memory_space<semaphore_mem>>, %arg19: memref<!tpu.dma_semaphore, #tpu.memory_space<semaphore_mem>>, %arg20: memref<!tpu.dma_semaphore, #tpu.memory_space<semaphore_mem>>, %arg21: memref<!tpu.dma_semaphore, #tpu.memory_space<semaphore_mem>>, %arg22: memref<!tpu.dma_semaphore, #tpu.memory_space<semaphore_mem>>, %arg23: memref<!tpu.dma_semaphore, #tpu.memory_space<semaphore_mem>>, %arg24: memref<!tpu.dma_semaphore, #tpu.memory_space<semaphore_mem>>, %arg25: memref<!tpu.dma_semaphore, #tpu.memory_space<semaphore_mem>>, %arg26: memref<!tpu.dma_semaphore, #tpu.memory_space<semaphore_mem>>, %arg27: memref<!tpu.dma_semaphore, #tpu.memory_space<semaphore_mem>>, %arg28: memref<!tpu.dma_semaphore, #tpu.memory_space<semaphore_mem>>, %arg29: memref<!tpu.dma_semaphore, #tpu.memory_space<semaphore_mem>>, %arg30: memref<10000xi32, #tpu.memory_space<vmem>>, %arg31: memref<128xi32, #tpu.memory_space<vmem>>, %arg32: memref<128xi32, #tpu.memory_space<vmem>>, %arg33: memref<128xi32, #tpu.memory_space<vmem>>, %arg34: memref<128xi32, #tpu.memory_space<vmem>>, %arg35: memref<!tpu.dma_semaphore, #tpu.memory_space<semaphore_mem>>, %arg36: memref<!tpu.dma_semaphore, #tpu.memory_space<semaphore_mem>>, %arg37: memref<!tpu.dma_semaphore, #tpu.memory_space<semaphore_mem>>, %arg38: memref<!tpu.dma_semaphore, #tpu.memory_space<semaphore_mem>>) attributes {dimension_semantics = [#tpu.dimension_semantics<core_parallel>, #tpu.dimension_semantics<subcore_parallel>], iteration_bounds = array<i64: 2, 16>, scalar_prefetch = 0 : i64, scratch_operands = 29 : i64, tpu.core_type = #tpu.core_type<sc_vector_subcore>, window_params = [{transform_indices = #map}, {transform_indices = #map1}, {transform_indices = #map1}, {transform_indices = #map1}, {transform_indices = #map}, {transform_indices = #map}, {transform_indices = #map1}, {transform_indices = #map1}]} {
    %mul3A = arith.constant 2 : i32
    %mul3A_0 = arith.muli %arg1, %mul3A : i32
    %add3A = arith.addi %mul3A_0, %arg0 : i32
    %mul3A_1 = arith.constant 2560 : i32
    %mul3A_2 = arith.muli %add3A, %mul3A_1 : i32
    "tpu.region"() ({
      %run_scoped3A = tpu.sem_alloc : memref<!tpu.dma_semaphore, #tpu.memory_space<semaphore_mem>>
      tpu.enqueue_dma source(%arg5 : memref<10000xi32, #tpu.memory_space<hbm>>) target(%arg30 : memref<10000xi32, #tpu.memory_space<vmem>>) target_semaphore(%run_scoped3A : memref<!tpu.dma_semaphore, #tpu.memory_space<semaphore_mem>>)
      tpu.wait_dma2 semaphore(%run_scoped3A : memref<!tpu.dma_semaphore, #tpu.memory_space<semaphore_mem>>) src(%arg5 : memref<10000xi32, #tpu.memory_space<hbm>>) dst(%arg30 : memref<10000xi32, #tpu.memory_space<vmem>>)
      tpu.yield
    }) : () -> ()
    %scan3A = arith.constant 0 : i32
    %scan3A_3 = arith.constant 0 : i32
    %scan3A_4 = arith.constant 10 : i32
    %scan3A_5 = arith.addi %scan3A_3, %scan3A_4 : i32
    %scan3A_6 = arith.constant 1 : i32
    scf.for %scan3A_47 = %scan3A_3 to %scan3A_5 step %scan3A_6  : i32 {
      %gt3A = arith.constant 0 : i32
      %gt3A_48 = arith.cmpi sgt, %scan3A_47, %gt3A : i32
      %convert_element_type3A = arith.extui %gt3A_48 : i1 to i32
      %cond3A = arith.constant 0 : i32
      %cond3A_49 = arith.cmpi ne, %convert_element_type3A, %cond3A : i32
      scf.if %cond3A_49 {
        %dma_wait3A_284 = arith.constant 0 : i32
        %dma_wait3A_285 = arith.constant 0 : i32
        %dma_wait3A_286 = tpu.memref_slice %arg6[%dma_wait3A_284, %dma_wait3A_285] : memref<81920x128xf32, #tpu.memory_space<hbm>> -> memref<128x128xf32, #tpu.memory_space<hbm>>
        %dma_wait3A_287 = arith.constant 0 : i32
        %dma_wait3A_288 = arith.constant 0 : i32
        %dma_wait3A_289 = tpu.memref_slice %arg6[%dma_wait3A_287, %dma_wait3A_288] : memref<81920x128xf32, #tpu.memory_space<hbm>> -> memref<128x128xf32, #tpu.memory_space<hbm>>
        tpu.wait_dma2 semaphore(%arg26 : memref<!tpu.dma_semaphore, #tpu.memory_space<semaphore_mem>>) src(%dma_wait3A_289 : memref<128x128xf32, #tpu.memory_space<hbm>>) dst(%arg14 : memref<128x128xf32, #tpu.memory_space<vmem>>)
        %dma_wait3A_290 = arith.constant 0 : i32
        %dma_wait3A_291 = arith.constant 0 : i32
        %dma_wait3A_292 = tpu.memref_slice %arg7[%dma_wait3A_290, %dma_wait3A_291] : memref<81920x128xf32, #tpu.memory_space<hbm>> -> memref<128x128xf32, #tpu.memory_space<hbm>>
        %dma_wait3A_293 = arith.constant 0 : i32
        %dma_wait3A_294 = arith.constant 0 : i32
        %dma_wait3A_295 = tpu.memref_slice %arg7[%dma_wait3A_293, %dma_wait3A_294] : memref<81920x128xf32, #tpu.memory_space<hbm>> -> memref<128x128xf32, #tpu.memory_space<hbm>>
        tpu.wait_dma2 semaphore(%arg28 : memref<!tpu.dma_semaphore, #tpu.memory_space<semaphore_mem>>) src(%dma_wait3A_295 : memref<128x128xf32, #tpu.memory_space<hbm>>) dst(%arg16 : memref<128x128xf32, #tpu.memory_space<vmem>>)
        %dma_wait3A_296 = arith.constant 0 : i32
        %dma_wait3A_297 = tpu.memref_slice %arg8[%dma_wait3A_296] : memref<81920xi32, #tpu.memory_space<hbm>> -> memref<128xi32, #tpu.memory_space<hbm>>
        %dma_wait3A_298 = arith.constant 0 : i32
        %dma_wait3A_299 = tpu.memref_slice %arg8[%dma_wait3A_298] : memref<81920xi32, #tpu.memory_space<hbm>> -> memref<128xi32, #tpu.memory_space<hbm>>
        tpu.wait_dma2 semaphore(%arg35 : memref<!tpu.dma_semaphore, #tpu.memory_space<semaphore_mem>>) src(%dma_wait3A_299 : memref<128xi32, #tpu.memory_space<hbm>>) dst(%arg31 : memref<128xi32, #tpu.memory_space<vmem>>)
        %dma_wait3A_300 = arith.constant 0 : i32
        %dma_wait3A_301 = tpu.memref_slice %arg9[%dma_wait3A_300] : memref<81920xi32, #tpu.memory_space<hbm>> -> memref<128xi32, #tpu.memory_space<hbm>>
        %dma_wait3A_302 = arith.constant 0 : i32
        %dma_wait3A_303 = tpu.memref_slice %arg9[%dma_wait3A_302] : memref<81920xi32, #tpu.memory_space<hbm>> -> memref<128xi32, #tpu.memory_space<hbm>>
        tpu.wait_dma2 semaphore(%arg37 : memref<!tpu.dma_semaphore, #tpu.memory_space<semaphore_mem>>) src(%dma_wait3A_303 : memref<128xi32, #tpu.memory_space<hbm>>) dst(%arg33 : memref<128xi32, #tpu.memory_space<vmem>>)
        %dma_wait3A_304 = arith.constant 0 : i32
        %dma_wait3A_305 = arith.constant 0 : i32
        %dma_wait3A_306 = tpu.memref_slice %arg6[%dma_wait3A_304, %dma_wait3A_305] : memref<81920x128xf32, #tpu.memory_space<hbm>> -> memref<128x128xf32, #tpu.memory_space<hbm>>
        %dma_wait3A_307 = arith.constant 0 : i32
        %dma_wait3A_308 = arith.constant 0 : i32
        %dma_wait3A_309 = tpu.memref_slice %arg6[%dma_wait3A_307, %dma_wait3A_308] : memref<81920x128xf32, #tpu.memory_space<hbm>> -> memref<128x128xf32, #tpu.memory_space<hbm>>
        tpu.wait_dma2 semaphore(%arg27 : memref<!tpu.dma_semaphore, #tpu.memory_space<semaphore_mem>>) src(%dma_wait3A_309 : memref<128x128xf32, #tpu.memory_space<hbm>>) dst(%arg15 : memref<128x128xf32, #tpu.memory_space<vmem>>)
        %dma_wait3A_310 = arith.constant 0 : i32
        %dma_wait3A_311 = arith.constant 0 : i32
        %dma_wait3A_312 = tpu.memref_slice %arg7[%dma_wait3A_310, %dma_wait3A_311] : memref<81920x128xf32, #tpu.memory_space<hbm>> -> memref<128x128xf32, #tpu.memory_space<hbm>>
        %dma_wait3A_313 = arith.constant 0 : i32
        %dma_wait3A_314 = arith.constant 0 : i32
        %dma_wait3A_315 = tpu.memref_slice %arg7[%dma_wait3A_313, %dma_wait3A_314] : memref<81920x128xf32, #tpu.memory_space<hbm>> -> memref<128x128xf32, #tpu.memory_space<hbm>>
        tpu.wait_dma2 semaphore(%arg29 : memref<!tpu.dma_semaphore, #tpu.memory_space<semaphore_mem>>) src(%dma_wait3A_315 : memref<128x128xf32, #tpu.memory_space<hbm>>) dst(%arg17 : memref<128x128xf32, #tpu.memory_space<vmem>>)
        %dma_wait3A_316 = arith.constant 0 : i32
        %dma_wait3A_317 = tpu.memref_slice %arg8[%dma_wait3A_316] : memref<81920xi32, #tpu.memory_space<hbm>> -> memref<128xi32, #tpu.memory_space<hbm>>
        %dma_wait3A_318 = arith.constant 0 : i32
        %dma_wait3A_319 = tpu.memref_slice %arg8[%dma_wait3A_318] : memref<81920xi32, #tpu.memory_space<hbm>> -> memref<128xi32, #tpu.memory_space<hbm>>
        tpu.wait_dma2 semaphore(%arg36 : memref<!tpu.dma_semaphore, #tpu.memory_space<semaphore_mem>>) src(%dma_wait3A_319 : memref<128xi32, #tpu.memory_space<hbm>>) dst(%arg32 : memref<128xi32, #tpu.memory_space<vmem>>)
        %dma_wait3A_320 = arith.constant 0 : i32
        %dma_wait3A_321 = tpu.memref_slice %arg9[%dma_wait3A_320] : memref<81920xi32, #tpu.memory_space<hbm>> -> memref<128xi32, #tpu.memory_space<hbm>>
        %dma_wait3A_322 = arith.constant 0 : i32
        %dma_wait3A_323 = tpu.memref_slice %arg9[%dma_wait3A_322] : memref<81920xi32, #tpu.memory_space<hbm>> -> memref<128xi32, #tpu.memory_space<hbm>>
        tpu.wait_dma2 semaphore(%arg38 : memref<!tpu.dma_semaphore, #tpu.memory_space<semaphore_mem>>) src(%dma_wait3A_323 : memref<128xi32, #tpu.memory_space<hbm>>) dst(%arg34 : memref<128xi32, #tpu.memory_space<vmem>>)
      } else {
      }
      %mul3A_50 = arith.constant 2 : i32
      %mul3A_51 = arith.muli %scan3A_47, %mul3A_50 : i32
      %add3A_52 = arith.constant 0 : i32
      %add3A_53 = arith.addi %mul3A_51, %add3A_52 : i32
      %mul3A_54 = arith.constant 128 : i32
      %mul3A_55 = arith.muli %add3A_53, %mul3A_54 : i32
      %add3A_56 = arith.addi %mul3A_2, %mul3A_55 : i32
      %mul3A_57 = arith.constant 2 : i32
      %mul3A_58 = arith.muli %scan3A_47, %mul3A_57 : i32
      %add3A_59 = arith.constant 1 : i32
      %add3A_60 = arith.addi %mul3A_58, %add3A_59 : i32
      %mul3A_61 = arith.constant 128 : i32
      %mul3A_62 = arith.muli %add3A_60, %mul3A_61 : i32
      %add3A_63 = arith.addi %mul3A_2, %mul3A_62 : i32
      %dma_start3A = tpu.memref_slice %arg3[%add3A_56] : memref<81920xi32, #tpu.memory_space<hbm>> -> memref<128xi32, #tpu.memory_space<hbm>>
      %dma_start3A_64 = tpu.memref_slice %arg3[%add3A_56] : memref<81920xi32, #tpu.memory_space<hbm>> -> memref<128xi32, #tpu.memory_space<hbm>>
      tpu.enqueue_dma source(%dma_start3A_64 : memref<128xi32, #tpu.memory_space<hbm>>) target(%arg10 : memref<128xi32, #tpu.memory_space<vmem>>) target_semaphore(%arg18 : memref<!tpu.dma_semaphore, #tpu.memory_space<semaphore_mem>>)
      %dma_start3A_65 = tpu.memref_slice %arg4[%add3A_56] : memref<81920xi32, #tpu.memory_space<hbm>> -> memref<128xi32, #tpu.memory_space<hbm>>
      %dma_start3A_66 = tpu.memref_slice %arg4[%add3A_56] : memref<81920xi32, #tpu.memory_space<hbm>> -> memref<128xi32, #tpu.memory_space<hbm>>
      tpu.enqueue_dma source(%dma_start3A_66 : memref<128xi32, #tpu.memory_space<hbm>>) target(%arg12 : memref<128xi32, #tpu.memory_space<vmem>>) target_semaphore(%arg20 : memref<!tpu.dma_semaphore, #tpu.memory_space<semaphore_mem>>)
      %dma_start3A_67 = tpu.memref_slice %arg3[%add3A_63] : memref<81920xi32, #tpu.memory_space<hbm>> -> memref<128xi32, #tpu.memory_space<hbm>>
      %dma_start3A_68 = tpu.memref_slice %arg3[%add3A_63] : memref<81920xi32, #tpu.memory_space<hbm>> -> memref<128xi32, #tpu.memory_space<hbm>>
      tpu.enqueue_dma source(%dma_start3A_68 : memref<128xi32, #tpu.memory_space<hbm>>) target(%arg11 : memref<128xi32, #tpu.memory_space<vmem>>) target_semaphore(%arg19 : memref<!tpu.dma_semaphore, #tpu.memory_space<semaphore_mem>>)
      %dma_start3A_69 = tpu.memref_slice %arg4[%add3A_63] : memref<81920xi32, #tpu.memory_space<hbm>> -> memref<128xi32, #tpu.memory_space<hbm>>
      %dma_start3A_70 = tpu.memref_slice %arg4[%add3A_63] : memref<81920xi32, #tpu.memory_space<hbm>> -> memref<128xi32, #tpu.memory_space<hbm>>
      tpu.enqueue_dma source(%dma_start3A_70 : memref<128xi32, #tpu.memory_space<hbm>>) target(%arg13 : memref<128xi32, #tpu.memory_space<vmem>>) target_semaphore(%arg21 : memref<!tpu.dma_semaphore, #tpu.memory_space<semaphore_mem>>)
      %dma_wait3A_71 = tpu.memref_slice %arg3[%add3A_56] : memref<81920xi32, #tpu.memory_space<hbm>> -> memref<128xi32, #tpu.memory_space<hbm>>
      %dma_wait3A_72 = tpu.memref_slice %arg3[%add3A_56] : memref<81920xi32, #tpu.memory_space<hbm>> -> memref<128xi32, #tpu.memory_space<hbm>>
      tpu.wait_dma2 semaphore(%arg18 : memref<!tpu.dma_semaphore, #tpu.memory_space<semaphore_mem>>) src(%dma_wait3A_72 : memref<128xi32, #tpu.memory_space<hbm>>) dst(%arg10 : memref<128xi32, #tpu.memory_space<vmem>>)
      %dma_wait3A_73 = tpu.memref_slice %arg4[%add3A_56] : memref<81920xi32, #tpu.memory_space<hbm>> -> memref<128xi32, #tpu.memory_space<hbm>>
      %dma_wait3A_74 = tpu.memref_slice %arg4[%add3A_56] : memref<81920xi32, #tpu.memory_space<hbm>> -> memref<128xi32, #tpu.memory_space<hbm>>
      tpu.wait_dma2 semaphore(%arg20 : memref<!tpu.dma_semaphore, #tpu.memory_space<semaphore_mem>>) src(%dma_wait3A_74 : memref<128xi32, #tpu.memory_space<hbm>>) dst(%arg12 : memref<128xi32, #tpu.memory_space<vmem>>)
      %dma_start3A_75 = arith.constant 0 : i32
      %dma_start3A_76 = arith.constant 0 : i32
      %dma_start3A_77 = tpu.memref_slice %arg2[%dma_start3A_75, %dma_start3A_76] : memref<10240x128xf32, #tpu.memory_space<hbm>> -> memref<10240x128xf32, #tpu.memory_space<hbm>>
      tpu.enqueue_indirect_dma source(%dma_start3A_77 : memref<10240x128xf32, #tpu.memory_space<hbm>>) target(%arg14 : memref<128x128xf32, #tpu.memory_space<vmem>>) offsets(%arg10 : memref<128xi32, #tpu.memory_space<vmem>>) semaphore(%arg22 : memref<!tpu.dma_semaphore, #tpu.memory_space<semaphore_mem>>)
      %dma_start3A_78 = arith.constant 0 : i32
      %dma_start3A_79 = arith.constant 0 : i32
      %dma_start3A_80 = tpu.memref_slice %arg2[%dma_start3A_78, %dma_start3A_79] : memref<10240x128xf32, #tpu.memory_space<hbm>> -> memref<10240x128xf32, #tpu.memory_space<hbm>>
      tpu.enqueue_indirect_dma source(%dma_start3A_80 : memref<10240x128xf32, #tpu.memory_space<hbm>>) target(%arg16 : memref<128x128xf32, #tpu.memory_space<vmem>>) offsets(%arg12 : memref<128xi32, #tpu.memory_space<vmem>>) semaphore(%arg24 : memref<!tpu.dma_semaphore, #tpu.memory_space<semaphore_mem>>)
      %get3A = arith.constant 0 : index
      %get3A_81 = tpu.vector_load %arg10[%get3A] {strides = array<i32>} : memref<128xi32, #tpu.memory_space<vmem>>, vector<16xi32>,
      %gather3A = tpu.vector_load_idx %arg30[%get3A_81] : memref<10000xi32, #tpu.memory_space<vmem>>[vector<16xi32>], vector<16xi32>,
      %swap3A = arith.constant 0 : index
      %swap3A_82 = tpu.vector_load %arg31[%swap3A] {strides = array<i32>} : memref<128xi32, #tpu.memory_space<vmem>>, vector<16xi32>,
      tpu.vector_store %arg31[%swap3A], %gather3A {strides = array<i32>} : memref<128xi32, #tpu.memory_space<vmem>>, vector<16xi32>,
      %get3A_83 = arith.constant 0 : index
      %get3A_84 = tpu.vector_load %arg12[%get3A_83] {strides = array<i32>} : memref<128xi32, #tpu.memory_space<vmem>>, vector<16xi32>,
      %gather3A_85 = tpu.vector_load_idx %arg30[%get3A_84] : memref<10000xi32, #tpu.memory_space<vmem>>[vector<16xi32>], vector<16xi32>,
      %swap3A_86 = arith.constant 0 : index
      %swap3A_87 = tpu.vector_load %arg33[%swap3A_86] {strides = array<i32>} : memref<128xi32, #tpu.memory_space<vmem>>, vector<16xi32>,
      tpu.vector_store %arg33[%swap3A_86], %gather3A_85 {strides = array<i32>} : memref<128xi32, #tpu.memory_space<vmem>>, vector<16xi32>,
      %get3A_88 = arith.constant 16 : index
      %get3A_89 = tpu.vector_load %arg10[%get3A_88] {strides = array<i32>} : memref<128xi32, #tpu.memory_space<vmem>>, vector<16xi32>,
      %gather3A_90 = tpu.vector_load_idx %arg30[%get3A_89] : memref<10000xi32, #tpu.memory_space<vmem>>[vector<16xi32>], vector<16xi32>,
      %swap3A_91 = arith.constant 16 : index
      %swap3A_92 = tpu.vector_load %arg31[%swap3A_91] {strides = array<i32>} : memref<128xi32, #tpu.memory_space<vmem>>, vector<16xi32>,
      tpu.vector_store %arg31[%swap3A_91], %gather3A_90 {strides = array<i32>} : memref<128xi32, #tpu.memory_space<vmem>>, vector<16xi32>,
      %get3A_93 = arith.constant 16 : index
      %get3A_94 = tpu.vector_load %arg12[%get3A_93] {strides = array<i32>} : memref<128xi32, #tpu.memory_space<vmem>>, vector<16xi32>,
      %gather3A_95 = tpu.vector_load_idx %arg30[%get3A_94] : memref<10000xi32, #tpu.memory_space<vmem>>[vector<16xi32>], vector<16xi32>,
      %swap3A_96 = arith.constant 16 : index
      %swap3A_97 = tpu.vector_load %arg33[%swap3A_96] {strides = array<i32>} : memref<128xi32, #tpu.memory_space<vmem>>, vector<16xi32>,
      tpu.vector_store %arg33[%swap3A_96], %gather3A_95 {strides = array<i32>} : memref<128xi32, #tpu.memory_space<vmem>>, vector<16xi32>,
      %get3A_98 = arith.constant 32 : index
      %get3A_99 = tpu.vector_load %arg10[%get3A_98] {strides = array<i32>} : memref<128xi32, #tpu.memory_space<vmem>>, vector<16xi32>,
      %gather3A_100 = tpu.vector_load_idx %arg30[%get3A_99] : memref<10000xi32, #tpu.memory_space<vmem>>[vector<16xi32>], vector<16xi32>,
      %swap3A_101 = arith.constant 32 : index
      %swap3A_102 = tpu.vector_load %arg31[%swap3A_101] {strides = array<i32>} : memref<128xi32, #tpu.memory_space<vmem>>, vector<16xi32>,
      tpu.vector_store %arg31[%swap3A_101], %gather3A_100 {strides = array<i32>} : memref<128xi32, #tpu.memory_space<vmem>>, vector<16xi32>,
      %get3A_103 = arith.constant 32 : index
      %get3A_104 = tpu.vector_load %arg12[%get3A_103] {strides = array<i32>} : memref<128xi32, #tpu.memory_space<vmem>>, vector<16xi32>,
      %gather3A_105 = tpu.vector_load_idx %arg30[%get3A_104] : memref<10000xi32, #tpu.memory_space<vmem>>[vector<16xi32>], vector<16xi32>,
      %swap3A_106 = arith.constant 32 : index
      %swap3A_107 = tpu.vector_load %arg33[%swap3A_106] {strides = array<i32>} : memref<128xi32, #tpu.memory_space<vmem>>, vector<16xi32>,
      tpu.vector_store %arg33[%swap3A_106], %gather3A_105 {strides = array<i32>} : memref<128xi32, #tpu.memory_space<vmem>>, vector<16xi32>,
      %get3A_108 = arith.constant 48 : index
      %get3A_109 = tpu.vector_load %arg10[%get3A_108] {strides = array<i32>} : memref<128xi32, #tpu.memory_space<vmem>>, vector<16xi32>,
      %gather3A_110 = tpu.vector_load_idx %arg30[%get3A_109] : memref<10000xi32, #tpu.memory_space<vmem>>[vector<16xi32>], vector<16xi32>,
      %swap3A_111 = arith.constant 48 : index
      %swap3A_112 = tpu.vector_load %arg31[%swap3A_111] {strides = array<i32>} : memref<128xi32, #tpu.memory_space<vmem>>, vector<16xi32>,
      tpu.vector_store %arg31[%swap3A_111], %gather3A_110 {strides = array<i32>} : memref<128xi32, #tpu.memory_space<vmem>>, vector<16xi32>,
      %get3A_113 = arith.constant 48 : index
      %get3A_114 = tpu.vector_load %arg12[%get3A_113] {strides = array<i32>} : memref<128xi32, #tpu.memory_space<vmem>>, vector<16xi32>,
      %gather3A_115 = tpu.vector_load_idx %arg30[%get3A_114] : memref<10000xi32, #tpu.memory_space<vmem>>[vector<16xi32>], vector<16xi32>,
      %swap3A_116 = arith.constant 48 : index
      %swap3A_117 = tpu.vector_load %arg33[%swap3A_116] {strides = array<i32>} : memref<128xi32, #tpu.memory_space<vmem>>, vector<16xi32>,
      tpu.vector_store %arg33[%swap3A_116], %gather3A_115 {strides = array<i32>} : memref<128xi32, #tpu.memory_space<vmem>>, vector<16xi32>,
      %get3A_118 = arith.constant 64 : index
      %get3A_119 = tpu.vector_load %arg10[%get3A_118] {strides = array<i32>} : memref<128xi32, #tpu.memory_space<vmem>>, vector<16xi32>,
      %gather3A_120 = tpu.vector_load_idx %arg30[%get3A_119] : memref<10000xi32, #tpu.memory_space<vmem>>[vector<16xi32>], vector<16xi32>,
      %swap3A_121 = arith.constant 64 : index
      %swap3A_122 = tpu.vector_load %arg31[%swap3A_121] {strides = array<i32>} : memref<128xi32, #tpu.memory_space<vmem>>, vector<16xi32>,
      tpu.vector_store %arg31[%swap3A_121], %gather3A_120 {strides = array<i32>} : memref<128xi32, #tpu.memory_space<vmem>>, vector<16xi32>,
      %get3A_123 = arith.constant 64 : index
      %get3A_124 = tpu.vector_load %arg12[%get3A_123] {strides = array<i32>} : memref<128xi32, #tpu.memory_space<vmem>>, vector<16xi32>,
      %gather3A_125 = tpu.vector_load_idx %arg30[%get3A_124] : memref<10000xi32, #tpu.memory_space<vmem>>[vector<16xi32>], vector<16xi32>,
      %swap3A_126 = arith.constant 64 : index
      %swap3A_127 = tpu.vector_load %arg33[%swap3A_126] {strides = array<i32>} : memref<128xi32, #tpu.memory_space<vmem>>, vector<16xi32>,
      tpu.vector_store %arg33[%swap3A_126], %gather3A_125 {strides = array<i32>} : memref<128xi32, #tpu.memory_space<vmem>>, vector<16xi32>,
      %get3A_128 = arith.constant 80 : index
      %get3A_129 = tpu.vector_load %arg10[%get3A_128] {strides = array<i32>} : memref<128xi32, #tpu.memory_space<vmem>>, vector<16xi32>,
      %gather3A_130 = tpu.vector_load_idx %arg30[%get3A_129] : memref<10000xi32, #tpu.memory_space<vmem>>[vector<16xi32>], vector<16xi32>,
      %swap3A_131 = arith.constant 80 : index
      %swap3A_132 = tpu.vector_load %arg31[%swap3A_131] {strides = array<i32>} : memref<128xi32, #tpu.memory_space<vmem>>, vector<16xi32>,
      tpu.vector_store %arg31[%swap3A_131], %gather3A_130 {strides = array<i32>} : memref<128xi32, #tpu.memory_space<vmem>>, vector<16xi32>,
      %get3A_133 = arith.constant 80 : index
      %get3A_134 = tpu.vector_load %arg12[%get3A_133] {strides = array<i32>} : memref<128xi32, #tpu.memory_space<vmem>>, vector<16xi32>,
      %gather3A_135 = tpu.vector_load_idx %arg30[%get3A_134] : memref<10000xi32, #tpu.memory_space<vmem>>[vector<16xi32>], vector<16xi32>,
      %swap3A_136 = arith.constant 80 : index
      %swap3A_137 = tpu.vector_load %arg33[%swap3A_136] {strides = array<i32>} : memref<128xi32, #tpu.memory_space<vmem>>, vector<16xi32>,
      tpu.vector_store %arg33[%swap3A_136], %gather3A_135 {strides = array<i32>} : memref<128xi32, #tpu.memory_space<vmem>>, vector<16xi32>,
      %get3A_138 = arith.constant 96 : index
      %get3A_139 = tpu.vector_load %arg10[%get3A_138] {strides = array<i32>} : memref<128xi32, #tpu.memory_space<vmem>>, vector<16xi32>,
      %gather3A_140 = tpu.vector_load_idx %arg30[%get3A_139] : memref<10000xi32, #tpu.memory_space<vmem>>[vector<16xi32>], vector<16xi32>,
      %swap3A_141 = arith.constant 96 : index
      %swap3A_142 = tpu.vector_load %arg31[%swap3A_141] {strides = array<i32>} : memref<128xi32, #tpu.memory_space<vmem>>, vector<16xi32>,
      tpu.vector_store %arg31[%swap3A_141], %gather3A_140 {strides = array<i32>} : memref<128xi32, #tpu.memory_space<vmem>>, vector<16xi32>,
      %get3A_143 = arith.constant 96 : index
      %get3A_144 = tpu.vector_load %arg12[%get3A_143] {strides = array<i32>} : memref<128xi32, #tpu.memory_space<vmem>>, vector<16xi32>,
      %gather3A_145 = tpu.vector_load_idx %arg30[%get3A_144] : memref<10000xi32, #tpu.memory_space<vmem>>[vector<16xi32>], vector<16xi32>,
      %swap3A_146 = arith.constant 96 : index
      %swap3A_147 = tpu.vector_load %arg33[%swap3A_146] {strides = array<i32>} : memref<128xi32, #tpu.memory_space<vmem>>, vector<16xi32>,
      tpu.vector_store %arg33[%swap3A_146], %gather3A_145 {strides = array<i32>} : memref<128xi32, #tpu.memory_space<vmem>>, vector<16xi32>,
      %get3A_148 = arith.constant 112 : index
      %get3A_149 = tpu.vector_load %arg10[%get3A_148] {strides = array<i32>} : memref<128xi32, #tpu.memory_space<vmem>>, vector<16xi32>,
      %gather3A_150 = tpu.vector_load_idx %arg30[%get3A_149] : memref<10000xi32, #tpu.memory_space<vmem>>[vector<16xi32>], vector<16xi32>,
      %swap3A_151 = arith.constant 112 : index
      %swap3A_152 = tpu.vector_load %arg31[%swap3A_151] {strides = array<i32>} : memref<128xi32, #tpu.memory_space<vmem>>, vector<16xi32>,
      tpu.vector_store %arg31[%swap3A_151], %gather3A_150 {strides = array<i32>} : memref<128xi32, #tpu.memory_space<vmem>>, vector<16xi32>,
      %get3A_153 = arith.constant 112 : index
      %get3A_154 = tpu.vector_load %arg12[%get3A_153] {strides = array<i32>} : memref<128xi32, #tpu.memory_space<vmem>>, vector<16xi32>,
      %gather3A_155 = tpu.vector_load_idx %arg30[%get3A_154] : memref<10000xi32, #tpu.memory_space<vmem>>[vector<16xi32>], vector<16xi32>,
      %swap3A_156 = arith.constant 112 : index
      %swap3A_157 = tpu.vector_load %arg33[%swap3A_156] {strides = array<i32>} : memref<128xi32, #tpu.memory_space<vmem>>, vector<16xi32>,
      tpu.vector_store %arg33[%swap3A_156], %gather3A_155 {strides = array<i32>} : memref<128xi32, #tpu.memory_space<vmem>>, vector<16xi32>,
      %dma_wait3A_158 = tpu.memref_slice %arg3[%add3A_63] : memref<81920xi32, #tpu.memory_space<hbm>> -> memref<128xi32, #tpu.memory_space<hbm>>
      %dma_wait3A_159 = tpu.memref_slice %arg3[%add3A_63] : memref<81920xi32, #tpu.memory_space<hbm>> -> memref<128xi32, #tpu.memory_space<hbm>>
      tpu.wait_dma2 semaphore(%arg19 : memref<!tpu.dma_semaphore, #tpu.memory_space<semaphore_mem>>) src(%dma_wait3A_159 : memref<128xi32, #tpu.memory_space<hbm>>) dst(%arg11 : memref<128xi32, #tpu.memory_space<vmem>>)
      %dma_wait3A_160 = tpu.memref_slice %arg4[%add3A_63] : memref<81920xi32, #tpu.memory_space<hbm>> -> memref<128xi32, #tpu.memory_space<hbm>>
      %dma_wait3A_161 = tpu.memref_slice %arg4[%add3A_63] : memref<81920xi32, #tpu.memory_space<hbm>> -> memref<128xi32, #tpu.memory_space<hbm>>
      tpu.wait_dma2 semaphore(%arg21 : memref<!tpu.dma_semaphore, #tpu.memory_space<semaphore_mem>>) src(%dma_wait3A_161 : memref<128xi32, #tpu.memory_space<hbm>>) dst(%arg13 : memref<128xi32, #tpu.memory_space<vmem>>)
      %dma_start3A_162 = arith.constant 0 : i32
      %dma_start3A_163 = arith.constant 0 : i32
      %dma_start3A_164 = tpu.memref_slice %arg2[%dma_start3A_162, %dma_start3A_163] : memref<10240x128xf32, #tpu.memory_space<hbm>> -> memref<10240x128xf32, #tpu.memory_space<hbm>>
      tpu.enqueue_indirect_dma source(%dma_start3A_164 : memref<10240x128xf32, #tpu.memory_space<hbm>>) target(%arg15 : memref<128x128xf32, #tpu.memory_space<vmem>>) offsets(%arg11 : memref<128xi32, #tpu.memory_space<vmem>>) semaphore(%arg23 : memref<!tpu.dma_semaphore, #tpu.memory_space<semaphore_mem>>)
      %dma_start3A_165 = arith.constant 0 : i32
      %dma_start3A_166 = arith.constant 0 : i32
      %dma_start3A_167 = tpu.memref_slice %arg2[%dma_start3A_165, %dma_start3A_166] : memref<10240x128xf32, #tpu.memory_space<hbm>> -> memref<10240x128xf32, #tpu.memory_space<hbm>>
      tpu.enqueue_indirect_dma source(%dma_start3A_167 : memref<10240x128xf32, #tpu.memory_space<hbm>>) target(%arg17 : memref<128x128xf32, #tpu.memory_space<vmem>>) offsets(%arg13 : memref<128xi32, #tpu.memory_space<vmem>>) semaphore(%arg25 : memref<!tpu.dma_semaphore, #tpu.memory_space<semaphore_mem>>)
      %get3A_168 = arith.constant 0 : index
      %get3A_169 = tpu.vector_load %arg11[%get3A_168] {strides = array<i32>} : memref<128xi32, #tpu.memory_space<vmem>>, vector<16xi32>,
      %gather3A_170 = tpu.vector_load_idx %arg30[%get3A_169] : memref<10000xi32, #tpu.memory_space<vmem>>[vector<16xi32>], vector<16xi32>,
      %swap3A_171 = arith.constant 0 : index
      %swap3A_172 = tpu.vector_load %arg32[%swap3A_171] {strides = array<i32>} : memref<128xi32, #tpu.memory_space<vmem>>, vector<16xi32>,
      tpu.vector_store %arg32[%swap3A_171], %gather3A_170 {strides = array<i32>} : memref<128xi32, #tpu.memory_space<vmem>>, vector<16xi32>,
      %get3A_173 = arith.constant 0 : index
      %get3A_174 = tpu.vector_load %arg13[%get3A_173] {strides = array<i32>} : memref<128xi32, #tpu.memory_space<vmem>>, vector<16xi32>,
      %gather3A_175 = tpu.vector_load_idx %arg30[%get3A_174] : memref<10000xi32, #tpu.memory_space<vmem>>[vector<16xi32>], vector<16xi32>,
      %swap3A_176 = arith.constant 0 : index
      %swap3A_177 = tpu.vector_load %arg34[%swap3A_176] {strides = array<i32>} : memref<128xi32, #tpu.memory_space<vmem>>, vector<16xi32>,
      tpu.vector_store %arg34[%swap3A_176], %gather3A_175 {strides = array<i32>} : memref<128xi32, #tpu.memory_space<vmem>>, vector<16xi32>,
      %get3A_178 = arith.constant 16 : index
      %get3A_179 = tpu.vector_load %arg11[%get3A_178] {strides = array<i32>} : memref<128xi32, #tpu.memory_space<vmem>>, vector<16xi32>,
      %gather3A_180 = tpu.vector_load_idx %arg30[%get3A_179] : memref<10000xi32, #tpu.memory_space<vmem>>[vector<16xi32>], vector<16xi32>,
      %swap3A_181 = arith.constant 16 : index
      %swap3A_182 = tpu.vector_load %arg32[%swap3A_181] {strides = array<i32>} : memref<128xi32, #tpu.memory_space<vmem>>, vector<16xi32>,
      tpu.vector_store %arg32[%swap3A_181], %gather3A_180 {strides = array<i32>} : memref<128xi32, #tpu.memory_space<vmem>>, vector<16xi32>,
      %get3A_183 = arith.constant 16 : index
      %get3A_184 = tpu.vector_load %arg13[%get3A_183] {strides = array<i32>} : memref<128xi32, #tpu.memory_space<vmem>>, vector<16xi32>,
      %gather3A_185 = tpu.vector_load_idx %arg30[%get3A_184] : memref<10000xi32, #tpu.memory_space<vmem>>[vector<16xi32>], vector<16xi32>,
      %swap3A_186 = arith.constant 16 : index
      %swap3A_187 = tpu.vector_load %arg34[%swap3A_186] {strides = array<i32>} : memref<128xi32, #tpu.memory_space<vmem>>, vector<16xi32>,
      tpu.vector_store %arg34[%swap3A_186], %gather3A_185 {strides = array<i32>} : memref<128xi32, #tpu.memory_space<vmem>>, vector<16xi32>,
      %get3A_188 = arith.constant 32 : index
      %get3A_189 = tpu.vector_load %arg11[%get3A_188] {strides = array<i32>} : memref<128xi32, #tpu.memory_space<vmem>>, vector<16xi32>,
      %gather3A_190 = tpu.vector_load_idx %arg30[%get3A_189] : memref<10000xi32, #tpu.memory_space<vmem>>[vector<16xi32>], vector<16xi32>,
      %swap3A_191 = arith.constant 32 : index
      %swap3A_192 = tpu.vector_load %arg32[%swap3A_191] {strides = array<i32>} : memref<128xi32, #tpu.memory_space<vmem>>, vector<16xi32>,
      tpu.vector_store %arg32[%swap3A_191], %gather3A_190 {strides = array<i32>} : memref<128xi32, #tpu.memory_space<vmem>>, vector<16xi32>,
      %get3A_193 = arith.constant 32 : index
      %get3A_194 = tpu.vector_load %arg13[%get3A_193] {strides = array<i32>} : memref<128xi32, #tpu.memory_space<vmem>>, vector<16xi32>,
      %gather3A_195 = tpu.vector_load_idx %arg30[%get3A_194] : memref<10000xi32, #tpu.memory_space<vmem>>[vector<16xi32>], vector<16xi32>,
      %swap3A_196 = arith.constant 32 : index
      %swap3A_197 = tpu.vector_load %arg34[%swap3A_196] {strides = array<i32>} : memref<128xi32, #tpu.memory_space<vmem>>, vector<16xi32>,
      tpu.vector_store %arg34[%swap3A_196], %gather3A_195 {strides = array<i32>} : memref<128xi32, #tpu.memory_space<vmem>>, vector<16xi32>,
      %get3A_198 = arith.constant 48 : index
      %get3A_199 = tpu.vector_load %arg11[%get3A_198] {strides = array<i32>} : memref<128xi32, #tpu.memory_space<vmem>>, vector<16xi32>,
      %gather3A_200 = tpu.vector_load_idx %arg30[%get3A_199] : memref<10000xi32, #tpu.memory_space<vmem>>[vector<16xi32>], vector<16xi32>,
      %swap3A_201 = arith.constant 48 : index
      %swap3A_202 = tpu.vector_load %arg32[%swap3A_201] {strides = array<i32>} : memref<128xi32, #tpu.memory_space<vmem>>, vector<16xi32>,
      tpu.vector_store %arg32[%swap3A_201], %gather3A_200 {strides = array<i32>} : memref<128xi32, #tpu.memory_space<vmem>>, vector<16xi32>,
      %get3A_203 = arith.constant 48 : index
      %get3A_204 = tpu.vector_load %arg13[%get3A_203] {strides = array<i32>} : memref<128xi32, #tpu.memory_space<vmem>>, vector<16xi32>,
      %gather3A_205 = tpu.vector_load_idx %arg30[%get3A_204] : memref<10000xi32, #tpu.memory_space<vmem>>[vector<16xi32>], vector<16xi32>,
      %swap3A_206 = arith.constant 48 : index
      %swap3A_207 = tpu.vector_load %arg34[%swap3A_206] {strides = array<i32>} : memref<128xi32, #tpu.memory_space<vmem>>, vector<16xi32>,
      tpu.vector_store %arg34[%swap3A_206], %gather3A_205 {strides = array<i32>} : memref<128xi32, #tpu.memory_space<vmem>>, vector<16xi32>,
      %get3A_208 = arith.constant 64 : index
      %get3A_209 = tpu.vector_load %arg11[%get3A_208] {strides = array<i32>} : memref<128xi32, #tpu.memory_space<vmem>>, vector<16xi32>,
      %gather3A_210 = tpu.vector_load_idx %arg30[%get3A_209] : memref<10000xi32, #tpu.memory_space<vmem>>[vector<16xi32>], vector<16xi32>,
      %swap3A_211 = arith.constant 64 : index
      %swap3A_212 = tpu.vector_load %arg32[%swap3A_211] {strides = array<i32>} : memref<128xi32, #tpu.memory_space<vmem>>, vector<16xi32>,
      tpu.vector_store %arg32[%swap3A_211], %gather3A_210 {strides = array<i32>} : memref<128xi32, #tpu.memory_space<vmem>>, vector<16xi32>,
      %get3A_213 = arith.constant 64 : index
      %get3A_214 = tpu.vector_load %arg13[%get3A_213] {strides = array<i32>} : memref<128xi32, #tpu.memory_space<vmem>>, vector<16xi32>,
      %gather3A_215 = tpu.vector_load_idx %arg30[%get3A_214] : memref<10000xi32, #tpu.memory_space<vmem>>[vector<16xi32>], vector<16xi32>,
      %swap3A_216 = arith.constant 64 : index
      %swap3A_217 = tpu.vector_load %arg34[%swap3A_216] {strides = array<i32>} : memref<128xi32, #tpu.memory_space<vmem>>, vector<16xi32>,
      tpu.vector_store %arg34[%swap3A_216], %gather3A_215 {strides = array<i32>} : memref<128xi32, #tpu.memory_space<vmem>>, vector<16xi32>,
      %get3A_218 = arith.constant 80 : index
      %get3A_219 = tpu.vector_load %arg11[%get3A_218] {strides = array<i32>} : memref<128xi32, #tpu.memory_space<vmem>>, vector<16xi32>,
      %gather3A_220 = tpu.vector_load_idx %arg30[%get3A_219] : memref<10000xi32, #tpu.memory_space<vmem>>[vector<16xi32>], vector<16xi32>,
      %swap3A_221 = arith.constant 80 : index
      %swap3A_222 = tpu.vector_load %arg32[%swap3A_221] {strides = array<i32>} : memref<128xi32, #tpu.memory_space<vmem>>, vector<16xi32>,
      tpu.vector_store %arg32[%swap3A_221], %gather3A_220 {strides = array<i32>} : memref<128xi32, #tpu.memory_space<vmem>>, vector<16xi32>,
      %get3A_223 = arith.constant 80 : index
      %get3A_224 = tpu.vector_load %arg13[%get3A_223] {strides = array<i32>} : memref<128xi32, #tpu.memory_space<vmem>>, vector<16xi32>,
      %gather3A_225 = tpu.vector_load_idx %arg30[%get3A_224] : memref<10000xi32, #tpu.memory_space<vmem>>[vector<16xi32>], vector<16xi32>,
      %swap3A_226 = arith.constant 80 : index
      %swap3A_227 = tpu.vector_load %arg34[%swap3A_226] {strides = array<i32>} : memref<128xi32, #tpu.memory_space<vmem>>, vector<16xi32>,
      tpu.vector_store %arg34[%swap3A_226], %gather3A_225 {strides = array<i32>} : memref<128xi32, #tpu.memory_space<vmem>>, vector<16xi32>,
      %get3A_228 = arith.constant 96 : index
      %get3A_229 = tpu.vector_load %arg11[%get3A_228] {strides = array<i32>} : memref<128xi32, #tpu.memory_space<vmem>>, vector<16xi32>,
      %gather3A_230 = tpu.vector_load_idx %arg30[%get3A_229] : memref<10000xi32, #tpu.memory_space<vmem>>[vector<16xi32>], vector<16xi32>,
      %swap3A_231 = arith.constant 96 : index
      %swap3A_232 = tpu.vector_load %arg32[%swap3A_231] {strides = array<i32>} : memref<128xi32, #tpu.memory_space<vmem>>, vector<16xi32>,
      tpu.vector_store %arg32[%swap3A_231], %gather3A_230 {strides = array<i32>} : memref<128xi32, #tpu.memory_space<vmem>>, vector<16xi32>,
      %get3A_233 = arith.constant 96 : index
      %get3A_234 = tpu.vector_load %arg13[%get3A_233] {strides = array<i32>} : memref<128xi32, #tpu.memory_space<vmem>>, vector<16xi32>,
      %gather3A_235 = tpu.vector_load_idx %arg30[%get3A_234] : memref<10000xi32, #tpu.memory_space<vmem>>[vector<16xi32>], vector<16xi32>,
      %swap3A_236 = arith.constant 96 : index
      %swap3A_237 = tpu.vector_load %arg34[%swap3A_236] {strides = array<i32>} : memref<128xi32, #tpu.memory_space<vmem>>, vector<16xi32>,
      tpu.vector_store %arg34[%swap3A_236], %gather3A_235 {strides = array<i32>} : memref<128xi32, #tpu.memory_space<vmem>>, vector<16xi32>,
      %get3A_238 = arith.constant 112 : index
      %get3A_239 = tpu.vector_load %arg11[%get3A_238] {strides = array<i32>} : memref<128xi32, #tpu.memory_space<vmem>>, vector<16xi32>,
      %gather3A_240 = tpu.vector_load_idx %arg30[%get3A_239] : memref<10000xi32, #tpu.memory_space<vmem>>[vector<16xi32>], vector<16xi32>,
      %swap3A_241 = arith.constant 112 : index
      %swap3A_242 = tpu.vector_load %arg32[%swap3A_241] {strides = array<i32>} : memref<128xi32, #tpu.memory_space<vmem>>, vector<16xi32>,
      tpu.vector_store %arg32[%swap3A_241], %gather3A_240 {strides = array<i32>} : memref<128xi32, #tpu.memory_space<vmem>>, vector<16xi32>,
      %get3A_243 = arith.constant 112 : index
      %get3A_244 = tpu.vector_load %arg13[%get3A_243] {strides = array<i32>} : memref<128xi32, #tpu.memory_space<vmem>>, vector<16xi32>,
      %gather3A_245 = tpu.vector_load_idx %arg30[%get3A_244] : memref<10000xi32, #tpu.memory_space<vmem>>[vector<16xi32>], vector<16xi32>,
      %swap3A_246 = arith.constant 112 : index
      %swap3A_247 = tpu.vector_load %arg34[%swap3A_246] {strides = array<i32>} : memref<128xi32, #tpu.memory_space<vmem>>, vector<16xi32>,
      tpu.vector_store %arg34[%swap3A_246], %gather3A_245 {strides = array<i32>} : memref<128xi32, #tpu.memory_space<vmem>>, vector<16xi32>,
      %dma_wait3A_248 = arith.constant 0 : i32
      %dma_wait3A_249 = arith.constant 0 : i32
      %dma_wait3A_250 = tpu.memref_slice %arg2[%dma_wait3A_248, %dma_wait3A_249] : memref<10240x128xf32, #tpu.memory_space<hbm>> -> memref<10240x128xf32, #tpu.memory_space<hbm>>
      tpu.wait_indirect_dma semaphore(%arg22 : memref<!tpu.dma_semaphore, #tpu.memory_space<semaphore_mem>>) src(%dma_wait3A_250 : memref<10240x128xf32, #tpu.memory_space<hbm>>) dst(%arg14 : memref<128x128xf32, #tpu.memory_space<vmem>>)
      %dma_start3A_251 = arith.constant 0 : i32
      %dma_start3A_252 = tpu.memref_slice %arg6[%add3A_56, %dma_start3A_251] : memref<81920x128xf32, #tpu.memory_space<hbm>> -> memref<128x128xf32, #tpu.memory_space<hbm>>
      %dma_start3A_253 = arith.constant 0 : i32
      %dma_start3A_254 = tpu.memref_slice %arg6[%add3A_56, %dma_start3A_253] : memref<81920x128xf32, #tpu.memory_space<hbm>> -> memref<128x128xf32, #tpu.memory_space<hbm>>
      tpu.enqueue_dma source(%arg14 : memref<128x128xf32, #tpu.memory_space<vmem>>) target(%dma_start3A_254 : memref<128x128xf32, #tpu.memory_space<hbm>>) target_semaphore(%arg26 : memref<!tpu.dma_semaphore, #tpu.memory_space<semaphore_mem>>)
      %dma_wait3A_255 = arith.constant 0 : i32
      %dma_wait3A_256 = arith.constant 0 : i32
      %dma_wait3A_257 = tpu.memref_slice %arg2[%dma_wait3A_255, %dma_wait3A_256] : memref<10240x128xf32, #tpu.memory_space<hbm>> -> memref<10240x128xf32, #tpu.memory_space<hbm>>
      tpu.wait_indirect_dma semaphore(%arg24 : memref<!tpu.dma_semaphore, #tpu.memory_space<semaphore_mem>>) src(%dma_wait3A_257 : memref<10240x128xf32, #tpu.memory_space<hbm>>) dst(%arg16 : memref<128x128xf32, #tpu.memory_space<vmem>>)
      %dma_start3A_258 = arith.constant 0 : i32
      %dma_start3A_259 = tpu.memref_slice %arg7[%add3A_56, %dma_start3A_258] : memref<81920x128xf32, #tpu.memory_space<hbm>> -> memref<128x128xf32, #tpu.memory_space<hbm>>
      %dma_start3A_260 = arith.constant 0 : i32
      %dma_start3A_261 = tpu.memref_slice %arg7[%add3A_56, %dma_start3A_260] : memref<81920x128xf32, #tpu.memory_space<hbm>> -> memref<128x128xf32, #tpu.memory_space<hbm>>
      tpu.enqueue_dma source(%arg16 : memref<128x128xf32, #tpu.memory_space<vmem>>) target(%dma_start3A_261 : memref<128x128xf32, #tpu.memory_space<hbm>>) target_semaphore(%arg28 : memref<!tpu.dma_semaphore, #tpu.memory_space<semaphore_mem>>)
      %dma_start3A_262 = tpu.memref_slice %arg8[%add3A_56] : memref<81920xi32, #tpu.memory_space<hbm>> -> memref<128xi32, #tpu.memory_space<hbm>>
      %dma_start3A_263 = tpu.memref_slice %arg8[%add3A_56] : memref<81920xi32, #tpu.memory_space<hbm>> -> memref<128xi32, #tpu.memory_space<hbm>>
      tpu.enqueue_dma source(%arg31 : memref<128xi32, #tpu.memory_space<vmem>>) target(%dma_start3A_263 : memref<128xi32, #tpu.memory_space<hbm>>) target_semaphore(%arg35 : memref<!tpu.dma_semaphore, #tpu.memory_space<semaphore_mem>>)
      %dma_start3A_264 = tpu.memref_slice %arg9[%add3A_56] : memref<81920xi32, #tpu.memory_space<hbm>> -> memref<128xi32, #tpu.memory_space<hbm>>
      %dma_start3A_265 = tpu.memref_slice %arg9[%add3A_56] : memref<81920xi32, #tpu.memory_space<hbm>> -> memref<128xi32, #tpu.memory_space<hbm>>
      tpu.enqueue_dma source(%arg33 : memref<128xi32, #tpu.memory_space<vmem>>) target(%dma_start3A_265 : memref<128xi32, #tpu.memory_space<hbm>>) target_semaphore(%arg37 : memref<!tpu.dma_semaphore, #tpu.memory_space<semaphore_mem>>)
      %dma_wait3A_266 = arith.constant 0 : i32
      %dma_wait3A_267 = arith.constant 0 : i32
      %dma_wait3A_268 = tpu.memref_slice %arg2[%dma_wait3A_266, %dma_wait3A_267] : memref<10240x128xf32, #tpu.memory_space<hbm>> -> memref<10240x128xf32, #tpu.memory_space<hbm>>
      tpu.wait_indirect_dma semaphore(%arg23 : memref<!tpu.dma_semaphore, #tpu.memory_space<semaphore_mem>>) src(%dma_wait3A_268 : memref<10240x128xf32, #tpu.memory_space<hbm>>) dst(%arg15 : memref<128x128xf32, #tpu.memory_space<vmem>>)
      %dma_start3A_269 = arith.constant 0 : i32
      %dma_start3A_270 = tpu.memref_slice %arg6[%add3A_63, %dma_start3A_269] : memref<81920x128xf32, #tpu.memory_space<hbm>> -> memref<128x128xf32, #tpu.memory_space<hbm>>
      %dma_start3A_271 = arith.constant 0 : i32
      %dma_start3A_272 = tpu.memref_slice %arg6[%add3A_63, %dma_start3A_271] : memref<81920x128xf32, #tpu.memory_space<hbm>> -> memref<128x128xf32, #tpu.memory_space<hbm>>
      tpu.enqueue_dma source(%arg15 : memref<128x128xf32, #tpu.memory_space<vmem>>) target(%dma_start3A_272 : memref<128x128xf32, #tpu.memory_space<hbm>>) target_semaphore(%arg27 : memref<!tpu.dma_semaphore, #tpu.memory_space<semaphore_mem>>)
      %dma_wait3A_273 = arith.constant 0 : i32
      %dma_wait3A_274 = arith.constant 0 : i32
      %dma_wait3A_275 = tpu.memref_slice %arg2[%dma_wait3A_273, %dma_wait3A_274] : memref<10240x128xf32, #tpu.memory_space<hbm>> -> memref<10240x128xf32, #tpu.memory_space<hbm>>
      tpu.wait_indirect_dma semaphore(%arg25 : memref<!tpu.dma_semaphore, #tpu.memory_space<semaphore_mem>>) src(%dma_wait3A_275 : memref<10240x128xf32, #tpu.memory_space<hbm>>) dst(%arg17 : memref<128x128xf32, #tpu.memory_space<vmem>>)
      %dma_start3A_276 = arith.constant 0 : i32
      %dma_start3A_277 = tpu.memref_slice %arg7[%add3A_63, %dma_start3A_276] : memref<81920x128xf32, #tpu.memory_space<hbm>> -> memref<128x128xf32, #tpu.memory_space<hbm>>
      %dma_start3A_278 = arith.constant 0 : i32
      %dma_start3A_279 = tpu.memref_slice %arg7[%add3A_63, %dma_start3A_278] : memref<81920x128xf32, #tpu.memory_space<hbm>> -> memref<128x128xf32, #tpu.memory_space<hbm>>
      tpu.enqueue_dma source(%arg17 : memref<128x128xf32, #tpu.memory_space<vmem>>) target(%dma_start3A_279 : memref<128x128xf32, #tpu.memory_space<hbm>>) target_semaphore(%arg29 : memref<!tpu.dma_semaphore, #tpu.memory_space<semaphore_mem>>)
      %dma_start3A_280 = tpu.memref_slice %arg8[%add3A_63] : memref<81920xi32, #tpu.memory_space<hbm>> -> memref<128xi32, #tpu.memory_space<hbm>>
      %dma_start3A_281 = tpu.memref_slice %arg8[%add3A_63] : memref<81920xi32, #tpu.memory_space<hbm>> -> memref<128xi32, #tpu.memory_space<hbm>>
      tpu.enqueue_dma source(%arg32 : memref<128xi32, #tpu.memory_space<vmem>>) target(%dma_start3A_281 : memref<128xi32, #tpu.memory_space<hbm>>) target_semaphore(%arg36 : memref<!tpu.dma_semaphore, #tpu.memory_space<semaphore_mem>>)
      %dma_start3A_282 = tpu.memref_slice %arg9[%add3A_63] : memref<81920xi32, #tpu.memory_space<hbm>> -> memref<128xi32, #tpu.memory_space<hbm>>
      %dma_start3A_283 = tpu.memref_slice %arg9[%add3A_63] : memref<81920xi32, #tpu.memory_space<hbm>> -> memref<128xi32, #tpu.memory_space<hbm>>
      tpu.enqueue_dma source(%arg34 : memref<128xi32, #tpu.memory_space<vmem>>) target(%dma_start3A_283 : memref<128xi32, #tpu.memory_space<hbm>>) target_semaphore(%arg38 : memref<!tpu.dma_semaphore, #tpu.memory_space<semaphore_mem>>)
    }
    %scan3A_7 = arith.constant 10 : i32
    %dma_wait3A = arith.constant 0 : i32
    %dma_wait3A_8 = arith.constant 0 : i32
    %dma_wait3A_9 = tpu.memref_slice %arg6[%dma_wait3A, %dma_wait3A_8] : memref<81920x128xf32, #tpu.memory_space<hbm>> -> memref<128x128xf32, #tpu.memory_space<hbm>>
    %dma_wait3A_10 = arith.constant 0 : i32
    %dma_wait3A_11 = arith.constant 0 : i32
    %dma_wait3A_12 = tpu.memref_slice %arg6[%dma_wait3A_10, %dma_wait3A_11] : memref<81920x128xf32, #tpu.memory_space<hbm>> -> memref<128x128xf32, #tpu.memory_space<hbm>>
    tpu.wait_dma2 semaphore(%arg26 : memref<!tpu.dma_semaphore, #tpu.memory_space<semaphore_mem>>) src(%dma_wait3A_12 : memref<128x128xf32, #tpu.memory_space<hbm>>) dst(%arg14 : memref<128x128xf32, #tpu.memory_space<vmem>>)
    %dma_wait3A_13 = arith.constant 0 : i32
    %dma_wait3A_14 = arith.constant 0 : i32
    %dma_wait3A_15 = tpu.memref_slice %arg7[%dma_wait3A_13, %dma_wait3A_14] : memref<81920x128xf32, #tpu.memory_space<hbm>> -> memref<128x128xf32, #tpu.memory_space<hbm>>
    %dma_wait3A_16 = arith.constant 0 : i32
    %dma_wait3A_17 = arith.constant 0 : i32
    %dma_wait3A_18 = tpu.memref_slice %arg7[%dma_wait3A_16, %dma_wait3A_17] : memref<81920x128xf32, #tpu.memory_space<hbm>> -> memref<128x128xf32, #tpu.memory_space<hbm>>
    tpu.wait_dma2 semaphore(%arg28 : memref<!tpu.dma_semaphore, #tpu.memory_space<semaphore_mem>>) src(%dma_wait3A_18 : memref<128x128xf32, #tpu.memory_space<hbm>>) dst(%arg16 : memref<128x128xf32, #tpu.memory_space<vmem>>)
    %dma_wait3A_19 = arith.constant 0 : i32
    %dma_wait3A_20 = tpu.memref_slice %arg8[%dma_wait3A_19] : memref<81920xi32, #tpu.memory_space<hbm>> -> memref<128xi32, #tpu.memory_space<hbm>>
    %dma_wait3A_21 = arith.constant 0 : i32
    %dma_wait3A_22 = tpu.memref_slice %arg8[%dma_wait3A_21] : memref<81920xi32, #tpu.memory_space<hbm>> -> memref<128xi32, #tpu.memory_space<hbm>>
    tpu.wait_dma2 semaphore(%arg35 : memref<!tpu.dma_semaphore, #tpu.memory_space<semaphore_mem>>) src(%dma_wait3A_22 : memref<128xi32, #tpu.memory_space<hbm>>) dst(%arg31 : memref<128xi32, #tpu.memory_space<vmem>>)
    %dma_wait3A_23 = arith.constant 0 : i32
    %dma_wait3A_24 = tpu.memref_slice %arg9[%dma_wait3A_23] : memref<81920xi32, #tpu.memory_space<hbm>> -> memref<128xi32, #tpu.memory_space<hbm>>
    %dma_wait3A_25 = arith.constant 0 : i32
    %dma_wait3A_26 = tpu.memref_slice %arg9[%dma_wait3A_25] : memref<81920xi32, #tpu.memory_space<hbm>> -> memref<128xi32, #tpu.memory_space<hbm>>
    tpu.wait_dma2 semaphore(%arg37 : memref<!tpu.dma_semaphore, #tpu.memory_space<semaphore_mem>>) src(%dma_wait3A_26 : memref<128xi32, #tpu.memory_space<hbm>>) dst(%arg33 : memref<128xi32, #tpu.memory_space<vmem>>)
    %dma_wait3A_27 = arith.constant 0 : i32
    %dma_wait3A_28 = arith.constant 0 : i32
    %dma_wait3A_29 = tpu.memref_slice %arg6[%dma_wait3A_27, %dma_wait3A_28] : memref<81920x128xf32, #tpu.memory_space<hbm>> -> memref<128x128xf32, #tpu.memory_space<hbm>>
    %dma_wait3A_30 = arith.constant 0 : i32
    %dma_wait3A_31 = arith.constant 0 : i32
    %dma_wait3A_32 = tpu.memref_slice %arg6[%dma_wait3A_30, %dma_wait3A_31] : memref<81920x128xf32, #tpu.memory_space<hbm>> -> memref<128x128xf32, #tpu.memory_space<hbm>>
    tpu.wait_dma2 semaphore(%arg27 : memref<!tpu.dma_semaphore, #tpu.memory_space<semaphore_mem>>) src(%dma_wait3A_32 : memref<128x128xf32, #tpu.memory_space<hbm>>) dst(%arg15 : memref<128x128xf32, #tpu.memory_space<vmem>>)
    %dma_wait3A_33 = arith.constant 0 : i32
    %dma_wait3A_34 = arith.constant 0 : i32
    %dma_wait3A_35 = tpu.memref_slice %arg7[%dma_wait3A_33, %dma_wait3A_34] : memref<81920x128xf32, #tpu.memory_space<hbm>> -> memref<128x128xf32, #tpu.memory_space<hbm>>
    %dma_wait3A_36 = arith.constant 0 : i32
    %dma_wait3A_37 = arith.constant 0 : i32
    %dma_wait3A_38 = tpu.memref_slice %arg7[%dma_wait3A_36, %dma_wait3A_37] : memref<81920x128xf32, #tpu.memory_space<hbm>> -> memref<128x128xf32, #tpu.memory_space<hbm>>
    tpu.wait_dma2 semaphore(%arg29 : memref<!tpu.dma_semaphore, #tpu.memory_space<semaphore_mem>>) src(%dma_wait3A_38 : memref<128x128xf32, #tpu.memory_space<hbm>>) dst(%arg17 : memref<128x128xf32, #tpu.memory_space<vmem>>)
    %dma_wait3A_39 = arith.constant 0 : i32
    %dma_wait3A_40 = tpu.memref_slice %arg8[%dma_wait3A_39] : memref<81920xi32, #tpu.memory_space<hbm>> -> memref<128xi32, #tpu.memory_space<hbm>>
    %dma_wait3A_41 = arith.constant 0 : i32
    %dma_wait3A_42 = tpu.memref_slice %arg8[%dma_wait3A_41] : memref<81920xi32, #tpu.memory_space<hbm>> -> memref<128xi32, #tpu.memory_space<hbm>>
    tpu.wait_dma2 semaphore(%arg36 : memref<!tpu.dma_semaphore, #tpu.memory_space<semaphore_mem>>) src(%dma_wait3A_42 : memref<128xi32, #tpu.memory_space<hbm>>) dst(%arg32 : memref<128xi32, #tpu.memory_space<vmem>>)
    %dma_wait3A_43 = arith.constant 0 : i32
    %dma_wait3A_44 = tpu.memref_slice %arg9[%dma_wait3A_43] : memref<81920xi32, #tpu.memory_space<hbm>> -> memref<128xi32, #tpu.memory_space<hbm>>
    %dma_wait3A_45 = arith.constant 0 : i32
    %dma_wait3A_46 = tpu.memref_slice %arg9[%dma_wait3A_45] : memref<81920xi32, #tpu.memory_space<hbm>> -> memref<128xi32, #tpu.memory_space<hbm>>
    tpu.wait_dma2 semaphore(%arg38 : memref<!tpu.dma_semaphore, #tpu.memory_space<semaphore_mem>>) src(%dma_wait3A_46 : memref<128xi32, #tpu.memory_space<hbm>>) dst(%arg34 : memref<128xi32, #tpu.memory_space<vmem>>)
    return
  }
}

#map = affine_map<(d0, d1) -> (0, 0)>
#map1 = affine_map<(d0, d1) -> (0)>
module attributes {stable_mosaic.version = 14 : i64} {
  func.func @body(%arg0: i32, %arg1: i32, %arg2: memref<10240x128xf32, #tpu.memory_space<hbm>>, %arg3: memref<81920xi32, #tpu.memory_space<hbm>>, %arg4: memref<81920xi32, #tpu.memory_space<hbm>>, %arg5: memref<10000xi32, #tpu.memory_space<hbm>>, %arg6: memref<81920x128xf32, #tpu.memory_space<hbm>>, %arg7: memref<81920x128xf32, #tpu.memory_space<hbm>>, %arg8: memref<81920xi32, #tpu.memory_space<hbm>>, %arg9: memref<81920xi32, #tpu.memory_space<hbm>>, %arg10: memref<128xi32, #tpu.memory_space<vmem>>, %arg11: memref<128xi32, #tpu.memory_space<vmem>>, %arg12: memref<128xi32, #tpu.memory_space<vmem>>, %arg13: memref<128xi32, #tpu.memory_space<vmem>>, %arg14: memref<128x128xf32, #tpu.memory_space<vmem>>, %arg15: memref<128x128xf32, #tpu.memory_space<vmem>>, %arg16: memref<128x128xf32, #tpu.memory_space<vmem>>, %arg17: memref<128x128xf32, #tpu.memory_space<vmem>>, %arg18: memref<!tpu.dma_semaphore, #tpu.memory_space<semaphore_mem>>, %arg19: memref<!tpu.dma_semaphore, #tpu.memory_space<semaphore_mem>>, %arg20: memref<!tpu.dma_semaphore, #tpu.memory_space<semaphore_mem>>, %arg21: memref<!tpu.dma_semaphore, #tpu.memory_space<semaphore_mem>>, %arg22: memref<!tpu.dma_semaphore, #tpu.memory_space<semaphore_mem>>, %arg23: memref<!tpu.dma_semaphore, #tpu.memory_space<semaphore_mem>>, %arg24: memref<!tpu.dma_semaphore, #tpu.memory_space<semaphore_mem>>, %arg25: memref<!tpu.dma_semaphore, #tpu.memory_space<semaphore_mem>>, %arg26: memref<!tpu.dma_semaphore, #tpu.memory_space<semaphore_mem>>, %arg27: memref<!tpu.dma_semaphore, #tpu.memory_space<semaphore_mem>>, %arg28: memref<!tpu.dma_semaphore, #tpu.memory_space<semaphore_mem>>, %arg29: memref<!tpu.dma_semaphore, #tpu.memory_space<semaphore_mem>>, %arg30: memref<10000xi32, #tpu.memory_space<vmem>>, %arg31: memref<128xi32, #tpu.memory_space<vmem>>, %arg32: memref<128xi32, #tpu.memory_space<vmem>>, %arg33: memref<128xi32, #tpu.memory_space<vmem>>, %arg34: memref<128xi32, #tpu.memory_space<vmem>>, %arg35: memref<!tpu.dma_semaphore, #tpu.memory_space<semaphore_mem>>, %arg36: memref<!tpu.dma_semaphore, #tpu.memory_space<semaphore_mem>>, %arg37: memref<!tpu.dma_semaphore, #tpu.memory_space<semaphore_mem>>, %arg38: memref<!tpu.dma_semaphore, #tpu.memory_space<semaphore_mem>>) attributes {dimension_semantics = [#tpu.dimension_semantics<core_parallel>, #tpu.dimension_semantics<subcore_parallel>], iteration_bounds = array<i64: 2, 16>, scalar_prefetch = 0 : i64, scratch_operands = 29 : i64, tpu.core_type = #tpu.core_type<sc_vector_subcore>, window_params = [{transform_indices = #map}, {transform_indices = #map1}, {transform_indices = #map1}, {transform_indices = #map1}, {transform_indices = #map}, {transform_indices = #map}, {transform_indices = #map1}, {transform_indices = #map1}]} {
    %mul3A = arith.constant 2 : i32
    %mul3A_0 = arith.muli %arg1, %mul3A : i32
    %add3A = arith.addi %mul3A_0, %arg0 : i32
    %mul3A_1 = arith.constant 2560 : i32
    %mul3A_2 = arith.muli %add3A, %mul3A_1 : i32
    "tpu.region"() ({
      %run_scoped3A = tpu.sem_alloc : memref<!tpu.dma_semaphore, #tpu.memory_space<semaphore_mem>>
      tpu.enqueue_dma source(%arg5 : memref<10000xi32, #tpu.memory_space<hbm>>) target(%arg30 : memref<10000xi32, #tpu.memory_space<vmem>>) target_semaphore(%run_scoped3A : memref<!tpu.dma_semaphore, #tpu.memory_space<semaphore_mem>>)
      tpu.wait_dma2 semaphore(%run_scoped3A : memref<!tpu.dma_semaphore, #tpu.memory_space<semaphore_mem>>) src(%arg5 : memref<10000xi32, #tpu.memory_space<hbm>>) dst(%arg30 : memref<10000xi32, #tpu.memory_space<vmem>>)
      tpu.yield
    }) : () -> ()
    %scan3A = arith.constant 0 : i32
    %scan3A_3 = arith.constant 0 : i32
    %scan3A_4 = arith.constant 10 : i32
    %scan3A_5 = arith.addi %scan3A_3, %scan3A_4 : i32
    %scan3A_6 = arith.constant 1 : i32
    scf.for %scan3A_47 = %scan3A_3 to %scan3A_5 step %scan3A_6  : i32 {
      %gt3A = arith.constant 0 : i32
      %gt3A_48 = arith.cmpi sgt, %scan3A_47, %gt3A : i32
      %convert_element_type3A = arith.extui %gt3A_48 : i1 to i32
      %cond3A = arith.constant 0 : i32
      %cond3A_49 = arith.cmpi ne, %convert_element_type3A, %cond3A : i32
      scf.if %cond3A_49 {
        %dma_wait3A_284 = arith.constant 0 : i32
        %dma_wait3A_285 = arith.constant 0 : i32
        %dma_wait3A_286 = tpu.memref_slice %arg6[%dma_wait3A_284, %dma_wait3A_285] : memref<81920x128xf32, #tpu.memory_space<hbm>> -> memref<128x128xf32, #tpu.memory_space<hbm>>
        %dma_wait3A_287 = arith.constant 0 : i32
        %dma_wait3A_288 = arith.constant 0 : i32
        %dma_wait3A_289 = tpu.memref_slice %arg6[%dma_wait3A_287, %dma_wait3A_288] : memref<81920x128xf32, #tpu.memory_space<hbm>> -> memref<128x128xf32, #tpu.memory_space<hbm>>
        tpu.wait_dma2 semaphore(%arg26 : memref<!tpu.dma_semaphore, #tpu.memory_space<semaphore_mem>>) src(%dma_wait3A_289 : memref<128x128xf32, #tpu.memory_space<hbm>>) dst(%arg14 : memref<128x128xf32, #tpu.memory_space<vmem>>)
        %dma_wait3A_290 = arith.constant 0 : i32
        %dma_wait3A_291 = arith.constant 0 : i32
        %dma_wait3A_292 = tpu.memref_slice %arg7[%dma_wait3A_290, %dma_wait3A_291] : memref<81920x128xf32, #tpu.memory_space<hbm>> -> memref<128x128xf32, #tpu.memory_space<hbm>>
        %dma_wait3A_293 = arith.constant 0 : i32
        %dma_wait3A_294 = arith.constant 0 : i32
        %dma_wait3A_295 = tpu.memref_slice %arg7[%dma_wait3A_293, %dma_wait3A_294] : memref<81920x128xf32, #tpu.memory_space<hbm>> -> memref<128x128xf32, #tpu.memory_space<hbm>>
        tpu.wait_dma2 semaphore(%arg28 : memref<!tpu.dma_semaphore, #tpu.memory_space<semaphore_mem>>) src(%dma_wait3A_295 : memref<128x128xf32, #tpu.memory_space<hbm>>) dst(%arg16 : memref<128x128xf32, #tpu.memory_space<vmem>>)
        %dma_wait3A_296 = arith.constant 0 : i32
        %dma_wait3A_297 = tpu.memref_slice %arg8[%dma_wait3A_296] : memref<81920xi32, #tpu.memory_space<hbm>> -> memref<128xi32, #tpu.memory_space<hbm>>
        %dma_wait3A_298 = arith.constant 0 : i32
        %dma_wait3A_299 = tpu.memref_slice %arg8[%dma_wait3A_298] : memref<81920xi32, #tpu.memory_space<hbm>> -> memref<128xi32, #tpu.memory_space<hbm>>
        tpu.wait_dma2 semaphore(%arg35 : memref<!tpu.dma_semaphore, #tpu.memory_space<semaphore_mem>>) src(%dma_wait3A_299 : memref<128xi32, #tpu.memory_space<hbm>>) dst(%arg31 : memref<128xi32, #tpu.memory_space<vmem>>)
        %dma_wait3A_300 = arith.constant 0 : i32
        %dma_wait3A_301 = tpu.memref_slice %arg9[%dma_wait3A_300] : memref<81920xi32, #tpu.memory_space<hbm>> -> memref<128xi32, #tpu.memory_space<hbm>>
        %dma_wait3A_302 = arith.constant 0 : i32
        %dma_wait3A_303 = tpu.memref_slice %arg9[%dma_wait3A_302] : memref<81920xi32, #tpu.memory_space<hbm>> -> memref<128xi32, #tpu.memory_space<hbm>>
        tpu.wait_dma2 semaphore(%arg37 : memref<!tpu.dma_semaphore, #tpu.memory_space<semaphore_mem>>) src(%dma_wait3A_303 : memref<128xi32, #tpu.memory_space<hbm>>) dst(%arg33 : memref<128xi32, #tpu.memory_space<vmem>>)
        %dma_wait3A_304 = arith.constant 0 : i32
        %dma_wait3A_305 = arith.constant 0 : i32
        %dma_wait3A_306 = tpu.memref_slice %arg6[%dma_wait3A_304, %dma_wait3A_305] : memref<81920x128xf32, #tpu.memory_space<hbm>> -> memref<128x128xf32, #tpu.memory_space<hbm>>
        %dma_wait3A_307 = arith.constant 0 : i32
        %dma_wait3A_308 = arith.constant 0 : i32
        %dma_wait3A_309 = tpu.memref_slice %arg6[%dma_wait3A_307, %dma_wait3A_308] : memref<81920x128xf32, #tpu.memory_space<hbm>> -> memref<128x128xf32, #tpu.memory_space<hbm>>
        tpu.wait_dma2 semaphore(%arg27 : memref<!tpu.dma_semaphore, #tpu.memory_space<semaphore_mem>>) src(%dma_wait3A_309 : memref<128x128xf32, #tpu.memory_space<hbm>>) dst(%arg15 : memref<128x128xf32, #tpu.memory_space<vmem>>)
        %dma_wait3A_310 = arith.constant 0 : i32
        %dma_wait3A_311 = arith.constant 0 : i32
        %dma_wait3A_312 = tpu.memref_slice %arg7[%dma_wait3A_310, %dma_wait3A_311] : memref<81920x128xf32, #tpu.memory_space<hbm>> -> memref<128x128xf32, #tpu.memory_space<hbm>>
        %dma_wait3A_313 = arith.constant 0 : i32
        %dma_wait3A_314 = arith.constant 0 : i32
        %dma_wait3A_315 = tpu.memref_slice %arg7[%dma_wait3A_313, %dma_wait3A_314] : memref<81920x128xf32, #tpu.memory_space<hbm>> -> memref<128x128xf32, #tpu.memory_space<hbm>>
        tpu.wait_dma2 semaphore(%arg29 : memref<!tpu.dma_semaphore, #tpu.memory_space<semaphore_mem>>) src(%dma_wait3A_315 : memref<128x128xf32, #tpu.memory_space<hbm>>) dst(%arg17 : memref<128x128xf32, #tpu.memory_space<vmem>>)
        %dma_wait3A_316 = arith.constant 0 : i32
        %dma_wait3A_317 = tpu.memref_slice %arg8[%dma_wait3A_316] : memref<81920xi32, #tpu.memory_space<hbm>> -> memref<128xi32, #tpu.memory_space<hbm>>
        %dma_wait3A_318 = arith.constant 0 : i32
        %dma_wait3A_319 = tpu.memref_slice %arg8[%dma_wait3A_318] : memref<81920xi32, #tpu.memory_space<hbm>> -> memref<128xi32, #tpu.memory_space<hbm>>
        tpu.wait_dma2 semaphore(%arg36 : memref<!tpu.dma_semaphore, #tpu.memory_space<semaphore_mem>>) src(%dma_wait3A_319 : memref<128xi32, #tpu.memory_space<hbm>>) dst(%arg32 : memref<128xi32, #tpu.memory_space<vmem>>)
        %dma_wait3A_320 = arith.constant 0 : i32
        %dma_wait3A_321 = tpu.memref_slice %arg9[%dma_wait3A_320] : memref<81920xi32, #tpu.memory_space<hbm>> -> memref<128xi32, #tpu.memory_space<hbm>>
        %dma_wait3A_322 = arith.constant 0 : i32
        %dma_wait3A_323 = tpu.memref_slice %arg9[%dma_wait3A_322] : memref<81920xi32, #tpu.memory_space<hbm>> -> memref<128xi32, #tpu.memory_space<hbm>>
        tpu.wait_dma2 semaphore(%arg38 : memref<!tpu.dma_semaphore, #tpu.memory_space<semaphore_mem>>) src(%dma_wait3A_323 : memref<128xi32, #tpu.memory_space<hbm>>) dst(%arg34 : memref<128xi32, #tpu.memory_space<vmem>>)
      } else {
      }
      %mul3A_50 = arith.constant 2 : i32
      %mul3A_51 = arith.muli %scan3A_47, %mul3A_50 : i32
      %add3A_52 = arith.constant 0 : i32
      %add3A_53 = arith.addi %mul3A_51, %add3A_52 : i32
      %mul3A_54 = arith.constant 128 : i32
      %mul3A_55 = arith.muli %add3A_53, %mul3A_54 : i32
      %add3A_56 = arith.addi %mul3A_2, %mul3A_55 : i32
      %mul3A_57 = arith.constant 2 : i32
      %mul3A_58 = arith.muli %scan3A_47, %mul3A_57 : i32
      %add3A_59 = arith.constant 1 : i32
      %add3A_60 = arith.addi %mul3A_58, %add3A_59 : i32
      %mul3A_61 = arith.constant 128 : i32
      %mul3A_62 = arith.muli %add3A_60, %mul3A_61 : i32
      %add3A_63 = arith.addi %mul3A_2, %mul3A_62 : i32
      %dma_start3A = tpu.memref_slice %arg3[%add3A_56] : memref<81920xi32, #tpu.memory_space<hbm>> -> memref<128xi32, #tpu.memory_space<hbm>>
      %dma_start3A_64 = tpu.memref_slice %arg3[%add3A_56] : memref<81920xi32, #tpu.memory_space<hbm>> -> memref<128xi32, #tpu.memory_space<hbm>>
      tpu.enqueue_dma source(%dma_start3A_64 : memref<128xi32, #tpu.memory_space<hbm>>) target(%arg10 : memref<128xi32, #tpu.memory_space<vmem>>) target_semaphore(%arg18 : memref<!tpu.dma_semaphore, #tpu.memory_space<semaphore_mem>>)
      %dma_start3A_65 = tpu.memref_slice %arg4[%add3A_56] : memref<81920xi32, #tpu.memory_space<hbm>> -> memref<128xi32, #tpu.memory_space<hbm>>
      %dma_start3A_66 = tpu.memref_slice %arg4[%add3A_56] : memref<81920xi32, #tpu.memory_space<hbm>> -> memref<128xi32, #tpu.memory_space<hbm>>
      tpu.enqueue_dma source(%dma_start3A_66 : memref<128xi32, #tpu.memory_space<hbm>>) target(%arg12 : memref<128xi32, #tpu.memory_space<vmem>>) target_semaphore(%arg20 : memref<!tpu.dma_semaphore, #tpu.memory_space<semaphore_mem>>)
      %dma_start3A_67 = tpu.memref_slice %arg3[%add3A_63] : memref<81920xi32, #tpu.memory_space<hbm>> -> memref<128xi32, #tpu.memory_space<hbm>>
      %dma_start3A_68 = tpu.memref_slice %arg3[%add3A_63] : memref<81920xi32, #tpu.memory_space<hbm>> -> memref<128xi32, #tpu.memory_space<hbm>>
      tpu.enqueue_dma source(%dma_start3A_68 : memref<128xi32, #tpu.memory_space<hbm>>) target(%arg11 : memref<128xi32, #tpu.memory_space<vmem>>) target_semaphore(%arg19 : memref<!tpu.dma_semaphore, #tpu.memory_space<semaphore_mem>>)
      %dma_start3A_69 = tpu.memref_slice %arg4[%add3A_63] : memref<81920xi32, #tpu.memory_space<hbm>> -> memref<128xi32, #tpu.memory_space<hbm>>
      %dma_start3A_70 = tpu.memref_slice %arg4[%add3A_63] : memref<81920xi32, #tpu.memory_space<hbm>> -> memref<128xi32, #tpu.memory_space<hbm>>
      tpu.enqueue_dma source(%dma_start3A_70 : memref<128xi32, #tpu.memory_space<hbm>>) target(%arg13 : memref<128xi32, #tpu.memory_space<vmem>>) target_semaphore(%arg21 : memref<!tpu.dma_semaphore, #tpu.memory_space<semaphore_mem>>)
      %dma_wait3A_71 = tpu.memref_slice %arg3[%add3A_56] : memref<81920xi32, #tpu.memory_space<hbm>> -> memref<128xi32, #tpu.memory_space<hbm>>
      %dma_wait3A_72 = tpu.memref_slice %arg3[%add3A_56] : memref<81920xi32, #tpu.memory_space<hbm>> -> memref<128xi32, #tpu.memory_space<hbm>>
      tpu.wait_dma2 semaphore(%arg18 : memref<!tpu.dma_semaphore, #tpu.memory_space<semaphore_mem>>) src(%dma_wait3A_72 : memref<128xi32, #tpu.memory_space<hbm>>) dst(%arg10 : memref<128xi32, #tpu.memory_space<vmem>>)
      %dma_wait3A_73 = tpu.memref_slice %arg4[%add3A_56] : memref<81920xi32, #tpu.memory_space<hbm>> -> memref<128xi32, #tpu.memory_space<hbm>>
      %dma_wait3A_74 = tpu.memref_slice %arg4[%add3A_56] : memref<81920xi32, #tpu.memory_space<hbm>> -> memref<128xi32, #tpu.memory_space<hbm>>
      tpu.wait_dma2 semaphore(%arg20 : memref<!tpu.dma_semaphore, #tpu.memory_space<semaphore_mem>>) src(%dma_wait3A_74 : memref<128xi32, #tpu.memory_space<hbm>>) dst(%arg12 : memref<128xi32, #tpu.memory_space<vmem>>)
      %dma_start3A_75 = arith.constant 0 : i32
      %dma_start3A_76 = arith.constant 0 : i32
      %dma_start3A_77 = tpu.memref_slice %arg2[%dma_start3A_75, %dma_start3A_76] : memref<10240x128xf32, #tpu.memory_space<hbm>> -> memref<10240x128xf32, #tpu.memory_space<hbm>>
      tpu.enqueue_indirect_dma source(%dma_start3A_77 : memref<10240x128xf32, #tpu.memory_space<hbm>>) target(%arg14 : memref<128x128xf32, #tpu.memory_space<vmem>>) offsets(%arg10 : memref<128xi32, #tpu.memory_space<vmem>>) semaphore(%arg22 : memref<!tpu.dma_semaphore, #tpu.memory_space<semaphore_mem>>)
      %dma_start3A_78 = arith.constant 0 : i32
      %dma_start3A_79 = arith.constant 0 : i32
      %dma_start3A_80 = tpu.memref_slice %arg2[%dma_start3A_78, %dma_start3A_79] : memref<10240x128xf32, #tpu.memory_space<hbm>> -> memref<10240x128xf32, #tpu.memory_space<hbm>>
      tpu.enqueue_indirect_dma source(%dma_start3A_80 : memref<10240x128xf32, #tpu.memory_space<hbm>>) target(%arg16 : memref<128x128xf32, #tpu.memory_space<vmem>>) offsets(%arg12 : memref<128xi32, #tpu.memory_space<vmem>>) semaphore(%arg24 : memref<!tpu.dma_semaphore, #tpu.memory_space<semaphore_mem>>)
      %get3A = arith.constant 0 : index
      %get3A_81 = tpu.vector_load %arg10[%get3A] {strides = array<i32>} : memref<128xi32, #tpu.memory_space<vmem>>, vector<16xi32>,
      %gather3A = tpu.vector_load_idx %arg30[%get3A_81] : memref<10000xi32, #tpu.memory_space<vmem>>[vector<16xi32>], vector<16xi32>,
      %swap3A = arith.constant 0 : index
      %swap3A_82 = tpu.vector_load %arg31[%swap3A] {strides = array<i32>} : memref<128xi32, #tpu.memory_space<vmem>>, vector<16xi32>,
      tpu.vector_store %arg31[%swap3A], %gather3A {strides = array<i32>} : memref<128xi32, #tpu.memory_space<vmem>>, vector<16xi32>,
      %get3A_83 = arith.constant 0 : index
      %get3A_84 = tpu.vector_load %arg12[%get3A_83] {strides = array<i32>} : memref<128xi32, #tpu.memory_space<vmem>>, vector<16xi32>,
      %gather3A_85 = tpu.vector_load_idx %arg30[%get3A_84] : memref<10000xi32, #tpu.memory_space<vmem>>[vector<16xi32>], vector<16xi32>,
      %swap3A_86 = arith.constant 0 : index
      %swap3A_87 = tpu.vector_load %arg33[%swap3A_86] {strides = array<i32>} : memref<128xi32, #tpu.memory_space<vmem>>, vector<16xi32>,
      tpu.vector_store %arg33[%swap3A_86], %gather3A_85 {strides = array<i32>} : memref<128xi32, #tpu.memory_space<vmem>>, vector<16xi32>,
      %get3A_88 = arith.constant 16 : index
      %get3A_89 = tpu.vector_load %arg10[%get3A_88] {strides = array<i32>} : memref<128xi32, #tpu.memory_space<vmem>>, vector<16xi32>,
      %gather3A_90 = tpu.vector_load_idx %arg30[%get3A_89] : memref<10000xi32, #tpu.memory_space<vmem>>[vector<16xi32>], vector<16xi32>,
      %swap3A_91 = arith.constant 16 : index
      %swap3A_92 = tpu.vector_load %arg31[%swap3A_91] {strides = array<i32>} : memref<128xi32, #tpu.memory_space<vmem>>, vector<16xi32>,
      tpu.vector_store %arg31[%swap3A_91], %gather3A_90 {strides = array<i32>} : memref<128xi32, #tpu.memory_space<vmem>>, vector<16xi32>,
      %get3A_93 = arith.constant 16 : index
      %get3A_94 = tpu.vector_load %arg12[%get3A_93] {strides = array<i32>} : memref<128xi32, #tpu.memory_space<vmem>>, vector<16xi32>,
      %gather3A_95 = tpu.vector_load_idx %arg30[%get3A_94] : memref<10000xi32, #tpu.memory_space<vmem>>[vector<16xi32>], vector<16xi32>,
      %swap3A_96 = arith.constant 16 : index
      %swap3A_97 = tpu.vector_load %arg33[%swap3A_96] {strides = array<i32>} : memref<128xi32, #tpu.memory_space<vmem>>, vector<16xi32>,
      tpu.vector_store %arg33[%swap3A_96], %gather3A_95 {strides = array<i32>} : memref<128xi32, #tpu.memory_space<vmem>>, vector<16xi32>,
      %get3A_98 = arith.constant 32 : index
      %get3A_99 = tpu.vector_load %arg10[%get3A_98] {strides = array<i32>} : memref<128xi32, #tpu.memory_space<vmem>>, vector<16xi32>,
      %gather3A_100 = tpu.vector_load_idx %arg30[%get3A_99] : memref<10000xi32, #tpu.memory_space<vmem>>[vector<16xi32>], vector<16xi32>,
      %swap3A_101 = arith.constant 32 : index
      %swap3A_102 = tpu.vector_load %arg31[%swap3A_101] {strides = array<i32>} : memref<128xi32, #tpu.memory_space<vmem>>, vector<16xi32>,
      tpu.vector_store %arg31[%swap3A_101], %gather3A_100 {strides = array<i32>} : memref<128xi32, #tpu.memory_space<vmem>>, vector<16xi32>,
      %get3A_103 = arith.constant 32 : index
      %get3A_104 = tpu.vector_load %arg12[%get3A_103] {strides = array<i32>} : memref<128xi32, #tpu.memory_space<vmem>>, vector<16xi32>,
      %gather3A_105 = tpu.vector_load_idx %arg30[%get3A_104] : memref<10000xi32, #tpu.memory_space<vmem>>[vector<16xi32>], vector<16xi32>,
      %swap3A_106 = arith.constant 32 : index
      %swap3A_107 = tpu.vector_load %arg33[%swap3A_106] {strides = array<i32>} : memref<128xi32, #tpu.memory_space<vmem>>, vector<16xi32>,
      tpu.vector_store %arg33[%swap3A_106], %gather3A_105 {strides = array<i32>} : memref<128xi32, #tpu.memory_space<vmem>>, vector<16xi32>,
      %get3A_108 = arith.constant 48 : index
      %get3A_109 = tpu.vector_load %arg10[%get3A_108] {strides = array<i32>} : memref<128xi32, #tpu.memory_space<vmem>>, vector<16xi32>,
      %gather3A_110 = tpu.vector_load_idx %arg30[%get3A_109] : memref<10000xi32, #tpu.memory_space<vmem>>[vector<16xi32>], vector<16xi32>,
      %swap3A_111 = arith.constant 48 : index
      %swap3A_112 = tpu.vector_load %arg31[%swap3A_111] {strides = array<i32>} : memref<128xi32, #tpu.memory_space<vmem>>, vector<16xi32>,
      tpu.vector_store %arg31[%swap3A_111], %gather3A_110 {strides = array<i32>} : memref<128xi32, #tpu.memory_space<vmem>>, vector<16xi32>,
      %get3A_113 = arith.constant 48 : index
      %get3A_114 = tpu.vector_load %arg12[%get3A_113] {strides = array<i32>} : memref<128xi32, #tpu.memory_space<vmem>>, vector<16xi32>,
      %gather3A_115 = tpu.vector_load_idx %arg30[%get3A_114] : memref<10000xi32, #tpu.memory_space<vmem>>[vector<16xi32>], vector<16xi32>,
      %swap3A_116 = arith.constant 48 : index
      %swap3A_117 = tpu.vector_load %arg33[%swap3A_116] {strides = array<i32>} : memref<128xi32, #tpu.memory_space<vmem>>, vector<16xi32>,
      tpu.vector_store %arg33[%swap3A_116], %gather3A_115 {strides = array<i32>} : memref<128xi32, #tpu.memory_space<vmem>>, vector<16xi32>,
      %get3A_118 = arith.constant 64 : index
      %get3A_119 = tpu.vector_load %arg10[%get3A_118] {strides = array<i32>} : memref<128xi32, #tpu.memory_space<vmem>>, vector<16xi32>,
      %gather3A_120 = tpu.vector_load_idx %arg30[%get3A_119] : memref<10000xi32, #tpu.memory_space<vmem>>[vector<16xi32>], vector<16xi32>,
      %swap3A_121 = arith.constant 64 : index
      %swap3A_122 = tpu.vector_load %arg31[%swap3A_121] {strides = array<i32>} : memref<128xi32, #tpu.memory_space<vmem>>, vector<16xi32>,
      tpu.vector_store %arg31[%swap3A_121], %gather3A_120 {strides = array<i32>} : memref<128xi32, #tpu.memory_space<vmem>>, vector<16xi32>,
      %get3A_123 = arith.constant 64 : index
      %get3A_124 = tpu.vector_load %arg12[%get3A_123] {strides = array<i32>} : memref<128xi32, #tpu.memory_space<vmem>>, vector<16xi32>,
      %gather3A_125 = tpu.vector_load_idx %arg30[%get3A_124] : memref<10000xi32, #tpu.memory_space<vmem>>[vector<16xi32>], vector<16xi32>,
      %swap3A_126 = arith.constant 64 : index
      %swap3A_127 = tpu.vector_load %arg33[%swap3A_126] {strides = array<i32>} : memref<128xi32, #tpu.memory_space<vmem>>, vector<16xi32>,
      tpu.vector_store %arg33[%swap3A_126], %gather3A_125 {strides = array<i32>} : memref<128xi32, #tpu.memory_space<vmem>>, vector<16xi32>,
      %get3A_128 = arith.constant 80 : index
      %get3A_129 = tpu.vector_load %arg10[%get3A_128] {strides = array<i32>} : memref<128xi32, #tpu.memory_space<vmem>>, vector<16xi32>,
      %gather3A_130 = tpu.vector_load_idx %arg30[%get3A_129] : memref<10000xi32, #tpu.memory_space<vmem>>[vector<16xi32>], vector<16xi32>,
      %swap3A_131 = arith.constant 80 : index
      %swap3A_132 = tpu.vector_load %arg31[%swap3A_131] {strides = array<i32>} : memref<128xi32, #tpu.memory_space<vmem>>, vector<16xi32>,
      tpu.vector_store %arg31[%swap3A_131], %gather3A_130 {strides = array<i32>} : memref<128xi32, #tpu.memory_space<vmem>>, vector<16xi32>,
      %get3A_133 = arith.constant 80 : index
      %get3A_134 = tpu.vector_load %arg12[%get3A_133] {strides = array<i32>} : memref<128xi32, #tpu.memory_space<vmem>>, vector<16xi32>,
      %gather3A_135 = tpu.vector_load_idx %arg30[%get3A_134] : memref<10000xi32, #tpu.memory_space<vmem>>[vector<16xi32>], vector<16xi32>,
      %swap3A_136 = arith.constant 80 : index
      %swap3A_137 = tpu.vector_load %arg33[%swap3A_136] {strides = array<i32>} : memref<128xi32, #tpu.memory_space<vmem>>, vector<16xi32>,
      tpu.vector_store %arg33[%swap3A_136], %gather3A_135 {strides = array<i32>} : memref<128xi32, #tpu.memory_space<vmem>>, vector<16xi32>,
      %get3A_138 = arith.constant 96 : index
      %get3A_139 = tpu.vector_load %arg10[%get3A_138] {strides = array<i32>} : memref<128xi32, #tpu.memory_space<vmem>>, vector<16xi32>,
      %gather3A_140 = tpu.vector_load_idx %arg30[%get3A_139] : memref<10000xi32, #tpu.memory_space<vmem>>[vector<16xi32>], vector<16xi32>,
      %swap3A_141 = arith.constant 96 : index
      %swap3A_142 = tpu.vector_load %arg31[%swap3A_141] {strides = array<i32>} : memref<128xi32, #tpu.memory_space<vmem>>, vector<16xi32>,
      tpu.vector_store %arg31[%swap3A_141], %gather3A_140 {strides = array<i32>} : memref<128xi32, #tpu.memory_space<vmem>>, vector<16xi32>,
      %get3A_143 = arith.constant 96 : index
      %get3A_144 = tpu.vector_load %arg12[%get3A_143] {strides = array<i32>} : memref<128xi32, #tpu.memory_space<vmem>>, vector<16xi32>,
      %gather3A_145 = tpu.vector_load_idx %arg30[%get3A_144] : memref<10000xi32, #tpu.memory_space<vmem>>[vector<16xi32>], vector<16xi32>,
      %swap3A_146 = arith.constant 96 : index
      %swap3A_147 = tpu.vector_load %arg33[%swap3A_146] {strides = array<i32>} : memref<128xi32, #tpu.memory_space<vmem>>, vector<16xi32>,
      tpu.vector_store %arg33[%swap3A_146], %gather3A_145 {strides = array<i32>} : memref<128xi32, #tpu.memory_space<vmem>>, vector<16xi32>,
      %get3A_148 = arith.constant 112 : index
      %get3A_149 = tpu.vector_load %arg10[%get3A_148] {strides = array<i32>} : memref<128xi32, #tpu.memory_space<vmem>>, vector<16xi32>,
      %gather3A_150 = tpu.vector_load_idx %arg30[%get3A_149] : memref<10000xi32, #tpu.memory_space<vmem>>[vector<16xi32>], vector<16xi32>,
      %swap3A_151 = arith.constant 112 : index
      %swap3A_152 = tpu.vector_load %arg31[%swap3A_151] {strides = array<i32>} : memref<128xi32, #tpu.memory_space<vmem>>, vector<16xi32>,
      tpu.vector_store %arg31[%swap3A_151], %gather3A_150 {strides = array<i32>} : memref<128xi32, #tpu.memory_space<vmem>>, vector<16xi32>,
      %get3A_153 = arith.constant 112 : index
      %get3A_154 = tpu.vector_load %arg12[%get3A_153] {strides = array<i32>} : memref<128xi32, #tpu.memory_space<vmem>>, vector<16xi32>,
      %gather3A_155 = tpu.vector_load_idx %arg30[%get3A_154] : memref<10000xi32, #tpu.memory_space<vmem>>[vector<16xi32>], vector<16xi32>,
      %swap3A_156 = arith.constant 112 : index
      %swap3A_157 = tpu.vector_load %arg33[%swap3A_156] {strides = array<i32>} : memref<128xi32, #tpu.memory_space<vmem>>, vector<16xi32>,
      tpu.vector_store %arg33[%swap3A_156], %gather3A_155 {strides = array<i32>} : memref<128xi32, #tpu.memory_space<vmem>>, vector<16xi32>,
      %dma_wait3A_158 = tpu.memref_slice %arg3[%add3A_63] : memref<81920xi32, #tpu.memory_space<hbm>> -> memref<128xi32, #tpu.memory_space<hbm>>
      %dma_wait3A_159 = tpu.memref_slice %arg3[%add3A_63] : memref<81920xi32, #tpu.memory_space<hbm>> -> memref<128xi32, #tpu.memory_space<hbm>>
      tpu.wait_dma2 semaphore(%arg19 : memref<!tpu.dma_semaphore, #tpu.memory_space<semaphore_mem>>) src(%dma_wait3A_159 : memref<128xi32, #tpu.memory_space<hbm>>) dst(%arg11 : memref<128xi32, #tpu.memory_space<vmem>>)
      %dma_wait3A_160 = tpu.memref_slice %arg4[%add3A_63] : memref<81920xi32, #tpu.memory_space<hbm>> -> memref<128xi32, #tpu.memory_space<hbm>>
      %dma_wait3A_161 = tpu.memref_slice %arg4[%add3A_63] : memref<81920xi32, #tpu.memory_space<hbm>> -> memref<128xi32, #tpu.memory_space<hbm>>
      tpu.wait_dma2 semaphore(%arg21 : memref<!tpu.dma_semaphore, #tpu.memory_space<semaphore_mem>>) src(%dma_wait3A_161 : memref<128xi32, #tpu.memory_space<hbm>>) dst(%arg13 : memref<128xi32, #tpu.memory_space<vmem>>)
      %dma_start3A_162 = arith.constant 0 : i32
      %dma_start3A_163 = arith.constant 0 : i32
      %dma_start3A_164 = tpu.memref_slice %arg2[%dma_start3A_162, %dma_start3A_163] : memref<10240x128xf32, #tpu.memory_space<hbm>> -> memref<10240x128xf32, #tpu.memory_space<hbm>>
      tpu.enqueue_indirect_dma source(%dma_start3A_164 : memref<10240x128xf32, #tpu.memory_space<hbm>>) target(%arg15 : memref<128x128xf32, #tpu.memory_space<vmem>>) offsets(%arg11 : memref<128xi32, #tpu.memory_space<vmem>>) semaphore(%arg23 : memref<!tpu.dma_semaphore, #tpu.memory_space<semaphore_mem>>)
      %dma_start3A_165 = arith.constant 0 : i32
      %dma_start3A_166 = arith.constant 0 : i32
      %dma_start3A_167 = tpu.memref_slice %arg2[%dma_start3A_165, %dma_start3A_166] : memref<10240x128xf32, #tpu.memory_space<hbm>> -> memref<10240x128xf32, #tpu.memory_space<hbm>>
      tpu.enqueue_indirect_dma source(%dma_start3A_167 : memref<10240x128xf32, #tpu.memory_space<hbm>>) target(%arg17 : memref<128x128xf32, #tpu.memory_space<vmem>>) offsets(%arg13 : memref<128xi32, #tpu.memory_space<vmem>>) semaphore(%arg25 : memref<!tpu.dma_semaphore, #tpu.memory_space<semaphore_mem>>)
      %get3A_168 = arith.constant 0 : index
      %get3A_169 = tpu.vector_load %arg11[%get3A_168] {strides = array<i32>} : memref<128xi32, #tpu.memory_space<vmem>>, vector<16xi32>,
      %gather3A_170 = tpu.vector_load_idx %arg30[%get3A_169] : memref<10000xi32, #tpu.memory_space<vmem>>[vector<16xi32>], vector<16xi32>,
      %swap3A_171 = arith.constant 0 : index
      %swap3A_172 = tpu.vector_load %arg32[%swap3A_171] {strides = array<i32>} : memref<128xi32, #tpu.memory_space<vmem>>, vector<16xi32>,
      tpu.vector_store %arg32[%swap3A_171], %gather3A_170 {strides = array<i32>} : memref<128xi32, #tpu.memory_space<vmem>>, vector<16xi32>,
      %get3A_173 = arith.constant 0 : index
      %get3A_174 = tpu.vector_load %arg13[%get3A_173] {strides = array<i32>} : memref<128xi32, #tpu.memory_space<vmem>>, vector<16xi32>,
      %gather3A_175 = tpu.vector_load_idx %arg30[%get3A_174] : memref<10000xi32, #tpu.memory_space<vmem>>[vector<16xi32>], vector<16xi32>,
      %swap3A_176 = arith.constant 0 : index
      %swap3A_177 = tpu.vector_load %arg34[%swap3A_176] {strides = array<i32>} : memref<128xi32, #tpu.memory_space<vmem>>, vector<16xi32>,
      tpu.vector_store %arg34[%swap3A_176], %gather3A_175 {strides = array<i32>} : memref<128xi32, #tpu.memory_space<vmem>>, vector<16xi32>,
      %get3A_178 = arith.constant 16 : index
      %get3A_179 = tpu.vector_load %arg11[%get3A_178] {strides = array<i32>} : memref<128xi32, #tpu.memory_space<vmem>>, vector<16xi32>,
      %gather3A_180 = tpu.vector_load_idx %arg30[%get3A_179] : memref<10000xi32, #tpu.memory_space<vmem>>[vector<16xi32>], vector<16xi32>,
      %swap3A_181 = arith.constant 16 : index
      %swap3A_182 = tpu.vector_load %arg32[%swap3A_181] {strides = array<i32>} : memref<128xi32, #tpu.memory_space<vmem>>, vector<16xi32>,
      tpu.vector_store %arg32[%swap3A_181], %gather3A_180 {strides = array<i32>} : memref<128xi32, #tpu.memory_space<vmem>>, vector<16xi32>,
      %get3A_183 = arith.constant 16 : index
      %get3A_184 = tpu.vector_load %arg13[%get3A_183] {strides = array<i32>} : memref<128xi32, #tpu.memory_space<vmem>>, vector<16xi32>,
      %gather3A_185 = tpu.vector_load_idx %arg30[%get3A_184] : memref<10000xi32, #tpu.memory_space<vmem>>[vector<16xi32>], vector<16xi32>,
      %swap3A_186 = arith.constant 16 : index
      %swap3A_187 = tpu.vector_load %arg34[%swap3A_186] {strides = array<i32>} : memref<128xi32, #tpu.memory_space<vmem>>, vector<16xi32>,
      tpu.vector_store %arg34[%swap3A_186], %gather3A_185 {strides = array<i32>} : memref<128xi32, #tpu.memory_space<vmem>>, vector<16xi32>,
      %get3A_188 = arith.constant 32 : index
      %get3A_189 = tpu.vector_load %arg11[%get3A_188] {strides = array<i32>} : memref<128xi32, #tpu.memory_space<vmem>>, vector<16xi32>,
      %gather3A_190 = tpu.vector_load_idx %arg30[%get3A_189] : memref<10000xi32, #tpu.memory_space<vmem>>[vector<16xi32>], vector<16xi32>,
      %swap3A_191 = arith.constant 32 : index
      %swap3A_192 = tpu.vector_load %arg32[%swap3A_191] {strides = array<i32>} : memref<128xi32, #tpu.memory_space<vmem>>, vector<16xi32>,
      tpu.vector_store %arg32[%swap3A_191], %gather3A_190 {strides = array<i32>} : memref<128xi32, #tpu.memory_space<vmem>>, vector<16xi32>,
      %get3A_193 = arith.constant 32 : index
      %get3A_194 = tpu.vector_load %arg13[%get3A_193] {strides = array<i32>} : memref<128xi32, #tpu.memory_space<vmem>>, vector<16xi32>,
      %gather3A_195 = tpu.vector_load_idx %arg30[%get3A_194] : memref<10000xi32, #tpu.memory_space<vmem>>[vector<16xi32>], vector<16xi32>,
      %swap3A_196 = arith.constant 32 : index
      %swap3A_197 = tpu.vector_load %arg34[%swap3A_196] {strides = array<i32>} : memref<128xi32, #tpu.memory_space<vmem>>, vector<16xi32>,
      tpu.vector_store %arg34[%swap3A_196], %gather3A_195 {strides = array<i32>} : memref<128xi32, #tpu.memory_space<vmem>>, vector<16xi32>,
      %get3A_198 = arith.constant 48 : index
      %get3A_199 = tpu.vector_load %arg11[%get3A_198] {strides = array<i32>} : memref<128xi32, #tpu.memory_space<vmem>>, vector<16xi32>,
      %gather3A_200 = tpu.vector_load_idx %arg30[%get3A_199] : memref<10000xi32, #tpu.memory_space<vmem>>[vector<16xi32>], vector<16xi32>,
      %swap3A_201 = arith.constant 48 : index
      %swap3A_202 = tpu.vector_load %arg32[%swap3A_201] {strides = array<i32>} : memref<128xi32, #tpu.memory_space<vmem>>, vector<16xi32>,
      tpu.vector_store %arg32[%swap3A_201], %gather3A_200 {strides = array<i32>} : memref<128xi32, #tpu.memory_space<vmem>>, vector<16xi32>,
      %get3A_203 = arith.constant 48 : index
      %get3A_204 = tpu.vector_load %arg13[%get3A_203] {strides = array<i32>} : memref<128xi32, #tpu.memory_space<vmem>>, vector<16xi32>,
      %gather3A_205 = tpu.vector_load_idx %arg30[%get3A_204] : memref<10000xi32, #tpu.memory_space<vmem>>[vector<16xi32>], vector<16xi32>,
      %swap3A_206 = arith.constant 48 : index
      %swap3A_207 = tpu.vector_load %arg34[%swap3A_206] {strides = array<i32>} : memref<128xi32, #tpu.memory_space<vmem>>, vector<16xi32>,
      tpu.vector_store %arg34[%swap3A_206], %gather3A_205 {strides = array<i32>} : memref<128xi32, #tpu.memory_space<vmem>>, vector<16xi32>,
      %get3A_208 = arith.constant 64 : index
      %get3A_209 = tpu.vector_load %arg11[%get3A_208] {strides = array<i32>} : memref<128xi32, #tpu.memory_space<vmem>>, vector<16xi32>,
      %gather3A_210 = tpu.vector_load_idx %arg30[%get3A_209] : memref<10000xi32, #tpu.memory_space<vmem>>[vector<16xi32>], vector<16xi32>,
      %swap3A_211 = arith.constant 64 : index
      %swap3A_212 = tpu.vector_load %arg32[%swap3A_211] {strides = array<i32>} : memref<128xi32, #tpu.memory_space<vmem>>, vector<16xi32>,
      tpu.vector_store %arg32[%swap3A_211], %gather3A_210 {strides = array<i32>} : memref<128xi32, #tpu.memory_space<vmem>>, vector<16xi32>,
      %get3A_213 = arith.constant 64 : index
      %get3A_214 = tpu.vector_load %arg13[%get3A_213] {strides = array<i32>} : memref<128xi32, #tpu.memory_space<vmem>>, vector<16xi32>,
      %gather3A_215 = tpu.vector_load_idx %arg30[%get3A_214] : memref<10000xi32, #tpu.memory_space<vmem>>[vector<16xi32>], vector<16xi32>,
      %swap3A_216 = arith.constant 64 : index
      %swap3A_217 = tpu.vector_load %arg34[%swap3A_216] {strides = array<i32>} : memref<128xi32, #tpu.memory_space<vmem>>, vector<16xi32>,
      tpu.vector_store %arg34[%swap3A_216], %gather3A_215 {strides = array<i32>} : memref<128xi32, #tpu.memory_space<vmem>>, vector<16xi32>,
      %get3A_218 = arith.constant 80 : index
      %get3A_219 = tpu.vector_load %arg11[%get3A_218] {strides = array<i32>} : memref<128xi32, #tpu.memory_space<vmem>>, vector<16xi32>,
      %gather3A_220 = tpu.vector_load_idx %arg30[%get3A_219] : memref<10000xi32, #tpu.memory_space<vmem>>[vector<16xi32>], vector<16xi32>,
      %swap3A_221 = arith.constant 80 : index
      %swap3A_222 = tpu.vector_load %arg32[%swap3A_221] {strides = array<i32>} : memref<128xi32, #tpu.memory_space<vmem>>, vector<16xi32>,
      tpu.vector_store %arg32[%swap3A_221], %gather3A_220 {strides = array<i32>} : memref<128xi32, #tpu.memory_space<vmem>>, vector<16xi32>,
      %get3A_223 = arith.constant 80 : index
      %get3A_224 = tpu.vector_load %arg13[%get3A_223] {strides = array<i32>} : memref<128xi32, #tpu.memory_space<vmem>>, vector<16xi32>,
      %gather3A_225 = tpu.vector_load_idx %arg30[%get3A_224] : memref<10000xi32, #tpu.memory_space<vmem>>[vector<16xi32>], vector<16xi32>,
      %swap3A_226 = arith.constant 80 : index
      %swap3A_227 = tpu.vector_load %arg34[%swap3A_226] {strides = array<i32>} : memref<128xi32, #tpu.memory_space<vmem>>, vector<16xi32>,
      tpu.vector_store %arg34[%swap3A_226], %gather3A_225 {strides = array<i32>} : memref<128xi32, #tpu.memory_space<vmem>>, vector<16xi32>,
      %get3A_228 = arith.constant 96 : index
      %get3A_229 = tpu.vector_load %arg11[%get3A_228] {strides = array<i32>} : memref<128xi32, #tpu.memory_space<vmem>>, vector<16xi32>,
      %gather3A_230 = tpu.vector_load_idx %arg30[%get3A_229] : memref<10000xi32, #tpu.memory_space<vmem>>[vector<16xi32>], vector<16xi32>,
      %swap3A_231 = arith.constant 96 : index
      %swap3A_232 = tpu.vector_load %arg32[%swap3A_231] {strides = array<i32>} : memref<128xi32, #tpu.memory_space<vmem>>, vector<16xi32>,
      tpu.vector_store %arg32[%swap3A_231], %gather3A_230 {strides = array<i32>} : memref<128xi32, #tpu.memory_space<vmem>>, vector<16xi32>,
      %get3A_233 = arith.constant 96 : index
      %get3A_234 = tpu.vector_load %arg13[%get3A_233] {strides = array<i32>} : memref<128xi32, #tpu.memory_space<vmem>>, vector<16xi32>,
      %gather3A_235 = tpu.vector_load_idx %arg30[%get3A_234] : memref<10000xi32, #tpu.memory_space<vmem>>[vector<16xi32>], vector<16xi32>,
      %swap3A_236 = arith.constant 96 : index
      %swap3A_237 = tpu.vector_load %arg34[%swap3A_236] {strides = array<i32>} : memref<128xi32, #tpu.memory_space<vmem>>, vector<16xi32>,
      tpu.vector_store %arg34[%swap3A_236], %gather3A_235 {strides = array<i32>} : memref<128xi32, #tpu.memory_space<vmem>>, vector<16xi32>,
      %get3A_238 = arith.constant 112 : index
      %get3A_239 = tpu.vector_load %arg11[%get3A_238] {strides = array<i32>} : memref<128xi32, #tpu.memory_space<vmem>>, vector<16xi32>,
      %gather3A_240 = tpu.vector_load_idx %arg30[%get3A_239] : memref<10000xi32, #tpu.memory_space<vmem>>[vector<16xi32>], vector<16xi32>,
      %swap3A_241 = arith.constant 112 : index
      %swap3A_242 = tpu.vector_load %arg32[%swap3A_241] {strides = array<i32>} : memref<128xi32, #tpu.memory_space<vmem>>, vector<16xi32>,
      tpu.vector_store %arg32[%swap3A_241], %gather3A_240 {strides = array<i32>} : memref<128xi32, #tpu.memory_space<vmem>>, vector<16xi32>,
      %get3A_243 = arith.constant 112 : index
      %get3A_244 = tpu.vector_load %arg13[%get3A_243] {strides = array<i32>} : memref<128xi32, #tpu.memory_space<vmem>>, vector<16xi32>,
      %gather3A_245 = tpu.vector_load_idx %arg30[%get3A_244] : memref<10000xi32, #tpu.memory_space<vmem>>[vector<16xi32>], vector<16xi32>,
      %swap3A_246 = arith.constant 112 : index
      %swap3A_247 = tpu.vector_load %arg34[%swap3A_246] {strides = array<i32>} : memref<128xi32, #tpu.memory_space<vmem>>, vector<16xi32>,
      tpu.vector_store %arg34[%swap3A_246], %gather3A_245 {strides = array<i32>} : memref<128xi32, #tpu.memory_space<vmem>>, vector<16xi32>,
      %dma_wait3A_248 = arith.constant 0 : i32
      %dma_wait3A_249 = arith.constant 0 : i32
      %dma_wait3A_250 = tpu.memref_slice %arg2[%dma_wait3A_248, %dma_wait3A_249] : memref<10240x128xf32, #tpu.memory_space<hbm>> -> memref<10240x128xf32, #tpu.memory_space<hbm>>
      tpu.wait_indirect_dma semaphore(%arg22 : memref<!tpu.dma_semaphore, #tpu.memory_space<semaphore_mem>>) src(%dma_wait3A_250 : memref<10240x128xf32, #tpu.memory_space<hbm>>) dst(%arg14 : memref<128x128xf32, #tpu.memory_space<vmem>>)
      %dma_start3A_251 = arith.constant 0 : i32
      %dma_start3A_252 = tpu.memref_slice %arg6[%add3A_56, %dma_start3A_251] : memref<81920x128xf32, #tpu.memory_space<hbm>> -> memref<128x128xf32, #tpu.memory_space<hbm>>
      %dma_start3A_253 = arith.constant 0 : i32
      %dma_start3A_254 = tpu.memref_slice %arg6[%add3A_56, %dma_start3A_253] : memref<81920x128xf32, #tpu.memory_space<hbm>> -> memref<128x128xf32, #tpu.memory_space<hbm>>
      tpu.enqueue_dma source(%arg14 : memref<128x128xf32, #tpu.memory_space<vmem>>) target(%dma_start3A_254 : memref<128x128xf32, #tpu.memory_space<hbm>>) target_semaphore(%arg26 : memref<!tpu.dma_semaphore, #tpu.memory_space<semaphore_mem>>)
      %dma_wait3A_255 = arith.constant 0 : i32
      %dma_wait3A_256 = arith.constant 0 : i32
      %dma_wait3A_257 = tpu.memref_slice %arg2[%dma_wait3A_255, %dma_wait3A_256] : memref<10240x128xf32, #tpu.memory_space<hbm>> -> memref<10240x128xf32, #tpu.memory_space<hbm>>
      tpu.wait_indirect_dma semaphore(%arg24 : memref<!tpu.dma_semaphore, #tpu.memory_space<semaphore_mem>>) src(%dma_wait3A_257 : memref<10240x128xf32, #tpu.memory_space<hbm>>) dst(%arg16 : memref<128x128xf32, #tpu.memory_space<vmem>>)
      %dma_start3A_258 = arith.constant 0 : i32
      %dma_start3A_259 = tpu.memref_slice %arg7[%add3A_56, %dma_start3A_258] : memref<81920x128xf32, #tpu.memory_space<hbm>> -> memref<128x128xf32, #tpu.memory_space<hbm>>
      %dma_start3A_260 = arith.constant 0 : i32
      %dma_start3A_261 = tpu.memref_slice %arg7[%add3A_56, %dma_start3A_260] : memref<81920x128xf32, #tpu.memory_space<hbm>> -> memref<128x128xf32, #tpu.memory_space<hbm>>
      tpu.enqueue_dma source(%arg16 : memref<128x128xf32, #tpu.memory_space<vmem>>) target(%dma_start3A_261 : memref<128x128xf32, #tpu.memory_space<hbm>>) target_semaphore(%arg28 : memref<!tpu.dma_semaphore, #tpu.memory_space<semaphore_mem>>)
      %dma_start3A_262 = tpu.memref_slice %arg8[%add3A_56] : memref<81920xi32, #tpu.memory_space<hbm>> -> memref<128xi32, #tpu.memory_space<hbm>>
      %dma_start3A_263 = tpu.memref_slice %arg8[%add3A_56] : memref<81920xi32, #tpu.memory_space<hbm>> -> memref<128xi32, #tpu.memory_space<hbm>>
      tpu.enqueue_dma source(%arg31 : memref<128xi32, #tpu.memory_space<vmem>>) target(%dma_start3A_263 : memref<128xi32, #tpu.memory_space<hbm>>) target_semaphore(%arg35 : memref<!tpu.dma_semaphore, #tpu.memory_space<semaphore_mem>>)
      %dma_start3A_264 = tpu.memref_slice %arg9[%add3A_56] : memref<81920xi32, #tpu.memory_space<hbm>> -> memref<128xi32, #tpu.memory_space<hbm>>
      %dma_start3A_265 = tpu.memref_slice %arg9[%add3A_56] : memref<81920xi32, #tpu.memory_space<hbm>> -> memref<128xi32, #tpu.memory_space<hbm>>
      tpu.enqueue_dma source(%arg33 : memref<128xi32, #tpu.memory_space<vmem>>) target(%dma_start3A_265 : memref<128xi32, #tpu.memory_space<hbm>>) target_semaphore(%arg37 : memref<!tpu.dma_semaphore, #tpu.memory_space<semaphore_mem>>)
      %dma_wait3A_266 = arith.constant 0 : i32
      %dma_wait3A_267 = arith.constant 0 : i32
      %dma_wait3A_268 = tpu.memref_slice %arg2[%dma_wait3A_266, %dma_wait3A_267] : memref<10240x128xf32, #tpu.memory_space<hbm>> -> memref<10240x128xf32, #tpu.memory_space<hbm>>
      tpu.wait_indirect_dma semaphore(%arg23 : memref<!tpu.dma_semaphore, #tpu.memory_space<semaphore_mem>>) src(%dma_wait3A_268 : memref<10240x128xf32, #tpu.memory_space<hbm>>) dst(%arg15 : memref<128x128xf32, #tpu.memory_space<vmem>>)
      %dma_start3A_269 = arith.constant 0 : i32
      %dma_start3A_270 = tpu.memref_slice %arg6[%add3A_63, %dma_start3A_269] : memref<81920x128xf32, #tpu.memory_space<hbm>> -> memref<128x128xf32, #tpu.memory_space<hbm>>
      %dma_start3A_271 = arith.constant 0 : i32
      %dma_start3A_272 = tpu.memref_slice %arg6[%add3A_63, %dma_start3A_271] : memref<81920x128xf32, #tpu.memory_space<hbm>> -> memref<128x128xf32, #tpu.memory_space<hbm>>
      tpu.enqueue_dma source(%arg15 : memref<128x128xf32, #tpu.memory_space<vmem>>) target(%dma_start3A_272 : memref<128x128xf32, #tpu.memory_space<hbm>>) target_semaphore(%arg27 : memref<!tpu.dma_semaphore, #tpu.memory_space<semaphore_mem>>)
      %dma_wait3A_273 = arith.constant 0 : i32
      %dma_wait3A_274 = arith.constant 0 : i32
      %dma_wait3A_275 = tpu.memref_slice %arg2[%dma_wait3A_273, %dma_wait3A_274] : memref<10240x128xf32, #tpu.memory_space<hbm>> -> memref<10240x128xf32, #tpu.memory_space<hbm>>
      tpu.wait_indirect_dma semaphore(%arg25 : memref<!tpu.dma_semaphore, #tpu.memory_space<semaphore_mem>>) src(%dma_wait3A_275 : memref<10240x128xf32, #tpu.memory_space<hbm>>) dst(%arg17 : memref<128x128xf32, #tpu.memory_space<vmem>>)
      %dma_start3A_276 = arith.constant 0 : i32
      %dma_start3A_277 = tpu.memref_slice %arg7[%add3A_63, %dma_start3A_276] : memref<81920x128xf32, #tpu.memory_space<hbm>> -> memref<128x128xf32, #tpu.memory_space<hbm>>
      %dma_start3A_278 = arith.constant 0 : i32
      %dma_start3A_279 = tpu.memref_slice %arg7[%add3A_63, %dma_start3A_278] : memref<81920x128xf32, #tpu.memory_space<hbm>> -> memref<128x128xf32, #tpu.memory_space<hbm>>
      tpu.enqueue_dma source(%arg17 : memref<128x128xf32, #tpu.memory_space<vmem>>) target(%dma_start3A_279 : memref<128x128xf32, #tpu.memory_space<hbm>>) target_semaphore(%arg29 : memref<!tpu.dma_semaphore, #tpu.memory_space<semaphore_mem>>)
      %dma_start3A_280 = tpu.memref_slice %arg8[%add3A_63] : memref<81920xi32, #tpu.memory_space<hbm>> -> memref<128xi32, #tpu.memory_space<hbm>>
      %dma_start3A_281 = tpu.memref_slice %arg8[%add3A_63] : memref<81920xi32, #tpu.memory_space<hbm>> -> memref<128xi32, #tpu.memory_space<hbm>>
      tpu.enqueue_dma source(%arg32 : memref<128xi32, #tpu.memory_space<vmem>>) target(%dma_start3A_281 : memref<128xi32, #tpu.memory_space<hbm>>) target_semaphore(%arg36 : memref<!tpu.dma_semaphore, #tpu.memory_space<semaphore_mem>>)
      %dma_start3A_282 = tpu.memref_slice %arg9[%add3A_63] : memref<81920xi32, #tpu.memory_space<hbm>> -> memref<128xi32, #tpu.memory_space<hbm>>
      %dma_start3A_283 = tpu.memref_slice %arg9[%add3A_63] : memref<81920xi32, #tpu.memory_space<hbm>> -> memref<128xi32, #tpu.memory_space<hbm>>
      tpu.enqueue_dma source(%arg34 : memref<128xi32, #tpu.memory_space<vmem>>) target(%dma_start3A_283 : memref<128xi32, #tpu.memory_space<hbm>>) target_semaphore(%arg38 : memref<!tpu.dma_semaphore, #tpu.memory_space<semaphore_mem>>)
    }
    %scan3A_7 = arith.constant 10 : i32
    %dma_wait3A = arith.constant 0 : i32
    %dma_wait3A_8 = arith.constant 0 : i32
    %dma_wait3A_9 = tpu.memref_slice %arg6[%dma_wait3A, %dma_wait3A_8] : memref<81920x128xf32, #tpu.memory_space<hbm>> -> memref<128x128xf32, #tpu.memory_space<hbm>>
    %dma_wait3A_10 = arith.constant 0 : i32
    %dma_wait3A_11 = arith.constant 0 : i32
    %dma_wait3A_12 = tpu.memref_slice %arg6[%dma_wait3A_10, %dma_wait3A_11] : memref<81920x128xf32, #tpu.memory_space<hbm>> -> memref<128x128xf32, #tpu.memory_space<hbm>>
    tpu.wait_dma2 semaphore(%arg26 : memref<!tpu.dma_semaphore, #tpu.memory_space<semaphore_mem>>) src(%dma_wait3A_12 : memref<128x128xf32, #tpu.memory_space<hbm>>) dst(%arg14 : memref<128x128xf32, #tpu.memory_space<vmem>>)
    %dma_wait3A_13 = arith.constant 0 : i32
    %dma_wait3A_14 = arith.constant 0 : i32
    %dma_wait3A_15 = tpu.memref_slice %arg7[%dma_wait3A_13, %dma_wait3A_14] : memref<81920x128xf32, #tpu.memory_space<hbm>> -> memref<128x128xf32, #tpu.memory_space<hbm>>
    %dma_wait3A_16 = arith.constant 0 : i32
    %dma_wait3A_17 = arith.constant 0 : i32
    %dma_wait3A_18 = tpu.memref_slice %arg7[%dma_wait3A_16, %dma_wait3A_17] : memref<81920x128xf32, #tpu.memory_space<hbm>> -> memref<128x128xf32, #tpu.memory_space<hbm>>
    tpu.wait_dma2 semaphore(%arg28 : memref<!tpu.dma_semaphore, #tpu.memory_space<semaphore_mem>>) src(%dma_wait3A_18 : memref<128x128xf32, #tpu.memory_space<hbm>>) dst(%arg16 : memref<128x128xf32, #tpu.memory_space<vmem>>)
    %dma_wait3A_19 = arith.constant 0 : i32
    %dma_wait3A_20 = tpu.memref_slice %arg8[%dma_wait3A_19] : memref<81920xi32, #tpu.memory_space<hbm>> -> memref<128xi32, #tpu.memory_space<hbm>>
    %dma_wait3A_21 = arith.constant 0 : i32
    %dma_wait3A_22 = tpu.memref_slice %arg8[%dma_wait3A_21] : memref<81920xi32, #tpu.memory_space<hbm>> -> memref<128xi32, #tpu.memory_space<hbm>>
    tpu.wait_dma2 semaphore(%arg35 : memref<!tpu.dma_semaphore, #tpu.memory_space<semaphore_mem>>) src(%dma_wait3A_22 : memref<128xi32, #tpu.memory_space<hbm>>) dst(%arg31 : memref<128xi32, #tpu.memory_space<vmem>>)
    %dma_wait3A_23 = arith.constant 0 : i32
    %dma_wait3A_24 = tpu.memref_slice %arg9[%dma_wait3A_23] : memref<81920xi32, #tpu.memory_space<hbm>> -> memref<128xi32, #tpu.memory_space<hbm>>
    %dma_wait3A_25 = arith.constant 0 : i32
    %dma_wait3A_26 = tpu.memref_slice %arg9[%dma_wait3A_25] : memref<81920xi32, #tpu.memory_space<hbm>> -> memref<128xi32, #tpu.memory_space<hbm>>
    tpu.wait_dma2 semaphore(%arg37 : memref<!tpu.dma_semaphore, #tpu.memory_space<semaphore_mem>>) src(%dma_wait3A_26 : memref<128xi32, #tpu.memory_space<hbm>>) dst(%arg33 : memref<128xi32, #tpu.memory_space<vmem>>)
    %dma_wait3A_27 = arith.constant 0 : i32
    %dma_wait3A_28 = arith.constant 0 : i32
    %dma_wait3A_29 = tpu.memref_slice %arg6[%dma_wait3A_27, %dma_wait3A_28] : memref<81920x128xf32, #tpu.memory_space<hbm>> -> memref<128x128xf32, #tpu.memory_space<hbm>>
    %dma_wait3A_30 = arith.constant 0 : i32
    %dma_wait3A_31 = arith.constant 0 : i32
    %dma_wait3A_32 = tpu.memref_slice %arg6[%dma_wait3A_30, %dma_wait3A_31] : memref<81920x128xf32, #tpu.memory_space<hbm>> -> memref<128x128xf32, #tpu.memory_space<hbm>>
    tpu.wait_dma2 semaphore(%arg27 : memref<!tpu.dma_semaphore, #tpu.memory_space<semaphore_mem>>) src(%dma_wait3A_32 : memref<128x128xf32, #tpu.memory_space<hbm>>) dst(%arg15 : memref<128x128xf32, #tpu.memory_space<vmem>>)
    %dma_wait3A_33 = arith.constant 0 : i32
    %dma_wait3A_34 = arith.constant 0 : i32
    %dma_wait3A_35 = tpu.memref_slice %arg7[%dma_wait3A_33, %dma_wait3A_34] : memref<81920x128xf32, #tpu.memory_space<hbm>> -> memref<128x128xf32, #tpu.memory_space<hbm>>
    %dma_wait3A_36 = arith.constant 0 : i32
    %dma_wait3A_37 = arith.constant 0 : i32
    %dma_wait3A_38 = tpu.memref_slice %arg7[%dma_wait3A_36, %dma_wait3A_37] : memref<81920x128xf32, #tpu.memory_space<hbm>> -> memref<128x128xf32, #tpu.memory_space<hbm>>
    tpu.wait_dma2 semaphore(%arg29 : memref<!tpu.dma_semaphore, #tpu.memory_space<semaphore_mem>>) src(%dma_wait3A_38 : memref<128x128xf32, #tpu.memory_space<hbm>>) dst(%arg17 : memref<128x128xf32, #tpu.memory_space<vmem>>)
    %dma_wait3A_39 = arith.constant 0 : i32
    %dma_wait3A_40 = tpu.memref_slice %arg8[%dma_wait3A_39] : memref<81920xi32, #tpu.memory_space<hbm>> -> memref<128xi32, #tpu.memory_space<hbm>>
    %dma_wait3A_41 = arith.constant 0 : i32
    %dma_wait3A_42 = tpu.memref_slice %arg8[%dma_wait3A_41] : memref<81920xi32, #tpu.memory_space<hbm>> -> memref<128xi32, #tpu.memory_space<hbm>>
    tpu.wait_dma2 semaphore(%arg36 : memref<!tpu.dma_semaphore, #tpu.memory_space<semaphore_mem>>) src(%dma_wait3A_42 : memref<128xi32, #tpu.memory_space<hbm>>) dst(%arg32 : memref<128xi32, #tpu.memory_space<vmem>>)
    %dma_wait3A_43 = arith.constant 0 : i32
    %dma_wait3A_44 = tpu.memref_slice %arg9[%dma_wait3A_43] : memref<81920xi32, #tpu.memory_space<hbm>> -> memref<128xi32, #tpu.memory_space<hbm>>
    %dma_wait3A_45 = arith.constant 0 : i32
    %dma_wait3A_46 = tpu.memref_slice %arg9[%dma_wait3A_45] : memref<81920xi32, #tpu.memory_space<hbm>> -> memref<128xi32, #tpu.memory_space<hbm>>
    tpu.wait_dma2 semaphore(%arg38 : memref<!tpu.dma_semaphore, #tpu.memory_space<semaphore_mem>>) src(%dma_wait3A_46 : memref<128xi32, #tpu.memory_space<hbm>>) dst(%arg34 : memref<128xi32, #tpu.memory_space<vmem>>)
    return
  }
}

#map = affine_map<(d0, d1) -> (0, 0)>
#map1 = affine_map<(d0, d1) -> (0)>
module attributes {stable_mosaic.version = 14 : i64} {
  func.func @k(%arg0: i32, %arg1: i32, %arg2: memref<10240x128xf32, #tpu.memory_space<hbm>>, %arg3: memref<10240xi32, #tpu.memory_space<hbm>>, %arg4: memref<10240x128xf32, #tpu.memory_space<hbm>>, %arg5: memref<64xi32, #tpu.memory_space<vmem>>, %arg6: memref<64x128xf32, #tpu.memory_space<vmem>>, %arg7: memref<!tpu.dma_semaphore, #tpu.memory_space<semaphore_mem>>) attributes {dimension_semantics = [#tpu.dimension_semantics<core_parallel>, #tpu.dimension_semantics<subcore_parallel>], iteration_bounds = array<i64: 2, 16>, scalar_prefetch = 0 : i64, scratch_operands = 3 : i64, tpu.core_type = #tpu.core_type<sc_vector_subcore>, window_params = [{transform_indices = #map}, {transform_indices = #map1}, {transform_indices = #map}]} {
    %mul3A = arith.constant 2 : i32
    %mul3A_0 = arith.muli %arg1, %mul3A : i32
    %add3A = arith.addi %mul3A_0, %arg0 : i32
    %mul3A_1 = arith.constant 320 : i32
    %mul3A_2 = arith.muli %add3A, %mul3A_1 : i32
    %scan3A = arith.constant 0 : i32
    %scan3A_3 = arith.constant 0 : i32
    %scan3A_4 = arith.constant 5 : i32
    %scan3A_5 = arith.addi %scan3A_3, %scan3A_4 : i32
    %scan3A_6 = arith.constant 1 : i32
    scf.for %scan3A_8 = %scan3A_3 to %scan3A_5 step %scan3A_6  : i32 {
      %mul3A_9 = arith.constant 64 : i32
      %mul3A_10 = arith.muli %scan3A_8, %mul3A_9 : i32
      %add3A_11 = arith.addi %mul3A_2, %mul3A_10 : i32
      "tpu.region"() ({
        %run_scoped3A = tpu.sem_alloc : memref<!tpu.dma_semaphore, #tpu.memory_space<semaphore_mem>>
        %dma_start3A_16 = tpu.memref_slice %arg3[%add3A_11] : memref<10240xi32, #tpu.memory_space<hbm>> -> memref<64xi32, #tpu.memory_space<hbm>>
        %dma_start3A_17 = tpu.memref_slice %arg3[%add3A_11] : memref<10240xi32, #tpu.memory_space<hbm>> -> memref<64xi32, #tpu.memory_space<hbm>>
        tpu.enqueue_dma source(%dma_start3A_17 : memref<64xi32, #tpu.memory_space<hbm>>) target(%arg5 : memref<64xi32, #tpu.memory_space<vmem>>) target_semaphore(%run_scoped3A : memref<!tpu.dma_semaphore, #tpu.memory_space<semaphore_mem>>)
        %dma_wait3A_18 = tpu.memref_slice %arg3[%add3A_11] : memref<10240xi32, #tpu.memory_space<hbm>> -> memref<64xi32, #tpu.memory_space<hbm>>
        %dma_wait3A_19 = tpu.memref_slice %arg3[%add3A_11] : memref<10240xi32, #tpu.memory_space<hbm>> -> memref<64xi32, #tpu.memory_space<hbm>>
        tpu.wait_dma2 semaphore(%run_scoped3A : memref<!tpu.dma_semaphore, #tpu.memory_space<semaphore_mem>>) src(%dma_wait3A_19 : memref<64xi32, #tpu.memory_space<hbm>>) dst(%arg5 : memref<64xi32, #tpu.memory_space<vmem>>)
        tpu.yield
      }) : () -> ()
      %dma_start3A = arith.constant 0 : i32
      %dma_start3A_12 = arith.constant 0 : i32
      %dma_start3A_13 = tpu.memref_slice %arg2[%dma_start3A, %dma_start3A_12] : memref<10240x128xf32, #tpu.memory_space<hbm>> -> memref<10240x128xf32, #tpu.memory_space<hbm>>
      tpu.enqueue_indirect_dma source(%dma_start3A_13 : memref<10240x128xf32, #tpu.memory_space<hbm>>) target(%arg6 : memref<64x128xf32, #tpu.memory_space<vmem>>) offsets(%arg5 : memref<64xi32, #tpu.memory_space<vmem>>) semaphore(%arg7 : memref<!tpu.dma_semaphore, #tpu.memory_space<semaphore_mem>>)
      %dma_wait3A = arith.constant 0 : i32
      %dma_wait3A_14 = arith.constant 0 : i32
      %dma_wait3A_15 = tpu.memref_slice %arg2[%dma_wait3A, %dma_wait3A_14] : memref<10240x128xf32, #tpu.memory_space<hbm>> -> memref<10240x128xf32, #tpu.memory_space<hbm>>
      tpu.wait_indirect_dma semaphore(%arg7 : memref<!tpu.dma_semaphore, #tpu.memory_space<semaphore_mem>>) src(%dma_wait3A_15 : memref<10240x128xf32, #tpu.memory_space<hbm>>) dst(%arg6 : memref<64x128xf32, #tpu.memory_space<vmem>>)
      "tpu.region"() ({
        %run_scoped3A = tpu.sem_alloc : memref<!tpu.dma_semaphore, #tpu.memory_space<semaphore_mem>>
        %dma_start3A_16 = arith.constant 0 : i32
        %dma_start3A_17 = tpu.memref_slice %arg4[%add3A_11, %dma_start3A_16] : memref<10240x128xf32, #tpu.memory_space<hbm>> -> memref<64x128xf32, #tpu.memory_space<hbm>>
        %dma_start3A_18 = arith.constant 0 : i32
        %dma_start3A_19 = tpu.memref_slice %arg4[%add3A_11, %dma_start3A_18] : memref<10240x128xf32, #tpu.memory_space<hbm>> -> memref<64x128xf32, #tpu.memory_space<hbm>>
        tpu.enqueue_dma source(%arg6 : memref<64x128xf32, #tpu.memory_space<vmem>>) target(%dma_start3A_19 : memref<64x128xf32, #tpu.memory_space<hbm>>) target_semaphore(%run_scoped3A : memref<!tpu.dma_semaphore, #tpu.memory_space<semaphore_mem>>)
        %dma_wait3A_20 = arith.constant 0 : i32
        %dma_wait3A_21 = tpu.memref_slice %arg4[%add3A_11, %dma_wait3A_20] : memref<10240x128xf32, #tpu.memory_space<hbm>> -> memref<64x128xf32, #tpu.memory_space<hbm>>
        %dma_wait3A_22 = arith.constant 0 : i32
        %dma_wait3A_23 = tpu.memref_slice %arg4[%add3A_11, %dma_wait3A_22] : memref<10240x128xf32, #tpu.memory_space<hbm>> -> memref<64x128xf32, #tpu.memory_space<hbm>>
        tpu.wait_dma2 semaphore(%run_scoped3A : memref<!tpu.dma_semaphore, #tpu.memory_space<semaphore_mem>>) src(%arg6 : memref<64x128xf32, #tpu.memory_space<vmem>>) dst(%dma_wait3A_23 : memref<64x128xf32, #tpu.memory_space<hbm>>)
        tpu.yield
      }) : () -> ()
    }
    %scan3A_7 = arith.constant 5 : i32
    return
  }
}

#map = affine_map<(d0, d1) -> (0, 0)>
#map1 = affine_map<(d0, d1) -> (0)>
module attributes {stable_mosaic.version = 14 : i64} {
  func.func @k(%arg0: i32, %arg1: i32, %arg2: memref<81920x128xf32, #tpu.memory_space<hbm>>, %arg3: memref<81920x128xf32, #tpu.memory_space<hbm>>, %arg4: memref<81920xi32, #tpu.memory_space<hbm>>, %arg5: memref<81920xi32, #tpu.memory_space<hbm>>, %arg6: memref<20480x128xf32, #tpu.memory_space<hbm>>, %arg7: memref<10240x128xf32, #tpu.memory_space<vmem_shared>>, %arg8: memref<64xi32, #tpu.memory_space<vmem>>, %arg9: memref<64xi32, #tpu.memory_space<vmem>>, %arg10: memref<64x128xf32, #tpu.memory_space<vmem>>, %arg11: memref<64x128xf32, #tpu.memory_space<vmem>>, %arg12: memref<!tpu.dma_semaphore, #tpu.memory_space<semaphore_mem>>, %arg13: memref<!tpu.dma_semaphore, #tpu.memory_space<semaphore_mem>>, %arg14: memref<!tpu.dma_semaphore, #tpu.memory_space<semaphore_mem>>, %arg15: memref<!tpu.dma_semaphore, #tpu.memory_space<semaphore_mem>>, %arg16: memref<!tpu.dma_semaphore, #tpu.memory_space<semaphore_mem>>, %arg17: memref<!tpu.dma_semaphore, #tpu.memory_space<semaphore_mem>>, %arg18: memref<16x128xf32, #tpu.memory_space<vmem>>) attributes {dimension_semantics = [#tpu.dimension_semantics<core_parallel>, #tpu.dimension_semantics<subcore_parallel>], iteration_bounds = array<i64: 2, 16>, scalar_prefetch = 0 : i64, scratch_operands = 12 : i64, tpu.core_type = #tpu.core_type<sc_vector_subcore>, window_params = [{transform_indices = #map}, {transform_indices = #map}, {transform_indices = #map1}, {transform_indices = #map1}, {transform_indices = #map}]} {
    %scan3A = arith.constant 0 : i32
    %scan3A_0 = arith.constant 0 : i32
    %scan3A_1 = arith.constant 16 : i32
    %scan3A_2 = arith.addi %scan3A_0, %scan3A_1 : i32
    %scan3A_3 = arith.constant 1 : i32
    scf.for %scan3A_26 = %scan3A_0 to %scan3A_2 step %scan3A_3  : i32 {
      %broadcast_in_dim3A = arith.constant 0.000000e+00 : f32
      %broadcast_in_dim3A_27 = vector.broadcast %broadcast_in_dim3A : f32 to vector<16xf32>
      %swap3A = arith.index_cast %scan3A_26 : i32 to index
      %swap3A_28 = arith.constant 0 : index
      %swap3A_29 = tpu.vector_load %arg18[%swap3A, %swap3A_28] {strides = array<i32>} : memref<16x128xf32, #tpu.memory_space<vmem>>, vector<16xf32>,
      tpu.vector_store %arg18[%swap3A, %swap3A_28], %broadcast_in_dim3A_27 {strides = array<i32>} : memref<16x128xf32, #tpu.memory_space<vmem>>, vector<16xf32>,
      %broadcast_in_dim3A_30 = arith.constant 0.000000e+00 : f32
      %broadcast_in_dim3A_31 = vector.broadcast %broadcast_in_dim3A_30 : f32 to vector<16xf32>
      %swap3A_32 = arith.index_cast %scan3A_26 : i32 to index
      %swap3A_33 = arith.constant 16 : index
      %swap3A_34 = tpu.vector_load %arg18[%swap3A_32, %swap3A_33] {strides = array<i32>} : memref<16x128xf32, #tpu.memory_space<vmem>>, vector<16xf32>,
      tpu.vector_store %arg18[%swap3A_32, %swap3A_33], %broadcast_in_dim3A_31 {strides = array<i32>} : memref<16x128xf32, #tpu.memory_space<vmem>>, vector<16xf32>,
      %broadcast_in_dim3A_35 = arith.constant 0.000000e+00 : f32
      %broadcast_in_dim3A_36 = vector.broadcast %broadcast_in_dim3A_35 : f32 to vector<16xf32>
      %swap3A_37 = arith.index_cast %scan3A_26 : i32 to index
      %swap3A_38 = arith.constant 32 : index
      %swap3A_39 = tpu.vector_load %arg18[%swap3A_37, %swap3A_38] {strides = array<i32>} : memref<16x128xf32, #tpu.memory_space<vmem>>, vector<16xf32>,
      tpu.vector_store %arg18[%swap3A_37, %swap3A_38], %broadcast_in_dim3A_36 {strides = array<i32>} : memref<16x128xf32, #tpu.memory_space<vmem>>, vector<16xf32>,
      %broadcast_in_dim3A_40 = arith.constant 0.000000e+00 : f32
      %broadcast_in_dim3A_41 = vector.broadcast %broadcast_in_dim3A_40 : f32 to vector<16xf32>
      %swap3A_42 = arith.index_cast %scan3A_26 : i32 to index
      %swap3A_43 = arith.constant 48 : index
      %swap3A_44 = tpu.vector_load %arg18[%swap3A_42, %swap3A_43] {strides = array<i32>} : memref<16x128xf32, #tpu.memory_space<vmem>>, vector<16xf32>,
      tpu.vector_store %arg18[%swap3A_42, %swap3A_43], %broadcast_in_dim3A_41 {strides = array<i32>} : memref<16x128xf32, #tpu.memory_space<vmem>>, vector<16xf32>,
      %broadcast_in_dim3A_45 = arith.constant 0.000000e+00 : f32
      %broadcast_in_dim3A_46 = vector.broadcast %broadcast_in_dim3A_45 : f32 to vector<16xf32>
      %swap3A_47 = arith.index_cast %scan3A_26 : i32 to index
      %swap3A_48 = arith.constant 64 : index
      %swap3A_49 = tpu.vector_load %arg18[%swap3A_47, %swap3A_48] {strides = array<i32>} : memref<16x128xf32, #tpu.memory_space<vmem>>, vector<16xf32>,
      tpu.vector_store %arg18[%swap3A_47, %swap3A_48], %broadcast_in_dim3A_46 {strides = array<i32>} : memref<16x128xf32, #tpu.memory_space<vmem>>, vector<16xf32>,
      %broadcast_in_dim3A_50 = arith.constant 0.000000e+00 : f32
      %broadcast_in_dim3A_51 = vector.broadcast %broadcast_in_dim3A_50 : f32 to vector<16xf32>
      %swap3A_52 = arith.index_cast %scan3A_26 : i32 to index
      %swap3A_53 = arith.constant 80 : index
      %swap3A_54 = tpu.vector_load %arg18[%swap3A_52, %swap3A_53] {strides = array<i32>} : memref<16x128xf32, #tpu.memory_space<vmem>>, vector<16xf32>,
      tpu.vector_store %arg18[%swap3A_52, %swap3A_53], %broadcast_in_dim3A_51 {strides = array<i32>} : memref<16x128xf32, #tpu.memory_space<vmem>>, vector<16xf32>,
      %broadcast_in_dim3A_55 = arith.constant 0.000000e+00 : f32
      %broadcast_in_dim3A_56 = vector.broadcast %broadcast_in_dim3A_55 : f32 to vector<16xf32>
      %swap3A_57 = arith.index_cast %scan3A_26 : i32 to index
      %swap3A_58 = arith.constant 96 : index
      %swap3A_59 = tpu.vector_load %arg18[%swap3A_57, %swap3A_58] {strides = array<i32>} : memref<16x128xf32, #tpu.memory_space<vmem>>, vector<16xf32>,
      tpu.vector_store %arg18[%swap3A_57, %swap3A_58], %broadcast_in_dim3A_56 {strides = array<i32>} : memref<16x128xf32, #tpu.memory_space<vmem>>, vector<16xf32>,
      %broadcast_in_dim3A_60 = arith.constant 0.000000e+00 : f32
      %broadcast_in_dim3A_61 = vector.broadcast %broadcast_in_dim3A_60 : f32 to vector<16xf32>
      %swap3A_62 = arith.index_cast %scan3A_26 : i32 to index
      %swap3A_63 = arith.constant 112 : index
      %swap3A_64 = tpu.vector_load %arg18[%swap3A_62, %swap3A_63] {strides = array<i32>} : memref<16x128xf32, #tpu.memory_space<vmem>>, vector<16xf32>,
      tpu.vector_store %arg18[%swap3A_62, %swap3A_63], %broadcast_in_dim3A_61 {strides = array<i32>} : memref<16x128xf32, #tpu.memory_space<vmem>>, vector<16xf32>,
    }
    %scan3A_4 = arith.constant 16 : i32
    %scan3A_5 = arith.constant 0 : i32
    %scan3A_6 = arith.constant 0 : i32
    %scan3A_7 = arith.constant 40 : i32
    %scan3A_8 = arith.addi %scan3A_6, %scan3A_7 : i32
    %scan3A_9 = arith.constant 1 : i32
    scf.for %scan3A_26 = %scan3A_6 to %scan3A_8 step %scan3A_9  : i32 {
      %mul3A_27 = arith.constant 640 : i32
      %mul3A_28 = arith.muli %arg1, %mul3A_27 : i32
      %mul3A_29 = arith.constant 16 : i32
      %mul3A_30 = arith.muli %scan3A_26, %mul3A_29 : i32
      %add3A = arith.addi %mul3A_28, %mul3A_30 : i32
      "tpu.region"() ({
        %run_scoped3A = tpu.sem_alloc : memref<!tpu.dma_semaphore, #tpu.memory_space<semaphore_mem>>
        %dma_start3A = arith.constant 0 : i32
        %dma_start3A_31 = tpu.memref_slice %arg7[%add3A, %dma_start3A] : memref<10240x128xf32, #tpu.memory_space<vmem_shared>> -> memref<16x128xf32, #tpu.memory_space<vmem_shared>>
        %dma_start3A_32 = arith.constant 0 : i32
        %dma_start3A_33 = tpu.memref_slice %arg7[%add3A, %dma_start3A_32] : memref<10240x128xf32, #tpu.memory_space<vmem_shared>> -> memref<16x128xf32, #tpu.memory_space<vmem_shared>>
        tpu.enqueue_dma source(%arg18 : memref<16x128xf32, #tpu.memory_space<vmem>>) target(%dma_start3A_33 : memref<16x128xf32, #tpu.memory_space<vmem_shared>>) target_semaphore(%run_scoped3A : memref<!tpu.dma_semaphore, #tpu.memory_space<semaphore_mem>>)
        %dma_wait3A = arith.constant 0 : i32
        %dma_wait3A_34 = tpu.memref_slice %arg7[%add3A, %dma_wait3A] : memref<10240x128xf32, #tpu.memory_space<vmem_shared>> -> memref<16x128xf32, #tpu.memory_space<vmem_shared>>
        %dma_wait3A_35 = arith.constant 0 : i32
        %dma_wait3A_36 = tpu.memref_slice %arg7[%add3A, %dma_wait3A_35] : memref<10240x128xf32, #tpu.memory_space<vmem_shared>> -> memref<16x128xf32, #tpu.memory_space<vmem_shared>>
        tpu.wait_dma2 semaphore(%run_scoped3A : memref<!tpu.dma_semaphore, #tpu.memory_space<semaphore_mem>>) src(%arg18 : memref<16x128xf32, #tpu.memory_space<vmem>>) dst(%dma_wait3A_36 : memref<16x128xf32, #tpu.memory_space<vmem_shared>>)
        tpu.yield
      }) : () -> ()
    }
    %scan3A_10 = arith.constant 40 : i32
    %barrier3A = arith.constant 0 : index
    tpu.barrier barrier_id(%barrier3A)
    %mul3A = arith.constant 5120 : i32
    %mul3A_11 = arith.muli %arg1, %mul3A : i32
    %eq3A = arith.constant 0 : i32
    %eq3A_12 = arith.cmpi eq, %arg0, %eq3A : i32
    %convert_element_type3A = arith.extui %eq3A_12 : i1 to i32
    %cond3A = arith.constant 0 : i32
    %cond3A_13 = arith.cmpi ne, %convert_element_type3A, %cond3A : i32
    scf.if %cond3A_13 {
      %scan3A_26 = arith.constant 0 : i32
      %scan3A_27 = arith.constant 0 : i32
      %scan3A_28 = arith.constant 40 : i32
      %scan3A_29 = arith.addi %scan3A_27, %scan3A_28 : i32
      %scan3A_30 = arith.constant 1 : i32
      scf.for %scan3A_43 = %scan3A_27 to %scan3A_29 step %scan3A_30  : i32 {
        %gt3A = arith.constant 0 : i32
        %gt3A_44 = arith.cmpi sgt, %scan3A_43, %gt3A : i32
        %convert_element_type3A_45 = arith.extui %gt3A_44 : i1 to i32
        %cond3A_46 = arith.constant 0 : i32
        %cond3A_47 = arith.cmpi ne, %convert_element_type3A_45, %cond3A_46 : i32
        scf.if %cond3A_47 {
          %dma_wait3A_90 = arith.constant 0 : i32
          %dma_wait3A_91 = arith.constant 0 : i32
          %dma_wait3A_92 = tpu.memref_slice %arg2[%dma_wait3A_90, %dma_wait3A_91] : memref<81920x128xf32, #tpu.memory_space<hbm>> -> memref<64x128xf32, #tpu.memory_space<hbm>>
          %dma_wait3A_93 = arith.constant 0 : i32
          %dma_wait3A_94 = arith.constant 0 : i32
          %dma_wait3A_95 = tpu.memref_slice %arg2[%dma_wait3A_93, %dma_wait3A_94] : memref<81920x128xf32, #tpu.memory_space<hbm>> -> memref<64x128xf32, #tpu.memory_space<hbm>>
          tpu.wait_dma2 semaphore(%arg16 : memref<!tpu.dma_semaphore, #tpu.memory_space<semaphore_mem>>) src(%dma_wait3A_95 : memref<64x128xf32, #tpu.memory_space<hbm>>) dst(%arg10 : memref<64x128xf32, #tpu.memory_space<vmem>>)
          %dma_wait3A_96 = arith.constant 0 : i32
          %dma_wait3A_97 = arith.constant 0 : i32
          %dma_wait3A_98 = tpu.memref_slice %arg2[%dma_wait3A_96, %dma_wait3A_97] : memref<81920x128xf32, #tpu.memory_space<hbm>> -> memref<64x128xf32, #tpu.memory_space<hbm>>
          %dma_wait3A_99 = arith.constant 0 : i32
          %dma_wait3A_100 = arith.constant 0 : i32
          %dma_wait3A_101 = tpu.memref_slice %arg2[%dma_wait3A_99, %dma_wait3A_100] : memref<81920x128xf32, #tpu.memory_space<hbm>> -> memref<64x128xf32, #tpu.memory_space<hbm>>
          tpu.wait_dma2 semaphore(%arg17 : memref<!tpu.dma_semaphore, #tpu.memory_space<semaphore_mem>>) src(%dma_wait3A_101 : memref<64x128xf32, #tpu.memory_space<hbm>>) dst(%arg11 : memref<64x128xf32, #tpu.memory_space<vmem>>)
        } else {
        }
        %mul3A_48 = arith.constant 2 : i32
        %mul3A_49 = arith.muli %scan3A_43, %mul3A_48 : i32
        %add3A = arith.constant 0 : i32
        %add3A_50 = arith.addi %mul3A_49, %add3A : i32
        %mul3A_51 = arith.constant 64 : i32
        %mul3A_52 = arith.muli %add3A_50, %mul3A_51 : i32
        %add3A_53 = arith.addi %mul3A_11, %mul3A_52 : i32
        %mul3A_54 = arith.constant 2 : i32
        %mul3A_55 = arith.muli %scan3A_43, %mul3A_54 : i32
        %add3A_56 = arith.constant 1 : i32
        %add3A_57 = arith.addi %mul3A_55, %add3A_56 : i32
        %mul3A_58 = arith.constant 64 : i32
        %mul3A_59 = arith.muli %add3A_57, %mul3A_58 : i32
        %add3A_60 = arith.addi %mul3A_11, %mul3A_59 : i32
        %dma_start3A = tpu.memref_slice %arg4[%add3A_53] : memref<81920xi32, #tpu.memory_space<hbm>> -> memref<64xi32, #tpu.memory_space<hbm>>
        %dma_start3A_61 = tpu.memref_slice %arg4[%add3A_53] : memref<81920xi32, #tpu.memory_space<hbm>> -> memref<64xi32, #tpu.memory_space<hbm>>
        tpu.enqueue_dma source(%dma_start3A_61 : memref<64xi32, #tpu.memory_space<hbm>>) target(%arg8 : memref<64xi32, #tpu.memory_space<vmem>>) target_semaphore(%arg12 : memref<!tpu.dma_semaphore, #tpu.memory_space<semaphore_mem>>)
        %dma_start3A_62 = arith.constant 0 : i32
        %dma_start3A_63 = tpu.memref_slice %arg2[%add3A_53, %dma_start3A_62] : memref<81920x128xf32, #tpu.memory_space<hbm>> -> memref<64x128xf32, #tpu.memory_space<hbm>>
        %dma_start3A_64 = arith.constant 0 : i32
        %dma_start3A_65 = tpu.memref_slice %arg2[%add3A_53, %dma_start3A_64] : memref<81920x128xf32, #tpu.memory_space<hbm>> -> memref<64x128xf32, #tpu.memory_space<hbm>>
        tpu.enqueue_dma source(%dma_start3A_65 : memref<64x128xf32, #tpu.memory_space<hbm>>) target(%arg10 : memref<64x128xf32, #tpu.memory_space<vmem>>) target_semaphore(%arg14 : memref<!tpu.dma_semaphore, #tpu.memory_space<semaphore_mem>>)
        %dma_start3A_66 = tpu.memref_slice %arg4[%add3A_60] : memref<81920xi32, #tpu.memory_space<hbm>> -> memref<64xi32, #tpu.memory_space<hbm>>
        %dma_start3A_67 = tpu.memref_slice %arg4[%add3A_60] : memref<81920xi32, #tpu.memory_space<hbm>> -> memref<64xi32, #tpu.memory_space<hbm>>
        tpu.enqueue_dma source(%dma_start3A_67 : memref<64xi32, #tpu.memory_space<hbm>>) target(%arg9 : memref<64xi32, #tpu.memory_space<vmem>>) target_semaphore(%arg13 : memref<!tpu.dma_semaphore, #tpu.memory_space<semaphore_mem>>)
        %dma_start3A_68 = arith.constant 0 : i32
        %dma_start3A_69 = tpu.memref_slice %arg2[%add3A_60, %dma_start3A_68] : memref<81920x128xf32, #tpu.memory_space<hbm>> -> memref<64x128xf32, #tpu.memory_space<hbm>>
        %dma_start3A_70 = arith.constant 0 : i32
        %dma_start3A_71 = tpu.memref_slice %arg2[%add3A_60, %dma_start3A_70] : memref<81920x128xf32, #tpu.memory_space<hbm>> -> memref<64x128xf32, #tpu.memory_space<hbm>>
        tpu.enqueue_dma source(%dma_start3A_71 : memref<64x128xf32, #tpu.memory_space<hbm>>) target(%arg11 : memref<64x128xf32, #tpu.memory_space<vmem>>) target_semaphore(%arg15 : memref<!tpu.dma_semaphore, #tpu.memory_space<semaphore_mem>>)
        %dma_wait3A_72 = tpu.memref_slice %arg4[%add3A_53] : memref<81920xi32, #tpu.memory_space<hbm>> -> memref<64xi32, #tpu.memory_space<hbm>>
        %dma_wait3A_73 = tpu.memref_slice %arg4[%add3A_53] : memref<81920xi32, #tpu.memory_space<hbm>> -> memref<64xi32, #tpu.memory_space<hbm>>
        tpu.wait_dma2 semaphore(%arg12 : memref<!tpu.dma_semaphore, #tpu.memory_space<semaphore_mem>>) src(%dma_wait3A_73 : memref<64xi32, #tpu.memory_space<hbm>>) dst(%arg8 : memref<64xi32, #tpu.memory_space<vmem>>)
        %dma_wait3A_74 = arith.constant 0 : i32
        %dma_wait3A_75 = tpu.memref_slice %arg2[%add3A_53, %dma_wait3A_74] : memref<81920x128xf32, #tpu.memory_space<hbm>> -> memref<64x128xf32, #tpu.memory_space<hbm>>
        %dma_wait3A_76 = arith.constant 0 : i32
        %dma_wait3A_77 = tpu.memref_slice %arg2[%add3A_53, %dma_wait3A_76] : memref<81920x128xf32, #tpu.memory_space<hbm>> -> memref<64x128xf32, #tpu.memory_space<hbm>>
        tpu.wait_dma2 semaphore(%arg14 : memref<!tpu.dma_semaphore, #tpu.memory_space<semaphore_mem>>) src(%dma_wait3A_77 : memref<64x128xf32, #tpu.memory_space<hbm>>) dst(%arg10 : memref<64x128xf32, #tpu.memory_space<vmem>>)
        %dma_start3A_78 = arith.constant 0 : i32
        %dma_start3A_79 = arith.constant 0 : i32
        %dma_start3A_80 = tpu.memref_slice %arg7[%dma_start3A_78, %dma_start3A_79] : memref<10240x128xf32, #tpu.memory_space<vmem_shared>> -> memref<10240x128xf32, #tpu.memory_space<vmem_shared>>
        tpu.enqueue_indirect_dma source(%arg10 : memref<64x128xf32, #tpu.memory_space<vmem>>) target(%dma_start3A_80 : memref<10240x128xf32, #tpu.memory_space<vmem_shared>>) offsets(%arg8 : memref<64xi32, #tpu.memory_space<vmem>>) semaphore(%arg16 : memref<!tpu.dma_semaphore, #tpu.memory_space<semaphore_mem>>) {add = true}
        %dma_wait3A_81 = tpu.memref_slice %arg4[%add3A_60] : memref<81920xi32, #tpu.memory_space<hbm>> -> memref<64xi32, #tpu.memory_space<hbm>>
        %dma_wait3A_82 = tpu.memref_slice %arg4[%add3A_60] : memref<81920xi32, #tpu.memory_space<hbm>> -> memref<64xi32, #tpu.memory_space<hbm>>
        tpu.wait_dma2 semaphore(%arg13 : memref<!tpu.dma_semaphore, #tpu.memory_space<semaphore_mem>>) src(%dma_wait3A_82 : memref<64xi32, #tpu.memory_space<hbm>>) dst(%arg9 : memref<64xi32, #tpu.memory_space<vmem>>)
        %dma_wait3A_83 = arith.constant 0 : i32
        %dma_wait3A_84 = tpu.memref_slice %arg2[%add3A_60, %dma_wait3A_83] : memref<81920x128xf32, #tpu.memory_space<hbm>> -> memref<64x128xf32, #tpu.memory_space<hbm>>
        %dma_wait3A_85 = arith.constant 0 : i32
        %dma_wait3A_86 = tpu.memref_slice %arg2[%add3A_60, %dma_wait3A_85] : memref<81920x128xf32, #tpu.memory_space<hbm>> -> memref<64x128xf32, #tpu.memory_space<hbm>>
        tpu.wait_dma2 semaphore(%arg15 : memref<!tpu.dma_semaphore, #tpu.memory_space<semaphore_mem>>) src(%dma_wait3A_86 : memref<64x128xf32, #tpu.memory_space<hbm>>) dst(%arg11 : memref<64x128xf32, #tpu.memory_space<vmem>>)
        %dma_start3A_87 = arith.constant 0 : i32
        %dma_start3A_88 = arith.constant 0 : i32
        %dma_start3A_89 = tpu.memref_slice %arg7[%dma_start3A_87, %dma_start3A_88] : memref<10240x128xf32, #tpu.memory_space<vmem_shared>> -> memref<10240x128xf32, #tpu.memory_space<vmem_shared>>
        tpu.enqueue_indirect_dma source(%arg11 : memref<64x128xf32, #tpu.memory_space<vmem>>) target(%dma_start3A_89 : memref<10240x128xf32, #tpu.memory_space<vmem_shared>>) offsets(%arg9 : memref<64xi32, #tpu.memory_space<vmem>>) semaphore(%arg17 : memref<!tpu.dma_semaphore, #tpu.memory_space<semaphore_mem>>) {add = true}
      }
      %scan3A_31 = arith.constant 40 : i32
      %dma_wait3A = arith.constant 0 : i32
      %dma_wait3A_32 = arith.constant 0 : i32
      %dma_wait3A_33 = tpu.memref_slice %arg2[%dma_wait3A, %dma_wait3A_32] : memref<81920x128xf32, #tpu.memory_space<hbm>> -> memref<64x128xf32, #tpu.memory_space<hbm>>
      %dma_wait3A_34 = arith.constant 0 : i32
      %dma_wait3A_35 = arith.constant 0 : i32
      %dma_wait3A_36 = tpu.memref_slice %arg2[%dma_wait3A_34, %dma_wait3A_35] : memref<81920x128xf32, #tpu.memory_space<hbm>> -> memref<64x128xf32, #tpu.memory_space<hbm>>
      tpu.wait_dma2 semaphore(%arg16 : memref<!tpu.dma_semaphore, #tpu.memory_space<semaphore_mem>>) src(%dma_wait3A_36 : memref<64x128xf32, #tpu.memory_space<hbm>>) dst(%arg10 : memref<64x128xf32, #tpu.memory_space<vmem>>)
      %dma_wait3A_37 = arith.constant 0 : i32
      %dma_wait3A_38 = arith.constant 0 : i32
      %dma_wait3A_39 = tpu.memref_slice %arg2[%dma_wait3A_37, %dma_wait3A_38] : memref<81920x128xf32, #tpu.memory_space<hbm>> -> memref<64x128xf32, #tpu.memory_space<hbm>>
      %dma_wait3A_40 = arith.constant 0 : i32
      %dma_wait3A_41 = arith.constant 0 : i32
      %dma_wait3A_42 = tpu.memref_slice %arg2[%dma_wait3A_40, %dma_wait3A_41] : memref<81920x128xf32, #tpu.memory_space<hbm>> -> memref<64x128xf32, #tpu.memory_space<hbm>>
      tpu.wait_dma2 semaphore(%arg17 : memref<!tpu.dma_semaphore, #tpu.memory_space<semaphore_mem>>) src(%dma_wait3A_42 : memref<64x128xf32, #tpu.memory_space<hbm>>) dst(%arg11 : memref<64x128xf32, #tpu.memory_space<vmem>>)
    } else {
    }
    %eq3A_14 = arith.constant 1 : i32
    %eq3A_15 = arith.cmpi eq, %arg0, %eq3A_14 : i32
    %convert_element_type3A_16 = arith.extui %eq3A_15 : i1 to i32
    %cond3A_17 = arith.constant 0 : i32
    %cond3A_18 = arith.cmpi ne, %convert_element_type3A_16, %cond3A_17 : i32
    scf.if %cond3A_18 {
      %scan3A_26 = arith.constant 0 : i32
      %scan3A_27 = arith.constant 0 : i32
      %scan3A_28 = arith.constant 40 : i32
      %scan3A_29 = arith.addi %scan3A_27, %scan3A_28 : i32
      %scan3A_30 = arith.constant 1 : i32
      scf.for %scan3A_43 = %scan3A_27 to %scan3A_29 step %scan3A_30  : i32 {
        %gt3A = arith.constant 0 : i32
        %gt3A_44 = arith.cmpi sgt, %scan3A_43, %gt3A : i32
        %convert_element_type3A_45 = arith.extui %gt3A_44 : i1 to i32
        %cond3A_46 = arith.constant 0 : i32
        %cond3A_47 = arith.cmpi ne, %convert_element_type3A_45, %cond3A_46 : i32
        scf.if %cond3A_47 {
          %dma_wait3A_90 = arith.constant 0 : i32
          %dma_wait3A_91 = arith.constant 0 : i32
          %dma_wait3A_92 = tpu.memref_slice %arg3[%dma_wait3A_90, %dma_wait3A_91] : memref<81920x128xf32, #tpu.memory_space<hbm>> -> memref<64x128xf32, #tpu.memory_space<hbm>>
          %dma_wait3A_93 = arith.constant 0 : i32
          %dma_wait3A_94 = arith.constant 0 : i32
          %dma_wait3A_95 = tpu.memref_slice %arg3[%dma_wait3A_93, %dma_wait3A_94] : memref<81920x128xf32, #tpu.memory_space<hbm>> -> memref<64x128xf32, #tpu.memory_space<hbm>>
          tpu.wait_dma2 semaphore(%arg16 : memref<!tpu.dma_semaphore, #tpu.memory_space<semaphore_mem>>) src(%dma_wait3A_95 : memref<64x128xf32, #tpu.memory_space<hbm>>) dst(%arg10 : memref<64x128xf32, #tpu.memory_space<vmem>>)
          %dma_wait3A_96 = arith.constant 0 : i32
          %dma_wait3A_97 = arith.constant 0 : i32
          %dma_wait3A_98 = tpu.memref_slice %arg3[%dma_wait3A_96, %dma_wait3A_97] : memref<81920x128xf32, #tpu.memory_space<hbm>> -> memref<64x128xf32, #tpu.memory_space<hbm>>
          %dma_wait3A_99 = arith.constant 0 : i32
          %dma_wait3A_100 = arith.constant 0 : i32
          %dma_wait3A_101 = tpu.memref_slice %arg3[%dma_wait3A_99, %dma_wait3A_100] : memref<81920x128xf32, #tpu.memory_space<hbm>> -> memref<64x128xf32, #tpu.memory_space<hbm>>
          tpu.wait_dma2 semaphore(%arg17 : memref<!tpu.dma_semaphore, #tpu.memory_space<semaphore_mem>>) src(%dma_wait3A_101 : memref<64x128xf32, #tpu.memory_space<hbm>>) dst(%arg11 : memref<64x128xf32, #tpu.memory_space<vmem>>)
        } else {
        }
        %mul3A_48 = arith.constant 2 : i32
        %mul3A_49 = arith.muli %scan3A_43, %mul3A_48 : i32
        %add3A = arith.constant 0 : i32
        %add3A_50 = arith.addi %mul3A_49, %add3A : i32
        %mul3A_51 = arith.constant 64 : i32
        %mul3A_52 = arith.muli %add3A_50, %mul3A_51 : i32
        %add3A_53 = arith.addi %mul3A_11, %mul3A_52 : i32
        %mul3A_54 = arith.constant 2 : i32
        %mul3A_55 = arith.muli %scan3A_43, %mul3A_54 : i32
        %add3A_56 = arith.constant 1 : i32
        %add3A_57 = arith.addi %mul3A_55, %add3A_56 : i32
        %mul3A_58 = arith.constant 64 : i32
        %mul3A_59 = arith.muli %add3A_57, %mul3A_58 : i32
        %add3A_60 = arith.addi %mul3A_11, %mul3A_59 : i32
        %dma_start3A = tpu.memref_slice %arg5[%add3A_53] : memref<81920xi32, #tpu.memory_space<hbm>> -> memref<64xi32, #tpu.memory_space<hbm>>
        %dma_start3A_61 = tpu.memref_slice %arg5[%add3A_53] : memref<81920xi32, #tpu.memory_space<hbm>> -> memref<64xi32, #tpu.memory_space<hbm>>
        tpu.enqueue_dma source(%dma_start3A_61 : memref<64xi32, #tpu.memory_space<hbm>>) target(%arg8 : memref<64xi32, #tpu.memory_space<vmem>>) target_semaphore(%arg12 : memref<!tpu.dma_semaphore, #tpu.memory_space<semaphore_mem>>)
        %dma_start3A_62 = arith.constant 0 : i32
        %dma_start3A_63 = tpu.memref_slice %arg3[%add3A_53, %dma_start3A_62] : memref<81920x128xf32, #tpu.memory_space<hbm>> -> memref<64x128xf32, #tpu.memory_space<hbm>>
        %dma_start3A_64 = arith.constant 0 : i32
        %dma_start3A_65 = tpu.memref_slice %arg3[%add3A_53, %dma_start3A_64] : memref<81920x128xf32, #tpu.memory_space<hbm>> -> memref<64x128xf32, #tpu.memory_space<hbm>>
        tpu.enqueue_dma source(%dma_start3A_65 : memref<64x128xf32, #tpu.memory_space<hbm>>) target(%arg10 : memref<64x128xf32, #tpu.memory_space<vmem>>) target_semaphore(%arg14 : memref<!tpu.dma_semaphore, #tpu.memory_space<semaphore_mem>>)
        %dma_start3A_66 = tpu.memref_slice %arg5[%add3A_60] : memref<81920xi32, #tpu.memory_space<hbm>> -> memref<64xi32, #tpu.memory_space<hbm>>
        %dma_start3A_67 = tpu.memref_slice %arg5[%add3A_60] : memref<81920xi32, #tpu.memory_space<hbm>> -> memref<64xi32, #tpu.memory_space<hbm>>
        tpu.enqueue_dma source(%dma_start3A_67 : memref<64xi32, #tpu.memory_space<hbm>>) target(%arg9 : memref<64xi32, #tpu.memory_space<vmem>>) target_semaphore(%arg13 : memref<!tpu.dma_semaphore, #tpu.memory_space<semaphore_mem>>)
        %dma_start3A_68 = arith.constant 0 : i32
        %dma_start3A_69 = tpu.memref_slice %arg3[%add3A_60, %dma_start3A_68] : memref<81920x128xf32, #tpu.memory_space<hbm>> -> memref<64x128xf32, #tpu.memory_space<hbm>>
        %dma_start3A_70 = arith.constant 0 : i32
        %dma_start3A_71 = tpu.memref_slice %arg3[%add3A_60, %dma_start3A_70] : memref<81920x128xf32, #tpu.memory_space<hbm>> -> memref<64x128xf32, #tpu.memory_space<hbm>>
        tpu.enqueue_dma source(%dma_start3A_71 : memref<64x128xf32, #tpu.memory_space<hbm>>) target(%arg11 : memref<64x128xf32, #tpu.memory_space<vmem>>) target_semaphore(%arg15 : memref<!tpu.dma_semaphore, #tpu.memory_space<semaphore_mem>>)
        %dma_wait3A_72 = tpu.memref_slice %arg5[%add3A_53] : memref<81920xi32, #tpu.memory_space<hbm>> -> memref<64xi32, #tpu.memory_space<hbm>>
        %dma_wait3A_73 = tpu.memref_slice %arg5[%add3A_53] : memref<81920xi32, #tpu.memory_space<hbm>> -> memref<64xi32, #tpu.memory_space<hbm>>
        tpu.wait_dma2 semaphore(%arg12 : memref<!tpu.dma_semaphore, #tpu.memory_space<semaphore_mem>>) src(%dma_wait3A_73 : memref<64xi32, #tpu.memory_space<hbm>>) dst(%arg8 : memref<64xi32, #tpu.memory_space<vmem>>)
        %dma_wait3A_74 = arith.constant 0 : i32
        %dma_wait3A_75 = tpu.memref_slice %arg3[%add3A_53, %dma_wait3A_74] : memref<81920x128xf32, #tpu.memory_space<hbm>> -> memref<64x128xf32, #tpu.memory_space<hbm>>
        %dma_wait3A_76 = arith.constant 0 : i32
        %dma_wait3A_77 = tpu.memref_slice %arg3[%add3A_53, %dma_wait3A_76] : memref<81920x128xf32, #tpu.memory_space<hbm>> -> memref<64x128xf32, #tpu.memory_space<hbm>>
        tpu.wait_dma2 semaphore(%arg14 : memref<!tpu.dma_semaphore, #tpu.memory_space<semaphore_mem>>) src(%dma_wait3A_77 : memref<64x128xf32, #tpu.memory_space<hbm>>) dst(%arg10 : memref<64x128xf32, #tpu.memory_space<vmem>>)
        %dma_start3A_78 = arith.constant 0 : i32
        %dma_start3A_79 = arith.constant 0 : i32
        %dma_start3A_80 = tpu.memref_slice %arg7[%dma_start3A_78, %dma_start3A_79] : memref<10240x128xf32, #tpu.memory_space<vmem_shared>> -> memref<10240x128xf32, #tpu.memory_space<vmem_shared>>
        tpu.enqueue_indirect_dma source(%arg10 : memref<64x128xf32, #tpu.memory_space<vmem>>) target(%dma_start3A_80 : memref<10240x128xf32, #tpu.memory_space<vmem_shared>>) offsets(%arg8 : memref<64xi32, #tpu.memory_space<vmem>>) semaphore(%arg16 : memref<!tpu.dma_semaphore, #tpu.memory_space<semaphore_mem>>) {add = true}
        %dma_wait3A_81 = tpu.memref_slice %arg5[%add3A_60] : memref<81920xi32, #tpu.memory_space<hbm>> -> memref<64xi32, #tpu.memory_space<hbm>>
        %dma_wait3A_82 = tpu.memref_slice %arg5[%add3A_60] : memref<81920xi32, #tpu.memory_space<hbm>> -> memref<64xi32, #tpu.memory_space<hbm>>
        tpu.wait_dma2 semaphore(%arg13 : memref<!tpu.dma_semaphore, #tpu.memory_space<semaphore_mem>>) src(%dma_wait3A_82 : memref<64xi32, #tpu.memory_space<hbm>>) dst(%arg9 : memref<64xi32, #tpu.memory_space<vmem>>)
        %dma_wait3A_83 = arith.constant 0 : i32
        %dma_wait3A_84 = tpu.memref_slice %arg3[%add3A_60, %dma_wait3A_83] : memref<81920x128xf32, #tpu.memory_space<hbm>> -> memref<64x128xf32, #tpu.memory_space<hbm>>
        %dma_wait3A_85 = arith.constant 0 : i32
        %dma_wait3A_86 = tpu.memref_slice %arg3[%add3A_60, %dma_wait3A_85] : memref<81920x128xf32, #tpu.memory_space<hbm>> -> memref<64x128xf32, #tpu.memory_space<hbm>>
        tpu.wait_dma2 semaphore(%arg15 : memref<!tpu.dma_semaphore, #tpu.memory_space<semaphore_mem>>) src(%dma_wait3A_86 : memref<64x128xf32, #tpu.memory_space<hbm>>) dst(%arg11 : memref<64x128xf32, #tpu.memory_space<vmem>>)
        %dma_start3A_87 = arith.constant 0 : i32
        %dma_start3A_88 = arith.constant 0 : i32
        %dma_start3A_89 = tpu.memref_slice %arg7[%dma_start3A_87, %dma_start3A_88] : memref<10240x128xf32, #tpu.memory_space<vmem_shared>> -> memref<10240x128xf32, #tpu.memory_space<vmem_shared>>
        tpu.enqueue_indirect_dma source(%arg11 : memref<64x128xf32, #tpu.memory_space<vmem>>) target(%dma_start3A_89 : memref<10240x128xf32, #tpu.memory_space<vmem_shared>>) offsets(%arg9 : memref<64xi32, #tpu.memory_space<vmem>>) semaphore(%arg17 : memref<!tpu.dma_semaphore, #tpu.memory_space<semaphore_mem>>) {add = true}
      }
      %scan3A_31 = arith.constant 40 : i32
      %dma_wait3A = arith.constant 0 : i32
      %dma_wait3A_32 = arith.constant 0 : i32
      %dma_wait3A_33 = tpu.memref_slice %arg3[%dma_wait3A, %dma_wait3A_32] : memref<81920x128xf32, #tpu.memory_space<hbm>> -> memref<64x128xf32, #tpu.memory_space<hbm>>
      %dma_wait3A_34 = arith.constant 0 : i32
      %dma_wait3A_35 = arith.constant 0 : i32
      %dma_wait3A_36 = tpu.memref_slice %arg3[%dma_wait3A_34, %dma_wait3A_35] : memref<81920x128xf32, #tpu.memory_space<hbm>> -> memref<64x128xf32, #tpu.memory_space<hbm>>
      tpu.wait_dma2 semaphore(%arg16 : memref<!tpu.dma_semaphore, #tpu.memory_space<semaphore_mem>>) src(%dma_wait3A_36 : memref<64x128xf32, #tpu.memory_space<hbm>>) dst(%arg10 : memref<64x128xf32, #tpu.memory_space<vmem>>)
      %dma_wait3A_37 = arith.constant 0 : i32
      %dma_wait3A_38 = arith.constant 0 : i32
      %dma_wait3A_39 = tpu.memref_slice %arg3[%dma_wait3A_37, %dma_wait3A_38] : memref<81920x128xf32, #tpu.memory_space<hbm>> -> memref<64x128xf32, #tpu.memory_space<hbm>>
      %dma_wait3A_40 = arith.constant 0 : i32
      %dma_wait3A_41 = arith.constant 0 : i32
      %dma_wait3A_42 = tpu.memref_slice %arg3[%dma_wait3A_40, %dma_wait3A_41] : memref<81920x128xf32, #tpu.memory_space<hbm>> -> memref<64x128xf32, #tpu.memory_space<hbm>>
      tpu.wait_dma2 semaphore(%arg17 : memref<!tpu.dma_semaphore, #tpu.memory_space<semaphore_mem>>) src(%dma_wait3A_42 : memref<64x128xf32, #tpu.memory_space<hbm>>) dst(%arg11 : memref<64x128xf32, #tpu.memory_space<vmem>>)
    } else {
    }
    %barrier3A_19 = arith.constant 0 : index
    tpu.barrier barrier_id(%barrier3A_19)
    %scan3A_20 = arith.constant 0 : i32
    %scan3A_21 = arith.constant 0 : i32
    %scan3A_22 = arith.constant 40 : i32
    %scan3A_23 = arith.addi %scan3A_21, %scan3A_22 : i32
    %scan3A_24 = arith.constant 1 : i32
    scf.for %scan3A_26 = %scan3A_21 to %scan3A_23 step %scan3A_24  : i32 {
      %mul3A_27 = arith.constant 640 : i32
      %mul3A_28 = arith.muli %arg1, %mul3A_27 : i32
      %mul3A_29 = arith.constant 16 : i32
      %mul3A_30 = arith.muli %scan3A_26, %mul3A_29 : i32
      %add3A = arith.addi %mul3A_28, %mul3A_30 : i32
      %mul3A_31 = arith.constant 10240 : i32
      %mul3A_32 = arith.muli %arg0, %mul3A_31 : i32
      %add3A_33 = arith.addi %mul3A_32, %add3A : i32
      "tpu.region"() ({
        %run_scoped3A = tpu.sem_alloc : memref<!tpu.dma_semaphore, #tpu.memory_space<semaphore_mem>>
        %dma_start3A = arith.constant 0 : i32
        %dma_start3A_34 = tpu.memref_slice %arg6[%add3A_33, %dma_start3A] : memref<20480x128xf32, #tpu.memory_space<hbm>> -> memref<16x128xf32, #tpu.memory_space<hbm>>
        %dma_start3A_35 = arith.constant 0 : i32
        %dma_start3A_36 = tpu.memref_slice %arg7[%add3A, %dma_start3A_35] : memref<10240x128xf32, #tpu.memory_space<vmem_shared>> -> memref<16x128xf32, #tpu.memory_space<vmem_shared>>
        tpu.enqueue_dma source(%dma_start3A_36 : memref<16x128xf32, #tpu.memory_space<vmem_shared>>) target(%dma_start3A_34 : memref<16x128xf32, #tpu.memory_space<hbm>>) target_semaphore(%run_scoped3A : memref<!tpu.dma_semaphore, #tpu.memory_space<semaphore_mem>>)
        %dma_wait3A = arith.constant 0 : i32
        %dma_wait3A_37 = tpu.memref_slice %arg6[%add3A_33, %dma_wait3A] : memref<20480x128xf32, #tpu.memory_space<hbm>> -> memref<16x128xf32, #tpu.memory_space<hbm>>
        %dma_wait3A_38 = arith.constant 0 : i32
        %dma_wait3A_39 = tpu.memref_slice %arg7[%add3A, %dma_wait3A_38] : memref<10240x128xf32, #tpu.memory_space<vmem_shared>> -> memref<16x128xf32, #tpu.memory_space<vmem_shared>>
        tpu.wait_dma2 semaphore(%run_scoped3A : memref<!tpu.dma_semaphore, #tpu.memory_space<semaphore_mem>>) src(%dma_wait3A_39 : memref<16x128xf32, #tpu.memory_space<vmem_shared>>) dst(%dma_wait3A_37 : memref<16x128xf32, #tpu.memory_space<hbm>>)
        tpu.yield
      }) : () -> ()
    }
    %scan3A_25 = arith.constant 40 : i32
    return
  }
}

#map = affine_map<(d0, d1) -> (0, 0)>
#map1 = affine_map<(d0, d1) -> (0)>
module attributes {stable_mosaic.version = 14 : i64} {
  func.func @body(%arg0: i32, %arg1: i32, %arg2: memref<10240x128xf32, #tpu.memory_space<hbm>>, %arg3: memref<81920xi32, #tpu.memory_space<hbm>>, %arg4: memref<81920xi32, #tpu.memory_space<hbm>>, %arg5: memref<81920x128xf32, #tpu.memory_space<hbm>>, %arg6: memref<81920x128xf32, #tpu.memory_space<hbm>>, %arg7: memref<128xi32, #tpu.memory_space<vmem>>, %arg8: memref<128xi32, #tpu.memory_space<vmem>>, %arg9: memref<128xi32, #tpu.memory_space<vmem>>, %arg10: memref<128xi32, #tpu.memory_space<vmem>>, %arg11: memref<128x128xf32, #tpu.memory_space<vmem>>, %arg12: memref<128x128xf32, #tpu.memory_space<vmem>>, %arg13: memref<128x128xf32, #tpu.memory_space<vmem>>, %arg14: memref<128x128xf32, #tpu.memory_space<vmem>>, %arg15: memref<!tpu.dma_semaphore, #tpu.memory_space<semaphore_mem>>, %arg16: memref<!tpu.dma_semaphore, #tpu.memory_space<semaphore_mem>>, %arg17: memref<!tpu.dma_semaphore, #tpu.memory_space<semaphore_mem>>, %arg18: memref<!tpu.dma_semaphore, #tpu.memory_space<semaphore_mem>>, %arg19: memref<!tpu.dma_semaphore, #tpu.memory_space<semaphore_mem>>, %arg20: memref<!tpu.dma_semaphore, #tpu.memory_space<semaphore_mem>>, %arg21: memref<!tpu.dma_semaphore, #tpu.memory_space<semaphore_mem>>, %arg22: memref<!tpu.dma_semaphore, #tpu.memory_space<semaphore_mem>>, %arg23: memref<!tpu.dma_semaphore, #tpu.memory_space<semaphore_mem>>, %arg24: memref<!tpu.dma_semaphore, #tpu.memory_space<semaphore_mem>>, %arg25: memref<!tpu.dma_semaphore, #tpu.memory_space<semaphore_mem>>, %arg26: memref<!tpu.dma_semaphore, #tpu.memory_space<semaphore_mem>>) attributes {dimension_semantics = [#tpu.dimension_semantics<core_parallel>, #tpu.dimension_semantics<subcore_parallel>], iteration_bounds = array<i64: 2, 16>, scalar_prefetch = 0 : i64, scratch_operands = 20 : i64, tpu.core_type = #tpu.core_type<sc_vector_subcore>, window_params = [{transform_indices = #map}, {transform_indices = #map1}, {transform_indices = #map1}, {transform_indices = #map}, {transform_indices = #map}]} {
    %mul3A = arith.constant 2 : i32
    %mul3A_0 = arith.muli %arg1, %mul3A : i32
    %add3A = arith.addi %mul3A_0, %arg0 : i32
    %mul3A_1 = arith.constant 2560 : i32
    %mul3A_2 = arith.muli %add3A, %mul3A_1 : i32
    %scan3A = arith.constant 0 : i32
    %scan3A_3 = arith.constant 0 : i32
    %scan3A_4 = arith.constant 10 : i32
    %scan3A_5 = arith.addi %scan3A_3, %scan3A_4 : i32
    %scan3A_6 = arith.constant 1 : i32
    scf.for %scan3A_31 = %scan3A_3 to %scan3A_5 step %scan3A_6  : i32 {
      %gt3A = arith.constant 0 : i32
      %gt3A_32 = arith.cmpi sgt, %scan3A_31, %gt3A : i32
      %convert_element_type3A = arith.extui %gt3A_32 : i1 to i32
      %cond3A = arith.constant 0 : i32
      %cond3A_33 = arith.cmpi ne, %convert_element_type3A, %cond3A : i32
      scf.if %cond3A_33 {
        %dma_wait3A_103 = arith.constant 0 : i32
        %dma_wait3A_104 = arith.constant 0 : i32
        %dma_wait3A_105 = tpu.memref_slice %arg5[%dma_wait3A_103, %dma_wait3A_104] : memref<81920x128xf32, #tpu.memory_space<hbm>> -> memref<128x128xf32, #tpu.memory_space<hbm>>
        %dma_wait3A_106 = arith.constant 0 : i32
        %dma_wait3A_107 = arith.constant 0 : i32
        %dma_wait3A_108 = tpu.memref_slice %arg5[%dma_wait3A_106, %dma_wait3A_107] : memref<81920x128xf32, #tpu.memory_space<hbm>> -> memref<128x128xf32, #tpu.memory_space<hbm>>
        tpu.wait_dma2 semaphore(%arg23 : memref<!tpu.dma_semaphore, #tpu.memory_space<semaphore_mem>>) src(%dma_wait3A_108 : memref<128x128xf32, #tpu.memory_space<hbm>>) dst(%arg11 : memref<128x128xf32, #tpu.memory_space<vmem>>)
        %dma_wait3A_109 = arith.constant 0 : i32
        %dma_wait3A_110 = arith.constant 0 : i32
        %dma_wait3A_111 = tpu.memref_slice %arg6[%dma_wait3A_109, %dma_wait3A_110] : memref<81920x128xf32, #tpu.memory_space<hbm>> -> memref<128x128xf32, #tpu.memory_space<hbm>>
        %dma_wait3A_112 = arith.constant 0 : i32
        %dma_wait3A_113 = arith.constant 0 : i32
        %dma_wait3A_114 = tpu.memref_slice %arg6[%dma_wait3A_112, %dma_wait3A_113] : memref<81920x128xf32, #tpu.memory_space<hbm>> -> memref<128x128xf32, #tpu.memory_space<hbm>>
        tpu.wait_dma2 semaphore(%arg25 : memref<!tpu.dma_semaphore, #tpu.memory_space<semaphore_mem>>) src(%dma_wait3A_114 : memref<128x128xf32, #tpu.memory_space<hbm>>) dst(%arg13 : memref<128x128xf32, #tpu.memory_space<vmem>>)
        %dma_wait3A_115 = arith.constant 0 : i32
        %dma_wait3A_116 = arith.constant 0 : i32
        %dma_wait3A_117 = tpu.memref_slice %arg5[%dma_wait3A_115, %dma_wait3A_116] : memref<81920x128xf32, #tpu.memory_space<hbm>> -> memref<128x128xf32, #tpu.memory_space<hbm>>
        %dma_wait3A_118 = arith.constant 0 : i32
        %dma_wait3A_119 = arith.constant 0 : i32
        %dma_wait3A_120 = tpu.memref_slice %arg5[%dma_wait3A_118, %dma_wait3A_119] : memref<81920x128xf32, #tpu.memory_space<hbm>> -> memref<128x128xf32, #tpu.memory_space<hbm>>
        tpu.wait_dma2 semaphore(%arg24 : memref<!tpu.dma_semaphore, #tpu.memory_space<semaphore_mem>>) src(%dma_wait3A_120 : memref<128x128xf32, #tpu.memory_space<hbm>>) dst(%arg12 : memref<128x128xf32, #tpu.memory_space<vmem>>)
        %dma_wait3A_121 = arith.constant 0 : i32
        %dma_wait3A_122 = arith.constant 0 : i32
        %dma_wait3A_123 = tpu.memref_slice %arg6[%dma_wait3A_121, %dma_wait3A_122] : memref<81920x128xf32, #tpu.memory_space<hbm>> -> memref<128x128xf32, #tpu.memory_space<hbm>>
        %dma_wait3A_124 = arith.constant 0 : i32
        %dma_wait3A_125 = arith.constant 0 : i32
        %dma_wait3A_126 = tpu.memref_slice %arg6[%dma_wait3A_124, %dma_wait3A_125] : memref<81920x128xf32, #tpu.memory_space<hbm>> -> memref<128x128xf32, #tpu.memory_space<hbm>>
        tpu.wait_dma2 semaphore(%arg26 : memref<!tpu.dma_semaphore, #tpu.memory_space<semaphore_mem>>) src(%dma_wait3A_126 : memref<128x128xf32, #tpu.memory_space<hbm>>) dst(%arg14 : memref<128x128xf32, #tpu.memory_space<vmem>>)
      } else {
      }
      %mul3A_34 = arith.constant 2 : i32
      %mul3A_35 = arith.muli %scan3A_31, %mul3A_34 : i32
      %add3A_36 = arith.constant 0 : i32
      %add3A_37 = arith.addi %mul3A_35, %add3A_36 : i32
      %mul3A_38 = arith.constant 128 : i32
      %mul3A_39 = arith.muli %add3A_37, %mul3A_38 : i32
      %add3A_40 = arith.addi %mul3A_2, %mul3A_39 : i32
      %mul3A_41 = arith.constant 2 : i32
      %mul3A_42 = arith.muli %scan3A_31, %mul3A_41 : i32
      %add3A_43 = arith.constant 1 : i32
      %add3A_44 = arith.addi %mul3A_42, %add3A_43 : i32
      %mul3A_45 = arith.constant 128 : i32
      %mul3A_46 = arith.muli %add3A_44, %mul3A_45 : i32
      %add3A_47 = arith.addi %mul3A_2, %mul3A_46 : i32
      %dma_start3A = tpu.memref_slice %arg3[%add3A_40] : memref<81920xi32, #tpu.memory_space<hbm>> -> memref<128xi32, #tpu.memory_space<hbm>>
      %dma_start3A_48 = tpu.memref_slice %arg3[%add3A_40] : memref<81920xi32, #tpu.memory_space<hbm>> -> memref<128xi32, #tpu.memory_space<hbm>>
      tpu.enqueue_dma source(%dma_start3A_48 : memref<128xi32, #tpu.memory_space<hbm>>) target(%arg7 : memref<128xi32, #tpu.memory_space<vmem>>) target_semaphore(%arg15 : memref<!tpu.dma_semaphore, #tpu.memory_space<semaphore_mem>>)
      %dma_start3A_49 = tpu.memref_slice %arg4[%add3A_40] : memref<81920xi32, #tpu.memory_space<hbm>> -> memref<128xi32, #tpu.memory_space<hbm>>
      %dma_start3A_50 = tpu.memref_slice %arg4[%add3A_40] : memref<81920xi32, #tpu.memory_space<hbm>> -> memref<128xi32, #tpu.memory_space<hbm>>
      tpu.enqueue_dma source(%dma_start3A_50 : memref<128xi32, #tpu.memory_space<hbm>>) target(%arg9 : memref<128xi32, #tpu.memory_space<vmem>>) target_semaphore(%arg17 : memref<!tpu.dma_semaphore, #tpu.memory_space<semaphore_mem>>)
      %dma_start3A_51 = tpu.memref_slice %arg3[%add3A_47] : memref<81920xi32, #tpu.memory_space<hbm>> -> memref<128xi32, #tpu.memory_space<hbm>>
      %dma_start3A_52 = tpu.memref_slice %arg3[%add3A_47] : memref<81920xi32, #tpu.memory_space<hbm>> -> memref<128xi32, #tpu.memory_space<hbm>>
      tpu.enqueue_dma source(%dma_start3A_52 : memref<128xi32, #tpu.memory_space<hbm>>) target(%arg8 : memref<128xi32, #tpu.memory_space<vmem>>) target_semaphore(%arg16 : memref<!tpu.dma_semaphore, #tpu.memory_space<semaphore_mem>>)
      %dma_start3A_53 = tpu.memref_slice %arg4[%add3A_47] : memref<81920xi32, #tpu.memory_space<hbm>> -> memref<128xi32, #tpu.memory_space<hbm>>
      %dma_start3A_54 = tpu.memref_slice %arg4[%add3A_47] : memref<81920xi32, #tpu.memory_space<hbm>> -> memref<128xi32, #tpu.memory_space<hbm>>
      tpu.enqueue_dma source(%dma_start3A_54 : memref<128xi32, #tpu.memory_space<hbm>>) target(%arg10 : memref<128xi32, #tpu.memory_space<vmem>>) target_semaphore(%arg18 : memref<!tpu.dma_semaphore, #tpu.memory_space<semaphore_mem>>)
      %dma_wait3A_55 = tpu.memref_slice %arg3[%add3A_40] : memref<81920xi32, #tpu.memory_space<hbm>> -> memref<128xi32, #tpu.memory_space<hbm>>
      %dma_wait3A_56 = tpu.memref_slice %arg3[%add3A_40] : memref<81920xi32, #tpu.memory_space<hbm>> -> memref<128xi32, #tpu.memory_space<hbm>>
      tpu.wait_dma2 semaphore(%arg15 : memref<!tpu.dma_semaphore, #tpu.memory_space<semaphore_mem>>) src(%dma_wait3A_56 : memref<128xi32, #tpu.memory_space<hbm>>) dst(%arg7 : memref<128xi32, #tpu.memory_space<vmem>>)
      %dma_wait3A_57 = tpu.memref_slice %arg4[%add3A_40] : memref<81920xi32, #tpu.memory_space<hbm>> -> memref<128xi32, #tpu.memory_space<hbm>>
      %dma_wait3A_58 = tpu.memref_slice %arg4[%add3A_40] : memref<81920xi32, #tpu.memory_space<hbm>> -> memref<128xi32, #tpu.memory_space<hbm>>
      tpu.wait_dma2 semaphore(%arg17 : memref<!tpu.dma_semaphore, #tpu.memory_space<semaphore_mem>>) src(%dma_wait3A_58 : memref<128xi32, #tpu.memory_space<hbm>>) dst(%arg9 : memref<128xi32, #tpu.memory_space<vmem>>)
      %dma_start3A_59 = arith.constant 0 : i32
      %dma_start3A_60 = arith.constant 0 : i32
      %dma_start3A_61 = tpu.memref_slice %arg2[%dma_start3A_59, %dma_start3A_60] : memref<10240x128xf32, #tpu.memory_space<hbm>> -> memref<10240x128xf32, #tpu.memory_space<hbm>>
      tpu.enqueue_indirect_dma source(%dma_start3A_61 : memref<10240x128xf32, #tpu.memory_space<hbm>>) target(%arg11 : memref<128x128xf32, #tpu.memory_space<vmem>>) offsets(%arg7 : memref<128xi32, #tpu.memory_space<vmem>>) semaphore(%arg19 : memref<!tpu.dma_semaphore, #tpu.memory_space<semaphore_mem>>)
      %dma_start3A_62 = arith.constant 0 : i32
      %dma_start3A_63 = arith.constant 0 : i32
      %dma_start3A_64 = tpu.memref_slice %arg2[%dma_start3A_62, %dma_start3A_63] : memref<10240x128xf32, #tpu.memory_space<hbm>> -> memref<10240x128xf32, #tpu.memory_space<hbm>>
      tpu.enqueue_indirect_dma source(%dma_start3A_64 : memref<10240x128xf32, #tpu.memory_space<hbm>>) target(%arg13 : memref<128x128xf32, #tpu.memory_space<vmem>>) offsets(%arg9 : memref<128xi32, #tpu.memory_space<vmem>>) semaphore(%arg21 : memref<!tpu.dma_semaphore, #tpu.memory_space<semaphore_mem>>)
      %dma_wait3A_65 = tpu.memref_slice %arg3[%add3A_47] : memref<81920xi32, #tpu.memory_space<hbm>> -> memref<128xi32, #tpu.memory_space<hbm>>
      %dma_wait3A_66 = tpu.memref_slice %arg3[%add3A_47] : memref<81920xi32, #tpu.memory_space<hbm>> -> memref<128xi32, #tpu.memory_space<hbm>>
      tpu.wait_dma2 semaphore(%arg16 : memref<!tpu.dma_semaphore, #tpu.memory_space<semaphore_mem>>) src(%dma_wait3A_66 : memref<128xi32, #tpu.memory_space<hbm>>) dst(%arg8 : memref<128xi32, #tpu.memory_space<vmem>>)
      %dma_wait3A_67 = tpu.memref_slice %arg4[%add3A_47] : memref<81920xi32, #tpu.memory_space<hbm>> -> memref<128xi32, #tpu.memory_space<hbm>>
      %dma_wait3A_68 = tpu.memref_slice %arg4[%add3A_47] : memref<81920xi32, #tpu.memory_space<hbm>> -> memref<128xi32, #tpu.memory_space<hbm>>
      tpu.wait_dma2 semaphore(%arg18 : memref<!tpu.dma_semaphore, #tpu.memory_space<semaphore_mem>>) src(%dma_wait3A_68 : memref<128xi32, #tpu.memory_space<hbm>>) dst(%arg10 : memref<128xi32, #tpu.memory_space<vmem>>)
      %dma_start3A_69 = arith.constant 0 : i32
      %dma_start3A_70 = arith.constant 0 : i32
      %dma_start3A_71 = tpu.memref_slice %arg2[%dma_start3A_69, %dma_start3A_70] : memref<10240x128xf32, #tpu.memory_space<hbm>> -> memref<10240x128xf32, #tpu.memory_space<hbm>>
      tpu.enqueue_indirect_dma source(%dma_start3A_71 : memref<10240x128xf32, #tpu.memory_space<hbm>>) target(%arg12 : memref<128x128xf32, #tpu.memory_space<vmem>>) offsets(%arg8 : memref<128xi32, #tpu.memory_space<vmem>>) semaphore(%arg20 : memref<!tpu.dma_semaphore, #tpu.memory_space<semaphore_mem>>)
      %dma_start3A_72 = arith.constant 0 : i32
      %dma_start3A_73 = arith.constant 0 : i32
      %dma_start3A_74 = tpu.memref_slice %arg2[%dma_start3A_72, %dma_start3A_73] : memref<10240x128xf32, #tpu.memory_space<hbm>> -> memref<10240x128xf32, #tpu.memory_space<hbm>>
      tpu.enqueue_indirect_dma source(%dma_start3A_74 : memref<10240x128xf32, #tpu.memory_space<hbm>>) target(%arg14 : memref<128x128xf32, #tpu.memory_space<vmem>>) offsets(%arg10 : memref<128xi32, #tpu.memory_space<vmem>>) semaphore(%arg22 : memref<!tpu.dma_semaphore, #tpu.memory_space<semaphore_mem>>)
      %dma_wait3A_75 = arith.constant 0 : i32
      %dma_wait3A_76 = arith.constant 0 : i32
      %dma_wait3A_77 = tpu.memref_slice %arg2[%dma_wait3A_75, %dma_wait3A_76] : memref<10240x128xf32, #tpu.memory_space<hbm>> -> memref<10240x128xf32, #tpu.memory_space<hbm>>
      tpu.wait_indirect_dma semaphore(%arg19 : memref<!tpu.dma_semaphore, #tpu.memory_space<semaphore_mem>>) src(%dma_wait3A_77 : memref<10240x128xf32, #tpu.memory_space<hbm>>) dst(%arg11 : memref<128x128xf32, #tpu.memory_space<vmem>>)
      %dma_start3A_78 = arith.constant 0 : i32
      %dma_start3A_79 = tpu.memref_slice %arg5[%add3A_40, %dma_start3A_78] : memref<81920x128xf32, #tpu.memory_space<hbm>> -> memref<128x128xf32, #tpu.memory_space<hbm>>
      %dma_start3A_80 = arith.constant 0 : i32
      %dma_start3A_81 = tpu.memref_slice %arg5[%add3A_40, %dma_start3A_80] : memref<81920x128xf32, #tpu.memory_space<hbm>> -> memref<128x128xf32, #tpu.memory_space<hbm>>
      tpu.enqueue_dma source(%arg11 : memref<128x128xf32, #tpu.memory_space<vmem>>) target(%dma_start3A_81 : memref<128x128xf32, #tpu.memory_space<hbm>>) target_semaphore(%arg23 : memref<!tpu.dma_semaphore, #tpu.memory_space<semaphore_mem>>)
      %dma_wait3A_82 = arith.constant 0 : i32
      %dma_wait3A_83 = arith.constant 0 : i32
      %dma_wait3A_84 = tpu.memref_slice %arg2[%dma_wait3A_82, %dma_wait3A_83] : memref<10240x128xf32, #tpu.memory_space<hbm>> -> memref<10240x128xf32, #tpu.memory_space<hbm>>
      tpu.wait_indirect_dma semaphore(%arg21 : memref<!tpu.dma_semaphore, #tpu.memory_space<semaphore_mem>>) src(%dma_wait3A_84 : memref<10240x128xf32, #tpu.memory_space<hbm>>) dst(%arg13 : memref<128x128xf32, #tpu.memory_space<vmem>>)
      %dma_start3A_85 = arith.constant 0 : i32
      %dma_start3A_86 = tpu.memref_slice %arg6[%add3A_40, %dma_start3A_85] : memref<81920x128xf32, #tpu.memory_space<hbm>> -> memref<128x128xf32, #tpu.memory_space<hbm>>
      %dma_start3A_87 = arith.constant 0 : i32
      %dma_start3A_88 = tpu.memref_slice %arg6[%add3A_40, %dma_start3A_87] : memref<81920x128xf32, #tpu.memory_space<hbm>> -> memref<128x128xf32, #tpu.memory_space<hbm>>
      tpu.enqueue_dma source(%arg13 : memref<128x128xf32, #tpu.memory_space<vmem>>) target(%dma_start3A_88 : memref<128x128xf32, #tpu.memory_space<hbm>>) target_semaphore(%arg25 : memref<!tpu.dma_semaphore, #tpu.memory_space<semaphore_mem>>)
      %dma_wait3A_89 = arith.constant 0 : i32
      %dma_wait3A_90 = arith.constant 0 : i32
      %dma_wait3A_91 = tpu.memref_slice %arg2[%dma_wait3A_89, %dma_wait3A_90] : memref<10240x128xf32, #tpu.memory_space<hbm>> -> memref<10240x128xf32, #tpu.memory_space<hbm>>
      tpu.wait_indirect_dma semaphore(%arg20 : memref<!tpu.dma_semaphore, #tpu.memory_space<semaphore_mem>>) src(%dma_wait3A_91 : memref<10240x128xf32, #tpu.memory_space<hbm>>) dst(%arg12 : memref<128x128xf32, #tpu.memory_space<vmem>>)
      %dma_start3A_92 = arith.constant 0 : i32
      %dma_start3A_93 = tpu.memref_slice %arg5[%add3A_47, %dma_start3A_92] : memref<81920x128xf32, #tpu.memory_space<hbm>> -> memref<128x128xf32, #tpu.memory_space<hbm>>
      %dma_start3A_94 = arith.constant 0 : i32
      %dma_start3A_95 = tpu.memref_slice %arg5[%add3A_47, %dma_start3A_94] : memref<81920x128xf32, #tpu.memory_space<hbm>> -> memref<128x128xf32, #tpu.memory_space<hbm>>
      tpu.enqueue_dma source(%arg12 : memref<128x128xf32, #tpu.memory_space<vmem>>) target(%dma_start3A_95 : memref<128x128xf32, #tpu.memory_space<hbm>>) target_semaphore(%arg24 : memref<!tpu.dma_semaphore, #tpu.memory_space<semaphore_mem>>)
      %dma_wait3A_96 = arith.constant 0 : i32
      %dma_wait3A_97 = arith.constant 0 : i32
      %dma_wait3A_98 = tpu.memref_slice %arg2[%dma_wait3A_96, %dma_wait3A_97] : memref<10240x128xf32, #tpu.memory_space<hbm>> -> memref<10240x128xf32, #tpu.memory_space<hbm>>
      tpu.wait_indirect_dma semaphore(%arg22 : memref<!tpu.dma_semaphore, #tpu.memory_space<semaphore_mem>>) src(%dma_wait3A_98 : memref<10240x128xf32, #tpu.memory_space<hbm>>) dst(%arg14 : memref<128x128xf32, #tpu.memory_space<vmem>>)
      %dma_start3A_99 = arith.constant 0 : i32
      %dma_start3A_100 = tpu.memref_slice %arg6[%add3A_47, %dma_start3A_99] : memref<81920x128xf32, #tpu.memory_space<hbm>> -> memref<128x128xf32, #tpu.memory_space<hbm>>
      %dma_start3A_101 = arith.constant 0 : i32
      %dma_start3A_102 = tpu.memref_slice %arg6[%add3A_47, %dma_start3A_101] : memref<81920x128xf32, #tpu.memory_space<hbm>> -> memref<128x128xf32, #tpu.memory_space<hbm>>
      tpu.enqueue_dma source(%arg14 : memref<128x128xf32, #tpu.memory_space<vmem>>) target(%dma_start3A_102 : memref<128x128xf32, #tpu.memory_space<hbm>>) target_semaphore(%arg26 : memref<!tpu.dma_semaphore, #tpu.memory_space<semaphore_mem>>)
    }
    %scan3A_7 = arith.constant 10 : i32
    %dma_wait3A = arith.constant 0 : i32
    %dma_wait3A_8 = arith.constant 0 : i32
    %dma_wait3A_9 = tpu.memref_slice %arg5[%dma_wait3A, %dma_wait3A_8] : memref<81920x128xf32, #tpu.memory_space<hbm>> -> memref<128x128xf32, #tpu.memory_space<hbm>>
    %dma_wait3A_10 = arith.constant 0 : i32
    %dma_wait3A_11 = arith.constant 0 : i32
    %dma_wait3A_12 = tpu.memref_slice %arg5[%dma_wait3A_10, %dma_wait3A_11] : memref<81920x128xf32, #tpu.memory_space<hbm>> -> memref<128x128xf32, #tpu.memory_space<hbm>>
    tpu.wait_dma2 semaphore(%arg23 : memref<!tpu.dma_semaphore, #tpu.memory_space<semaphore_mem>>) src(%dma_wait3A_12 : memref<128x128xf32, #tpu.memory_space<hbm>>) dst(%arg11 : memref<128x128xf32, #tpu.memory_space<vmem>>)
    %dma_wait3A_13 = arith.constant 0 : i32
    %dma_wait3A_14 = arith.constant 0 : i32
    %dma_wait3A_15 = tpu.memref_slice %arg6[%dma_wait3A_13, %dma_wait3A_14] : memref<81920x128xf32, #tpu.memory_space<hbm>> -> memref<128x128xf32, #tpu.memory_space<hbm>>
    %dma_wait3A_16 = arith.constant 0 : i32
    %dma_wait3A_17 = arith.constant 0 : i32
    %dma_wait3A_18 = tpu.memref_slice %arg6[%dma_wait3A_16, %dma_wait3A_17] : memref<81920x128xf32, #tpu.memory_space<hbm>> -> memref<128x128xf32, #tpu.memory_space<hbm>>
    tpu.wait_dma2 semaphore(%arg25 : memref<!tpu.dma_semaphore, #tpu.memory_space<semaphore_mem>>) src(%dma_wait3A_18 : memref<128x128xf32, #tpu.memory_space<hbm>>) dst(%arg13 : memref<128x128xf32, #tpu.memory_space<vmem>>)
    %dma_wait3A_19 = arith.constant 0 : i32
    %dma_wait3A_20 = arith.constant 0 : i32
    %dma_wait3A_21 = tpu.memref_slice %arg5[%dma_wait3A_19, %dma_wait3A_20] : memref<81920x128xf32, #tpu.memory_space<hbm>> -> memref<128x128xf32, #tpu.memory_space<hbm>>
    %dma_wait3A_22 = arith.constant 0 : i32
    %dma_wait3A_23 = arith.constant 0 : i32
    %dma_wait3A_24 = tpu.memref_slice %arg5[%dma_wait3A_22, %dma_wait3A_23] : memref<81920x128xf32, #tpu.memory_space<hbm>> -> memref<128x128xf32, #tpu.memory_space<hbm>>
    tpu.wait_dma2 semaphore(%arg24 : memref<!tpu.dma_semaphore, #tpu.memory_space<semaphore_mem>>) src(%dma_wait3A_24 : memref<128x128xf32, #tpu.memory_space<hbm>>) dst(%arg12 : memref<128x128xf32, #tpu.memory_space<vmem>>)
    %dma_wait3A_25 = arith.constant 0 : i32
    %dma_wait3A_26 = arith.constant 0 : i32
    %dma_wait3A_27 = tpu.memref_slice %arg6[%dma_wait3A_25, %dma_wait3A_26] : memref<81920x128xf32, #tpu.memory_space<hbm>> -> memref<128x128xf32, #tpu.memory_space<hbm>>
    %dma_wait3A_28 = arith.constant 0 : i32
    %dma_wait3A_29 = arith.constant 0 : i32
    %dma_wait3A_30 = tpu.memref_slice %arg6[%dma_wait3A_28, %dma_wait3A_29] : memref<81920x128xf32, #tpu.memory_space<hbm>> -> memref<128x128xf32, #tpu.memory_space<hbm>>
    tpu.wait_dma2 semaphore(%arg26 : memref<!tpu.dma_semaphore, #tpu.memory_space<semaphore_mem>>) src(%dma_wait3A_30 : memref<128x128xf32, #tpu.memory_space<hbm>>) dst(%arg14 : memref<128x128xf32, #tpu.memory_space<vmem>>)
    return
  }
}

#map = affine_map<(d0, d1) -> (0, 0)>
#map1 = affine_map<(d0, d1) -> (0)>
module attributes {stable_mosaic.version = 14 : i64} {
  func.func @body(%arg0: i32, %arg1: i32, %arg2: memref<10240x128xf32, #tpu.memory_space<hbm>>, %arg3: memref<81920xi32, #tpu.memory_space<hbm>>, %arg4: memref<81920xi32, #tpu.memory_space<hbm>>, %arg5: memref<81920x128xf32, #tpu.memory_space<hbm>>, %arg6: memref<81920x128xf32, #tpu.memory_space<hbm>>, %arg7: memref<128xi32, #tpu.memory_space<vmem>>, %arg8: memref<128xi32, #tpu.memory_space<vmem>>, %arg9: memref<128xi32, #tpu.memory_space<vmem>>, %arg10: memref<128xi32, #tpu.memory_space<vmem>>, %arg11: memref<128x128xf32, #tpu.memory_space<vmem>>, %arg12: memref<128x128xf32, #tpu.memory_space<vmem>>, %arg13: memref<128x128xf32, #tpu.memory_space<vmem>>, %arg14: memref<128x128xf32, #tpu.memory_space<vmem>>, %arg15: memref<!tpu.dma_semaphore, #tpu.memory_space<semaphore_mem>>, %arg16: memref<!tpu.dma_semaphore, #tpu.memory_space<semaphore_mem>>, %arg17: memref<!tpu.dma_semaphore, #tpu.memory_space<semaphore_mem>>, %arg18: memref<!tpu.dma_semaphore, #tpu.memory_space<semaphore_mem>>, %arg19: memref<!tpu.dma_semaphore, #tpu.memory_space<semaphore_mem>>, %arg20: memref<!tpu.dma_semaphore, #tpu.memory_space<semaphore_mem>>, %arg21: memref<!tpu.dma_semaphore, #tpu.memory_space<semaphore_mem>>, %arg22: memref<!tpu.dma_semaphore, #tpu.memory_space<semaphore_mem>>, %arg23: memref<!tpu.dma_semaphore, #tpu.memory_space<semaphore_mem>>, %arg24: memref<!tpu.dma_semaphore, #tpu.memory_space<semaphore_mem>>, %arg25: memref<!tpu.dma_semaphore, #tpu.memory_space<semaphore_mem>>, %arg26: memref<!tpu.dma_semaphore, #tpu.memory_space<semaphore_mem>>) attributes {dimension_semantics = [#tpu.dimension_semantics<core_parallel>, #tpu.dimension_semantics<subcore_parallel>], iteration_bounds = array<i64: 2, 16>, scalar_prefetch = 0 : i64, scratch_operands = 20 : i64, tpu.core_type = #tpu.core_type<sc_vector_subcore>, window_params = [{transform_indices = #map}, {transform_indices = #map1}, {transform_indices = #map1}, {transform_indices = #map}, {transform_indices = #map}]} {
    %mul3A = arith.constant 2 : i32
    %mul3A_0 = arith.muli %arg1, %mul3A : i32
    %add3A = arith.addi %mul3A_0, %arg0 : i32
    %mul3A_1 = arith.constant 2560 : i32
    %mul3A_2 = arith.muli %add3A, %mul3A_1 : i32
    %scan3A = arith.constant 0 : i32
    %scan3A_3 = arith.constant 0 : i32
    %scan3A_4 = arith.constant 10 : i32
    %scan3A_5 = arith.addi %scan3A_3, %scan3A_4 : i32
    %scan3A_6 = arith.constant 1 : i32
    scf.for %scan3A_31 = %scan3A_3 to %scan3A_5 step %scan3A_6  : i32 {
      %gt3A = arith.constant 0 : i32
      %gt3A_32 = arith.cmpi sgt, %scan3A_31, %gt3A : i32
      %convert_element_type3A = arith.extui %gt3A_32 : i1 to i32
      %cond3A = arith.constant 0 : i32
      %cond3A_33 = arith.cmpi ne, %convert_element_type3A, %cond3A : i32
      scf.if %cond3A_33 {
        %dma_wait3A_103 = arith.constant 0 : i32
        %dma_wait3A_104 = arith.constant 0 : i32
        %dma_wait3A_105 = tpu.memref_slice %arg5[%dma_wait3A_103, %dma_wait3A_104] : memref<81920x128xf32, #tpu.memory_space<hbm>> -> memref<128x128xf32, #tpu.memory_space<hbm>>
        %dma_wait3A_106 = arith.constant 0 : i32
        %dma_wait3A_107 = arith.constant 0 : i32
        %dma_wait3A_108 = tpu.memref_slice %arg5[%dma_wait3A_106, %dma_wait3A_107] : memref<81920x128xf32, #tpu.memory_space<hbm>> -> memref<128x128xf32, #tpu.memory_space<hbm>>
        tpu.wait_dma2 semaphore(%arg23 : memref<!tpu.dma_semaphore, #tpu.memory_space<semaphore_mem>>) src(%dma_wait3A_108 : memref<128x128xf32, #tpu.memory_space<hbm>>) dst(%arg11 : memref<128x128xf32, #tpu.memory_space<vmem>>)
        %dma_wait3A_109 = arith.constant 0 : i32
        %dma_wait3A_110 = arith.constant 0 : i32
        %dma_wait3A_111 = tpu.memref_slice %arg6[%dma_wait3A_109, %dma_wait3A_110] : memref<81920x128xf32, #tpu.memory_space<hbm>> -> memref<128x128xf32, #tpu.memory_space<hbm>>
        %dma_wait3A_112 = arith.constant 0 : i32
        %dma_wait3A_113 = arith.constant 0 : i32
        %dma_wait3A_114 = tpu.memref_slice %arg6[%dma_wait3A_112, %dma_wait3A_113] : memref<81920x128xf32, #tpu.memory_space<hbm>> -> memref<128x128xf32, #tpu.memory_space<hbm>>
        tpu.wait_dma2 semaphore(%arg25 : memref<!tpu.dma_semaphore, #tpu.memory_space<semaphore_mem>>) src(%dma_wait3A_114 : memref<128x128xf32, #tpu.memory_space<hbm>>) dst(%arg13 : memref<128x128xf32, #tpu.memory_space<vmem>>)
        %dma_wait3A_115 = arith.constant 0 : i32
        %dma_wait3A_116 = arith.constant 0 : i32
        %dma_wait3A_117 = tpu.memref_slice %arg5[%dma_wait3A_115, %dma_wait3A_116] : memref<81920x128xf32, #tpu.memory_space<hbm>> -> memref<128x128xf32, #tpu.memory_space<hbm>>
        %dma_wait3A_118 = arith.constant 0 : i32
        %dma_wait3A_119 = arith.constant 0 : i32
        %dma_wait3A_120 = tpu.memref_slice %arg5[%dma_wait3A_118, %dma_wait3A_119] : memref<81920x128xf32, #tpu.memory_space<hbm>> -> memref<128x128xf32, #tpu.memory_space<hbm>>
        tpu.wait_dma2 semaphore(%arg24 : memref<!tpu.dma_semaphore, #tpu.memory_space<semaphore_mem>>) src(%dma_wait3A_120 : memref<128x128xf32, #tpu.memory_space<hbm>>) dst(%arg12 : memref<128x128xf32, #tpu.memory_space<vmem>>)
        %dma_wait3A_121 = arith.constant 0 : i32
        %dma_wait3A_122 = arith.constant 0 : i32
        %dma_wait3A_123 = tpu.memref_slice %arg6[%dma_wait3A_121, %dma_wait3A_122] : memref<81920x128xf32, #tpu.memory_space<hbm>> -> memref<128x128xf32, #tpu.memory_space<hbm>>
        %dma_wait3A_124 = arith.constant 0 : i32
        %dma_wait3A_125 = arith.constant 0 : i32
        %dma_wait3A_126 = tpu.memref_slice %arg6[%dma_wait3A_124, %dma_wait3A_125] : memref<81920x128xf32, #tpu.memory_space<hbm>> -> memref<128x128xf32, #tpu.memory_space<hbm>>
        tpu.wait_dma2 semaphore(%arg26 : memref<!tpu.dma_semaphore, #tpu.memory_space<semaphore_mem>>) src(%dma_wait3A_126 : memref<128x128xf32, #tpu.memory_space<hbm>>) dst(%arg14 : memref<128x128xf32, #tpu.memory_space<vmem>>)
      } else {
      }
      %mul3A_34 = arith.constant 2 : i32
      %mul3A_35 = arith.muli %scan3A_31, %mul3A_34 : i32
      %add3A_36 = arith.constant 0 : i32
      %add3A_37 = arith.addi %mul3A_35, %add3A_36 : i32
      %mul3A_38 = arith.constant 128 : i32
      %mul3A_39 = arith.muli %add3A_37, %mul3A_38 : i32
      %add3A_40 = arith.addi %mul3A_2, %mul3A_39 : i32
      %mul3A_41 = arith.constant 2 : i32
      %mul3A_42 = arith.muli %scan3A_31, %mul3A_41 : i32
      %add3A_43 = arith.constant 1 : i32
      %add3A_44 = arith.addi %mul3A_42, %add3A_43 : i32
      %mul3A_45 = arith.constant 128 : i32
      %mul3A_46 = arith.muli %add3A_44, %mul3A_45 : i32
      %add3A_47 = arith.addi %mul3A_2, %mul3A_46 : i32
      %dma_start3A = tpu.memref_slice %arg3[%add3A_40] : memref<81920xi32, #tpu.memory_space<hbm>> -> memref<128xi32, #tpu.memory_space<hbm>>
      %dma_start3A_48 = tpu.memref_slice %arg3[%add3A_40] : memref<81920xi32, #tpu.memory_space<hbm>> -> memref<128xi32, #tpu.memory_space<hbm>>
      tpu.enqueue_dma source(%dma_start3A_48 : memref<128xi32, #tpu.memory_space<hbm>>) target(%arg7 : memref<128xi32, #tpu.memory_space<vmem>>) target_semaphore(%arg15 : memref<!tpu.dma_semaphore, #tpu.memory_space<semaphore_mem>>)
      %dma_start3A_49 = tpu.memref_slice %arg4[%add3A_40] : memref<81920xi32, #tpu.memory_space<hbm>> -> memref<128xi32, #tpu.memory_space<hbm>>
      %dma_start3A_50 = tpu.memref_slice %arg4[%add3A_40] : memref<81920xi32, #tpu.memory_space<hbm>> -> memref<128xi32, #tpu.memory_space<hbm>>
      tpu.enqueue_dma source(%dma_start3A_50 : memref<128xi32, #tpu.memory_space<hbm>>) target(%arg9 : memref<128xi32, #tpu.memory_space<vmem>>) target_semaphore(%arg17 : memref<!tpu.dma_semaphore, #tpu.memory_space<semaphore_mem>>)
      %dma_start3A_51 = tpu.memref_slice %arg3[%add3A_47] : memref<81920xi32, #tpu.memory_space<hbm>> -> memref<128xi32, #tpu.memory_space<hbm>>
      %dma_start3A_52 = tpu.memref_slice %arg3[%add3A_47] : memref<81920xi32, #tpu.memory_space<hbm>> -> memref<128xi32, #tpu.memory_space<hbm>>
      tpu.enqueue_dma source(%dma_start3A_52 : memref<128xi32, #tpu.memory_space<hbm>>) target(%arg8 : memref<128xi32, #tpu.memory_space<vmem>>) target_semaphore(%arg16 : memref<!tpu.dma_semaphore, #tpu.memory_space<semaphore_mem>>)
      %dma_start3A_53 = tpu.memref_slice %arg4[%add3A_47] : memref<81920xi32, #tpu.memory_space<hbm>> -> memref<128xi32, #tpu.memory_space<hbm>>
      %dma_start3A_54 = tpu.memref_slice %arg4[%add3A_47] : memref<81920xi32, #tpu.memory_space<hbm>> -> memref<128xi32, #tpu.memory_space<hbm>>
      tpu.enqueue_dma source(%dma_start3A_54 : memref<128xi32, #tpu.memory_space<hbm>>) target(%arg10 : memref<128xi32, #tpu.memory_space<vmem>>) target_semaphore(%arg18 : memref<!tpu.dma_semaphore, #tpu.memory_space<semaphore_mem>>)
      %dma_wait3A_55 = tpu.memref_slice %arg3[%add3A_40] : memref<81920xi32, #tpu.memory_space<hbm>> -> memref<128xi32, #tpu.memory_space<hbm>>
      %dma_wait3A_56 = tpu.memref_slice %arg3[%add3A_40] : memref<81920xi32, #tpu.memory_space<hbm>> -> memref<128xi32, #tpu.memory_space<hbm>>
      tpu.wait_dma2 semaphore(%arg15 : memref<!tpu.dma_semaphore, #tpu.memory_space<semaphore_mem>>) src(%dma_wait3A_56 : memref<128xi32, #tpu.memory_space<hbm>>) dst(%arg7 : memref<128xi32, #tpu.memory_space<vmem>>)
      %dma_wait3A_57 = tpu.memref_slice %arg4[%add3A_40] : memref<81920xi32, #tpu.memory_space<hbm>> -> memref<128xi32, #tpu.memory_space<hbm>>
      %dma_wait3A_58 = tpu.memref_slice %arg4[%add3A_40] : memref<81920xi32, #tpu.memory_space<hbm>> -> memref<128xi32, #tpu.memory_space<hbm>>
      tpu.wait_dma2 semaphore(%arg17 : memref<!tpu.dma_semaphore, #tpu.memory_space<semaphore_mem>>) src(%dma_wait3A_58 : memref<128xi32, #tpu.memory_space<hbm>>) dst(%arg9 : memref<128xi32, #tpu.memory_space<vmem>>)
      %dma_start3A_59 = arith.constant 0 : i32
      %dma_start3A_60 = arith.constant 0 : i32
      %dma_start3A_61 = tpu.memref_slice %arg2[%dma_start3A_59, %dma_start3A_60] : memref<10240x128xf32, #tpu.memory_space<hbm>> -> memref<10240x128xf32, #tpu.memory_space<hbm>>
      tpu.enqueue_indirect_dma source(%dma_start3A_61 : memref<10240x128xf32, #tpu.memory_space<hbm>>) target(%arg11 : memref<128x128xf32, #tpu.memory_space<vmem>>) offsets(%arg7 : memref<128xi32, #tpu.memory_space<vmem>>) semaphore(%arg19 : memref<!tpu.dma_semaphore, #tpu.memory_space<semaphore_mem>>)
      %dma_start3A_62 = arith.constant 0 : i32
      %dma_start3A_63 = arith.constant 0 : i32
      %dma_start3A_64 = tpu.memref_slice %arg2[%dma_start3A_62, %dma_start3A_63] : memref<10240x128xf32, #tpu.memory_space<hbm>> -> memref<10240x128xf32, #tpu.memory_space<hbm>>
      tpu.enqueue_indirect_dma source(%dma_start3A_64 : memref<10240x128xf32, #tpu.memory_space<hbm>>) target(%arg13 : memref<128x128xf32, #tpu.memory_space<vmem>>) offsets(%arg9 : memref<128xi32, #tpu.memory_space<vmem>>) semaphore(%arg21 : memref<!tpu.dma_semaphore, #tpu.memory_space<semaphore_mem>>)
      %dma_wait3A_65 = tpu.memref_slice %arg3[%add3A_47] : memref<81920xi32, #tpu.memory_space<hbm>> -> memref<128xi32, #tpu.memory_space<hbm>>
      %dma_wait3A_66 = tpu.memref_slice %arg3[%add3A_47] : memref<81920xi32, #tpu.memory_space<hbm>> -> memref<128xi32, #tpu.memory_space<hbm>>
      tpu.wait_dma2 semaphore(%arg16 : memref<!tpu.dma_semaphore, #tpu.memory_space<semaphore_mem>>) src(%dma_wait3A_66 : memref<128xi32, #tpu.memory_space<hbm>>) dst(%arg8 : memref<128xi32, #tpu.memory_space<vmem>>)
      %dma_wait3A_67 = tpu.memref_slice %arg4[%add3A_47] : memref<81920xi32, #tpu.memory_space<hbm>> -> memref<128xi32, #tpu.memory_space<hbm>>
      %dma_wait3A_68 = tpu.memref_slice %arg4[%add3A_47] : memref<81920xi32, #tpu.memory_space<hbm>> -> memref<128xi32, #tpu.memory_space<hbm>>
      tpu.wait_dma2 semaphore(%arg18 : memref<!tpu.dma_semaphore, #tpu.memory_space<semaphore_mem>>) src(%dma_wait3A_68 : memref<128xi32, #tpu.memory_space<hbm>>) dst(%arg10 : memref<128xi32, #tpu.memory_space<vmem>>)
      %dma_start3A_69 = arith.constant 0 : i32
      %dma_start3A_70 = arith.constant 0 : i32
      %dma_start3A_71 = tpu.memref_slice %arg2[%dma_start3A_69, %dma_start3A_70] : memref<10240x128xf32, #tpu.memory_space<hbm>> -> memref<10240x128xf32, #tpu.memory_space<hbm>>
      tpu.enqueue_indirect_dma source(%dma_start3A_71 : memref<10240x128xf32, #tpu.memory_space<hbm>>) target(%arg12 : memref<128x128xf32, #tpu.memory_space<vmem>>) offsets(%arg8 : memref<128xi32, #tpu.memory_space<vmem>>) semaphore(%arg20 : memref<!tpu.dma_semaphore, #tpu.memory_space<semaphore_mem>>)
      %dma_start3A_72 = arith.constant 0 : i32
      %dma_start3A_73 = arith.constant 0 : i32
      %dma_start3A_74 = tpu.memref_slice %arg2[%dma_start3A_72, %dma_start3A_73] : memref<10240x128xf32, #tpu.memory_space<hbm>> -> memref<10240x128xf32, #tpu.memory_space<hbm>>
      tpu.enqueue_indirect_dma source(%dma_start3A_74 : memref<10240x128xf32, #tpu.memory_space<hbm>>) target(%arg14 : memref<128x128xf32, #tpu.memory_space<vmem>>) offsets(%arg10 : memref<128xi32, #tpu.memory_space<vmem>>) semaphore(%arg22 : memref<!tpu.dma_semaphore, #tpu.memory_space<semaphore_mem>>)
      %dma_wait3A_75 = arith.constant 0 : i32
      %dma_wait3A_76 = arith.constant 0 : i32
      %dma_wait3A_77 = tpu.memref_slice %arg2[%dma_wait3A_75, %dma_wait3A_76] : memref<10240x128xf32, #tpu.memory_space<hbm>> -> memref<10240x128xf32, #tpu.memory_space<hbm>>
      tpu.wait_indirect_dma semaphore(%arg19 : memref<!tpu.dma_semaphore, #tpu.memory_space<semaphore_mem>>) src(%dma_wait3A_77 : memref<10240x128xf32, #tpu.memory_space<hbm>>) dst(%arg11 : memref<128x128xf32, #tpu.memory_space<vmem>>)
      %dma_start3A_78 = arith.constant 0 : i32
      %dma_start3A_79 = tpu.memref_slice %arg5[%add3A_40, %dma_start3A_78] : memref<81920x128xf32, #tpu.memory_space<hbm>> -> memref<128x128xf32, #tpu.memory_space<hbm>>
      %dma_start3A_80 = arith.constant 0 : i32
      %dma_start3A_81 = tpu.memref_slice %arg5[%add3A_40, %dma_start3A_80] : memref<81920x128xf32, #tpu.memory_space<hbm>> -> memref<128x128xf32, #tpu.memory_space<hbm>>
      tpu.enqueue_dma source(%arg11 : memref<128x128xf32, #tpu.memory_space<vmem>>) target(%dma_start3A_81 : memref<128x128xf32, #tpu.memory_space<hbm>>) target_semaphore(%arg23 : memref<!tpu.dma_semaphore, #tpu.memory_space<semaphore_mem>>)
      %dma_wait3A_82 = arith.constant 0 : i32
      %dma_wait3A_83 = arith.constant 0 : i32
      %dma_wait3A_84 = tpu.memref_slice %arg2[%dma_wait3A_82, %dma_wait3A_83] : memref<10240x128xf32, #tpu.memory_space<hbm>> -> memref<10240x128xf32, #tpu.memory_space<hbm>>
      tpu.wait_indirect_dma semaphore(%arg21 : memref<!tpu.dma_semaphore, #tpu.memory_space<semaphore_mem>>) src(%dma_wait3A_84 : memref<10240x128xf32, #tpu.memory_space<hbm>>) dst(%arg13 : memref<128x128xf32, #tpu.memory_space<vmem>>)
      %dma_start3A_85 = arith.constant 0 : i32
      %dma_start3A_86 = tpu.memref_slice %arg6[%add3A_40, %dma_start3A_85] : memref<81920x128xf32, #tpu.memory_space<hbm>> -> memref<128x128xf32, #tpu.memory_space<hbm>>
      %dma_start3A_87 = arith.constant 0 : i32
      %dma_start3A_88 = tpu.memref_slice %arg6[%add3A_40, %dma_start3A_87] : memref<81920x128xf32, #tpu.memory_space<hbm>> -> memref<128x128xf32, #tpu.memory_space<hbm>>
      tpu.enqueue_dma source(%arg13 : memref<128x128xf32, #tpu.memory_space<vmem>>) target(%dma_start3A_88 : memref<128x128xf32, #tpu.memory_space<hbm>>) target_semaphore(%arg25 : memref<!tpu.dma_semaphore, #tpu.memory_space<semaphore_mem>>)
      %dma_wait3A_89 = arith.constant 0 : i32
      %dma_wait3A_90 = arith.constant 0 : i32
      %dma_wait3A_91 = tpu.memref_slice %arg2[%dma_wait3A_89, %dma_wait3A_90] : memref<10240x128xf32, #tpu.memory_space<hbm>> -> memref<10240x128xf32, #tpu.memory_space<hbm>>
      tpu.wait_indirect_dma semaphore(%arg20 : memref<!tpu.dma_semaphore, #tpu.memory_space<semaphore_mem>>) src(%dma_wait3A_91 : memref<10240x128xf32, #tpu.memory_space<hbm>>) dst(%arg12 : memref<128x128xf32, #tpu.memory_space<vmem>>)
      %dma_start3A_92 = arith.constant 0 : i32
      %dma_start3A_93 = tpu.memref_slice %arg5[%add3A_47, %dma_start3A_92] : memref<81920x128xf32, #tpu.memory_space<hbm>> -> memref<128x128xf32, #tpu.memory_space<hbm>>
      %dma_start3A_94 = arith.constant 0 : i32
      %dma_start3A_95 = tpu.memref_slice %arg5[%add3A_47, %dma_start3A_94] : memref<81920x128xf32, #tpu.memory_space<hbm>> -> memref<128x128xf32, #tpu.memory_space<hbm>>
      tpu.enqueue_dma source(%arg12 : memref<128x128xf32, #tpu.memory_space<vmem>>) target(%dma_start3A_95 : memref<128x128xf32, #tpu.memory_space<hbm>>) target_semaphore(%arg24 : memref<!tpu.dma_semaphore, #tpu.memory_space<semaphore_mem>>)
      %dma_wait3A_96 = arith.constant 0 : i32
      %dma_wait3A_97 = arith.constant 0 : i32
      %dma_wait3A_98 = tpu.memref_slice %arg2[%dma_wait3A_96, %dma_wait3A_97] : memref<10240x128xf32, #tpu.memory_space<hbm>> -> memref<10240x128xf32, #tpu.memory_space<hbm>>
      tpu.wait_indirect_dma semaphore(%arg22 : memref<!tpu.dma_semaphore, #tpu.memory_space<semaphore_mem>>) src(%dma_wait3A_98 : memref<10240x128xf32, #tpu.memory_space<hbm>>) dst(%arg14 : memref<128x128xf32, #tpu.memory_space<vmem>>)
      %dma_start3A_99 = arith.constant 0 : i32
      %dma_start3A_100 = tpu.memref_slice %arg6[%add3A_47, %dma_start3A_99] : memref<81920x128xf32, #tpu.memory_space<hbm>> -> memref<128x128xf32, #tpu.memory_space<hbm>>
      %dma_start3A_101 = arith.constant 0 : i32
      %dma_start3A_102 = tpu.memref_slice %arg6[%add3A_47, %dma_start3A_101] : memref<81920x128xf32, #tpu.memory_space<hbm>> -> memref<128x128xf32, #tpu.memory_space<hbm>>
      tpu.enqueue_dma source(%arg14 : memref<128x128xf32, #tpu.memory_space<vmem>>) target(%dma_start3A_102 : memref<128x128xf32, #tpu.memory_space<hbm>>) target_semaphore(%arg26 : memref<!tpu.dma_semaphore, #tpu.memory_space<semaphore_mem>>)
    }
    %scan3A_7 = arith.constant 10 : i32
    %dma_wait3A = arith.constant 0 : i32
    %dma_wait3A_8 = arith.constant 0 : i32
    %dma_wait3A_9 = tpu.memref_slice %arg5[%dma_wait3A, %dma_wait3A_8] : memref<81920x128xf32, #tpu.memory_space<hbm>> -> memref<128x128xf32, #tpu.memory_space<hbm>>
    %dma_wait3A_10 = arith.constant 0 : i32
    %dma_wait3A_11 = arith.constant 0 : i32
    %dma_wait3A_12 = tpu.memref_slice %arg5[%dma_wait3A_10, %dma_wait3A_11] : memref<81920x128xf32, #tpu.memory_space<hbm>> -> memref<128x128xf32, #tpu.memory_space<hbm>>
    tpu.wait_dma2 semaphore(%arg23 : memref<!tpu.dma_semaphore, #tpu.memory_space<semaphore_mem>>) src(%dma_wait3A_12 : memref<128x128xf32, #tpu.memory_space<hbm>>) dst(%arg11 : memref<128x128xf32, #tpu.memory_space<vmem>>)
    %dma_wait3A_13 = arith.constant 0 : i32
    %dma_wait3A_14 = arith.constant 0 : i32
    %dma_wait3A_15 = tpu.memref_slice %arg6[%dma_wait3A_13, %dma_wait3A_14] : memref<81920x128xf32, #tpu.memory_space<hbm>> -> memref<128x128xf32, #tpu.memory_space<hbm>>
    %dma_wait3A_16 = arith.constant 0 : i32
    %dma_wait3A_17 = arith.constant 0 : i32
    %dma_wait3A_18 = tpu.memref_slice %arg6[%dma_wait3A_16, %dma_wait3A_17] : memref<81920x128xf32, #tpu.memory_space<hbm>> -> memref<128x128xf32, #tpu.memory_space<hbm>>
    tpu.wait_dma2 semaphore(%arg25 : memref<!tpu.dma_semaphore, #tpu.memory_space<semaphore_mem>>) src(%dma_wait3A_18 : memref<128x128xf32, #tpu.memory_space<hbm>>) dst(%arg13 : memref<128x128xf32, #tpu.memory_space<vmem>>)
    %dma_wait3A_19 = arith.constant 0 : i32
    %dma_wait3A_20 = arith.constant 0 : i32
    %dma_wait3A_21 = tpu.memref_slice %arg5[%dma_wait3A_19, %dma_wait3A_20] : memref<81920x128xf32, #tpu.memory_space<hbm>> -> memref<128x128xf32, #tpu.memory_space<hbm>>
    %dma_wait3A_22 = arith.constant 0 : i32
    %dma_wait3A_23 = arith.constant 0 : i32
    %dma_wait3A_24 = tpu.memref_slice %arg5[%dma_wait3A_22, %dma_wait3A_23] : memref<81920x128xf32, #tpu.memory_space<hbm>> -> memref<128x128xf32, #tpu.memory_space<hbm>>
    tpu.wait_dma2 semaphore(%arg24 : memref<!tpu.dma_semaphore, #tpu.memory_space<semaphore_mem>>) src(%dma_wait3A_24 : memref<128x128xf32, #tpu.memory_space<hbm>>) dst(%arg12 : memref<128x128xf32, #tpu.memory_space<vmem>>)
    %dma_wait3A_25 = arith.constant 0 : i32
    %dma_wait3A_26 = arith.constant 0 : i32
    %dma_wait3A_27 = tpu.memref_slice %arg6[%dma_wait3A_25, %dma_wait3A_26] : memref<81920x128xf32, #tpu.memory_space<hbm>> -> memref<128x128xf32, #tpu.memory_space<hbm>>
    %dma_wait3A_28 = arith.constant 0 : i32
    %dma_wait3A_29 = arith.constant 0 : i32
    %dma_wait3A_30 = tpu.memref_slice %arg6[%dma_wait3A_28, %dma_wait3A_29] : memref<81920x128xf32, #tpu.memory_space<hbm>> -> memref<128x128xf32, #tpu.memory_space<hbm>>
    tpu.wait_dma2 semaphore(%arg26 : memref<!tpu.dma_semaphore, #tpu.memory_space<semaphore_mem>>) src(%dma_wait3A_30 : memref<128x128xf32, #tpu.memory_space<hbm>>) dst(%arg14 : memref<128x128xf32, #tpu.memory_space<vmem>>)
    return
  }
}

module attributes {stable_mosaic.version = 14 : i64} {
  func.func @body(%arg0: i32, %arg1: memref<4x1x500x500xf32, #tpu.memory_space<vmem>>, %arg2: memref<128x500xf32, #tpu.memory_space<vmem>>, %arg3: memref<1x128xf32, #tpu.memory_space<vmem>>, %arg4: memref<4x512x128xf32, #tpu.memory_space<vmem>>) attributes {dimension_semantics = [#tpu.dimension_semantics<arbitrary>], iteration_bounds = array<i64: 5>, scalar_prefetch = 0 : i64, scratch_operands = 0 : i64, tpu.core_type = #tpu.core_type<tc>, window_params = [{transform_indices = @transform_0, window_bounds = array<i64: 4, 1, 500, 500>}, {pipeline_mode = #tpu.pipeline_mode<synchronous>, transform_indices = @transform_1, window_bounds = array<i64: 128, 500>}, {pipeline_mode = #tpu.pipeline_mode<synchronous>, transform_indices = @transform_2, window_bounds = array<i64: 1, 128>}, {transform_indices = @transform_3, window_bounds = array<i64: 4, 512, 128>}]} {
    %iota3A = tpu.iota {dimensions = array<i32: 0>} : vector<512x1xi32>
    %lt3A = arith.constant 500 : i32
    %lt3A_0 = vector.broadcast %lt3A : i32 to vector<512x1xi32>
    %lt3A_1 = arith.cmpi slt, %iota3A, %lt3A_0 : vector<512x1xi32>
    %get3A = arith.constant 0 : index
    %get3A_2 = arith.constant 0 : index
    %get3A_3 = arith.constant 0 : index
    %get3A_4 = arith.constant 0 : index
    %get3A_5 = vector.load %arg1[%get3A, %get3A_2, %get3A_3, %get3A_4] : memref<4x1x500x500xf32, #tpu.memory_space<vmem>>, vector<1x1x500x500xf32>
    %get3A_6 = vector.shape_cast %get3A_5 : vector<1x1x500x500xf32> to vector<500x500xf32>
    %broadcast_in_dim3A = arith.constant 0.000000e+00 : f32
    %broadcast_in_dim3A_7 = vector.broadcast %broadcast_in_dim3A : f32 to vector<12x500xf32>
    %concatenate3A = tpu.concatenate %get3A_6, %broadcast_in_dim3A_7 in 0 : vector<500x500xf32>, vector<12x500xf32> -> vector<512x500xf32>
    %get3A_8 = arith.constant 0 : index
    %get3A_9 = arith.constant 0 : index
    %get3A_10 = vector.load %arg2[%get3A_8, %get3A_9] : memref<128x500xf32, #tpu.memory_space<vmem>>, vector<128x500xf32>
    %dot_general3A = arith.constant dense<0.000000e+00> : vector<512x128xf32>
    %dot_general3A_11 = tpu.matmul %concatenate3A, %get3A_10, %dot_general3A {dimension_numbers = #tpu.dot_dimension_numbers<[1], [1], [0], [0], [0, 0, 1, 0], [], []>, transpose_lhs_hint = false} : vector<512x500xf32>, vector<128x500xf32>, vector<512x128xf32> -> vector<512x128xf32>
    %get3A_12 = arith.constant 0 : index
    %get3A_13 = arith.constant 0 : index
    %get3A_14 = vector.load %arg3[%get3A_12, %get3A_13] : memref<1x128xf32, #tpu.memory_space<vmem>>, vector<1x128xf32>
    %jit3A = arith.constant 0.000000e+00 : f32
    %broadcast_in_dim3A_15 = vector.shape_cast %lt3A_1 : vector<512x1xi1> to vector<512x1xi1>
    %broadcast_in_dim3A_16 = vector.broadcast %broadcast_in_dim3A_15 : vector<512x1xi1> to vector<512x128xi1>
    %broadcast_in_dim3A_17 = vector.shape_cast %get3A_14 : vector<1x128xf32> to vector<1x128xf32>
    %broadcast_in_dim3A_18 = vector.broadcast %broadcast_in_dim3A_17 : vector<1x128xf32> to vector<512x128xf32>
    %broadcast_in_dim3A_19 = vector.broadcast %jit3A : f32 to vector<512x128xf32>
    %select_n3A = arith.select %broadcast_in_dim3A_16, %broadcast_in_dim3A_18, %broadcast_in_dim3A_19 : vector<512x128xi1>, vector<512x128xf32>
    %add3A = arith.addf %dot_general3A_11, %select_n3A : vector<512x128xf32>
    %swap3A = arith.constant 0 : index
    %swap3A_20 = arith.constant 0 : index
    %swap3A_21 = arith.constant 0 : index
    %swap3A_22 = vector.load %arg4[%swap3A, %swap3A_20, %swap3A_21] : memref<4x512x128xf32, #tpu.memory_space<vmem>>, vector<1x512x128xf32>
    %swap3A_23 = vector.shape_cast %swap3A_22 : vector<1x512x128xf32> to vector<512x128xf32>
    %swap3A_24 = vector.shape_cast %add3A : vector<512x128xf32> to vector<1x512x128xf32>
    tpu.vector_store %arg4[%swap3A, %swap3A_20, %swap3A_21], %swap3A_24 {strides = array<i32>} : memref<4x512x128xf32, #tpu.memory_space<vmem>>, vector<1x512x128xf32>,
    %get3A_25 = arith.constant 1 : index
    %get3A_26 = arith.constant 0 : index
    %get3A_27 = arith.constant 0 : index
    %get3A_28 = arith.constant 0 : index
    %get3A_29 = vector.load %arg1[%get3A_25, %get3A_26, %get3A_27, %get3A_28] : memref<4x1x500x500xf32, #tpu.memory_space<vmem>>, vector<1x1x500x500xf32>
    %get3A_30 = vector.shape_cast %get3A_29 : vector<1x1x500x500xf32> to vector<500x500xf32>
    %broadcast_in_dim3A_31 = arith.constant 0.000000e+00 : f32
    %broadcast_in_dim3A_32 = vector.broadcast %broadcast_in_dim3A_31 : f32 to vector<12x500xf32>
    %concatenate3A_33 = tpu.concatenate %get3A_30, %broadcast_in_dim3A_32 in 0 : vector<500x500xf32>, vector<12x500xf32> -> vector<512x500xf32>
    %get3A_34 = arith.constant 0 : index
    %get3A_35 = arith.constant 0 : index
    %get3A_36 = vector.load %arg2[%get3A_34, %get3A_35] : memref<128x500xf32, #tpu.memory_space<vmem>>, vector<128x500xf32>
    %dot_general3A_37 = arith.constant dense<0.000000e+00> : vector<512x128xf32>
    %dot_general3A_38 = tpu.matmul %concatenate3A_33, %get3A_36, %dot_general3A_37 {dimension_numbers = #tpu.dot_dimension_numbers<[1], [1], [0], [0], [0, 0, 1, 0], [], []>, transpose_lhs_hint = false} : vector<512x500xf32>, vector<128x500xf32>, vector<512x128xf32> -> vector<512x128xf32>
    %get3A_39 = arith.constant 0 : index
    %get3A_40 = arith.constant 0 : index
    %get3A_41 = vector.load %arg3[%get3A_39, %get3A_40] : memref<1x128xf32, #tpu.memory_space<vmem>>, vector<1x128xf32>
    %jit3A_42 = arith.constant 0.000000e+00 : f32
    %broadcast_in_dim3A_43 = vector.shape_cast %lt3A_1 : vector<512x1xi1> to vector<512x1xi1>
    %broadcast_in_dim3A_44 = vector.broadcast %broadcast_in_dim3A_43 : vector<512x1xi1> to vector<512x128xi1>
    %broadcast_in_dim3A_45 = vector.shape_cast %get3A_41 : vector<1x128xf32> to vector<1x128xf32>
    %broadcast_in_dim3A_46 = vector.broadcast %broadcast_in_dim3A_45 : vector<1x128xf32> to vector<512x128xf32>
    %broadcast_in_dim3A_47 = vector.broadcast %jit3A_42 : f32 to vector<512x128xf32>
    %select_n3A_48 = arith.select %broadcast_in_dim3A_44, %broadcast_in_dim3A_46, %broadcast_in_dim3A_47 : vector<512x128xi1>, vector<512x128xf32>
    %add3A_49 = arith.addf %dot_general3A_38, %select_n3A_48 : vector<512x128xf32>
    %swap3A_50 = arith.constant 1 : index
    %swap3A_51 = arith.constant 0 : index
    %swap3A_52 = arith.constant 0 : index
    %swap3A_53 = vector.load %arg4[%swap3A_50, %swap3A_51, %swap3A_52] : memref<4x512x128xf32, #tpu.memory_space<vmem>>, vector<1x512x128xf32>
    %swap3A_54 = vector.shape_cast %swap3A_53 : vector<1x512x128xf32> to vector<512x128xf32>
    %swap3A_55 = vector.shape_cast %add3A_49 : vector<512x128xf32> to vector<1x512x128xf32>
    tpu.vector_store %arg4[%swap3A_50, %swap3A_51, %swap3A_52], %swap3A_55 {strides = array<i32>} : memref<4x512x128xf32, #tpu.memory_space<vmem>>, vector<1x512x128xf32>,
    %get3A_56 = arith.constant 2 : index
    %get3A_57 = arith.constant 0 : index
    %get3A_58 = arith.constant 0 : index
    %get3A_59 = arith.constant 0 : index
    %get3A_60 = vector.load %arg1[%get3A_56, %get3A_57, %get3A_58, %get3A_59] : memref<4x1x500x500xf32, #tpu.memory_space<vmem>>, vector<1x1x500x500xf32>
    %get3A_61 = vector.shape_cast %get3A_60 : vector<1x1x500x500xf32> to vector<500x500xf32>
    %broadcast_in_dim3A_62 = arith.constant 0.000000e+00 : f32
    %broadcast_in_dim3A_63 = vector.broadcast %broadcast_in_dim3A_62 : f32 to vector<12x500xf32>
    %concatenate3A_64 = tpu.concatenate %get3A_61, %broadcast_in_dim3A_63 in 0 : vector<500x500xf32>, vector<12x500xf32> -> vector<512x500xf32>
    %get3A_65 = arith.constant 0 : index
    %get3A_66 = arith.constant 0 : index
    %get3A_67 = vector.load %arg2[%get3A_65, %get3A_66] : memref<128x500xf32, #tpu.memory_space<vmem>>, vector<128x500xf32>
    %dot_general3A_68 = arith.constant dense<0.000000e+00> : vector<512x128xf32>
    %dot_general3A_69 = tpu.matmul %concatenate3A_64, %get3A_67, %dot_general3A_68 {dimension_numbers = #tpu.dot_dimension_numbers<[1], [1], [0], [0], [0, 0, 1, 0], [], []>, transpose_lhs_hint = false} : vector<512x500xf32>, vector<128x500xf32>, vector<512x128xf32> -> vector<512x128xf32>
    %get3A_70 = arith.constant 0 : index
    %get3A_71 = arith.constant 0 : index
    %get3A_72 = vector.load %arg3[%get3A_70, %get3A_71] : memref<1x128xf32, #tpu.memory_space<vmem>>, vector<1x128xf32>
    %jit3A_73 = arith.constant 0.000000e+00 : f32
    %broadcast_in_dim3A_74 = vector.shape_cast %lt3A_1 : vector<512x1xi1> to vector<512x1xi1>
    %broadcast_in_dim3A_75 = vector.broadcast %broadcast_in_dim3A_74 : vector<512x1xi1> to vector<512x128xi1>
    %broadcast_in_dim3A_76 = vector.shape_cast %get3A_72 : vector<1x128xf32> to vector<1x128xf32>
    %broadcast_in_dim3A_77 = vector.broadcast %broadcast_in_dim3A_76 : vector<1x128xf32> to vector<512x128xf32>
    %broadcast_in_dim3A_78 = vector.broadcast %jit3A_73 : f32 to vector<512x128xf32>
    %select_n3A_79 = arith.select %broadcast_in_dim3A_75, %broadcast_in_dim3A_77, %broadcast_in_dim3A_78 : vector<512x128xi1>, vector<512x128xf32>
    %add3A_80 = arith.addf %dot_general3A_69, %select_n3A_79 : vector<512x128xf32>
    %swap3A_81 = arith.constant 2 : index
    %swap3A_82 = arith.constant 0 : index
    %swap3A_83 = arith.constant 0 : index
    %swap3A_84 = vector.load %arg4[%swap3A_81, %swap3A_82, %swap3A_83] : memref<4x512x128xf32, #tpu.memory_space<vmem>>, vector<1x512x128xf32>
    %swap3A_85 = vector.shape_cast %swap3A_84 : vector<1x512x128xf32> to vector<512x128xf32>
    %swap3A_86 = vector.shape_cast %add3A_80 : vector<512x128xf32> to vector<1x512x128xf32>
    tpu.vector_store %arg4[%swap3A_81, %swap3A_82, %swap3A_83], %swap3A_86 {strides = array<i32>} : memref<4x512x128xf32, #tpu.memory_space<vmem>>, vector<1x512x128xf32>,
    %get3A_87 = arith.constant 3 : index
    %get3A_88 = arith.constant 0 : index
    %get3A_89 = arith.constant 0 : index
    %get3A_90 = arith.constant 0 : index
    %get3A_91 = vector.load %arg1[%get3A_87, %get3A_88, %get3A_89, %get3A_90] : memref<4x1x500x500xf32, #tpu.memory_space<vmem>>, vector<1x1x500x500xf32>
    %get3A_92 = vector.shape_cast %get3A_91 : vector<1x1x500x500xf32> to vector<500x500xf32>
    %broadcast_in_dim3A_93 = arith.constant 0.000000e+00 : f32
    %broadcast_in_dim3A_94 = vector.broadcast %broadcast_in_dim3A_93 : f32 to vector<12x500xf32>
    %concatenate3A_95 = tpu.concatenate %get3A_92, %broadcast_in_dim3A_94 in 0 : vector<500x500xf32>, vector<12x500xf32> -> vector<512x500xf32>
    %get3A_96 = arith.constant 0 : index
    %get3A_97 = arith.constant 0 : index
    %get3A_98 = vector.load %arg2[%get3A_96, %get3A_97] : memref<128x500xf32, #tpu.memory_space<vmem>>, vector<128x500xf32>
    %dot_general3A_99 = arith.constant dense<0.000000e+00> : vector<512x128xf32>
    %dot_general3A_100 = tpu.matmul %concatenate3A_95, %get3A_98, %dot_general3A_99 {dimension_numbers = #tpu.dot_dimension_numbers<[1], [1], [0], [0], [0, 0, 1, 0], [], []>, transpose_lhs_hint = false} : vector<512x500xf32>, vector<128x500xf32>, vector<512x128xf32> -> vector<512x128xf32>
    %get3A_101 = arith.constant 0 : index
    %get3A_102 = arith.constant 0 : index
    %get3A_103 = vector.load %arg3[%get3A_101, %get3A_102] : memref<1x128xf32, #tpu.memory_space<vmem>>, vector<1x128xf32>
    %jit3A_104 = arith.constant 0.000000e+00 : f32
    %broadcast_in_dim3A_105 = vector.shape_cast %lt3A_1 : vector<512x1xi1> to vector<512x1xi1>
    %broadcast_in_dim3A_106 = vector.broadcast %broadcast_in_dim3A_105 : vector<512x1xi1> to vector<512x128xi1>
    %broadcast_in_dim3A_107 = vector.shape_cast %get3A_103 : vector<1x128xf32> to vector<1x128xf32>
    %broadcast_in_dim3A_108 = vector.broadcast %broadcast_in_dim3A_107 : vector<1x128xf32> to vector<512x128xf32>
    %broadcast_in_dim3A_109 = vector.broadcast %jit3A_104 : f32 to vector<512x128xf32>
    %select_n3A_110 = arith.select %broadcast_in_dim3A_106, %broadcast_in_dim3A_108, %broadcast_in_dim3A_109 : vector<512x128xi1>, vector<512x128xf32>
    %add3A_111 = arith.addf %dot_general3A_100, %select_n3A_110 : vector<512x128xf32>
    %swap3A_112 = arith.constant 3 : index
    %swap3A_113 = arith.constant 0 : index
    %swap3A_114 = arith.constant 0 : index
    %swap3A_115 = vector.load %arg4[%swap3A_112, %swap3A_113, %swap3A_114] : memref<4x512x128xf32, #tpu.memory_space<vmem>>, vector<1x512x128xf32>
    %swap3A_116 = vector.shape_cast %swap3A_115 : vector<1x512x128xf32> to vector<512x128xf32>
    %swap3A_117 = vector.shape_cast %add3A_111 : vector<512x128xf32> to vector<1x512x128xf32>
    tpu.vector_store %arg4[%swap3A_112, %swap3A_113, %swap3A_114], %swap3A_117 {strides = array<i32>} : memref<4x512x128xf32, #tpu.memory_space<vmem>>, vector<1x512x128xf32>,
    return
  }
  func.func @transform_0(%arg0: i32) -> (i32, i32, i32, i32) {
    %c0_i32 = arith.constant 0 : i32
    %c0_i32_0 = arith.constant 0 : i32
    %c0_i32_1 = arith.constant 0 : i32
    %c0_i32_2 = arith.constant 0 : i32
    return %arg0, %c0_i32, %c0_i32_0, %c0_i32_1 : i32, i32, i32, i32
  }
  func.func @transform_1(%arg0: i32) -> (i32, i32) {
    %c0_i32 = arith.constant 0 : i32
    %c0_i32_0 = arith.constant 0 : i32
    %c0_i32_1 = arith.constant 0 : i32
    return %c0_i32, %c0_i32_0 : i32, i32
  }
  func.func @transform_2(%arg0: i32) -> (i32, i32) {
    %c0_i32 = arith.constant 0 : i32
    %c0_i32_0 = arith.constant 0 : i32
    %c0_i32_1 = arith.constant 0 : i32
    return %c0_i32, %c0_i32_0 : i32, i32
  }
  func.func @transform_3(%arg0: i32) -> (i32, i32, i32) {
    %c0_i32 = arith.constant 0 : i32
    %c0_i32_0 = arith.constant 0 : i32
    %c0_i32_1 = arith.constant 0 : i32
    return %arg0, %c0_i32, %c0_i32_0 : i32, i32, i32
  }
}

module attributes {stable_mosaic.version = 14 : i64} {
  func.func @body(%arg0: i32, %arg1: memref<2048x128xf32, #tpu.memory_space<vmem>>, %arg2: memref<2048x128xf32, #tpu.memory_space<vmem>>, %arg3: memref<16x128xi32, #tpu.memory_space<vmem>>, %arg4: memref<16x128xi32, #tpu.memory_space<vmem>>, %arg5: memref<256x128xf32, #tpu.memory_space<vmem>>, %arg6: memref<256x128xf32, #tpu.memory_space<vmem>>, %arg7: memref<1x256xf32, #tpu.memory_space<vmem>>, %arg8: memref<128x128xf32, #tpu.memory_space<vmem>>, %arg9: memref<1x128xf32, #tpu.memory_space<vmem>>, %arg10: memref<128x128xf32, #tpu.memory_space<vmem>>, %arg11: memref<1x128xf32, #tpu.memory_space<vmem>>, %arg12: memref<2048x128xf32, #tpu.memory_space<vmem>>) attributes {dimension_semantics = [#tpu.dimension_semantics<arbitrary>], iteration_bounds = array<i64: 40>, scalar_prefetch = 0 : i64, scratch_operands = 0 : i64, tpu.core_type = #tpu.core_type<tc>, window_params = [{transform_indices = @transform_0, window_bounds = array<i64: 2048, 128>}, {transform_indices = @transform_1, window_bounds = array<i64: 2048, 128>}, {transform_indices = @transform_2, window_bounds = array<i64: 16, 128>}, {transform_indices = @transform_3, window_bounds = array<i64: 16, 128>}, {pipeline_mode = #tpu.pipeline_mode<synchronous>, transform_indices = @transform_4, window_bounds = array<i64: 256, 128>}, {pipeline_mode = #tpu.pipeline_mode<synchronous>, transform_indices = @transform_5, window_bounds = array<i64: 256, 128>}, {pipeline_mode = #tpu.pipeline_mode<synchronous>, transform_indices = @transform_6, window_bounds = array<i64: 1, 256>}, {pipeline_mode = #tpu.pipeline_mode<synchronous>, transform_indices = @transform_7, window_bounds = array<i64: 128, 128>}, {pipeline_mode = #tpu.pipeline_mode<synchronous>, transform_indices = @transform_8, window_bounds = array<i64: 1, 128>}, {pipeline_mode = #tpu.pipeline_mode<synchronous>, transform_indices = @transform_9, window_bounds = array<i64: 128, 128>}, {pipeline_mode = #tpu.pipeline_mode<synchronous>, transform_indices = @transform_10, window_bounds = array<i64: 1, 128>}, {transform_indices = @transform_11, window_bounds = array<i64: 2048, 128>}]} {
    %get3A = arith.constant 0 : index
    %get3A_0 = arith.constant 0 : index
    %get3A_1 = vector.load %arg1[%get3A, %get3A_0] : memref<2048x128xf32, #tpu.memory_space<vmem>>, vector<2048x128xf32>
    %get3A_2 = arith.constant 0 : index
    %get3A_3 = arith.constant 0 : index
    %get3A_4 = vector.load %arg2[%get3A_2, %get3A_3] : memref<2048x128xf32, #tpu.memory_space<vmem>>, vector<2048x128xf32>
    %sub3A = arith.subf %get3A_1, %get3A_4 : vector<2048x128xf32>
    %get3A_5 = arith.constant 0 : index
    %get3A_6 = arith.constant 0 : index
    %get3A_7 = vector.load %arg3[%get3A_5, %get3A_6] : memref<16x128xi32, #tpu.memory_space<vmem>>, vector<16x128xi32>
    %get3A_8 = arith.constant 0 : index
    %get3A_9 = arith.constant 0 : index
    %get3A_10 = vector.load %arg4[%get3A_8, %get3A_9] : memref<16x128xi32, #tpu.memory_space<vmem>>, vector<16x128xi32>
    %iota3A = tpu.iota {dimensions = array<i32: 0>} : vector<128x128xi32>
    %lt3A = arith.constant 64 : i32
    %lt3A_11 = vector.broadcast %lt3A : i32 to vector<128x128xi32>
    %lt3A_12 = arith.cmpi slt, %iota3A, %lt3A_11 : vector<128x128xi32>
    %slice3A = vector.extract_strided_slice %get3A_7 {offsets = [0, 0], sizes = [1, 128], strides = [1, 1]} : vector<16x128xi32> to vector<1x128xi32>
    %slice3A_13 = vector.extract_strided_slice %get3A_10 {offsets = [0, 0], sizes = [1, 128], strides = [1, 1]} : vector<16x128xi32> to vector<1x128xi32>
    %add3A = arith.constant 64 : i32
    %add3A_14 = vector.broadcast %add3A : i32 to vector<1x128xi32>
    %add3A_15 = arith.addi %slice3A_13, %add3A_14 : vector<1x128xi32>
    %broadcast_in_dim3A = vector.shape_cast %slice3A : vector<1x128xi32> to vector<1x128xi32>
    %broadcast_in_dim3A_16 = vector.broadcast %broadcast_in_dim3A : vector<1x128xi32> to vector<128x128xi32>
    %broadcast_in_dim3A_17 = vector.shape_cast %add3A_15 : vector<1x128xi32> to vector<1x128xi32>
    %broadcast_in_dim3A_18 = vector.broadcast %broadcast_in_dim3A_17 : vector<1x128xi32> to vector<128x128xi32>
    %select_n3A = arith.select %lt3A_12, %broadcast_in_dim3A_16, %broadcast_in_dim3A_18 : vector<128x128xi1>, vector<128x128xi32>
    %eq3A = arith.cmpi eq, %select_n3A, %iota3A : vector<128x128xi32>
    %convert_element_type3A = arith.extui %eq3A : vector<128x128xi1> to vector<128x128xi32>
    %convert_element_type3A_19 = arith.sitofp %convert_element_type3A : vector<128x128xi32> to vector<128x128xf32>
    %get3A_20 = arith.constant 0 : index
    %get3A_21 = arith.constant 0 : index
    %get3A_22 = vector.load %arg6[%get3A_20, %get3A_21] : memref<256x128xf32, #tpu.memory_space<vmem>>, vector<256x128xf32>
    %dot_general3A = arith.constant dense<0.000000e+00> : vector<128x256xf32>
    %dot_general3A_23 = tpu.matmul %convert_element_type3A_19, %get3A_22, %dot_general3A {dimension_numbers = #tpu.dot_dimension_numbers<[0], [1], [1], [0], [0, 1, 1, 0], [], []>, transpose_lhs_hint = false} : vector<128x128xf32>, vector<256x128xf32>, vector<128x256xf32> -> vector<128x256xf32>
    %lt3A_24 = arith.constant 64 : i32
    %lt3A_25 = vector.broadcast %lt3A_24 : i32 to vector<128x128xi32>
    %lt3A_26 = arith.cmpi slt, %iota3A, %lt3A_25 : vector<128x128xi32>
    %slice3A_27 = vector.extract_strided_slice %get3A_7 {offsets = [1, 0], sizes = [1, 128], strides = [1, 1]} : vector<16x128xi32> to vector<1x128xi32>
    %slice3A_28 = vector.extract_strided_slice %get3A_10 {offsets = [1, 0], sizes = [1, 128], strides = [1, 1]} : vector<16x128xi32> to vector<1x128xi32>
    %add3A_29 = arith.constant 64 : i32
    %add3A_30 = vector.broadcast %add3A_29 : i32 to vector<1x128xi32>
    %add3A_31 = arith.addi %slice3A_28, %add3A_30 : vector<1x128xi32>
    %broadcast_in_dim3A_32 = vector.shape_cast %slice3A_27 : vector<1x128xi32> to vector<1x128xi32>
    %broadcast_in_dim3A_33 = vector.broadcast %broadcast_in_dim3A_32 : vector<1x128xi32> to vector<128x128xi32>
    %broadcast_in_dim3A_34 = vector.shape_cast %add3A_31 : vector<1x128xi32> to vector<1x128xi32>
    %broadcast_in_dim3A_35 = vector.broadcast %broadcast_in_dim3A_34 : vector<1x128xi32> to vector<128x128xi32>
    %select_n3A_36 = arith.select %lt3A_26, %broadcast_in_dim3A_33, %broadcast_in_dim3A_35 : vector<128x128xi1>, vector<128x128xi32>
    %eq3A_37 = arith.cmpi eq, %select_n3A_36, %iota3A : vector<128x128xi32>
    %convert_element_type3A_38 = arith.extui %eq3A_37 : vector<128x128xi1> to vector<128x128xi32>
    %convert_element_type3A_39 = arith.sitofp %convert_element_type3A_38 : vector<128x128xi32> to vector<128x128xf32>
    %get3A_40 = arith.constant 0 : index
    %get3A_41 = arith.constant 0 : index
    %get3A_42 = vector.load %arg6[%get3A_40, %get3A_41] : memref<256x128xf32, #tpu.memory_space<vmem>>, vector<256x128xf32>
    %dot_general3A_43 = arith.constant dense<0.000000e+00> : vector<128x256xf32>
    %dot_general3A_44 = tpu.matmul %convert_element_type3A_39, %get3A_42, %dot_general3A_43 {dimension_numbers = #tpu.dot_dimension_numbers<[0], [1], [1], [0], [0, 1, 1, 0], [], []>, transpose_lhs_hint = false} : vector<128x128xf32>, vector<256x128xf32>, vector<128x256xf32> -> vector<128x256xf32>
    %lt3A_45 = arith.constant 64 : i32
    %lt3A_46 = vector.broadcast %lt3A_45 : i32 to vector<128x128xi32>
    %lt3A_47 = arith.cmpi slt, %iota3A, %lt3A_46 : vector<128x128xi32>
    %slice3A_48 = vector.extract_strided_slice %get3A_7 {offsets = [2, 0], sizes = [1, 128], strides = [1, 1]} : vector<16x128xi32> to vector<1x128xi32>
    %slice3A_49 = vector.extract_strided_slice %get3A_10 {offsets = [2, 0], sizes = [1, 128], strides = [1, 1]} : vector<16x128xi32> to vector<1x128xi32>
    %add3A_50 = arith.constant 64 : i32
    %add3A_51 = vector.broadcast %add3A_50 : i32 to vector<1x128xi32>
    %add3A_52 = arith.addi %slice3A_49, %add3A_51 : vector<1x128xi32>
    %broadcast_in_dim3A_53 = vector.shape_cast %slice3A_48 : vector<1x128xi32> to vector<1x128xi32>
    %broadcast_in_dim3A_54 = vector.broadcast %broadcast_in_dim3A_53 : vector<1x128xi32> to vector<128x128xi32>
    %broadcast_in_dim3A_55 = vector.shape_cast %add3A_52 : vector<1x128xi32> to vector<1x128xi32>
    %broadcast_in_dim3A_56 = vector.broadcast %broadcast_in_dim3A_55 : vector<1x128xi32> to vector<128x128xi32>
    %select_n3A_57 = arith.select %lt3A_47, %broadcast_in_dim3A_54, %broadcast_in_dim3A_56 : vector<128x128xi1>, vector<128x128xi32>
    %eq3A_58 = arith.cmpi eq, %select_n3A_57, %iota3A : vector<128x128xi32>
    %convert_element_type3A_59 = arith.extui %eq3A_58 : vector<128x128xi1> to vector<128x128xi32>
    %convert_element_type3A_60 = arith.sitofp %convert_element_type3A_59 : vector<128x128xi32> to vector<128x128xf32>
    %get3A_61 = arith.constant 0 : index
    %get3A_62 = arith.constant 0 : index
    %get3A_63 = vector.load %arg6[%get3A_61, %get3A_62] : memref<256x128xf32, #tpu.memory_space<vmem>>, vector<256x128xf32>
    %dot_general3A_64 = arith.constant dense<0.000000e+00> : vector<128x256xf32>
    %dot_general3A_65 = tpu.matmul %convert_element_type3A_60, %get3A_63, %dot_general3A_64 {dimension_numbers = #tpu.dot_dimension_numbers<[0], [1], [1], [0], [0, 1, 1, 0], [], []>, transpose_lhs_hint = false} : vector<128x128xf32>, vector<256x128xf32>, vector<128x256xf32> -> vector<128x256xf32>
    %lt3A_66 = arith.constant 64 : i32
    %lt3A_67 = vector.broadcast %lt3A_66 : i32 to vector<128x128xi32>
    %lt3A_68 = arith.cmpi slt, %iota3A, %lt3A_67 : vector<128x128xi32>
    %slice3A_69 = vector.extract_strided_slice %get3A_7 {offsets = [3, 0], sizes = [1, 128], strides = [1, 1]} : vector<16x128xi32> to vector<1x128xi32>
    %slice3A_70 = vector.extract_strided_slice %get3A_10 {offsets = [3, 0], sizes = [1, 128], strides = [1, 1]} : vector<16x128xi32> to vector<1x128xi32>
    %add3A_71 = arith.constant 64 : i32
    %add3A_72 = vector.broadcast %add3A_71 : i32 to vector<1x128xi32>
    %add3A_73 = arith.addi %slice3A_70, %add3A_72 : vector<1x128xi32>
    %broadcast_in_dim3A_74 = vector.shape_cast %slice3A_69 : vector<1x128xi32> to vector<1x128xi32>
    %broadcast_in_dim3A_75 = vector.broadcast %broadcast_in_dim3A_74 : vector<1x128xi32> to vector<128x128xi32>
    %broadcast_in_dim3A_76 = vector.shape_cast %add3A_73 : vector<1x128xi32> to vector<1x128xi32>
    %broadcast_in_dim3A_77 = vector.broadcast %broadcast_in_dim3A_76 : vector<1x128xi32> to vector<128x128xi32>
    %select_n3A_78 = arith.select %lt3A_68, %broadcast_in_dim3A_75, %broadcast_in_dim3A_77 : vector<128x128xi1>, vector<128x128xi32>
    %eq3A_79 = arith.cmpi eq, %select_n3A_78, %iota3A : vector<128x128xi32>
    %convert_element_type3A_80 = arith.extui %eq3A_79 : vector<128x128xi1> to vector<128x128xi32>
    %convert_element_type3A_81 = arith.sitofp %convert_element_type3A_80 : vector<128x128xi32> to vector<128x128xf32>
    %get3A_82 = arith.constant 0 : index
    %get3A_83 = arith.constant 0 : index
    %get3A_84 = vector.load %arg6[%get3A_82, %get3A_83] : memref<256x128xf32, #tpu.memory_space<vmem>>, vector<256x128xf32>
    %dot_general3A_85 = arith.constant dense<0.000000e+00> : vector<128x256xf32>
    %dot_general3A_86 = tpu.matmul %convert_element_type3A_81, %get3A_84, %dot_general3A_85 {dimension_numbers = #tpu.dot_dimension_numbers<[0], [1], [1], [0], [0, 1, 1, 0], [], []>, transpose_lhs_hint = false} : vector<128x128xf32>, vector<256x128xf32>, vector<128x256xf32> -> vector<128x256xf32>
    %lt3A_87 = arith.constant 64 : i32
    %lt3A_88 = vector.broadcast %lt3A_87 : i32 to vector<128x128xi32>
    %lt3A_89 = arith.cmpi slt, %iota3A, %lt3A_88 : vector<128x128xi32>
    %slice3A_90 = vector.extract_strided_slice %get3A_7 {offsets = [4, 0], sizes = [1, 128], strides = [1, 1]} : vector<16x128xi32> to vector<1x128xi32>
    %slice3A_91 = vector.extract_strided_slice %get3A_10 {offsets = [4, 0], sizes = [1, 128], strides = [1, 1]} : vector<16x128xi32> to vector<1x128xi32>
    %add3A_92 = arith.constant 64 : i32
    %add3A_93 = vector.broadcast %add3A_92 : i32 to vector<1x128xi32>
    %add3A_94 = arith.addi %slice3A_91, %add3A_93 : vector<1x128xi32>
    %broadcast_in_dim3A_95 = vector.shape_cast %slice3A_90 : vector<1x128xi32> to vector<1x128xi32>
    %broadcast_in_dim3A_96 = vector.broadcast %broadcast_in_dim3A_95 : vector<1x128xi32> to vector<128x128xi32>
    %broadcast_in_dim3A_97 = vector.shape_cast %add3A_94 : vector<1x128xi32> to vector<1x128xi32>
    %broadcast_in_dim3A_98 = vector.broadcast %broadcast_in_dim3A_97 : vector<1x128xi32> to vector<128x128xi32>
    %select_n3A_99 = arith.select %lt3A_89, %broadcast_in_dim3A_96, %broadcast_in_dim3A_98 : vector<128x128xi1>, vector<128x128xi32>
    %eq3A_100 = arith.cmpi eq, %select_n3A_99, %iota3A : vector<128x128xi32>
    %convert_element_type3A_101 = arith.extui %eq3A_100 : vector<128x128xi1> to vector<128x128xi32>
    %convert_element_type3A_102 = arith.sitofp %convert_element_type3A_101 : vector<128x128xi32> to vector<128x128xf32>
    %get3A_103 = arith.constant 0 : index
    %get3A_104 = arith.constant 0 : index
    %get3A_105 = vector.load %arg6[%get3A_103, %get3A_104] : memref<256x128xf32, #tpu.memory_space<vmem>>, vector<256x128xf32>
    %dot_general3A_106 = arith.constant dense<0.000000e+00> : vector<128x256xf32>
    %dot_general3A_107 = tpu.matmul %convert_element_type3A_102, %get3A_105, %dot_general3A_106 {dimension_numbers = #tpu.dot_dimension_numbers<[0], [1], [1], [0], [0, 1, 1, 0], [], []>, transpose_lhs_hint = false} : vector<128x128xf32>, vector<256x128xf32>, vector<128x256xf32> -> vector<128x256xf32>
    %lt3A_108 = arith.constant 64 : i32
    %lt3A_109 = vector.broadcast %lt3A_108 : i32 to vector<128x128xi32>
    %lt3A_110 = arith.cmpi slt, %iota3A, %lt3A_109 : vector<128x128xi32>
    %slice3A_111 = vector.extract_strided_slice %get3A_7 {offsets = [5, 0], sizes = [1, 128], strides = [1, 1]} : vector<16x128xi32> to vector<1x128xi32>
    %slice3A_112 = vector.extract_strided_slice %get3A_10 {offsets = [5, 0], sizes = [1, 128], strides = [1, 1]} : vector<16x128xi32> to vector<1x128xi32>
    %add3A_113 = arith.constant 64 : i32
    %add3A_114 = vector.broadcast %add3A_113 : i32 to vector<1x128xi32>
    %add3A_115 = arith.addi %slice3A_112, %add3A_114 : vector<1x128xi32>
    %broadcast_in_dim3A_116 = vector.shape_cast %slice3A_111 : vector<1x128xi32> to vector<1x128xi32>
    %broadcast_in_dim3A_117 = vector.broadcast %broadcast_in_dim3A_116 : vector<1x128xi32> to vector<128x128xi32>
    %broadcast_in_dim3A_118 = vector.shape_cast %add3A_115 : vector<1x128xi32> to vector<1x128xi32>
    %broadcast_in_dim3A_119 = vector.broadcast %broadcast_in_dim3A_118 : vector<1x128xi32> to vector<128x128xi32>
    %select_n3A_120 = arith.select %lt3A_110, %broadcast_in_dim3A_117, %broadcast_in_dim3A_119 : vector<128x128xi1>, vector<128x128xi32>
    %eq3A_121 = arith.cmpi eq, %select_n3A_120, %iota3A : vector<128x128xi32>
    %convert_element_type3A_122 = arith.extui %eq3A_121 : vector<128x128xi1> to vector<128x128xi32>
    %convert_element_type3A_123 = arith.sitofp %convert_element_type3A_122 : vector<128x128xi32> to vector<128x128xf32>
    %get3A_124 = arith.constant 0 : index
    %get3A_125 = arith.constant 0 : index
    %get3A_126 = vector.load %arg6[%get3A_124, %get3A_125] : memref<256x128xf32, #tpu.memory_space<vmem>>, vector<256x128xf32>
    %dot_general3A_127 = arith.constant dense<0.000000e+00> : vector<128x256xf32>
    %dot_general3A_128 = tpu.matmul %convert_element_type3A_123, %get3A_126, %dot_general3A_127 {dimension_numbers = #tpu.dot_dimension_numbers<[0], [1], [1], [0], [0, 1, 1, 0], [], []>, transpose_lhs_hint = false} : vector<128x128xf32>, vector<256x128xf32>, vector<128x256xf32> -> vector<128x256xf32>
    %lt3A_129 = arith.constant 64 : i32
    %lt3A_130 = vector.broadcast %lt3A_129 : i32 to vector<128x128xi32>
    %lt3A_131 = arith.cmpi slt, %iota3A, %lt3A_130 : vector<128x128xi32>
    %slice3A_132 = vector.extract_strided_slice %get3A_7 {offsets = [6, 0], sizes = [1, 128], strides = [1, 1]} : vector<16x128xi32> to vector<1x128xi32>
    %slice3A_133 = vector.extract_strided_slice %get3A_10 {offsets = [6, 0], sizes = [1, 128], strides = [1, 1]} : vector<16x128xi32> to vector<1x128xi32>
    %add3A_134 = arith.constant 64 : i32
    %add3A_135 = vector.broadcast %add3A_134 : i32 to vector<1x128xi32>
    %add3A_136 = arith.addi %slice3A_133, %add3A_135 : vector<1x128xi32>
    %broadcast_in_dim3A_137 = vector.shape_cast %slice3A_132 : vector<1x128xi32> to vector<1x128xi32>
    %broadcast_in_dim3A_138 = vector.broadcast %broadcast_in_dim3A_137 : vector<1x128xi32> to vector<128x128xi32>
    %broadcast_in_dim3A_139 = vector.shape_cast %add3A_136 : vector<1x128xi32> to vector<1x128xi32>
    %broadcast_in_dim3A_140 = vector.broadcast %broadcast_in_dim3A_139 : vector<1x128xi32> to vector<128x128xi32>
    %select_n3A_141 = arith.select %lt3A_131, %broadcast_in_dim3A_138, %broadcast_in_dim3A_140 : vector<128x128xi1>, vector<128x128xi32>
    %eq3A_142 = arith.cmpi eq, %select_n3A_141, %iota3A : vector<128x128xi32>
    %convert_element_type3A_143 = arith.extui %eq3A_142 : vector<128x128xi1> to vector<128x128xi32>
    %convert_element_type3A_144 = arith.sitofp %convert_element_type3A_143 : vector<128x128xi32> to vector<128x128xf32>
    %get3A_145 = arith.constant 0 : index
    %get3A_146 = arith.constant 0 : index
    %get3A_147 = vector.load %arg6[%get3A_145, %get3A_146] : memref<256x128xf32, #tpu.memory_space<vmem>>, vector<256x128xf32>
    %dot_general3A_148 = arith.constant dense<0.000000e+00> : vector<128x256xf32>
    %dot_general3A_149 = tpu.matmul %convert_element_type3A_144, %get3A_147, %dot_general3A_148 {dimension_numbers = #tpu.dot_dimension_numbers<[0], [1], [1], [0], [0, 1, 1, 0], [], []>, transpose_lhs_hint = false} : vector<128x128xf32>, vector<256x128xf32>, vector<128x256xf32> -> vector<128x256xf32>
    %lt3A_150 = arith.constant 64 : i32
    %lt3A_151 = vector.broadcast %lt3A_150 : i32 to vector<128x128xi32>
    %lt3A_152 = arith.cmpi slt, %iota3A, %lt3A_151 : vector<128x128xi32>
    %slice3A_153 = vector.extract_strided_slice %get3A_7 {offsets = [7, 0], sizes = [1, 128], strides = [1, 1]} : vector<16x128xi32> to vector<1x128xi32>
    %slice3A_154 = vector.extract_strided_slice %get3A_10 {offsets = [7, 0], sizes = [1, 128], strides = [1, 1]} : vector<16x128xi32> to vector<1x128xi32>
    %add3A_155 = arith.constant 64 : i32
    %add3A_156 = vector.broadcast %add3A_155 : i32 to vector<1x128xi32>
    %add3A_157 = arith.addi %slice3A_154, %add3A_156 : vector<1x128xi32>
    %broadcast_in_dim3A_158 = vector.shape_cast %slice3A_153 : vector<1x128xi32> to vector<1x128xi32>
    %broadcast_in_dim3A_159 = vector.broadcast %broadcast_in_dim3A_158 : vector<1x128xi32> to vector<128x128xi32>
    %broadcast_in_dim3A_160 = vector.shape_cast %add3A_157 : vector<1x128xi32> to vector<1x128xi32>
    %broadcast_in_dim3A_161 = vector.broadcast %broadcast_in_dim3A_160 : vector<1x128xi32> to vector<128x128xi32>
    %select_n3A_162 = arith.select %lt3A_152, %broadcast_in_dim3A_159, %broadcast_in_dim3A_161 : vector<128x128xi1>, vector<128x128xi32>
    %eq3A_163 = arith.cmpi eq, %select_n3A_162, %iota3A : vector<128x128xi32>
    %convert_element_type3A_164 = arith.extui %eq3A_163 : vector<128x128xi1> to vector<128x128xi32>
    %convert_element_type3A_165 = arith.sitofp %convert_element_type3A_164 : vector<128x128xi32> to vector<128x128xf32>
    %get3A_166 = arith.constant 0 : index
    %get3A_167 = arith.constant 0 : index
    %get3A_168 = vector.load %arg6[%get3A_166, %get3A_167] : memref<256x128xf32, #tpu.memory_space<vmem>>, vector<256x128xf32>
    %dot_general3A_169 = arith.constant dense<0.000000e+00> : vector<128x256xf32>
    %dot_general3A_170 = tpu.matmul %convert_element_type3A_165, %get3A_168, %dot_general3A_169 {dimension_numbers = #tpu.dot_dimension_numbers<[0], [1], [1], [0], [0, 1, 1, 0], [], []>, transpose_lhs_hint = false} : vector<128x128xf32>, vector<256x128xf32>, vector<128x256xf32> -> vector<128x256xf32>
    %lt3A_171 = arith.constant 64 : i32
    %lt3A_172 = vector.broadcast %lt3A_171 : i32 to vector<128x128xi32>
    %lt3A_173 = arith.cmpi slt, %iota3A, %lt3A_172 : vector<128x128xi32>
    %slice3A_174 = vector.extract_strided_slice %get3A_7 {offsets = [8, 0], sizes = [1, 128], strides = [1, 1]} : vector<16x128xi32> to vector<1x128xi32>
    %slice3A_175 = vector.extract_strided_slice %get3A_10 {offsets = [8, 0], sizes = [1, 128], strides = [1, 1]} : vector<16x128xi32> to vector<1x128xi32>
    %add3A_176 = arith.constant 64 : i32
    %add3A_177 = vector.broadcast %add3A_176 : i32 to vector<1x128xi32>
    %add3A_178 = arith.addi %slice3A_175, %add3A_177 : vector<1x128xi32>
    %broadcast_in_dim3A_179 = vector.shape_cast %slice3A_174 : vector<1x128xi32> to vector<1x128xi32>
    %broadcast_in_dim3A_180 = vector.broadcast %broadcast_in_dim3A_179 : vector<1x128xi32> to vector<128x128xi32>
    %broadcast_in_dim3A_181 = vector.shape_cast %add3A_178 : vector<1x128xi32> to vector<1x128xi32>
    %broadcast_in_dim3A_182 = vector.broadcast %broadcast_in_dim3A_181 : vector<1x128xi32> to vector<128x128xi32>
    %select_n3A_183 = arith.select %lt3A_173, %broadcast_in_dim3A_180, %broadcast_in_dim3A_182 : vector<128x128xi1>, vector<128x128xi32>
    %eq3A_184 = arith.cmpi eq, %select_n3A_183, %iota3A : vector<128x128xi32>
    %convert_element_type3A_185 = arith.extui %eq3A_184 : vector<128x128xi1> to vector<128x128xi32>
    %convert_element_type3A_186 = arith.sitofp %convert_element_type3A_185 : vector<128x128xi32> to vector<128x128xf32>
    %get3A_187 = arith.constant 0 : index
    %get3A_188 = arith.constant 0 : index
    %get3A_189 = vector.load %arg6[%get3A_187, %get3A_188] : memref<256x128xf32, #tpu.memory_space<vmem>>, vector<256x128xf32>
    %dot_general3A_190 = arith.constant dense<0.000000e+00> : vector<128x256xf32>
    %dot_general3A_191 = tpu.matmul %convert_element_type3A_186, %get3A_189, %dot_general3A_190 {dimension_numbers = #tpu.dot_dimension_numbers<[0], [1], [1], [0], [0, 1, 1, 0], [], []>, transpose_lhs_hint = false} : vector<128x128xf32>, vector<256x128xf32>, vector<128x256xf32> -> vector<128x256xf32>
    %lt3A_192 = arith.constant 64 : i32
    %lt3A_193 = vector.broadcast %lt3A_192 : i32 to vector<128x128xi32>
    %lt3A_194 = arith.cmpi slt, %iota3A, %lt3A_193 : vector<128x128xi32>
    %slice3A_195 = vector.extract_strided_slice %get3A_7 {offsets = [9, 0], sizes = [1, 128], strides = [1, 1]} : vector<16x128xi32> to vector<1x128xi32>
    %slice3A_196 = vector.extract_strided_slice %get3A_10 {offsets = [9, 0], sizes = [1, 128], strides = [1, 1]} : vector<16x128xi32> to vector<1x128xi32>
    %add3A_197 = arith.constant 64 : i32
    %add3A_198 = vector.broadcast %add3A_197 : i32 to vector<1x128xi32>
    %add3A_199 = arith.addi %slice3A_196, %add3A_198 : vector<1x128xi32>
    %broadcast_in_dim3A_200 = vector.shape_cast %slice3A_195 : vector<1x128xi32> to vector<1x128xi32>
    %broadcast_in_dim3A_201 = vector.broadcast %broadcast_in_dim3A_200 : vector<1x128xi32> to vector<128x128xi32>
    %broadcast_in_dim3A_202 = vector.shape_cast %add3A_199 : vector<1x128xi32> to vector<1x128xi32>
    %broadcast_in_dim3A_203 = vector.broadcast %broadcast_in_dim3A_202 : vector<1x128xi32> to vector<128x128xi32>
    %select_n3A_204 = arith.select %lt3A_194, %broadcast_in_dim3A_201, %broadcast_in_dim3A_203 : vector<128x128xi1>, vector<128x128xi32>
    %eq3A_205 = arith.cmpi eq, %select_n3A_204, %iota3A : vector<128x128xi32>
    %convert_element_type3A_206 = arith.extui %eq3A_205 : vector<128x128xi1> to vector<128x128xi32>
    %convert_element_type3A_207 = arith.sitofp %convert_element_type3A_206 : vector<128x128xi32> to vector<128x128xf32>
    %get3A_208 = arith.constant 0 : index
    %get3A_209 = arith.constant 0 : index
    %get3A_210 = vector.load %arg6[%get3A_208, %get3A_209] : memref<256x128xf32, #tpu.memory_space<vmem>>, vector<256x128xf32>
    %dot_general3A_211 = arith.constant dense<0.000000e+00> : vector<128x256xf32>
    %dot_general3A_212 = tpu.matmul %convert_element_type3A_207, %get3A_210, %dot_general3A_211 {dimension_numbers = #tpu.dot_dimension_numbers<[0], [1], [1], [0], [0, 1, 1, 0], [], []>, transpose_lhs_hint = false} : vector<128x128xf32>, vector<256x128xf32>, vector<128x256xf32> -> vector<128x256xf32>
    %lt3A_213 = arith.constant 64 : i32
    %lt3A_214 = vector.broadcast %lt3A_213 : i32 to vector<128x128xi32>
    %lt3A_215 = arith.cmpi slt, %iota3A, %lt3A_214 : vector<128x128xi32>
    %slice3A_216 = vector.extract_strided_slice %get3A_7 {offsets = [10, 0], sizes = [1, 128], strides = [1, 1]} : vector<16x128xi32> to vector<1x128xi32>
    %slice3A_217 = vector.extract_strided_slice %get3A_10 {offsets = [10, 0], sizes = [1, 128], strides = [1, 1]} : vector<16x128xi32> to vector<1x128xi32>
    %add3A_218 = arith.constant 64 : i32
    %add3A_219 = vector.broadcast %add3A_218 : i32 to vector<1x128xi32>
    %add3A_220 = arith.addi %slice3A_217, %add3A_219 : vector<1x128xi32>
    %broadcast_in_dim3A_221 = vector.shape_cast %slice3A_216 : vector<1x128xi32> to vector<1x128xi32>
    %broadcast_in_dim3A_222 = vector.broadcast %broadcast_in_dim3A_221 : vector<1x128xi32> to vector<128x128xi32>
    %broadcast_in_dim3A_223 = vector.shape_cast %add3A_220 : vector<1x128xi32> to vector<1x128xi32>
    %broadcast_in_dim3A_224 = vector.broadcast %broadcast_in_dim3A_223 : vector<1x128xi32> to vector<128x128xi32>
    %select_n3A_225 = arith.select %lt3A_215, %broadcast_in_dim3A_222, %broadcast_in_dim3A_224 : vector<128x128xi1>, vector<128x128xi32>
    %eq3A_226 = arith.cmpi eq, %select_n3A_225, %iota3A : vector<128x128xi32>
    %convert_element_type3A_227 = arith.extui %eq3A_226 : vector<128x128xi1> to vector<128x128xi32>
    %convert_element_type3A_228 = arith.sitofp %convert_element_type3A_227 : vector<128x128xi32> to vector<128x128xf32>
    %get3A_229 = arith.constant 0 : index
    %get3A_230 = arith.constant 0 : index
    %get3A_231 = vector.load %arg6[%get3A_229, %get3A_230] : memref<256x128xf32, #tpu.memory_space<vmem>>, vector<256x128xf32>
    %dot_general3A_232 = arith.constant dense<0.000000e+00> : vector<128x256xf32>
    %dot_general3A_233 = tpu.matmul %convert_element_type3A_228, %get3A_231, %dot_general3A_232 {dimension_numbers = #tpu.dot_dimension_numbers<[0], [1], [1], [0], [0, 1, 1, 0], [], []>, transpose_lhs_hint = false} : vector<128x128xf32>, vector<256x128xf32>, vector<128x256xf32> -> vector<128x256xf32>
    %lt3A_234 = arith.constant 64 : i32
    %lt3A_235 = vector.broadcast %lt3A_234 : i32 to vector<128x128xi32>
    %lt3A_236 = arith.cmpi slt, %iota3A, %lt3A_235 : vector<128x128xi32>
    %slice3A_237 = vector.extract_strided_slice %get3A_7 {offsets = [11, 0], sizes = [1, 128], strides = [1, 1]} : vector<16x128xi32> to vector<1x128xi32>
    %slice3A_238 = vector.extract_strided_slice %get3A_10 {offsets = [11, 0], sizes = [1, 128], strides = [1, 1]} : vector<16x128xi32> to vector<1x128xi32>
    %add3A_239 = arith.constant 64 : i32
    %add3A_240 = vector.broadcast %add3A_239 : i32 to vector<1x128xi32>
    %add3A_241 = arith.addi %slice3A_238, %add3A_240 : vector<1x128xi32>
    %broadcast_in_dim3A_242 = vector.shape_cast %slice3A_237 : vector<1x128xi32> to vector<1x128xi32>
    %broadcast_in_dim3A_243 = vector.broadcast %broadcast_in_dim3A_242 : vector<1x128xi32> to vector<128x128xi32>
    %broadcast_in_dim3A_244 = vector.shape_cast %add3A_241 : vector<1x128xi32> to vector<1x128xi32>
    %broadcast_in_dim3A_245 = vector.broadcast %broadcast_in_dim3A_244 : vector<1x128xi32> to vector<128x128xi32>
    %select_n3A_246 = arith.select %lt3A_236, %broadcast_in_dim3A_243, %broadcast_in_dim3A_245 : vector<128x128xi1>, vector<128x128xi32>
    %eq3A_247 = arith.cmpi eq, %select_n3A_246, %iota3A : vector<128x128xi32>
    %convert_element_type3A_248 = arith.extui %eq3A_247 : vector<128x128xi1> to vector<128x128xi32>
    %convert_element_type3A_249 = arith.sitofp %convert_element_type3A_248 : vector<128x128xi32> to vector<128x128xf32>
    %get3A_250 = arith.constant 0 : index
    %get3A_251 = arith.constant 0 : index
    %get3A_252 = vector.load %arg6[%get3A_250, %get3A_251] : memref<256x128xf32, #tpu.memory_space<vmem>>, vector<256x128xf32>
    %dot_general3A_253 = arith.constant dense<0.000000e+00> : vector<128x256xf32>
    %dot_general3A_254 = tpu.matmul %convert_element_type3A_249, %get3A_252, %dot_general3A_253 {dimension_numbers = #tpu.dot_dimension_numbers<[0], [1], [1], [0], [0, 1, 1, 0], [], []>, transpose_lhs_hint = false} : vector<128x128xf32>, vector<256x128xf32>, vector<128x256xf32> -> vector<128x256xf32>
    %lt3A_255 = arith.constant 64 : i32
    %lt3A_256 = vector.broadcast %lt3A_255 : i32 to vector<128x128xi32>
    %lt3A_257 = arith.cmpi slt, %iota3A, %lt3A_256 : vector<128x128xi32>
    %slice3A_258 = vector.extract_strided_slice %get3A_7 {offsets = [12, 0], sizes = [1, 128], strides = [1, 1]} : vector<16x128xi32> to vector<1x128xi32>
    %slice3A_259 = vector.extract_strided_slice %get3A_10 {offsets = [12, 0], sizes = [1, 128], strides = [1, 1]} : vector<16x128xi32> to vector<1x128xi32>
    %add3A_260 = arith.constant 64 : i32
    %add3A_261 = vector.broadcast %add3A_260 : i32 to vector<1x128xi32>
    %add3A_262 = arith.addi %slice3A_259, %add3A_261 : vector<1x128xi32>
    %broadcast_in_dim3A_263 = vector.shape_cast %slice3A_258 : vector<1x128xi32> to vector<1x128xi32>
    %broadcast_in_dim3A_264 = vector.broadcast %broadcast_in_dim3A_263 : vector<1x128xi32> to vector<128x128xi32>
    %broadcast_in_dim3A_265 = vector.shape_cast %add3A_262 : vector<1x128xi32> to vector<1x128xi32>
    %broadcast_in_dim3A_266 = vector.broadcast %broadcast_in_dim3A_265 : vector<1x128xi32> to vector<128x128xi32>
    %select_n3A_267 = arith.select %lt3A_257, %broadcast_in_dim3A_264, %broadcast_in_dim3A_266 : vector<128x128xi1>, vector<128x128xi32>
    %eq3A_268 = arith.cmpi eq, %select_n3A_267, %iota3A : vector<128x128xi32>
    %convert_element_type3A_269 = arith.extui %eq3A_268 : vector<128x128xi1> to vector<128x128xi32>
    %convert_element_type3A_270 = arith.sitofp %convert_element_type3A_269 : vector<128x128xi32> to vector<128x128xf32>
    %get3A_271 = arith.constant 0 : index
    %get3A_272 = arith.constant 0 : index
    %get3A_273 = vector.load %arg6[%get3A_271, %get3A_272] : memref<256x128xf32, #tpu.memory_space<vmem>>, vector<256x128xf32>
    %dot_general3A_274 = arith.constant dense<0.000000e+00> : vector<128x256xf32>
    %dot_general3A_275 = tpu.matmul %convert_element_type3A_270, %get3A_273, %dot_general3A_274 {dimension_numbers = #tpu.dot_dimension_numbers<[0], [1], [1], [0], [0, 1, 1, 0], [], []>, transpose_lhs_hint = false} : vector<128x128xf32>, vector<256x128xf32>, vector<128x256xf32> -> vector<128x256xf32>
    %lt3A_276 = arith.constant 64 : i32
    %lt3A_277 = vector.broadcast %lt3A_276 : i32 to vector<128x128xi32>
    %lt3A_278 = arith.cmpi slt, %iota3A, %lt3A_277 : vector<128x128xi32>
    %slice3A_279 = vector.extract_strided_slice %get3A_7 {offsets = [13, 0], sizes = [1, 128], strides = [1, 1]} : vector<16x128xi32> to vector<1x128xi32>
    %slice3A_280 = vector.extract_strided_slice %get3A_10 {offsets = [13, 0], sizes = [1, 128], strides = [1, 1]} : vector<16x128xi32> to vector<1x128xi32>
    %add3A_281 = arith.constant 64 : i32
    %add3A_282 = vector.broadcast %add3A_281 : i32 to vector<1x128xi32>
    %add3A_283 = arith.addi %slice3A_280, %add3A_282 : vector<1x128xi32>
    %broadcast_in_dim3A_284 = vector.shape_cast %slice3A_279 : vector<1x128xi32> to vector<1x128xi32>
    %broadcast_in_dim3A_285 = vector.broadcast %broadcast_in_dim3A_284 : vector<1x128xi32> to vector<128x128xi32>
    %broadcast_in_dim3A_286 = vector.shape_cast %add3A_283 : vector<1x128xi32> to vector<1x128xi32>
    %broadcast_in_dim3A_287 = vector.broadcast %broadcast_in_dim3A_286 : vector<1x128xi32> to vector<128x128xi32>
    %select_n3A_288 = arith.select %lt3A_278, %broadcast_in_dim3A_285, %broadcast_in_dim3A_287 : vector<128x128xi1>, vector<128x128xi32>
    %eq3A_289 = arith.cmpi eq, %select_n3A_288, %iota3A : vector<128x128xi32>
    %convert_element_type3A_290 = arith.extui %eq3A_289 : vector<128x128xi1> to vector<128x128xi32>
    %convert_element_type3A_291 = arith.sitofp %convert_element_type3A_290 : vector<128x128xi32> to vector<128x128xf32>
    %get3A_292 = arith.constant 0 : index
    %get3A_293 = arith.constant 0 : index
    %get3A_294 = vector.load %arg6[%get3A_292, %get3A_293] : memref<256x128xf32, #tpu.memory_space<vmem>>, vector<256x128xf32>
    %dot_general3A_295 = arith.constant dense<0.000000e+00> : vector<128x256xf32>
    %dot_general3A_296 = tpu.matmul %convert_element_type3A_291, %get3A_294, %dot_general3A_295 {dimension_numbers = #tpu.dot_dimension_numbers<[0], [1], [1], [0], [0, 1, 1, 0], [], []>, transpose_lhs_hint = false} : vector<128x128xf32>, vector<256x128xf32>, vector<128x256xf32> -> vector<128x256xf32>
    %lt3A_297 = arith.constant 64 : i32
    %lt3A_298 = vector.broadcast %lt3A_297 : i32 to vector<128x128xi32>
    %lt3A_299 = arith.cmpi slt, %iota3A, %lt3A_298 : vector<128x128xi32>
    %slice3A_300 = vector.extract_strided_slice %get3A_7 {offsets = [14, 0], sizes = [1, 128], strides = [1, 1]} : vector<16x128xi32> to vector<1x128xi32>
    %slice3A_301 = vector.extract_strided_slice %get3A_10 {offsets = [14, 0], sizes = [1, 128], strides = [1, 1]} : vector<16x128xi32> to vector<1x128xi32>
    %add3A_302 = arith.constant 64 : i32
    %add3A_303 = vector.broadcast %add3A_302 : i32 to vector<1x128xi32>
    %add3A_304 = arith.addi %slice3A_301, %add3A_303 : vector<1x128xi32>
    %broadcast_in_dim3A_305 = vector.shape_cast %slice3A_300 : vector<1x128xi32> to vector<1x128xi32>
    %broadcast_in_dim3A_306 = vector.broadcast %broadcast_in_dim3A_305 : vector<1x128xi32> to vector<128x128xi32>
    %broadcast_in_dim3A_307 = vector.shape_cast %add3A_304 : vector<1x128xi32> to vector<1x128xi32>
    %broadcast_in_dim3A_308 = vector.broadcast %broadcast_in_dim3A_307 : vector<1x128xi32> to vector<128x128xi32>
    %select_n3A_309 = arith.select %lt3A_299, %broadcast_in_dim3A_306, %broadcast_in_dim3A_308 : vector<128x128xi1>, vector<128x128xi32>
    %eq3A_310 = arith.cmpi eq, %select_n3A_309, %iota3A : vector<128x128xi32>
    %convert_element_type3A_311 = arith.extui %eq3A_310 : vector<128x128xi1> to vector<128x128xi32>
    %convert_element_type3A_312 = arith.sitofp %convert_element_type3A_311 : vector<128x128xi32> to vector<128x128xf32>
    %get3A_313 = arith.constant 0 : index
    %get3A_314 = arith.constant 0 : index
    %get3A_315 = vector.load %arg6[%get3A_313, %get3A_314] : memref<256x128xf32, #tpu.memory_space<vmem>>, vector<256x128xf32>
    %dot_general3A_316 = arith.constant dense<0.000000e+00> : vector<128x256xf32>
    %dot_general3A_317 = tpu.matmul %convert_element_type3A_312, %get3A_315, %dot_general3A_316 {dimension_numbers = #tpu.dot_dimension_numbers<[0], [1], [1], [0], [0, 1, 1, 0], [], []>, transpose_lhs_hint = false} : vector<128x128xf32>, vector<256x128xf32>, vector<128x256xf32> -> vector<128x256xf32>
    %lt3A_318 = arith.constant 64 : i32
    %lt3A_319 = vector.broadcast %lt3A_318 : i32 to vector<128x128xi32>
    %lt3A_320 = arith.cmpi slt, %iota3A, %lt3A_319 : vector<128x128xi32>
    %slice3A_321 = vector.extract_strided_slice %get3A_7 {offsets = [15, 0], sizes = [1, 128], strides = [1, 1]} : vector<16x128xi32> to vector<1x128xi32>
    %slice3A_322 = vector.extract_strided_slice %get3A_10 {offsets = [15, 0], sizes = [1, 128], strides = [1, 1]} : vector<16x128xi32> to vector<1x128xi32>
    %add3A_323 = arith.constant 64 : i32
    %add3A_324 = vector.broadcast %add3A_323 : i32 to vector<1x128xi32>
    %add3A_325 = arith.addi %slice3A_322, %add3A_324 : vector<1x128xi32>
    %broadcast_in_dim3A_326 = vector.shape_cast %slice3A_321 : vector<1x128xi32> to vector<1x128xi32>
    %broadcast_in_dim3A_327 = vector.broadcast %broadcast_in_dim3A_326 : vector<1x128xi32> to vector<128x128xi32>
    %broadcast_in_dim3A_328 = vector.shape_cast %add3A_325 : vector<1x128xi32> to vector<1x128xi32>
    %broadcast_in_dim3A_329 = vector.broadcast %broadcast_in_dim3A_328 : vector<1x128xi32> to vector<128x128xi32>
    %select_n3A_330 = arith.select %lt3A_320, %broadcast_in_dim3A_327, %broadcast_in_dim3A_329 : vector<128x128xi1>, vector<128x128xi32>
    %eq3A_331 = arith.cmpi eq, %select_n3A_330, %iota3A : vector<128x128xi32>
    %convert_element_type3A_332 = arith.extui %eq3A_331 : vector<128x128xi1> to vector<128x128xi32>
    %convert_element_type3A_333 = arith.sitofp %convert_element_type3A_332 : vector<128x128xi32> to vector<128x128xf32>
    %get3A_334 = arith.constant 0 : index
    %get3A_335 = arith.constant 0 : index
    %get3A_336 = vector.load %arg6[%get3A_334, %get3A_335] : memref<256x128xf32, #tpu.memory_space<vmem>>, vector<256x128xf32>
    %dot_general3A_337 = arith.constant dense<0.000000e+00> : vector<128x256xf32>
    %dot_general3A_338 = tpu.matmul %convert_element_type3A_333, %get3A_336, %dot_general3A_337 {dimension_numbers = #tpu.dot_dimension_numbers<[0], [1], [1], [0], [0, 1, 1, 0], [], []>, transpose_lhs_hint = false} : vector<128x128xf32>, vector<256x128xf32>, vector<128x256xf32> -> vector<128x256xf32>
    %concatenate3A = tpu.concatenate %dot_general3A_23, %dot_general3A_44, %dot_general3A_65, %dot_general3A_86, %dot_general3A_107, %dot_general3A_128, %dot_general3A_149, %dot_general3A_170, %dot_general3A_191, %dot_general3A_212, %dot_general3A_233, %dot_general3A_254, %dot_general3A_275, %dot_general3A_296, %dot_general3A_317, %dot_general3A_338 in 0 : vector<128x256xf32>, vector<128x256xf32>, vector<128x256xf32>, vector<128x256xf32>, vector<128x256xf32>, vector<128x256xf32>, vector<128x256xf32>, vector<128x256xf32>, vector<128x256xf32>, vector<128x256xf32>, vector<128x256xf32>, vector<128x256xf32>, vector<128x256xf32>, vector<128x256xf32>, vector<128x256xf32>, vector<128x256xf32> -> vector<2048x256xf32>
    %get3A_339 = arith.constant 0 : index
    %get3A_340 = arith.constant 0 : index
    %get3A_341 = vector.load %arg5[%get3A_339, %get3A_340] : memref<256x128xf32, #tpu.memory_space<vmem>>, vector<256x128xf32>
    %dot_general3A_342 = arith.constant dense<0.000000e+00> : vector<2048x256xf32>
    %dot_general3A_343 = tpu.matmul %sub3A, %get3A_341, %dot_general3A_342 {dimension_numbers = #tpu.dot_dimension_numbers<[1], [1], [0], [0], [0, 0, 1, 0], [], []>, transpose_lhs_hint = false} : vector<2048x128xf32>, vector<256x128xf32>, vector<2048x256xf32> -> vector<2048x256xf32>
    %add3A_344 = arith.addf %dot_general3A_343, %concatenate3A : vector<2048x256xf32>
    %get3A_345 = arith.constant 0 : index
    %get3A_346 = arith.constant 0 : index
    %get3A_347 = vector.load %arg7[%get3A_345, %get3A_346] : memref<1x256xf32, #tpu.memory_space<vmem>>, vector<1x256xf32>
    %add3A_348 = vector.broadcast %get3A_347 : vector<1x256xf32> to vector<2048x256xf32>
    %add3A_349 = arith.addf %add3A_344, %add3A_348 : vector<2048x256xf32>
    %max3A = arith.constant 0.000000e+00 : f32
    %max3A_350 = vector.broadcast %max3A : f32 to vector<2048x256xf32>
    %max3A_351 = arith.maximumf %add3A_349, %max3A_350 : vector<2048x256xf32>
    %slice3A_352 = vector.extract_strided_slice %max3A_351 {offsets = [0, 0], sizes = [2048, 128], strides = [1, 1]} : vector<2048x256xf32> to vector<2048x128xf32>
    %get3A_353 = arith.constant 0 : index
    %get3A_354 = arith.constant 0 : index
    %get3A_355 = vector.load %arg8[%get3A_353, %get3A_354] : memref<128x128xf32, #tpu.memory_space<vmem>>, vector<128x128xf32>
    %dot_general3A_356 = arith.constant dense<0.000000e+00> : vector<2048x128xf32>
    %dot_general3A_357 = tpu.matmul %slice3A_352, %get3A_355, %dot_general3A_356 {dimension_numbers = #tpu.dot_dimension_numbers<[1], [1], [0], [0], [0, 0, 1, 0], [], []>, transpose_lhs_hint = false} : vector<2048x128xf32>, vector<128x128xf32>, vector<2048x128xf32> -> vector<2048x128xf32>
    %get3A_358 = arith.constant 0 : index
    %get3A_359 = arith.constant 0 : index
    %get3A_360 = vector.load %arg9[%get3A_358, %get3A_359] : memref<1x128xf32, #tpu.memory_space<vmem>>, vector<1x128xf32>
    %add3A_361 = vector.broadcast %get3A_360 : vector<1x128xf32> to vector<2048x128xf32>
    %add3A_362 = arith.addf %dot_general3A_357, %add3A_361 : vector<2048x128xf32>
    %slice3A_363 = vector.extract_strided_slice %max3A_351 {offsets = [0, 128], sizes = [2048, 128], strides = [1, 1]} : vector<2048x256xf32> to vector<2048x128xf32>
    %get3A_364 = arith.constant 0 : index
    %get3A_365 = arith.constant 0 : index
    %get3A_366 = vector.load %arg10[%get3A_364, %get3A_365] : memref<128x128xf32, #tpu.memory_space<vmem>>, vector<128x128xf32>
    %dot_general3A_367 = arith.constant dense<0.000000e+00> : vector<2048x128xf32>
    %dot_general3A_368 = tpu.matmul %slice3A_363, %get3A_366, %dot_general3A_367 {dimension_numbers = #tpu.dot_dimension_numbers<[1], [1], [0], [0], [0, 0, 1, 0], [], []>, transpose_lhs_hint = false} : vector<2048x128xf32>, vector<128x128xf32>, vector<2048x128xf32> -> vector<2048x128xf32>
    %get3A_369 = arith.constant 0 : index
    %get3A_370 = arith.constant 0 : index
    %get3A_371 = vector.load %arg11[%get3A_369, %get3A_370] : memref<1x128xf32, #tpu.memory_space<vmem>>, vector<1x128xf32>
    %add3A_372 = vector.broadcast %get3A_371 : vector<1x128xf32> to vector<2048x128xf32>
    %add3A_373 = arith.addf %dot_general3A_368, %add3A_372 : vector<2048x128xf32>
    %logistic3A = arith.negf %add3A_373 : vector<2048x128xf32>
    %logistic3A_374 = math.exp %logistic3A : vector<2048x128xf32>
    %logistic3A_375 = arith.constant 1.000000e+00 : f32
    %logistic3A_376 = vector.broadcast %logistic3A_375 : f32 to vector<2048x128xf32>
    %logistic3A_377 = arith.addf %logistic3A_376, %logistic3A_374 : vector<2048x128xf32>
    %logistic3A_378 = arith.divf %logistic3A_376, %logistic3A_377 : vector<2048x128xf32>
    %mul3A = arith.mulf %add3A_362, %logistic3A_378 : vector<2048x128xf32>
    %swap3A = arith.constant 0 : index
    %swap3A_379 = arith.constant 0 : index
    %swap3A_380 = vector.load %arg12[%swap3A, %swap3A_379] : memref<2048x128xf32, #tpu.memory_space<vmem>>, vector<2048x128xf32>
    tpu.vector_store %arg12[%swap3A, %swap3A_379], %mul3A {strides = array<i32>} : memref<2048x128xf32, #tpu.memory_space<vmem>>, vector<2048x128xf32>,
    return
  }
  func.func @transform_0(%arg0: i32) -> (i32, i32) {
    %c0_i32 = arith.constant 0 : i32
    %c0_i32_0 = arith.constant 0 : i32
    return %arg0, %c0_i32 : i32, i32
  }
  func.func @transform_1(%arg0: i32) -> (i32, i32) {
    %c0_i32 = arith.constant 0 : i32
    %c0_i32_0 = arith.constant 0 : i32
    return %arg0, %c0_i32 : i32, i32
  }
  func.func @transform_2(%arg0: i32) -> (i32, i32) {
    %c0_i32 = arith.constant 0 : i32
    %c0_i32_0 = arith.constant 0 : i32
    return %arg0, %c0_i32 : i32, i32
  }
  func.func @transform_3(%arg0: i32) -> (i32, i32) {
    %c0_i32 = arith.constant 0 : i32
    %c0_i32_0 = arith.constant 0 : i32
    return %arg0, %c0_i32 : i32, i32
  }
  func.func @transform_4(%arg0: i32) -> (i32, i32) {
    %c0_i32 = arith.constant 0 : i32
    %c0_i32_0 = arith.constant 0 : i32
    %c0_i32_1 = arith.constant 0 : i32
    return %c0_i32, %c0_i32_0 : i32, i32
  }
  func.func @transform_5(%arg0: i32) -> (i32, i32) {
    %c0_i32 = arith.constant 0 : i32
    %c0_i32_0 = arith.constant 0 : i32
    %c0_i32_1 = arith.constant 0 : i32
    return %c0_i32, %c0_i32_0 : i32, i32
  }
  func.func @transform_6(%arg0: i32) -> (i32, i32) {
    %c0_i32 = arith.constant 0 : i32
    %c0_i32_0 = arith.constant 0 : i32
    %c0_i32_1 = arith.constant 0 : i32
    return %c0_i32, %c0_i32_0 : i32, i32
  }
  func.func @transform_7(%arg0: i32) -> (i32, i32) {
    %c0_i32 = arith.constant 0 : i32
    %c0_i32_0 = arith.constant 0 : i32
    %c0_i32_1 = arith.constant 0 : i32
    return %c0_i32, %c0_i32_0 : i32, i32
  }
  func.func @transform_8(%arg0: i32) -> (i32, i32) {
    %c0_i32 = arith.constant 0 : i32
    %c0_i32_0 = arith.constant 0 : i32
    %c0_i32_1 = arith.constant 0 : i32
    return %c0_i32, %c0_i32_0 : i32, i32
  }
  func.func @transform_9(%arg0: i32) -> (i32, i32) {
    %c0_i32 = arith.constant 0 : i32
    %c0_i32_0 = arith.constant 0 : i32
    %c0_i32_1 = arith.constant 0 : i32
    return %c0_i32, %c0_i32_0 : i32, i32
  }
  func.func @transform_10(%arg0: i32) -> (i32, i32) {
    %c0_i32 = arith.constant 0 : i32
    %c0_i32_0 = arith.constant 0 : i32
    %c0_i32_1 = arith.constant 0 : i32
    return %c0_i32, %c0_i32_0 : i32, i32
  }
  func.func @transform_11(%arg0: i32) -> (i32, i32) {
    %c0_i32 = arith.constant 0 : i32
    %c0_i32_0 = arith.constant 0 : i32
    return %arg0, %c0_i32 : i32, i32
  }
}

module attributes {stable_mosaic.version = 14 : i64} {
  func.func @body(%arg0: i32, %arg1: memref<2048x128xf32, #tpu.memory_space<vmem>>, %arg2: memref<2048x128xf32, #tpu.memory_space<vmem>>, %arg3: memref<2048x128xf32, #tpu.memory_space<vmem>>, %arg4: memref<384x128xf32, #tpu.memory_space<vmem>>, %arg5: memref<384x128xf32, #tpu.memory_space<vmem>>, %arg6: memref<1x384xf32, #tpu.memory_space<vmem>>, %arg7: memref<1x384xf32, #tpu.memory_space<vmem>>, %arg8: memref<2048x128xf32, #tpu.memory_space<vmem>>) attributes {dimension_semantics = [#tpu.dimension_semantics<arbitrary>], iteration_bounds = array<i64: 5>, scalar_prefetch = 0 : i64, scratch_operands = 0 : i64, tpu.core_type = #tpu.core_type<tc>, window_params = [{transform_indices = @transform_0, window_bounds = array<i64: 2048, 128>}, {transform_indices = @transform_1, window_bounds = array<i64: 2048, 128>}, {transform_indices = @transform_2, window_bounds = array<i64: 2048, 128>}, {pipeline_mode = #tpu.pipeline_mode<synchronous>, transform_indices = @transform_3, window_bounds = array<i64: 384, 128>}, {pipeline_mode = #tpu.pipeline_mode<synchronous>, transform_indices = @transform_4, window_bounds = array<i64: 384, 128>}, {pipeline_mode = #tpu.pipeline_mode<synchronous>, transform_indices = @transform_5, window_bounds = array<i64: 1, 384>}, {pipeline_mode = #tpu.pipeline_mode<synchronous>, transform_indices = @transform_6, window_bounds = array<i64: 1, 384>}, {transform_indices = @transform_7, window_bounds = array<i64: 2048, 128>}]} {
    %get3A = arith.constant 0 : index
    %get3A_0 = arith.constant 0 : index
    %get3A_1 = vector.load %arg1[%get3A, %get3A_0] : memref<2048x128xf32, #tpu.memory_space<vmem>>, vector<2048x128xf32>
    %get3A_2 = arith.constant 0 : index
    %get3A_3 = arith.constant 0 : index
    %get3A_4 = vector.load %arg2[%get3A_2, %get3A_3] : memref<2048x128xf32, #tpu.memory_space<vmem>>, vector<2048x128xf32>
    %add3A = arith.addf %get3A_1, %get3A_4 : vector<2048x128xf32>
    %get3A_5 = arith.constant 0 : index
    %get3A_6 = arith.constant 0 : index
    %get3A_7 = vector.load %arg3[%get3A_5, %get3A_6] : memref<2048x128xf32, #tpu.memory_space<vmem>>, vector<2048x128xf32>
    %get3A_8 = arith.constant 0 : index
    %get3A_9 = arith.constant 0 : index
    %get3A_10 = vector.load %arg4[%get3A_8, %get3A_9] : memref<384x128xf32, #tpu.memory_space<vmem>>, vector<384x128xf32>
    %dot_general3A = arith.constant dense<0.000000e+00> : vector<2048x384xf32>
    %dot_general3A_11 = tpu.matmul %add3A, %get3A_10, %dot_general3A {dimension_numbers = #tpu.dot_dimension_numbers<[1], [1], [0], [0], [0, 0, 1, 0], [], []>, transpose_lhs_hint = false} : vector<2048x128xf32>, vector<384x128xf32>, vector<2048x384xf32> -> vector<2048x384xf32>
    %get3A_12 = arith.constant 0 : index
    %get3A_13 = arith.constant 0 : index
    %get3A_14 = vector.load %arg6[%get3A_12, %get3A_13] : memref<1x384xf32, #tpu.memory_space<vmem>>, vector<1x384xf32>
    %add3A_15 = vector.broadcast %get3A_14 : vector<1x384xf32> to vector<2048x384xf32>
    %add3A_16 = arith.addf %dot_general3A_11, %add3A_15 : vector<2048x384xf32>
    %get3A_17 = arith.constant 0 : index
    %get3A_18 = arith.constant 0 : index
    %get3A_19 = vector.load %arg5[%get3A_17, %get3A_18] : memref<384x128xf32, #tpu.memory_space<vmem>>, vector<384x128xf32>
    %dot_general3A_20 = arith.constant dense<0.000000e+00> : vector<2048x384xf32>
    %dot_general3A_21 = tpu.matmul %get3A_7, %get3A_19, %dot_general3A_20 {dimension_numbers = #tpu.dot_dimension_numbers<[1], [1], [0], [0], [0, 0, 1, 0], [], []>, transpose_lhs_hint = false} : vector<2048x128xf32>, vector<384x128xf32>, vector<2048x384xf32> -> vector<2048x384xf32>
    %get3A_22 = arith.constant 0 : index
    %get3A_23 = arith.constant 0 : index
    %get3A_24 = vector.load %arg7[%get3A_22, %get3A_23] : memref<1x384xf32, #tpu.memory_space<vmem>>, vector<1x384xf32>
    %add3A_25 = vector.broadcast %get3A_24 : vector<1x384xf32> to vector<2048x384xf32>
    %add3A_26 = arith.addf %dot_general3A_21, %add3A_25 : vector<2048x384xf32>
    %slice3A = vector.extract_strided_slice %add3A_16 {offsets = [0, 0], sizes = [2048, 128], strides = [1, 1]} : vector<2048x384xf32> to vector<2048x128xf32>
    %slice3A_27 = vector.extract_strided_slice %add3A_26 {offsets = [0, 0], sizes = [2048, 128], strides = [1, 1]} : vector<2048x384xf32> to vector<2048x128xf32>
    %add3A_28 = arith.addf %slice3A, %slice3A_27 : vector<2048x128xf32>
    %logistic3A = arith.negf %add3A_28 : vector<2048x128xf32>
    %logistic3A_29 = math.exp %logistic3A : vector<2048x128xf32>
    %logistic3A_30 = arith.constant 1.000000e+00 : f32
    %logistic3A_31 = vector.broadcast %logistic3A_30 : f32 to vector<2048x128xf32>
    %logistic3A_32 = arith.addf %logistic3A_31, %logistic3A_29 : vector<2048x128xf32>
    %logistic3A_33 = arith.divf %logistic3A_31, %logistic3A_32 : vector<2048x128xf32>
    %slice3A_34 = vector.extract_strided_slice %add3A_16 {offsets = [0, 128], sizes = [2048, 128], strides = [1, 1]} : vector<2048x384xf32> to vector<2048x128xf32>
    %slice3A_35 = vector.extract_strided_slice %add3A_26 {offsets = [0, 128], sizes = [2048, 128], strides = [1, 1]} : vector<2048x384xf32> to vector<2048x128xf32>
    %add3A_36 = arith.addf %slice3A_34, %slice3A_35 : vector<2048x128xf32>
    %logistic3A_37 = arith.negf %add3A_36 : vector<2048x128xf32>
    %logistic3A_38 = math.exp %logistic3A_37 : vector<2048x128xf32>
    %logistic3A_39 = arith.constant 1.000000e+00 : f32
    %logistic3A_40 = vector.broadcast %logistic3A_39 : f32 to vector<2048x128xf32>
    %logistic3A_41 = arith.addf %logistic3A_40, %logistic3A_38 : vector<2048x128xf32>
    %logistic3A_42 = arith.divf %logistic3A_40, %logistic3A_41 : vector<2048x128xf32>
    %slice3A_43 = vector.extract_strided_slice %add3A_16 {offsets = [0, 256], sizes = [2048, 128], strides = [1, 1]} : vector<2048x384xf32> to vector<2048x128xf32>
    %slice3A_44 = vector.extract_strided_slice %add3A_26 {offsets = [0, 256], sizes = [2048, 128], strides = [1, 1]} : vector<2048x384xf32> to vector<2048x128xf32>
    %mul3A = arith.mulf %logistic3A_33, %slice3A_44 : vector<2048x128xf32>
    %add3A_45 = arith.addf %slice3A_43, %mul3A : vector<2048x128xf32>
    %tanh3A = math.tanh %add3A_45 : vector<2048x128xf32>
    %sub3A = arith.constant 1.000000e+00 : f32
    %sub3A_46 = vector.broadcast %sub3A : f32 to vector<2048x128xf32>
    %sub3A_47 = arith.subf %sub3A_46, %logistic3A_42 : vector<2048x128xf32>
    %mul3A_48 = arith.mulf %sub3A_47, %tanh3A : vector<2048x128xf32>
    %mul3A_49 = arith.mulf %logistic3A_42, %get3A_7 : vector<2048x128xf32>
    %add3A_50 = arith.addf %mul3A_48, %mul3A_49 : vector<2048x128xf32>
    %swap3A = arith.constant 0 : index
    %swap3A_51 = arith.constant 0 : index
    %swap3A_52 = vector.load %arg8[%swap3A, %swap3A_51] : memref<2048x128xf32, #tpu.memory_space<vmem>>, vector<2048x128xf32>
    tpu.vector_store %arg8[%swap3A, %swap3A_51], %add3A_50 {strides = array<i32>} : memref<2048x128xf32, #tpu.memory_space<vmem>>, vector<2048x128xf32>,
    return
  }
  func.func @transform_0(%arg0: i32) -> (i32, i32) {
    %c0_i32 = arith.constant 0 : i32
    %c0_i32_0 = arith.constant 0 : i32
    return %arg0, %c0_i32 : i32, i32
  }
  func.func @transform_1(%arg0: i32) -> (i32, i32) {
    %add3A = arith.constant 5 : i32
    %add3A_0 = arith.addi %arg0, %add3A : i32
    %c0_i32 = arith.constant 0 : i32
    %c0_i32_1 = arith.constant 0 : i32
    return %add3A_0, %c0_i32 : i32, i32
  }
  func.func @transform_2(%arg0: i32) -> (i32, i32) {
    %c0_i32 = arith.constant 0 : i32
    %c0_i32_0 = arith.constant 0 : i32
    return %arg0, %c0_i32 : i32, i32
  }
  func.func @transform_3(%arg0: i32) -> (i32, i32) {
    %c0_i32 = arith.constant 0 : i32
    %c0_i32_0 = arith.constant 0 : i32
    %c0_i32_1 = arith.constant 0 : i32
    return %c0_i32, %c0_i32_0 : i32, i32
  }
  func.func @transform_4(%arg0: i32) -> (i32, i32) {
    %c0_i32 = arith.constant 0 : i32
    %c0_i32_0 = arith.constant 0 : i32
    %c0_i32_1 = arith.constant 0 : i32
    return %c0_i32, %c0_i32_0 : i32, i32
  }
  func.func @transform_5(%arg0: i32) -> (i32, i32) {
    %c0_i32 = arith.constant 0 : i32
    %c0_i32_0 = arith.constant 0 : i32
    %c0_i32_1 = arith.constant 0 : i32
    return %c0_i32, %c0_i32_0 : i32, i32
  }
  func.func @transform_6(%arg0: i32) -> (i32, i32) {
    %c0_i32 = arith.constant 0 : i32
    %c0_i32_0 = arith.constant 0 : i32
    %c0_i32_1 = arith.constant 0 : i32
    return %c0_i32, %c0_i32_0 : i32, i32
  }
  func.func @transform_7(%arg0: i32) -> (i32, i32) {
    %c0_i32 = arith.constant 0 : i32
    %c0_i32_0 = arith.constant 0 : i32
    return %arg0, %c0_i32 : i32, i32
  }
}

module attributes {stable_mosaic.version = 14 : i64} {
  func.func @body(%arg0: i32, %arg1: memref<2048x128xf32, #tpu.memory_space<vmem>>, %arg2: memref<2048x128xf32, #tpu.memory_space<vmem>>, %arg3: memref<256x128xf32, #tpu.memory_space<vmem>>, %arg4: memref<1x256xf32, #tpu.memory_space<vmem>>, %arg5: memref<128x128xf32, #tpu.memory_space<vmem>>, %arg6: memref<1x128xf32, #tpu.memory_space<vmem>>, %arg7: memref<128x128xf32, #tpu.memory_space<vmem>>, %arg8: memref<1x128xf32, #tpu.memory_space<vmem>>, %arg9: memref<20x128xf32, #tpu.memory_space<vmem>>, %arg10: memref<20x1xf32, #tpu.memory_space<vmem>>, %arg11: memref<20x128xf32, #tpu.memory_space<vmem>>, %arg12: memref<20x1xf32, #tpu.memory_space<vmem>>, %arg13: memref<20x2048xf32, #tpu.memory_space<vmem>>, %arg14: memref<20x2048xf32, #tpu.memory_space<vmem>>) attributes {dimension_semantics = [#tpu.dimension_semantics<arbitrary>], iteration_bounds = array<i64: 40>, scalar_prefetch = 0 : i64, scratch_operands = 0 : i64, tpu.core_type = #tpu.core_type<tc>, window_params = [{transform_indices = @transform_0, window_bounds = array<i64: 2048, 128>}, {transform_indices = @transform_1, window_bounds = array<i64: 2048, 128>}, {pipeline_mode = #tpu.pipeline_mode<synchronous>, transform_indices = @transform_2, window_bounds = array<i64: 256, 128>}, {pipeline_mode = #tpu.pipeline_mode<synchronous>, transform_indices = @transform_3, window_bounds = array<i64: 1, 256>}, {pipeline_mode = #tpu.pipeline_mode<synchronous>, transform_indices = @transform_4, window_bounds = array<i64: 128, 128>}, {pipeline_mode = #tpu.pipeline_mode<synchronous>, transform_indices = @transform_5, window_bounds = array<i64: 1, 128>}, {pipeline_mode = #tpu.pipeline_mode<synchronous>, transform_indices = @transform_6, window_bounds = array<i64: 128, 128>}, {pipeline_mode = #tpu.pipeline_mode<synchronous>, transform_indices = @transform_7, window_bounds = array<i64: 1, 128>}, {pipeline_mode = #tpu.pipeline_mode<synchronous>, transform_indices = @transform_8, window_bounds = array<i64: 20, 128>}, {pipeline_mode = #tpu.pipeline_mode<synchronous>, transform_indices = @transform_9, window_bounds = array<i64: 20, 1>}, {pipeline_mode = #tpu.pipeline_mode<synchronous>, transform_indices = @transform_10, window_bounds = array<i64: 20, 128>}, {pipeline_mode = #tpu.pipeline_mode<synchronous>, transform_indices = @transform_11, window_bounds = array<i64: 20, 1>}, {transform_indices = @transform_12, window_bounds = array<i64: 20, 2048>}, {transform_indices = @transform_13, window_bounds = array<i64: 20, 2048>}]} {
    %get3A = arith.constant 0 : index
    %get3A_0 = arith.constant 0 : index
    %get3A_1 = vector.load %arg1[%get3A, %get3A_0] : memref<2048x128xf32, #tpu.memory_space<vmem>>, vector<2048x128xf32>
    %get3A_2 = arith.constant 0 : index
    %get3A_3 = arith.constant 0 : index
    %get3A_4 = vector.load %arg2[%get3A_2, %get3A_3] : memref<2048x128xf32, #tpu.memory_space<vmem>>, vector<2048x128xf32>
    %sub3A = arith.subf %get3A_1, %get3A_4 : vector<2048x128xf32>
    %get3A_5 = arith.constant 0 : index
    %get3A_6 = arith.constant 0 : index
    %get3A_7 = vector.load %arg3[%get3A_5, %get3A_6] : memref<256x128xf32, #tpu.memory_space<vmem>>, vector<256x128xf32>
    %dot_general3A = arith.constant dense<0.000000e+00> : vector<2048x256xf32>
    %dot_general3A_8 = tpu.matmul %sub3A, %get3A_7, %dot_general3A {dimension_numbers = #tpu.dot_dimension_numbers<[1], [1], [0], [0], [0, 0, 1, 0], [], []>, transpose_lhs_hint = false} : vector<2048x128xf32>, vector<256x128xf32>, vector<2048x256xf32> -> vector<2048x256xf32>
    %get3A_9 = arith.constant 0 : index
    %get3A_10 = arith.constant 0 : index
    %get3A_11 = vector.load %arg4[%get3A_9, %get3A_10] : memref<1x256xf32, #tpu.memory_space<vmem>>, vector<1x256xf32>
    %add3A = vector.broadcast %get3A_11 : vector<1x256xf32> to vector<2048x256xf32>
    %add3A_12 = arith.addf %dot_general3A_8, %add3A : vector<2048x256xf32>
    %max3A = arith.constant 0.000000e+00 : f32
    %max3A_13 = vector.broadcast %max3A : f32 to vector<2048x256xf32>
    %max3A_14 = arith.maximumf %add3A_12, %max3A_13 : vector<2048x256xf32>
    %slice3A = vector.extract_strided_slice %max3A_14 {offsets = [0, 0], sizes = [2048, 128], strides = [1, 1]} : vector<2048x256xf32> to vector<2048x128xf32>
    %get3A_15 = arith.constant 0 : index
    %get3A_16 = arith.constant 0 : index
    %get3A_17 = vector.load %arg5[%get3A_15, %get3A_16] : memref<128x128xf32, #tpu.memory_space<vmem>>, vector<128x128xf32>
    %dot_general3A_18 = arith.constant dense<0.000000e+00> : vector<2048x128xf32>
    %dot_general3A_19 = tpu.matmul %slice3A, %get3A_17, %dot_general3A_18 {dimension_numbers = #tpu.dot_dimension_numbers<[1], [1], [0], [0], [0, 0, 1, 0], [], []>, transpose_lhs_hint = false} : vector<2048x128xf32>, vector<128x128xf32>, vector<2048x128xf32> -> vector<2048x128xf32>
    %get3A_20 = arith.constant 0 : index
    %get3A_21 = arith.constant 0 : index
    %get3A_22 = vector.load %arg6[%get3A_20, %get3A_21] : memref<1x128xf32, #tpu.memory_space<vmem>>, vector<1x128xf32>
    %add3A_23 = vector.broadcast %get3A_22 : vector<1x128xf32> to vector<2048x128xf32>
    %add3A_24 = arith.addf %dot_general3A_19, %add3A_23 : vector<2048x128xf32>
    %max3A_25 = arith.constant 0.000000e+00 : f32
    %max3A_26 = vector.broadcast %max3A_25 : f32 to vector<2048x128xf32>
    %max3A_27 = arith.maximumf %add3A_24, %max3A_26 : vector<2048x128xf32>
    %get3A_28 = arith.constant 0 : index
    %get3A_29 = arith.constant 0 : index
    %get3A_30 = vector.load %arg9[%get3A_28, %get3A_29] : memref<20x128xf32, #tpu.memory_space<vmem>>, vector<20x128xf32>
    %dot_general3A_31 = arith.constant dense<0.000000e+00> : vector<20x2048xf32>
    %dot_general3A_32 = tpu.matmul %get3A_30, %max3A_27, %dot_general3A_31 {dimension_numbers = #tpu.dot_dimension_numbers<[1], [1], [0], [0], [0, 0, 1, 0], [], []>, transpose_lhs_hint = false} : vector<20x128xf32>, vector<2048x128xf32>, vector<20x2048xf32> -> vector<20x2048xf32>
    %get3A_33 = arith.constant 0 : index
    %get3A_34 = arith.constant 0 : index
    %get3A_35 = vector.load %arg10[%get3A_33, %get3A_34] : memref<20x1xf32, #tpu.memory_space<vmem>>, vector<20x1xf32>
    %add3A_36 = vector.broadcast %get3A_35 : vector<20x1xf32> to vector<20x2048xf32>
    %add3A_37 = arith.addf %dot_general3A_32, %add3A_36 : vector<20x2048xf32>
    %swap3A = arith.constant 0 : index
    %swap3A_38 = arith.constant 0 : index
    %swap3A_39 = vector.load %arg13[%swap3A, %swap3A_38] : memref<20x2048xf32, #tpu.memory_space<vmem>>, vector<20x2048xf32>
    tpu.vector_store %arg13[%swap3A, %swap3A_38], %add3A_37 {strides = array<i32>} : memref<20x2048xf32, #tpu.memory_space<vmem>>, vector<20x2048xf32>,
    %slice3A_40 = vector.extract_strided_slice %max3A_14 {offsets = [0, 128], sizes = [2048, 128], strides = [1, 1]} : vector<2048x256xf32> to vector<2048x128xf32>
    %get3A_41 = arith.constant 0 : index
    %get3A_42 = arith.constant 0 : index
    %get3A_43 = vector.load %arg7[%get3A_41, %get3A_42] : memref<128x128xf32, #tpu.memory_space<vmem>>, vector<128x128xf32>
    %dot_general3A_44 = arith.constant dense<0.000000e+00> : vector<2048x128xf32>
    %dot_general3A_45 = tpu.matmul %slice3A_40, %get3A_43, %dot_general3A_44 {dimension_numbers = #tpu.dot_dimension_numbers<[1], [1], [0], [0], [0, 0, 1, 0], [], []>, transpose_lhs_hint = false} : vector<2048x128xf32>, vector<128x128xf32>, vector<2048x128xf32> -> vector<2048x128xf32>
    %get3A_46 = arith.constant 0 : index
    %get3A_47 = arith.constant 0 : index
    %get3A_48 = vector.load %arg8[%get3A_46, %get3A_47] : memref<1x128xf32, #tpu.memory_space<vmem>>, vector<1x128xf32>
    %add3A_49 = vector.broadcast %get3A_48 : vector<1x128xf32> to vector<2048x128xf32>
    %add3A_50 = arith.addf %dot_general3A_45, %add3A_49 : vector<2048x128xf32>
    %max3A_51 = arith.constant 0.000000e+00 : f32
    %max3A_52 = vector.broadcast %max3A_51 : f32 to vector<2048x128xf32>
    %max3A_53 = arith.maximumf %add3A_50, %max3A_52 : vector<2048x128xf32>
    %get3A_54 = arith.constant 0 : index
    %get3A_55 = arith.constant 0 : index
    %get3A_56 = vector.load %arg11[%get3A_54, %get3A_55] : memref<20x128xf32, #tpu.memory_space<vmem>>, vector<20x128xf32>
    %dot_general3A_57 = arith.constant dense<0.000000e+00> : vector<20x2048xf32>
    %dot_general3A_58 = tpu.matmul %get3A_56, %max3A_53, %dot_general3A_57 {dimension_numbers = #tpu.dot_dimension_numbers<[1], [1], [0], [0], [0, 0, 1, 0], [], []>, transpose_lhs_hint = false} : vector<20x128xf32>, vector<2048x128xf32>, vector<20x2048xf32> -> vector<20x2048xf32>
    %get3A_59 = arith.constant 0 : index
    %get3A_60 = arith.constant 0 : index
    %get3A_61 = vector.load %arg12[%get3A_59, %get3A_60] : memref<20x1xf32, #tpu.memory_space<vmem>>, vector<20x1xf32>
    %add3A_62 = vector.broadcast %get3A_61 : vector<20x1xf32> to vector<20x2048xf32>
    %add3A_63 = arith.addf %dot_general3A_58, %add3A_62 : vector<20x2048xf32>
    %reduce_max3A = arith.constant dense<0xFF800000> : vector<2048xf32>
    %reduce_max3A_64 = vector.multi_reduction <maximumf>, %add3A_63, %reduce_max3A [0] : vector<20x2048xf32> to vector<2048xf32>
    %broadcast_in_dim3A = vector.shape_cast %reduce_max3A_64 : vector<2048xf32> to vector<1x2048xf32>
    %sub3A_65 = vector.broadcast %broadcast_in_dim3A : vector<1x2048xf32> to vector<20x2048xf32>
    %sub3A_66 = arith.subf %add3A_63, %sub3A_65 : vector<20x2048xf32>
    %exp3A = math.exp %sub3A_66 : vector<20x2048xf32>
    %reduce_sum3A = arith.constant dense<0.000000e+00> : vector<2048xf32>
    %reduce_sum3A_67 = vector.multi_reduction <add>, %exp3A, %reduce_sum3A [0] : vector<20x2048xf32> to vector<2048xf32>
    %broadcast_in_dim3A_68 = vector.shape_cast %reduce_sum3A_67 : vector<2048xf32> to vector<1x2048xf32>
    %log3A = math.log %broadcast_in_dim3A_68 : vector<1x2048xf32>
    %add3A_69 = arith.addf %log3A, %broadcast_in_dim3A : vector<1x2048xf32>
    %sub3A_70 = vector.broadcast %add3A_69 : vector<1x2048xf32> to vector<20x2048xf32>
    %sub3A_71 = arith.subf %add3A_63, %sub3A_70 : vector<20x2048xf32>
    %swap3A_72 = arith.constant 0 : index
    %swap3A_73 = arith.constant 0 : index
    %swap3A_74 = vector.load %arg14[%swap3A_72, %swap3A_73] : memref<20x2048xf32, #tpu.memory_space<vmem>>, vector<20x2048xf32>
    tpu.vector_store %arg14[%swap3A_72, %swap3A_73], %sub3A_71 {strides = array<i32>} : memref<20x2048xf32, #tpu.memory_space<vmem>>, vector<20x2048xf32>,
    return
  }
  func.func @transform_0(%arg0: i32) -> (i32, i32) {
    %c0_i32 = arith.constant 0 : i32
    %c0_i32_0 = arith.constant 0 : i32
    return %arg0, %c0_i32 : i32, i32
  }
  func.func @transform_1(%arg0: i32) -> (i32, i32) {
    %c0_i32 = arith.constant 0 : i32
    %c0_i32_0 = arith.constant 0 : i32
    return %arg0, %c0_i32 : i32, i32
  }
  func.func @transform_2(%arg0: i32) -> (i32, i32) {
    %c0_i32 = arith.constant 0 : i32
    %c0_i32_0 = arith.constant 0 : i32
    %c0_i32_1 = arith.constant 0 : i32
    return %c0_i32, %c0_i32_0 : i32, i32
  }
  func.func @transform_3(%arg0: i32) -> (i32, i32) {
    %c0_i32 = arith.constant 0 : i32
    %c0_i32_0 = arith.constant 0 : i32
    %c0_i32_1 = arith.constant 0 : i32
    return %c0_i32, %c0_i32_0 : i32, i32
  }
  func.func @transform_4(%arg0: i32) -> (i32, i32) {
    %c0_i32 = arith.constant 0 : i32
    %c0_i32_0 = arith.constant 0 : i32
    %c0_i32_1 = arith.constant 0 : i32
    return %c0_i32, %c0_i32_0 : i32, i32
  }
  func.func @transform_5(%arg0: i32) -> (i32, i32) {
    %c0_i32 = arith.constant 0 : i32
    %c0_i32_0 = arith.constant 0 : i32
    %c0_i32_1 = arith.constant 0 : i32
    return %c0_i32, %c0_i32_0 : i32, i32
  }
  func.func @transform_6(%arg0: i32) -> (i32, i32) {
    %c0_i32 = arith.constant 0 : i32
    %c0_i32_0 = arith.constant 0 : i32
    %c0_i32_1 = arith.constant 0 : i32
    return %c0_i32, %c0_i32_0 : i32, i32
  }
  func.func @transform_7(%arg0: i32) -> (i32, i32) {
    %c0_i32 = arith.constant 0 : i32
    %c0_i32_0 = arith.constant 0 : i32
    %c0_i32_1 = arith.constant 0 : i32
    return %c0_i32, %c0_i32_0 : i32, i32
  }
  func.func @transform_8(%arg0: i32) -> (i32, i32) {
    %c0_i32 = arith.constant 0 : i32
    %c0_i32_0 = arith.constant 0 : i32
    %c0_i32_1 = arith.constant 0 : i32
    return %c0_i32, %c0_i32_0 : i32, i32
  }
  func.func @transform_9(%arg0: i32) -> (i32, i32) {
    %c0_i32 = arith.constant 0 : i32
    %c0_i32_0 = arith.constant 0 : i32
    %c0_i32_1 = arith.constant 0 : i32
    return %c0_i32, %c0_i32_0 : i32, i32
  }
  func.func @transform_10(%arg0: i32) -> (i32, i32) {
    %c0_i32 = arith.constant 0 : i32
    %c0_i32_0 = arith.constant 0 : i32
    %c0_i32_1 = arith.constant 0 : i32
    return %c0_i32, %c0_i32_0 : i32, i32
  }
  func.func @transform_11(%arg0: i32) -> (i32, i32) {
    %c0_i32 = arith.constant 0 : i32
    %c0_i32_0 = arith.constant 0 : i32
    %c0_i32_1 = arith.constant 0 : i32
    return %c0_i32, %c0_i32_0 : i32, i32
  }
  func.func @transform_12(%arg0: i32) -> (i32, i32) {
    %c0_i32 = arith.constant 0 : i32
    %c0_i32_0 = arith.constant 0 : i32
    return %c0_i32, %arg0 : i32, i32
  }
  func.func @transform_13(%arg0: i32) -> (i32, i32) {
    %c0_i32 = arith.constant 0 : i32
    %c0_i32_0 = arith.constant 0 : i32
    return %c0_i32, %arg0 : i32, i32
  }
}

module attributes {stable_mosaic.version = 14 : i64} {
  func.func @body(%arg0: i32, %arg1: memref<2048x128xf32, #tpu.memory_space<vmem>>, %arg2: memref<2048x128xf32, #tpu.memory_space<vmem>>, %arg3: memref<256x128xf32, #tpu.memory_space<vmem>>, %arg4: memref<1x256xf32, #tpu.memory_space<vmem>>, %arg5: memref<128x128xf32, #tpu.memory_space<vmem>>, %arg6: memref<1x128xf32, #tpu.memory_space<vmem>>, %arg7: memref<128x128xf32, #tpu.memory_space<vmem>>, %arg8: memref<1x128xf32, #tpu.memory_space<vmem>>, %arg9: memref<20x128xf32, #tpu.memory_space<vmem>>, %arg10: memref<20x1xf32, #tpu.memory_space<vmem>>, %arg11: memref<20x128xf32, #tpu.memory_space<vmem>>, %arg12: memref<20x1xf32, #tpu.memory_space<vmem>>, %arg13: memref<20x2048xf32, #tpu.memory_space<vmem>>, %arg14: memref<20x2048xf32, #tpu.memory_space<vmem>>) attributes {dimension_semantics = [#tpu.dimension_semantics<arbitrary>], iteration_bounds = array<i64: 39>, scalar_prefetch = 0 : i64, scratch_operands = 0 : i64, tpu.core_type = #tpu.core_type<tc>, window_params = [{transform_indices = @transform_0, window_bounds = array<i64: 2048, 128>}, {transform_indices = @transform_1, window_bounds = array<i64: 2048, 128>}, {pipeline_mode = #tpu.pipeline_mode<synchronous>, transform_indices = @transform_2, window_bounds = array<i64: 256, 128>}, {pipeline_mode = #tpu.pipeline_mode<synchronous>, transform_indices = @transform_3, window_bounds = array<i64: 1, 256>}, {pipeline_mode = #tpu.pipeline_mode<synchronous>, transform_indices = @transform_4, window_bounds = array<i64: 128, 128>}, {pipeline_mode = #tpu.pipeline_mode<synchronous>, transform_indices = @transform_5, window_bounds = array<i64: 1, 128>}, {pipeline_mode = #tpu.pipeline_mode<synchronous>, transform_indices = @transform_6, window_bounds = array<i64: 128, 128>}, {pipeline_mode = #tpu.pipeline_mode<synchronous>, transform_indices = @transform_7, window_bounds = array<i64: 1, 128>}, {pipeline_mode = #tpu.pipeline_mode<synchronous>, transform_indices = @transform_8, window_bounds = array<i64: 20, 128>}, {pipeline_mode = #tpu.pipeline_mode<synchronous>, transform_indices = @transform_9, window_bounds = array<i64: 20, 1>}, {pipeline_mode = #tpu.pipeline_mode<synchronous>, transform_indices = @transform_10, window_bounds = array<i64: 20, 128>}, {pipeline_mode = #tpu.pipeline_mode<synchronous>, transform_indices = @transform_11, window_bounds = array<i64: 20, 1>}, {transform_indices = @transform_12, window_bounds = array<i64: 20, 2048>}, {transform_indices = @transform_13, window_bounds = array<i64: 20, 2048>}]} {
    %get3A = arith.constant 0 : index
    %get3A_0 = arith.constant 0 : index
    %get3A_1 = vector.load %arg1[%get3A, %get3A_0] : memref<2048x128xf32, #tpu.memory_space<vmem>>, vector<2048x128xf32>
    %get3A_2 = arith.constant 0 : index
    %get3A_3 = arith.constant 0 : index
    %get3A_4 = vector.load %arg2[%get3A_2, %get3A_3] : memref<2048x128xf32, #tpu.memory_space<vmem>>, vector<2048x128xf32>
    %sub3A = arith.subf %get3A_1, %get3A_4 : vector<2048x128xf32>
    %get3A_5 = arith.constant 0 : index
    %get3A_6 = arith.constant 0 : index
    %get3A_7 = vector.load %arg3[%get3A_5, %get3A_6] : memref<256x128xf32, #tpu.memory_space<vmem>>, vector<256x128xf32>
    %dot_general3A = arith.constant dense<0.000000e+00> : vector<2048x256xf32>
    %dot_general3A_8 = tpu.matmul %sub3A, %get3A_7, %dot_general3A {dimension_numbers = #tpu.dot_dimension_numbers<[1], [1], [0], [0], [0, 0, 1, 0], [], []>, transpose_lhs_hint = false} : vector<2048x128xf32>, vector<256x128xf32>, vector<2048x256xf32> -> vector<2048x256xf32>
    %get3A_9 = arith.constant 0 : index
    %get3A_10 = arith.constant 0 : index
    %get3A_11 = vector.load %arg4[%get3A_9, %get3A_10] : memref<1x256xf32, #tpu.memory_space<vmem>>, vector<1x256xf32>
    %add3A = vector.broadcast %get3A_11 : vector<1x256xf32> to vector<2048x256xf32>
    %add3A_12 = arith.addf %dot_general3A_8, %add3A : vector<2048x256xf32>
    %max3A = arith.constant 0.000000e+00 : f32
    %max3A_13 = vector.broadcast %max3A : f32 to vector<2048x256xf32>
    %max3A_14 = arith.maximumf %add3A_12, %max3A_13 : vector<2048x256xf32>
    %slice3A = vector.extract_strided_slice %max3A_14 {offsets = [0, 0], sizes = [2048, 128], strides = [1, 1]} : vector<2048x256xf32> to vector<2048x128xf32>
    %get3A_15 = arith.constant 0 : index
    %get3A_16 = arith.constant 0 : index
    %get3A_17 = vector.load %arg5[%get3A_15, %get3A_16] : memref<128x128xf32, #tpu.memory_space<vmem>>, vector<128x128xf32>
    %dot_general3A_18 = arith.constant dense<0.000000e+00> : vector<2048x128xf32>
    %dot_general3A_19 = tpu.matmul %slice3A, %get3A_17, %dot_general3A_18 {dimension_numbers = #tpu.dot_dimension_numbers<[1], [1], [0], [0], [0, 0, 1, 0], [], []>, transpose_lhs_hint = false} : vector<2048x128xf32>, vector<128x128xf32>, vector<2048x128xf32> -> vector<2048x128xf32>
    %get3A_20 = arith.constant 0 : index
    %get3A_21 = arith.constant 0 : index
    %get3A_22 = vector.load %arg6[%get3A_20, %get3A_21] : memref<1x128xf32, #tpu.memory_space<vmem>>, vector<1x128xf32>
    %add3A_23 = vector.broadcast %get3A_22 : vector<1x128xf32> to vector<2048x128xf32>
    %add3A_24 = arith.addf %dot_general3A_19, %add3A_23 : vector<2048x128xf32>
    %max3A_25 = arith.constant 0.000000e+00 : f32
    %max3A_26 = vector.broadcast %max3A_25 : f32 to vector<2048x128xf32>
    %max3A_27 = arith.maximumf %add3A_24, %max3A_26 : vector<2048x128xf32>
    %get3A_28 = arith.constant 0 : index
    %get3A_29 = arith.constant 0 : index
    %get3A_30 = vector.load %arg9[%get3A_28, %get3A_29] : memref<20x128xf32, #tpu.memory_space<vmem>>, vector<20x128xf32>
    %dot_general3A_31 = arith.constant dense<0.000000e+00> : vector<20x2048xf32>
    %dot_general3A_32 = tpu.matmul %get3A_30, %max3A_27, %dot_general3A_31 {dimension_numbers = #tpu.dot_dimension_numbers<[1], [1], [0], [0], [0, 0, 1, 0], [], []>, transpose_lhs_hint = false} : vector<20x128xf32>, vector<2048x128xf32>, vector<20x2048xf32> -> vector<20x2048xf32>
    %get3A_33 = arith.constant 0 : index
    %get3A_34 = arith.constant 0 : index
    %get3A_35 = vector.load %arg10[%get3A_33, %get3A_34] : memref<20x1xf32, #tpu.memory_space<vmem>>, vector<20x1xf32>
    %add3A_36 = vector.broadcast %get3A_35 : vector<20x1xf32> to vector<20x2048xf32>
    %add3A_37 = arith.addf %dot_general3A_32, %add3A_36 : vector<20x2048xf32>
    %swap3A = arith.constant 0 : index
    %swap3A_38 = arith.constant 0 : index
    %swap3A_39 = vector.load %arg13[%swap3A, %swap3A_38] : memref<20x2048xf32, #tpu.memory_space<vmem>>, vector<20x2048xf32>
    tpu.vector_store %arg13[%swap3A, %swap3A_38], %add3A_37 {strides = array<i32>} : memref<20x2048xf32, #tpu.memory_space<vmem>>, vector<20x2048xf32>,
    %slice3A_40 = vector.extract_strided_slice %max3A_14 {offsets = [0, 128], sizes = [2048, 128], strides = [1, 1]} : vector<2048x256xf32> to vector<2048x128xf32>
    %get3A_41 = arith.constant 0 : index
    %get3A_42 = arith.constant 0 : index
    %get3A_43 = vector.load %arg7[%get3A_41, %get3A_42] : memref<128x128xf32, #tpu.memory_space<vmem>>, vector<128x128xf32>
    %dot_general3A_44 = arith.constant dense<0.000000e+00> : vector<2048x128xf32>
    %dot_general3A_45 = tpu.matmul %slice3A_40, %get3A_43, %dot_general3A_44 {dimension_numbers = #tpu.dot_dimension_numbers<[1], [1], [0], [0], [0, 0, 1, 0], [], []>, transpose_lhs_hint = false} : vector<2048x128xf32>, vector<128x128xf32>, vector<2048x128xf32> -> vector<2048x128xf32>
    %get3A_46 = arith.constant 0 : index
    %get3A_47 = arith.constant 0 : index
    %get3A_48 = vector.load %arg8[%get3A_46, %get3A_47] : memref<1x128xf32, #tpu.memory_space<vmem>>, vector<1x128xf32>
    %add3A_49 = vector.broadcast %get3A_48 : vector<1x128xf32> to vector<2048x128xf32>
    %add3A_50 = arith.addf %dot_general3A_45, %add3A_49 : vector<2048x128xf32>
    %max3A_51 = arith.constant 0.000000e+00 : f32
    %max3A_52 = vector.broadcast %max3A_51 : f32 to vector<2048x128xf32>
    %max3A_53 = arith.maximumf %add3A_50, %max3A_52 : vector<2048x128xf32>
    %get3A_54 = arith.constant 0 : index
    %get3A_55 = arith.constant 0 : index
    %get3A_56 = vector.load %arg11[%get3A_54, %get3A_55] : memref<20x128xf32, #tpu.memory_space<vmem>>, vector<20x128xf32>
    %dot_general3A_57 = arith.constant dense<0.000000e+00> : vector<20x2048xf32>
    %dot_general3A_58 = tpu.matmul %get3A_56, %max3A_53, %dot_general3A_57 {dimension_numbers = #tpu.dot_dimension_numbers<[1], [1], [0], [0], [0, 0, 1, 0], [], []>, transpose_lhs_hint = false} : vector<20x128xf32>, vector<2048x128xf32>, vector<20x2048xf32> -> vector<20x2048xf32>
    %get3A_59 = arith.constant 0 : index
    %get3A_60 = arith.constant 0 : index
    %get3A_61 = vector.load %arg12[%get3A_59, %get3A_60] : memref<20x1xf32, #tpu.memory_space<vmem>>, vector<20x1xf32>
    %add3A_62 = vector.broadcast %get3A_61 : vector<20x1xf32> to vector<20x2048xf32>
    %add3A_63 = arith.addf %dot_general3A_58, %add3A_62 : vector<20x2048xf32>
    %reduce_max3A = arith.constant dense<0xFF800000> : vector<2048xf32>
    %reduce_max3A_64 = vector.multi_reduction <maximumf>, %add3A_63, %reduce_max3A [0] : vector<20x2048xf32> to vector<2048xf32>
    %broadcast_in_dim3A = vector.shape_cast %reduce_max3A_64 : vector<2048xf32> to vector<1x2048xf32>
    %sub3A_65 = vector.broadcast %broadcast_in_dim3A : vector<1x2048xf32> to vector<20x2048xf32>
    %sub3A_66 = arith.subf %add3A_63, %sub3A_65 : vector<20x2048xf32>
    %exp3A = math.exp %sub3A_66 : vector<20x2048xf32>
    %reduce_sum3A = arith.constant dense<0.000000e+00> : vector<2048xf32>
    %reduce_sum3A_67 = vector.multi_reduction <add>, %exp3A, %reduce_sum3A [0] : vector<20x2048xf32> to vector<2048xf32>
    %broadcast_in_dim3A_68 = vector.shape_cast %reduce_sum3A_67 : vector<2048xf32> to vector<1x2048xf32>
    %log3A = math.log %broadcast_in_dim3A_68 : vector<1x2048xf32>
    %add3A_69 = arith.addf %log3A, %broadcast_in_dim3A : vector<1x2048xf32>
    %sub3A_70 = vector.broadcast %add3A_69 : vector<1x2048xf32> to vector<20x2048xf32>
    %sub3A_71 = arith.subf %add3A_63, %sub3A_70 : vector<20x2048xf32>
    %swap3A_72 = arith.constant 0 : index
    %swap3A_73 = arith.constant 0 : index
    %swap3A_74 = vector.load %arg14[%swap3A_72, %swap3A_73] : memref<20x2048xf32, #tpu.memory_space<vmem>>, vector<20x2048xf32>
    tpu.vector_store %arg14[%swap3A_72, %swap3A_73], %sub3A_71 {strides = array<i32>} : memref<20x2048xf32, #tpu.memory_space<vmem>>, vector<20x2048xf32>,
    return
  }
  func.func @transform_0(%arg0: i32) -> (i32, i32) {
    %c0_i32 = arith.constant 0 : i32
    %c0_i32_0 = arith.constant 0 : i32
    return %arg0, %c0_i32 : i32, i32
  }
  func.func @transform_1(%arg0: i32) -> (i32, i32) {
    %c0_i32 = arith.constant 0 : i32
    %c0_i32_0 = arith.constant 0 : i32
    return %arg0, %c0_i32 : i32, i32
  }
  func.func @transform_2(%arg0: i32) -> (i32, i32) {
    %c0_i32 = arith.constant 0 : i32
    %c0_i32_0 = arith.constant 0 : i32
    %c0_i32_1 = arith.constant 0 : i32
    return %c0_i32, %c0_i32_0 : i32, i32
  }
  func.func @transform_3(%arg0: i32) -> (i32, i32) {
    %c0_i32 = arith.constant 0 : i32
    %c0_i32_0 = arith.constant 0 : i32
    %c0_i32_1 = arith.constant 0 : i32
    return %c0_i32, %c0_i32_0 : i32, i32
  }
  func.func @transform_4(%arg0: i32) -> (i32, i32) {
    %c0_i32 = arith.constant 0 : i32
    %c0_i32_0 = arith.constant 0 : i32
    %c0_i32_1 = arith.constant 0 : i32
    return %c0_i32, %c0_i32_0 : i32, i32
  }
  func.func @transform_5(%arg0: i32) -> (i32, i32) {
    %c0_i32 = arith.constant 0 : i32
    %c0_i32_0 = arith.constant 0 : i32
    %c0_i32_1 = arith.constant 0 : i32
    return %c0_i32, %c0_i32_0 : i32, i32
  }
  func.func @transform_6(%arg0: i32) -> (i32, i32) {
    %c0_i32 = arith.constant 0 : i32
    %c0_i32_0 = arith.constant 0 : i32
    %c0_i32_1 = arith.constant 0 : i32
    return %c0_i32, %c0_i32_0 : i32, i32
  }
  func.func @transform_7(%arg0: i32) -> (i32, i32) {
    %c0_i32 = arith.constant 0 : i32
    %c0_i32_0 = arith.constant 0 : i32
    %c0_i32_1 = arith.constant 0 : i32
    return %c0_i32, %c0_i32_0 : i32, i32
  }
  func.func @transform_8(%arg0: i32) -> (i32, i32) {
    %c0_i32 = arith.constant 0 : i32
    %c0_i32_0 = arith.constant 0 : i32
    %c0_i32_1 = arith.constant 0 : i32
    return %c0_i32, %c0_i32_0 : i32, i32
  }
  func.func @transform_9(%arg0: i32) -> (i32, i32) {
    %c0_i32 = arith.constant 0 : i32
    %c0_i32_0 = arith.constant 0 : i32
    %c0_i32_1 = arith.constant 0 : i32
    return %c0_i32, %c0_i32_0 : i32, i32
  }
  func.func @transform_10(%arg0: i32) -> (i32, i32) {
    %c0_i32 = arith.constant 0 : i32
    %c0_i32_0 = arith.constant 0 : i32
    %c0_i32_1 = arith.constant 0 : i32
    return %c0_i32, %c0_i32_0 : i32, i32
  }
  func.func @transform_11(%arg0: i32) -> (i32, i32) {
    %c0_i32 = arith.constant 0 : i32
    %c0_i32_0 = arith.constant 0 : i32
    %c0_i32_1 = arith.constant 0 : i32
    return %c0_i32, %c0_i32_0 : i32, i32
  }
  func.func @transform_12(%arg0: i32) -> (i32, i32) {
    %c0_i32 = arith.constant 0 : i32
    %c0_i32_0 = arith.constant 0 : i32
    return %c0_i32, %arg0 : i32, i32
  }
  func.func @transform_13(%arg0: i32) -> (i32, i32) {
    %c0_i32 = arith.constant 0 : i32
    %c0_i32_0 = arith.constant 0 : i32
    return %c0_i32, %arg0 : i32, i32
  }
}

</mosaic_0001>

<sc_bundles>
// kernel: kernel.14.cloned.1.call-start
scs
__scs_entry_jumppad:
0x0: {  	(pc) =	sbr.rel $0x88, $3  }
0x1: {  	(tag) =	ssettag $0x0;
	lr =	simm.s32 $0x1  }
0x2: {  	[smem:$0x3F82] =	sst lr;
	_ =	strace $0xD0000000  }
0x3: {  	_ = 	snop  }
0x4: {  	_ = 	snop  }
0x5: {  	_ = 	snop  }
0x6: {  	_ = 	snop  }
0x7: {  	_ = 	snop  }
__scs_overlays_trampoline_lowered:
0x8: {  	[smem:$0x3F91] =	sst s0  }
0x9: {  	[smem:$0x3F92] =	sst s1  }
0xa: {  	[smem:$0x3F93] =	sst s2  }
0xb: {  	[smem:$0x3F94] =	sst s3  }
0xc: {  	[smem:$0x3F95] =	sst s4  }
0xd: {  	[smem:$0x3F96] =	sst s5  }
0xe: {  	[smem:$0x3F97] =	sst s6  }
0xf: {  	[smem:$0x3F98] =	sst s7  }
0x10: {  	[smem:$0x3F99] =	sst s8  }
0x11: {  	[smem:$0x3F9A] =	sst s9;
	s0 =	simm.s32 @!p0 $0x0  }
0x12: {  	s1 =	sld [smem:$0x3F80];
	s0 =	simm.s32 @p0 $0x1  }
0x13: {  	[smem:$0x3F9B] =	sst s0;
	s0 =	simm.s32 @!p1 $0x0  }
0x14: {  	s2 =	sld [smem:$0x3F7F];
	s0 =	simm.s32 @p1 $0x1  }
0x15: {  	[smem:$0x3F9C] =	sst s0;
	s0 =	simm.s32 @!p2 $0x0  }
0x16: {  	s3 =	sld [smem:$0x3FDB];
	s0 =	simm.s32 @p2 $0x1  }
0x17: {  	s4 =	simm.s32 $0x1BF5;
	[smem:$0x3F9E] =	sst s0  }
0x18: {  	s0 =	sld [smem:$0x3F81];
	_ =	swait.ge [sflag:s4], $0x0  }
0x19: {  	s7 =	sld [smem:$0x3F82]  }
0x1a: {  	s8 =	sadd.s32 $0xFFFFE003, lr  }
0x1b: {  	s9 =	sadd.s32 $0xFFFFFEF7, lr;
	s5 =	simm.s32 $0xFFFFFFFF;
	p2 =	slt.u32 s8, $0xFFFFF086  }
0x1c: {  	p1 =	slt.u32 s9, $0xF7A;
	s5 =	simm.s32 @!p2 $0x0  }
0x1d: {  	s5 =	simm.s32 @p1 $0x1;
	p0 =	seq.s32 s7, s2  }
0x1e: {  	s7 =	smul.u32 @!p0 $0xF7A, s2;
	p2 =	seq.s32 @!p0 s5, $0x0  }
0x1f: {  	s9 =	smul.u32 $0xF7A, s1;
	s8 =	simm.s32 @!p0 $0x1BF5;
	p2 =	por !p2, p0  }
0x20: {  	[sflag:s8] =	ssyncset.s32 @!p0 $0xFFFFF086;
	s6 =	sadd.s32 @!p0 s3, s7;
	s7 =	simm.s32 @!p0 $0x108  }
0x21: {  	s3 =	sadd.s32 s3, s9;
	s6 =	sadd.s32 @!p0 $0x88, s6;
	s7 =	simm.s32 @p2 $0x1082  }
0x22: {  	[simem:s7], [sflag:s8] =	dma.local @!p0 [hbm:s6], $0xF7A  }
0x23: {  	s9 =	sor.u32 $0xD0000000, s2;
	s6 =	simm.s32 $0x108;
	_ =	swait.ge @!p0 [sflag:s8], $0x0  }
0x24: {  	s3 =	sadd.s32 $0x88, s3;
	s6 =	simm.s32 @!p1 $0x1082;
	[sflag:s4] =	ssyncset.s32 $0xFFFFF086  }
0x25: {  	[simem:s6], [sflag:s4] =	dma.local [hbm:s3], $0xF7A  }
0x26: {  	[smem:$0x3F82] =	sst s1;
	(tag) =	ssettag s2;
	_ =	strace s9  }
0x27: {  	s1 =	sld [smem:$0x3F92]  }
0x28: {  	s2 =	sld [smem:$0x3F93]  }
0x29: {  	s4 =	sld [smem:$0x3F95]  }
0x2a: {  	p0 =	seq.s32 s5, $0x0;
	s5 =	sld [smem:$0x3F96]  }
0x2b: {  	s6 =	sld [smem:$0x3F97]  }
0x2c: {  	s7 =	sld [smem:$0x3F98]  }
0x2d: {  	s3 =	simm.s32 $0x108;
	s8 =	sld [smem:$0x3F99]  }
0x2e: {  	s3 =	simm.s32 @!p0 $0x1082;
	s9 =	sld [smem:$0x3F9A]  }
0x2f: {  	lr =	sadd.s32 s0, s3;
	s0 =	sld [smem:$0x3F91]  }
0x30: {  	s3 =	sld [smem:$0x3F94]  }
0x31: {  	[smem:$0x3F9D] =	sst s10  }
0x32: {  	s10 =	sld [smem:$0x3F9B];
	_ =	sdelay $0x3  }
0x33: {  	p0 =	seq.s32 s10, $0x1;
	s10 =	sld [smem:$0x3F9D];
	_ =	sdelay $0x3  }
0x34: {  	[smem:$0x3F9D] =	sst s10  }
0x35: {  	s10 =	sld [smem:$0x3F9C];
	_ =	sdelay $0x3  }
0x36: {  	p1 =	seq.s32 s10, $0x1;
	s10 =	sld [smem:$0x3F9D];
	_ =	sdelay $0x3  }
0x37: {  	[smem:$0x3F9D] =	sst s10  }
0x38: {  	s10 =	sld [smem:$0x3F9E]  }
0x39: {  	_ = 	snop;
	(pc) =	sbr.ind lr, $3  }
0x3a: {  	_ = 	snop  }
0x3b: {  	_ = 	snop  }
0x3c: {  	p2 =	seq.s32 s10, $0x1;
	s10 =	sld [smem:$0x3F9D]  }
0x3d: {  	_ =	shalt  }
0x3e: {  	_ =	shalt  }
0x3f: {  	_ =	shalt  }
0x40: {  	_ =	shalt  }
0x41: {  	_ =	shalt  }
0x42: {  	_ =	shalt  }
0x43: {  	_ =	shalt  }
0x44: {  	_ =	shalt  }
0x45: {  	_ =	shalt  }
0x46: {  	_ =	shalt  }
0x47: {  	_ =	shalt  }
0x48: {  	_ =	shalt  }
0x49: {  	_ =	shalt  }
0x4a: {  	_ =	shalt  }
0x4b: {  	_ =	shalt  }
0x4c: {  	_ =	shalt  }
0x4d: {  	_ =	shalt  }
0x4e: {  	_ =	shalt  }
0x4f: {  	_ =	shalt  }
0x50: {  	_ =	shalt  }
0x51: {  	_ =	shalt  }
0x52: {  	_ =	shalt  }
0x53: {  	_ =	shalt  }
0x54: {  	_ =	shalt  }
0x55: {  	_ =	shalt  }
0x56: {  	_ =	shalt  }
0x57: {  	_ =	shalt  }
0x58: {  	_ =	shalt  }
0x59: {  	_ =	shalt  }
0x5a: {  	_ =	shalt  }
0x5b: {  	_ =	shalt  }
0x5c: {  	_ =	shalt  }
0x5d: {  	_ =	shalt  }
0x5e: {  	_ =	shalt  }
0x5f: {  	_ =	shalt  }
0x60: {  	_ =	shalt  }
0x61: {  	_ =	shalt  }
0x62: {  	_ =	shalt  }
0x63: {  	_ =	shalt  }
0x64: {  	_ =	shalt  }
0x65: {  	_ =	shalt  }
0x66: {  	_ =	shalt  }
0x67: {  	_ =	shalt  }
0x68: {  	_ =	shalt  }
0x69: {  	_ =	shalt  }
0x6a: {  	_ =	shalt  }
0x6b: {  	_ =	shalt  }
0x6c: {  	_ =	shalt  }
0x6d: {  	_ =	shalt  }
0x6e: {  	_ =	shalt  }
0x6f: {  	_ =	shalt  }
0x70: {  	_ =	shalt  }
0x71: {  	_ =	shalt  }
0x72: {  	_ =	shalt  }
0x73: {  	_ =	shalt  }
0x74: {  	_ =	shalt  }
0x75: {  	_ =	shalt  }
0x76: {  	_ =	shalt  }
0x77: {  	_ =	shalt  }
0x78: {  	_ =	shalt  }
0x79: {  	_ =	shalt  }
0x7a: {  	_ =	shalt  }
0x7b: {  	_ =	shalt  }
0x7c: {  	_ =	shalt  }
0x7d: {  	_ =	shalt  }
0x7e: {  	_ =	shalt  }
0x7f: {  	_ =	shalt  }
0x80: {  	_ =	shalt  }
0x81: {  	_ =	shalt  }
0x82: {  	_ =	shalt  }
0x83: {  	_ =	shalt  }
0x84: {  	_ =	shalt  }
0x85: {  	_ =	shalt  }
0x86: {  	_ =	shalt  }
0x87: {  	_ =	shalt  }
.Lfunc_end0:
.L_simem_size_0:
called_computation_lowered:
.L_overlay_start_0:
0x88: {  	s2 =	sld [smem:$0x3FD9]  }
0x89: {  	s3 =	sld [smem:$0x3FFE];
	_ =	sdelay $0x1  }
0x8a: {  	s1 =	srdreg.scid  }
0x8b: {  	s0 =	sand.u32 $0x1, s1  }
0x8c: {  	s14 =	sshll.u32 s0, $0xA;
	s2 =	sadd.s32 s3, s2  }
0x8d: {  	s2 =	sadd.s32 s2, s14  }
0x8e: {  	[smem:$0x3FA9] =	sst s2  }
0x8f: {  	_ = 	snop  }
0x90: {  	s2 =	sld [smem:$0x3FD0];
	_ =	sdelay $0x2  }
0x91: {  	s15 =	simm.s32 $0xB;
	s4 =	simm.s32 $0x10  }
0x92: {  	[smem:s4], [sflag:s15] =	dma.local [hbm:s2], $0x1  }
0x93: {  	_ =	swait.eq [sflag:s15], $0x1  }
0x94: {  	[sflag:s15] =	ssyncset.done $0x0  }
0x95: {  	s16 =	sld [smem:$0x10];
	[sflag:s15] =	ssyncadd.s32 $0xFFFFFFFF  }
0x96: {  	s17 =	sld [smem:$0x11];
	(tm) =	ssettm $0x1  }
0x97: {  	s18 =	sld [smem:$0x3FFB];
	_ =	sdelay $0x3  }
0x98: {  	_ =	strace s18  }
0x99: {  	s4 =	sld [smem:$0x3FFC];
	_ =	sdelay $0x3  }
0x9a: {  	_ =	strace s4  }
0x9b: {  	s4 =	sld [smem:$0x3FFD];
	_ =	sdelay $0x3  }
0x9c: {  	_ =	strace s4  }
0x9d: {  	_ =	strace $0x8FFFFFFF  }
0x9e: {  	s19 =	sld [smem:$0x3FDB];
	_ =	sdelay $0x1  }
0x9f: {  	s5 =	simm.s32 $_scs_section_size  }
0xa0: {  	s6 =	simm.s32 $_size__tile_overlayer_lowered;
	s7 =	simm.s32 $_tile_overlayer_lowered  }
0xa1: {  	s22 =	simm.s32 $0x1BFF;
	s21 =	sshll.u32 s7, $0x1;
	s4 =	sadd.s32 s5, s19  }
0xa2: {  	s8 =	simm.s32 $0x0;
	s20 =	sshll.u32 s6, $0x1;
	s6 =	sadd.s32 s21, s4  }
0xa3: {  	[timem:s8], [sflag:s22] =	dma.local [hbm:s6], s20  }
0xa4: {  	_ =	swait.ge [sflag:s22], s20  }
0xa5: {  	s5 =	ssub.s32 $0x0, s20;
	[sflag:s22] =	ssyncset.done $0x0  }
0xa6: {  	[sflag:s22] =	ssyncadd.s32 s5;
	_ =	sdelay $0x1  }
0xa7: {  	s23 =	simm.s32 $0x1B8B  }
0xa8: {  	_ =	swait.ge [sflag:s23], $0x1  }
0xa9: {  	[sflag:s23] =	ssyncset.done $0x0  }
0xaa: {  	s25 =	simm.s32 $0x1B8E;
	s24 =	sld [smem:$0x3FFE];
	[sflag:s23] =	ssyncadd.s32 $0xFFFFFFFF  }
0xab: {  	s26 =	simm.s32 $execute0_lowered;
	[smem:$0x3FD2] =	sst s25  }
0xac: {  	s6 =	sshll.u32 s26, $0x1;
	_ =	strace $0x80000046;
	[dreg:$0x1] =	wrdreg $0xFFFFFFFF  }
0xad: {  	s28 =	simm.s32 $_size_execute0_lowered;
	s4 =	sadd.s32 s4, s6;
	[dreg:$0x0] =	wrdreg $0x0  }
0xae: {  	s6 =	sshll.u32 s28, $0x1;
	[dreg:$0x2] =	wrdreg s4  }
0xaf: {  	[dreg:$0x3] =	wrdreg s6  }
0xb0: {  	[dreg:$0x4] =	wrdreg $0xC0  }
0xb1: {  	_ =	task [dreg:s8], $0x5FFFF  }
0xb2: {  	[dreg:$0x1] =	wrdreg $0xFFFFFFFF  }
0xb3: {  	[dreg:$0x0] =	wrdreg $0x60  }
0xb4: {  	[dreg:$0x2] =	wrdreg s17  }
0xb5: {  	[dreg:$0x3] =	wrdreg s24  }
0xb6: {  	[dreg:$0x4] =	wrdreg s16  }
0xb7: {  	[dreg:$0x5] =	wrdreg $0x9  }
0xb8: {  	_ =	task.clear_ibuf [dreg:s8], $0x6FFFF;
	_ =	strace $0x90000046  }
0xb9: {  	s29 =	simm.s32 $0x9;
	_ =	strace $0x80000048  }
0xba: {  	_ =	swait.ge [sflag:s29], $0x1  }
0xbb: {  	[sflag:s29] =	ssyncadd.s32 $0xFFFFFFFF  }
0xbc: {  	_ =	strace $0x90000048  }
0xbd: {  	_ =	sfence  }
0xbe: {  	s30 =	sld [smem:$0x0];
	_ =	sdelay $0x2  }
0xbf: {  	s31 =	sshll.u32 s1, $0xD;
	s1 =	sshrl.u32 s1, $0x2  }
0xc0: {  	s3 =	sand.u32 $0x4000, s31;
	s1 =	sadd.s32 s1, s30  }
0xc1: {  	s0 =	sor.u32 s3, s0;
	s1 =	sshll.u32 s1, $0x11  }
0xc2: {  	s0 =	sor.u32 s1, s0  }
0xc3: {  	s0 =	sadd.s32 $0x8F2B, s0  }
0xc4: {  	[sflag:s0] =	ssyncadd.remote.s32 $0x1  }
0xc5: {  	_ =	sfence.sel $0xFFFF  }
0xc6: {  	[dreg:$0x0] =	wrdreg $0xFFFFFFFF;
	(pc) =	sbr.abs _section_cstart, $3  }
0xc7: {  	[dreg:$0x1] =	wrdreg $0xFFFFFFFF  }
0xc8: {  	_ =	task.clear_ibuf [dreg:s8], $0x2FFFF;
	_ =	strace $0x9FFFFFFF  }
0xc9: {  	(tm) =	ssettm $0x7FFFFFFF  }
tec
execute0_lowered:
.L_overlay_start_1:
0x0: {  	(tag) =	ssettag $0x1  }
0x1: {  	s1 =	srdreg.scid;
	s0 =	stileid.u32  }
0x2: {  	s2 =	rddreg [dreg:$0x0];
	s18 =	sand.u32 $0x1, s1;
	s29 =	sshll.u32 s0, $0x1  }
0x3: {  	s4 =	rddreg [dreg:$0x1];
	s9 =	sor.u32 s18, s29  }
0x4: {  	s17 =	rddreg [dreg:$0x2];
	s19 =	smul.u32 $0x140, s9  }
0x5: {  	s3 =	simm.s32 $0x0;
	s1 =	rddreg [dreg:$0x3]  }
0x6: {  	[smem:$0x7FF] =	sst s3;
	s16 =	sadd.s32 $0xA4E00, s4;
	s30 =	sshrl.u32 s19, $0x3  }
0x7: {  	s4 =	simm.s32 $0x2;
	_ =	strace $0x80000047;
	s5 =	sadd.s32 s16, s30  }
0x8: {  	[tilespmem:s3], [sflag:$0x2] =	stream.linear.gather [hbm4b:s5+s3], $0x40, $0x38;
	[tilespmem:$0x2080] =	vst v63  }
0x9: {  	_ =	swait.ge [sflag:s4], $0x40  }
0xa: {  	s6 =	simm.s32 $0x40;
	[sflag:s4] =	ssyncset.done $0x0  }
0xb: {  	s7 =	simm.s32 $0x80;
	s8 =	simm.s32 $0x1;
	[sflag:s4] =	ssyncadd.s32 $0xFFFFFFC0  }
0xc: {  	[tilespmem:s7], [sflag:$0x1] =	stream.indirect.gather [hbm4b:s2+s6], $0x80, s3, s6, $0xb8;
	[tilespmem:$0x2080] =	vst v63  }
0xd: {  	s9 =	smul.u32 $0x1400, s9;
	_ =	swait.ge [sflag:s8], $0x2000  }
0xe: {  	[sflag:s8] =	ssyncset.done $0x0  }
0xf: {  	s9 =	sadd.s32 s17, s9;
	[sflag:s8] =	ssyncadd.s32 $0xFFFFE000  }
0x10: {  	[hbm4b:s9+s3] =	stream.linear.scatter [tilespmem:s7], [sflag:$0x2], $0x2000, $0x38;
	[tilespmem:$0x2080] =	vst v63  }
0x11: {  	s11 =	sadd.s32 $0x40, s19;
	_ =	swait.ge [sflag:s4], $0x2000  }
0x12: {  	s10 =	sshrl.u32 s11, $0x3;
	[sflag:s4] =	ssyncset.done $0x0  }
0x13: {  	s10 =	sadd.s32 s16, s10;
	[sflag:s4] =	ssyncadd.s32 $0xFFFFE000  }
0x14: {  	[tilespmem:s3], [sflag:$0x2] =	stream.linear.gather [hbm4b:s10+s3], $0x40, $0x38;
	[tilespmem:$0x2080] =	vst v63  }
0x15: {  	_ =	swait.ge [sflag:s4], $0x40  }
0x16: {  	[sflag:s4] =	ssyncset.done $0x0  }
0x17: {  	[sflag:s4] =	ssyncadd.s32 $0xFFFFFFC0  }
0x18: {  	[tilespmem:s7], [sflag:$0x1] =	stream.indirect.gather [hbm4b:s2+s6], $0x80, s3, s6, $0xb8;
	[tilespmem:$0x2080] =	vst v63  }
0x19: {  	_ =	swait.ge [sflag:s8], $0x2000  }
0x1a: {  	s11 =	sshll.u32 s11, $0x4;
	[sflag:s8] =	ssyncset.done $0x0  }
0x1b: {  	s11 =	sadd.s32 s17, s11;
	[sflag:s8] =	ssyncadd.s32 $0xFFFFE000  }
0x1c: {  	[hbm4b:s11+s3] =	stream.linear.scatter [tilespmem:s7], [sflag:$0x2], $0x2000, $0x38;
	[tilespmem:$0x2080] =	vst v63  }
0x1d: {  	s13 =	sadd.s32 $0x80, s19;
	_ =	swait.ge [sflag:s4], $0x2000  }
0x1e: {  	s12 =	sshrl.u32 s13, $0x3;
	[sflag:s4] =	ssyncset.done $0x0  }
0x1f: {  	s12 =	sadd.s32 s16, s12;
	[sflag:s4] =	ssyncadd.s32 $0xFFFFE000  }
0x20: {  	[tilespmem:s3], [sflag:$0x2] =	stream.linear.gather [hbm4b:s12+s3], $0x40, $0x38;
	[tilespmem:$0x2080] =	vst v63  }
0x21: {  	_ =	swait.ge [sflag:s4], $0x40  }
0x22: {  	[sflag:s4] =	ssyncset.done $0x0  }
0x23: {  	[sflag:s4] =	ssyncadd.s32 $0xFFFFFFC0  }
0x24: {  	[tilespmem:s7], [sflag:$0x1] =	stream.indirect.gather [hbm4b:s2+s6], $0x80, s3, s6, $0xb8;
	[tilespmem:$0x2080] =	vst v63  }
0x25: {  	_ =	swait.ge [sflag:s8], $0x2000  }
0x26: {  	s13 =	sshll.u32 s13, $0x4;
	[sflag:s8] =	ssyncset.done $0x0  }
0x27: {  	s13 =	sadd.s32 s17, s13;
	[sflag:s8] =	ssyncadd.s32 $0xFFFFE000  }
0x28: {  	[hbm4b:s13+s3] =	stream.linear.scatter [tilespmem:s7], [sflag:$0x2], $0x2000, $0x38;
	[tilespmem:$0x2080] =	vst v63  }
0x29: {  	s15 =	sadd.s32 $0xC0, s19;
	_ =	swait.ge [sflag:s4], $0x2000  }
0x2a: {  	s14 =	sshrl.u32 s15, $0x3;
	[sflag:s4] =	ssyncset.done $0x0  }
0x2b: {  	s14 =	sadd.s32 s16, s14;
	[sflag:s4] =	ssyncadd.s32 $0xFFFFE000  }
0x2c: {  	[tilespmem:s3], [sflag:$0x2] =	stream.linear.gather [hbm4b:s14+s3], $0x40, $0x38;
	[tilespmem:$0x2080] =	vst v63  }
0x2d: {  	_ =	swait.ge [sflag:s4], $0x40  }
0x2e: {  	[sflag:s4] =	ssyncset.done $0x0  }
0x2f: {  	[sflag:s4] =	ssyncadd.s32 $0xFFFFFFC0  }
0x30: {  	[tilespmem:s7], [sflag:$0x1] =	stream.indirect.gather [hbm4b:s2+s6], $0x80, s3, s6, $0xb8;
	[tilespmem:$0x2080] =	vst v63  }
0x31: {  	_ =	swait.ge [sflag:s8], $0x2000  }
0x32: {  	s15 =	sshll.u32 s15, $0x4;
	[sflag:s8] =	ssyncset.done $0x0  }
0x33: {  	s15 =	sadd.s32 s17, s15;
	[sflag:s8] =	ssyncadd.s32 $0xFFFFE000  }
0x34: {  	[hbm4b:s15+s3] =	stream.linear.scatter [tilespmem:s7], [sflag:$0x2], $0x2000, $0x38;
	[tilespmem:$0x2080] =	vst v63  }
0x35: {  	s19 =	sadd.s32 $0x100, s19;
	_ =	swait.ge [sflag:s4], $0x2000  }
0x36: {  	s20 =	sshrl.u32 s19, $0x3;
	[sflag:s4] =	ssyncset.done $0x0  }
0x37: {  	s18 =	ssub.s32 $0x2, s18;
	s16 =	sadd.s32 s16, s20;
	[sflag:s4] =	ssyncadd.s32 $0xFFFFE000  }
0x38: {  	[tilespmem:s3], [sflag:$0x2] =	stream.linear.gather [hbm4b:s16+s3], $0x40, $0x38;
	[tilespmem:$0x2080] =	vst v63  }
0x39: {  	s31 =	sshrl.u32 s18, $0x1;
	_ =	swait.ge [sflag:s4], $0x40  }
0x3a: {  	s18 =	ssub.s32 s18, s31;
	[sflag:s4] =	ssyncset.done $0x0  }
0x3b: {  	s18 =	smax.u32 s18, $0x1;
	[sflag:s4] =	ssyncadd.s32 $0xFFFFFFC0  }
0x3c: {  	[tilespmem:s7], [sflag:$0x1] =	stream.indirect.gather [hbm4b:s2+s6], $0x80, s3, s6, $0xb8;
	[tilespmem:$0x2080] =	vst v63  }
0x3d: {  	p0 =	sne.s32 s18, $0x1;
	_ =	swait.ge [sflag:s8], $0x2000  }
.Ltmp0:
0x3e: {  	s19 =	sshll.u32 s19, $0x4;
	[sflag:s8] =	ssyncset.done $0x0;
	(pc) =	sbr.rel @!p0 .LBB2_2-.Ltmp0, $4  }
0x3f: {  	s17 =	sadd.s32 s17, s19;
	[sflag:s8] =	ssyncadd.s32 $0xFFFFE000  }
0x40: {  	[hbm4b:s17+s3] =	stream.linear.scatter [tilespmem:s7], [sflag:$0x2], $0x2000, $0x38;
	[tilespmem:$0x2080] =	vst v63  }
0x41: {  	_ =	swait.ge [sflag:s4], $0x2000  }
0x42: {  	s18 =	sadd.s32 $0xFFFFFFFF, s18;
	[sflag:s4] =	ssyncset.done $0x0  }
.LBB2_1:
0x43: {  	p0 =	sne.s32 s18, $0x1;
	s18 =	sadd.s32 $0xFFFFFFFF, s18;
	[sflag:s4] =	ssyncadd.s32 $0xFFFFE000  }
0x44: {  	[tilespmem:s3], [sflag:$0x2] =	stream.linear.gather [hbm4b:s5+s3], $0x40, $0x38;
	[tilespmem:$0x2080] =	vst v63  }
0x45: {  	_ =	swait.ge [sflag:s4], $0x40  }
0x46: {  	[sflag:s4] =	ssyncset.done $0x0  }
0x47: {  	[sflag:s4] =	ssyncadd.s32 $0xFFFFFFC0  }
0x48: {  	[tilespmem:s7], [sflag:$0x1] =	stream.indirect.gather [hbm4b:s2+s6], $0x80, s3, s6, $0xb8;
	[tilespmem:$0x2080] =	vst v63  }
0x49: {  	_ =	swait.ge [sflag:s8], $0x2000  }
0x4a: {  	[sflag:s8] =	ssyncset.done $0x0  }
0x4b: {  	[sflag:s8] =	ssyncadd.s32 $0xFFFFE000  }
0x4c: {  	[hbm4b:s9+s3] =	stream.linear.scatter [tilespmem:s7], [sflag:$0x2], $0x2000, $0x38;
	[tilespmem:$0x2080] =	vst v63  }
0x4d: {  	_ =	swait.ge [sflag:s4], $0x2000  }
0x4e: {  	[sflag:s4] =	ssyncset.done $0x0  }
0x4f: {  	[sflag:s4] =	ssyncadd.s32 $0xFFFFE000  }
0x50: {  	[tilespmem:s3], [sflag:$0x2] =	stream.linear.gather [hbm4b:s10+s3], $0x40, $0x38;
	[tilespmem:$0x2080] =	vst v63  }
0x51: {  	_ =	swait.ge [sflag:s4], $0x40  }
0x52: {  	[sflag:s4] =	ssyncset.done $0x0  }
0x53: {  	[sflag:s4] =	ssyncadd.s32 $0xFFFFFFC0  }
0x54: {  	[tilespmem:s7], [sflag:$0x1] =	stream.indirect.gather [hbm4b:s2+s6], $0x80, s3, s6, $0xb8;
	[tilespmem:$0x2080] =	vst v63  }
0x55: {  	_ =	swait.ge [sflag:s8], $0x2000  }
0x56: {  	[sflag:s8] =	ssyncset.done $0x0  }
0x57: {  	[sflag:s8] =	ssyncadd.s32 $0xFFFFE000  }
0x58: {  	[hbm4b:s11+s3] =	stream.linear.scatter [tilespmem:s7], [sflag:$0x2], $0x2000, $0x38;
	[tilespmem:$0x2080] =	vst v63  }
0x59: {  	_ =	swait.ge [sflag:s4], $0x2000  }
0x5a: {  	[sflag:s4] =	ssyncset.done $0x0  }
0x5b: {  	[sflag:s4] =	ssyncadd.s32 $0xFFFFE000  }
0x5c: {  	[tilespmem:s3], [sflag:$0x2] =	stream.linear.gather [hbm4b:s12+s3], $0x40, $0x38;
	[tilespmem:$0x2080] =	vst v63  }
0x5d: {  	_ =	swait.ge [sflag:s4], $0x40  }
0x5e: {  	[sflag:s4] =	ssyncset.done $0x0  }
0x5f: {  	[sflag:s4] =	ssyncadd.s32 $0xFFFFFFC0  }
0x60: {  	[tilespmem:s7], [sflag:$0x1] =	stream.indirect.gather [hbm4b:s2+s6], $0x80, s3, s6, $0xb8;
	[tilespmem:$0x2080] =	vst v63  }
0x61: {  	_ =	swait.ge [sflag:s8], $0x2000  }
0x62: {  	[sflag:s8] =	ssyncset.done $0x0  }
0x63: {  	[sflag:s8] =	ssyncadd.s32 $0xFFFFE000  }
0x64: {  	[hbm4b:s13+s3] =	stream.linear.scatter [tilespmem:s7], [sflag:$0x2], $0x2000, $0x38;
	[tilespmem:$0x2080] =	vst v63  }
0x65: {  	_ =	swait.ge [sflag:s4], $0x2000  }
0x66: {  	[sflag:s4] =	ssyncset.done $0x0  }
0x67: {  	[sflag:s4] =	ssyncadd.s32 $0xFFFFE000  }
0x68: {  	[tilespmem:s3], [sflag:$0x2] =	stream.linear.gather [hbm4b:s14+s3], $0x40, $0x38;
	[tilespmem:$0x2080] =	vst v63  }
0x69: {  	_ =	swait.ge [sflag:s4], $0x40  }
0x6a: {  	[sflag:s4] =	ssyncset.done $0x0  }
0x6b: {  	[sflag:s4] =	ssyncadd.s32 $0xFFFFFFC0  }
0x6c: {  	[tilespmem:s7], [sflag:$0x1] =	stream.indirect.gather [hbm4b:s2+s6], $0x80, s3, s6, $0xb8;
	[tilespmem:$0x2080] =	vst v63  }
0x6d: {  	_ =	swait.ge [sflag:s8], $0x2000  }
0x6e: {  	[sflag:s8] =	ssyncset.done $0x0  }
0x6f: {  	[sflag:s8] =	ssyncadd.s32 $0xFFFFE000  }
0x70: {  	[hbm4b:s15+s3] =	stream.linear.scatter [tilespmem:s7], [sflag:$0x2], $0x2000, $0x38;
	[tilespmem:$0x2080] =	vst v63  }
0x71: {  	_ =	swait.ge [sflag:s4], $0x2000  }
0x72: {  	[sflag:s4] =	ssyncset.done $0x0  }
0x73: {  	[sflag:s4] =	ssyncadd.s32 $0xFFFFE000  }
0x74: {  	[tilespmem:s3], [sflag:$0x2] =	stream.linear.gather [hbm4b:s16+s3], $0x40, $0x38;
	[tilespmem:$0x2080] =	vst v63  }
0x75: {  	_ =	swait.ge [sflag:s4], $0x40  }
0x76: {  	[sflag:s4] =	ssyncset.done $0x0  }
0x77: {  	[sflag:s4] =	ssyncadd.s32 $0xFFFFFFC0  }
0x78: {  	[tilespmem:s7], [sflag:$0x1] =	stream.indirect.gather [hbm4b:s2+s6], $0x80, s3, s6, $0xb8;
	[tilespmem:$0x2080] =	vst v63  }
0x79: {  	_ =	swait.ge [sflag:s8], $0x2000  }
.Ltmp1:
0x7a: {  	[sflag:s8] =	ssyncset.done $0x0;
	(pc) =	sbr.rel @p0 .LBB2_1-.Ltmp1, $4  }
0x7b: {  	[sflag:s8] =	ssyncadd.s32 $0xFFFFE000  }
0x7c: {  	[hbm4b:s17+s3] =	stream.linear.scatter [tilespmem:s7], [sflag:$0x2], $0x2000, $0x38;
	[tilespmem:$0x2080] =	vst v63  }
0x7d: {  	_ =	swait.ge [sflag:s4], $0x2000  }
0x7e: {  	[sflag:s4] =	ssyncset.done $0x0  }
.LBB2_2:
0x7f: {  	[sflag:s4] =	ssyncadd.s32 $0xFFFFE000  }
0x80: {  	_ =	sfence.sel $0x180000  }
0x81: {  	[bflag:$0x0] =	sbarrier.arrive $0xFFFF  }
0x82: {  	p0 =	sne.s32 s0, $0x0;
	_ =	strace $0x90000047  }
0x83: {  	s0 =	sadd.s32 @!p0 $0x100000, s1;
	[bflag:$0x2] =	sbarrier.arrive $0xFFFF  }
0x84: {  	[sflag:s0] =	ssyncadd.tile.s32 @!p0 $0x1;
	_ =	shalt  }
.Lfunc_end2:
_tile_overlayer_lowered:
.L_overlay_start_2:
0x85: {  	(tag) =	ssettag $0x2  }
0x86: {  	s0 =	rddreg [dreg:$0x0];
	s2 =	stileid.u32  }
0x87: {  	s1 =	rddreg [dreg:$0x1];
	p0 =	sne.s32 s2, $0x0  }
0x88: {  	s3 =	rddreg [dreg:$0x2];
	[bflag:$0x3] =	sbarrier.arrive $0xFFFF;
	s2 =	simm.s32 @!p0 $0x1C02  }
0x89: {  	[timem:s3], [sflag:s2] =	dma.local @!p0 [hbm:s0], s1  }
0x8a: {  	s0 =	simm.s32 @!p0 $0x2  }
0x8b: {  	_ =	swait.ge @!p0 [sflag:s0], s1  }
0x8c: {  	s1 =	ssub.s32 @!p0 $0x0, s1;
	[sflag:s0] =	ssyncset.done @!p0 $0x0  }
0x8d: {  	[sflag:s0] =	ssyncadd.s32 @!p0 s1  }
0x8e: {  	[bflag:$0x3] =	sbarrier.arrive $0xFFFF  }
0x8f: {  	_ =	shalt  }

// kernel: kernel.17.cloned.1.call-start
scs
__scs_entry_jumppad:
0x0: {  	(pc) =	sbr.rel $0x88, $3  }
0x1: {  	(tag) =	ssettag $0x0;
	lr =	simm.s32 $0x1  }
0x2: {  	[smem:$0x3F82] =	sst lr;
	_ =	strace $0xD0000000  }
0x3: {  	_ = 	snop  }
0x4: {  	_ = 	snop  }
0x5: {  	_ = 	snop  }
0x6: {  	_ = 	snop  }
0x7: {  	_ = 	snop  }
__scs_overlays_trampoline_lowered:
0x8: {  	[smem:$0x3F91] =	sst s0  }
0x9: {  	[smem:$0x3F92] =	sst s1  }
0xa: {  	[smem:$0x3F93] =	sst s2  }
0xb: {  	[smem:$0x3F94] =	sst s3  }
0xc: {  	[smem:$0x3F95] =	sst s4  }
0xd: {  	[smem:$0x3F96] =	sst s5  }
0xe: {  	[smem:$0x3F97] =	sst s6  }
0xf: {  	[smem:$0x3F98] =	sst s7  }
0x10: {  	[smem:$0x3F99] =	sst s8  }
0x11: {  	[smem:$0x3F9A] =	sst s9;
	s0 =	simm.s32 @!p0 $0x0  }
0x12: {  	s1 =	sld [smem:$0x3F80];
	s0 =	simm.s32 @p0 $0x1  }
0x13: {  	[smem:$0x3F9B] =	sst s0;
	s0 =	simm.s32 @!p1 $0x0  }
0x14: {  	s2 =	sld [smem:$0x3F7F];
	s0 =	simm.s32 @p1 $0x1  }
0x15: {  	[smem:$0x3F9C] =	sst s0;
	s0 =	simm.s32 @!p2 $0x0  }
0x16: {  	s3 =	sld [smem:$0x3FDB];
	s0 =	simm.s32 @p2 $0x1  }
0x17: {  	s4 =	simm.s32 $0x1BF5;
	[smem:$0x3F9E] =	sst s0  }
0x18: {  	s0 =	sld [smem:$0x3F81];
	_ =	swait.ge [sflag:s4], $0x0  }
0x19: {  	s7 =	sld [smem:$0x3F82]  }
0x1a: {  	s8 =	sadd.s32 $0xFFFFE003, lr  }
0x1b: {  	s9 =	sadd.s32 $0xFFFFFEF7, lr;
	s5 =	simm.s32 $0xFFFFFFFF;
	p2 =	slt.u32 s8, $0xFFFFF086  }
0x1c: {  	p1 =	slt.u32 s9, $0xF7A;
	s5 =	simm.s32 @!p2 $0x0  }
0x1d: {  	s5 =	simm.s32 @p1 $0x1;
	p0 =	seq.s32 s7, s2  }
0x1e: {  	s7 =	smul.u32 @!p0 $0xF7A, s2;
	p2 =	seq.s32 @!p0 s5, $0x0  }
0x1f: {  	s9 =	smul.u32 $0xF7A, s1;
	s8 =	simm.s32 @!p0 $0x1BF5;
	p2 =	por !p2, p0  }
0x20: {  	[sflag:s8] =	ssyncset.s32 @!p0 $0xFFFFF086;
	s6 =	sadd.s32 @!p0 s3, s7;
	s7 =	simm.s32 @!p0 $0x108  }
0x21: {  	s3 =	sadd.s32 s3, s9;
	s6 =	sadd.s32 @!p0 $0x88, s6;
	s7 =	simm.s32 @p2 $0x1082  }
0x22: {  	[simem:s7], [sflag:s8] =	dma.local @!p0 [hbm:s6], $0xF7A  }
0x23: {  	s9 =	sor.u32 $0xD0000000, s2;
	s6 =	simm.s32 $0x108;
	_ =	swait.ge @!p0 [sflag:s8], $0x0  }
0x24: {  	s3 =	sadd.s32 $0x88, s3;
	s6 =	simm.s32 @!p1 $0x1082;
	[sflag:s4] =	ssyncset.s32 $0xFFFFF086  }
0x25: {  	[simem:s6], [sflag:s4] =	dma.local [hbm:s3], $0xF7A  }
0x26: {  	[smem:$0x3F82] =	sst s1;
	(tag) =	ssettag s2;
	_ =	strace s9  }
0x27: {  	s1 =	sld [smem:$0x3F92]  }
0x28: {  	s2 =	sld [smem:$0x3F93]  }
0x29: {  	s4 =	sld [smem:$0x3F95]  }
0x2a: {  	p0 =	seq.s32 s5, $0x0;
	s5 =	sld [smem:$0x3F96]  }
0x2b: {  	s6 =	sld [smem:$0x3F97]  }
0x2c: {  	s7 =	sld [smem:$0x3F98]  }
0x2d: {  	s3 =	simm.s32 $0x108;
	s8 =	sld [smem:$0x3F99]  }
0x2e: {  	s3 =	simm.s32 @!p0 $0x1082;
	s9 =	sld [smem:$0x3F9A]  }
0x2f: {  	lr =	sadd.s32 s0, s3;
	s0 =	sld [smem:$0x3F91]  }
0x30: {  	s3 =	sld [smem:$0x3F94]  }
0x31: {  	[smem:$0x3F9D] =	sst s10  }
0x32: {  	s10 =	sld [smem:$0x3F9B];
	_ =	sdelay $0x3  }
0x33: {  	p0 =	seq.s32 s10, $0x1;
	s10 =	sld [smem:$0x3F9D];
	_ =	sdelay $0x3  }
0x34: {  	[smem:$0x3F9D] =	sst s10  }
0x35: {  	s10 =	sld [smem:$0x3F9C];
	_ =	sdelay $0x3  }
0x36: {  	p1 =	seq.s32 s10, $0x1;
	s10 =	sld [smem:$0x3F9D];
	_ =	sdelay $0x3  }
0x37: {  	[smem:$0x3F9D] =	sst s10  }
0x38: {  	s10 =	sld [smem:$0x3F9E]  }
0x39: {  	_ = 	snop;
	(pc) =	sbr.ind lr, $3  }
0x3a: {  	_ = 	snop  }
0x3b: {  	_ = 	snop  }
0x3c: {  	p2 =	seq.s32 s10, $0x1;
	s10 =	sld [smem:$0x3F9D]  }
0x3d: {  	_ =	shalt  }
0x3e: {  	_ =	shalt  }
0x3f: {  	_ =	shalt  }
0x40: {  	_ =	shalt  }
0x41: {  	_ =	shalt  }
0x42: {  	_ =	shalt  }
0x43: {  	_ =	shalt  }
0x44: {  	_ =	shalt  }
0x45: {  	_ =	shalt  }
0x46: {  	_ =	shalt  }
0x47: {  	_ =	shalt  }
0x48: {  	_ =	shalt  }
0x49: {  	_ =	shalt  }
0x4a: {  	_ =	shalt  }
0x4b: {  	_ =	shalt  }
0x4c: {  	_ =	shalt  }
0x4d: {  	_ =	shalt  }
0x4e: {  	_ =	shalt  }
0x4f: {  	_ =	shalt  }
0x50: {  	_ =	shalt  }
0x51: {  	_ =	shalt  }
0x52: {  	_ =	shalt  }
0x53: {  	_ =	shalt  }
0x54: {  	_ =	shalt  }
0x55: {  	_ =	shalt  }
0x56: {  	_ =	shalt  }
0x57: {  	_ =	shalt  }
0x58: {  	_ =	shalt  }
0x59: {  	_ =	shalt  }
0x5a: {  	_ =	shalt  }
0x5b: {  	_ =	shalt  }
0x5c: {  	_ =	shalt  }
0x5d: {  	_ =	shalt  }
0x5e: {  	_ =	shalt  }
0x5f: {  	_ =	shalt  }
0x60: {  	_ =	shalt  }
0x61: {  	_ =	shalt  }
0x62: {  	_ =	shalt  }
0x63: {  	_ =	shalt  }
0x64: {  	_ =	shalt  }
0x65: {  	_ =	shalt  }
0x66: {  	_ =	shalt  }
0x67: {  	_ =	shalt  }
0x68: {  	_ =	shalt  }
0x69: {  	_ =	shalt  }
0x6a: {  	_ =	shalt  }
0x6b: {  	_ =	shalt  }
0x6c: {  	_ =	shalt  }
0x6d: {  	_ =	shalt  }
0x6e: {  	_ =	shalt  }
0x6f: {  	_ =	shalt  }
0x70: {  	_ =	shalt  }
0x71: {  	_ =	shalt  }
0x72: {  	_ =	shalt  }
0x73: {  	_ =	shalt  }
0x74: {  	_ =	shalt  }
0x75: {  	_ =	shalt  }
0x76: {  	_ =	shalt  }
0x77: {  	_ =	shalt  }
0x78: {  	_ =	shalt  }
0x79: {  	_ =	shalt  }
0x7a: {  	_ =	shalt  }
0x7b: {  	_ =	shalt  }
0x7c: {  	_ =	shalt  }
0x7d: {  	_ =	shalt  }
0x7e: {  	_ =	shalt  }
0x7f: {  	_ =	shalt  }
0x80: {  	_ =	shalt  }
0x81: {  	_ =	shalt  }
0x82: {  	_ =	shalt  }
0x83: {  	_ =	shalt  }
0x84: {  	_ =	shalt  }
0x85: {  	_ =	shalt  }
0x86: {  	_ =	shalt  }
0x87: {  	_ =	shalt  }
.Lfunc_end0:
.L_simem_size_0:
called_computation.1_lowered:
.L_overlay_start_0:
0x88: {  	s2 =	sld [smem:$0x3FD9]  }
0x89: {  	s3 =	sld [smem:$0x3FFE];
	_ =	sdelay $0x1  }
0x8a: {  	s1 =	srdreg.scid  }
0x8b: {  	s0 =	sand.u32 $0x1, s1  }
0x8c: {  	s15 =	sshll.u32 s0, $0xA;
	s2 =	sadd.s32 s3, s2  }
0x8d: {  	s2 =	sadd.s32 s2, s15  }
0x8e: {  	[smem:$0x3FA9] =	sst s2  }
0x8f: {  	_ = 	snop  }
0x90: {  	s16 =	sld [smem:$0x3FD0];
	_ =	sdelay $0x2  }
0x91: {  	s5 =	simm.s32 $0xB;
	s4 =	simm.s32 $0x10;
	s2 =	sld [smem:$0x3FC5]  }
0x92: {  	[smem:s4], [sflag:s5] =	dma.local [hbm:s16], $0x1  }
0x93: {  	_ =	swait.eq [sflag:s5], $0x1  }
0x94: {  	[sflag:s5] =	ssyncset.done $0x0  }
0x95: {  	s17 =	sld [smem:$0x10];
	[sflag:s5] =	ssyncadd.s32 $0xFFFFFFFF  }
0x96: {  	s18 =	sld [smem:$0x11];
	(tm) =	ssettm $0x1  }
0x97: {  	s19 =	sld [smem:$0x3FFB];
	_ =	sdelay $0x3  }
0x98: {  	_ =	strace s19  }
0x99: {  	s3 =	sld [smem:$0x3FFC];
	_ =	sdelay $0x3  }
0x9a: {  	_ =	strace s3  }
0x9b: {  	s3 =	sld [smem:$0x3FFD];
	_ =	sdelay $0x3  }
0x9c: {  	_ =	strace s3  }
0x9d: {  	_ =	strace $0x8FFFFFFF  }
0x9e: {  	s20 =	sld [smem:$0x3FDB];
	_ =	sdelay $0x1  }
0x9f: {  	s6 =	simm.s32 $_scs_section_size  }
0xa0: {  	s7 =	simm.s32 $_size__tile_overlayer_lowered;
	s8 =	simm.s32 $_tile_overlayer_lowered  }
0xa1: {  	s9 =	simm.s32 $0x1BFF;
	s21 =	sshll.u32 s8, $0x1;
	s6 =	sadd.s32 s6, s20  }
0xa2: {  	s22 =	simm.s32 $0x0;
	s7 =	sshll.u32 s7, $0x1;
	s8 =	sadd.s32 s21, s6  }
0xa3: {  	[timem:s22], [sflag:s9] =	dma.local [hbm:s8], s7  }
0xa4: {  	_ =	swait.ge [sflag:s9], s7  }
0xa5: {  	s7 =	ssub.s32 $0x0, s7;
	[sflag:s9] =	ssyncset.done $0x0  }
0xa6: {  	[sflag:s9] =	ssyncadd.s32 s7;
	_ =	sdelay $0x1  }
0xa7: {  	s23 =	simm.s32 $0x1B8B  }
0xa8: {  	_ =	swait.ge [sflag:s23], $0x1  }
0xa9: {  	[sflag:s23] =	ssyncset.done $0x0  }
0xaa: {  	[sflag:s23] =	ssyncadd.s32 $0xFFFFFFFF  }
0xab: {  	s7 =	sld [smem:$0x0]  }
0xac: {  	s8 =	sand.u32 $0xFFFFFFFE, s1  }
0xad: {  	p0 =	sne.s32 s1, s8  }
0xae: {  	s8 =	sshll.u32 @p0 s8, $0xE  }
0xaf: {  	s8 =	sadd.s32 @p0 $0x11B8D, s8;
	s9 =	sshll.u32 @p0 s7, $0x11  }
0xb0: {  	s8 =	sor.u32 @p0 s9, s8  }
0xb1: {  	[sflag:s8] =	ssyncadd.remote.s32 @p0 $0x1;
	_ =	sdelay $0x1  }
0xb2: {  	s8 =	simm.s32 @p0 $0x1B8D  }
0xb3: {  	_ =	swait.eq @p0 [sflag:s8], $0x1  }
0xb4: {  	[sflag:s8] =	ssyncadd.s32 @p0 $0xFFFFFFFF  }
0xb5: {  	s9 =	sshll.u32 @!p0 s1, $0xE  }
0xb6: {  	s9 =	sor.u32 @!p0 $0x4000, s9;
	s8 =	simm.s32 @!p0 $0x1B8D  }
0xb7: {  	s7 =	sshll.u32 @!p0 s7, $0x11;
	s9 =	sadd.s32 @!p0 $0x11B8D, s9;
	_ =	swait.eq @!p0 [sflag:s8], $0x1  }
0xb8: {  	s7 =	sor.u32 @!p0 s7, s9;
	[sflag:s8] =	ssyncadd.s32 @!p0 $0xFFFFFFFF  }
0xb9: {  	s25 =	simm.s32 $0x1B8E;
	s24 =	sld [smem:$0x3FFE];
	[sflag:s7] =	ssyncadd.remote.s32 @!p0 $0x1  }
0xba: {  	s26 =	simm.s32 $execute0_lowered;
	[smem:$0x3FD2] =	sst s25  }
0xbb: {  	s8 =	sshll.u32 s26, $0x1;
	_ =	strace $0x8000004C;
	[dreg:$0x1] =	wrdreg $0xFFFFFFFF  }
0xbc: {  	s28 =	simm.s32 $_size_execute0_lowered;
	s6 =	sadd.s32 s6, s8;
	[dreg:$0x0] =	wrdreg $0x0  }
0xbd: {  	s8 =	sshll.u32 s28, $0x1;
	[dreg:$0x2] =	wrdreg s6  }
0xbe: {  	[dreg:$0x3] =	wrdreg s8  }
0xbf: {  	[dreg:$0x4] =	wrdreg $0xC0  }
0xc0: {  	_ =	task [dreg:s22], $0x5FFFF  }
0xc1: {  	[dreg:$0x1] =	wrdreg $0xFFFFFFFF  }
0xc2: {  	[dreg:$0x0] =	wrdreg $0x60  }
0xc3: {  	[dreg:$0x2] =	wrdreg s17  }
0xc4: {  	[dreg:$0x3] =	wrdreg s18  }
0xc5: {  	[dreg:$0x4] =	wrdreg s24  }
0xc6: {  	[dreg:$0x5] =	wrdreg s2  }
0xc7: {  	[dreg:$0x6] =	wrdreg $0x9  }
0xc8: {  	_ =	task.clear_ibuf [dreg:s22], $0x7FFFF;
	_ =	strace $0x9000004C  }
0xc9: {  	s29 =	simm.s32 $0x9;
	_ =	strace $0x8000004E  }
0xca: {  	_ =	swait.ge [sflag:s29], $0x1  }
0xcb: {  	[sflag:s29] =	ssyncadd.s32 $0xFFFFFFFF  }
0xcc: {  	_ =	strace $0x9000004E  }
0xcd: {  	_ =	sfence  }
0xce: {  	s30 =	sld [smem:$0x0];
	_ =	sdelay $0x2  }
0xcf: {  	s31 =	sshll.u32 s1, $0xD;
	s1 =	sshrl.u32 s1, $0x2  }
0xd0: {  	s4 =	sand.u32 $0x4000, s31;
	s1 =	sadd.s32 s1, s30  }
0xd1: {  	s0 =	sor.u32 s4, s0;
	s1 =	sshll.u32 s1, $0x11  }
0xd2: {  	s0 =	sor.u32 s1, s0  }
0xd3: {  	s0 =	sadd.s32 $0x8F2B, s0  }
0xd4: {  	[sflag:s0] =	ssyncadd.remote.s32 $0x1  }
0xd5: {  	_ =	sfence.sel $0xFFFF  }
0xd6: {  	[dreg:$0x0] =	wrdreg $0xFFFFFFFF;
	(pc) =	sbr.abs _section_cstart, $3  }
0xd7: {  	[dreg:$0x1] =	wrdreg $0xFFFFFFFF  }
0xd8: {  	_ =	task.clear_ibuf [dreg:s22], $0x2FFFF;
	_ =	strace $0x9FFFFFFF  }
0xd9: {  	(tm) =	ssettm $0x7FFFFFFF  }
tec
execute0_lowered:
.L_overlay_start_1:
0x0: {  	(tag) =	ssettag $0x1  }
0x1: {  	s1 =	rddreg [dreg:$0x0]  }
0x2: {  	s0 =	rddreg [dreg:$0x1];
	s7 =	stileid.u32  }
0x3: {  	s2 =	srdreg.scid;
	s3 =	rddreg [dreg:$0x2]  }
0x4: {  	s4 =	simm.s32 $0x0;
	s13 =	simm.s32 $0x1;
	s14 =	simm.s32 $0x3  }
0x5: {  	s15 =	simm.s32 $0x200;
	s16 =	simm.s32 $0x8200;
	s17 =	simm.s32 $0x2  }
0x6: {  	s18 =	simm.s32 $0x4;
	s19 =	simm.s32 $0x4200;
	s28 =	simm.s32 $0x12980  }
0x7: {  	s20 =	simm.s32 $0xC200;
	s29 =	simm.s32 $0x12A80;
	s30 =	simm.s32 $0x12A00  }
0x8: {  	s31 =	simm.s32 $0x12B00;
	s2 =	sand.u32 $0x1, s2;
	s5 =	smul.u32 $0x1400, s7  }
0x9: {  	[smem:$0x7FF] =	sst s4;
	s7 =	smul.u32 $0x14000, s7;
	s21 =	sadd.s32 $0x298E00, s3  }
0xa: {  	s9 =	sadd.s32 $0x29DE00, s3;
	_ =	strace $0x8000004D;
	[dreg:$0xd] =	wrdreg s28  }
0xb: {  	s6 =	smul.u32 $0xA00, s2;
	s10 =	ssub.s32 $0x2, s2;
	[dreg:$0xe] =	wrdreg s29  }
0xc: {  	s2 =	smul.u32 $0xA000, s2;
	[dreg:$0xf] =	wrdreg s30;
	s12 =	sshrl.u32 s10, $0x1  }
0xd: {  	[dreg:$0x10] =	wrdreg s31;
	s5 =	sadd.s32 s6, s5;
	s10 =	ssub.s32 s10, s12  }
0xe: {  	s8 =	sor.u32 $0x80, s5;
	s5 =	sshrl.u32 s5, $0x3;
	s25 =	smax.u32 s10, $0x1  }
0xf: {  	s7 =	sadd.s32 s7, s3;
	s24 =	sadd.s32 s5, s9;
	[dreg:$0x11] =	wrdreg s25  }
0x10: {  	s8 =	sshrl.u32 s8, $0x3;
	s26 =	sadd.s32 s5, s21;
	[dreg:$0x9] =	wrdreg s24  }
0x11: {  	s3 =	sadd.s32 $0x29B600, s3;
	s11 =	sadd.s32 s8, s9;
	[dreg:$0xb] =	wrdreg s26  }
0x12: {  	s2 =	sadd.s32 s2, s7;
	s22 =	sadd.s32 s8, s3;
	[dreg:$0x5] =	wrdreg s11  }
0x13: {  	s12 =	simm.s32 $0x180;
	s23 =	sadd.s32 s8, s21;
	[dreg:$0x6] =	wrdreg s22  }
0x14: {  	s6 =	sadd.s32 $0x2A0E00, s2;
	s8 =	sadd.s32 s8, s0;
	[dreg:$0x7] =	wrdreg s23  }
0x15: {  	s7 =	sadd.s32 $0x3E0E00, s2;
	s3 =	sadd.s32 s5, s3;
	[dreg:$0x8] =	wrdreg s8  }
0x16: {  	s10 =	simm.s32 $0x100;
	s0 =	sadd.s32 s5, s0;
	[dreg:$0xa] =	wrdreg s3  }
0x17: {  	s21 =	simm.s32 $0x5;
	s24 =	simm.s32 $0x8;
	[dreg:$0xc] =	wrdreg s0  }
0x18: {  	s8 =	simm.s32 $0x10200;
	s11 =	simm.s32 $0x80;
	s22 =	simm.s32 $0x7  }
0x19: {  	s23 =	simm.s32 $0x6;
	s0 =	simm.s32 $0x10;
	s3 =	simm.s32 $0x0  }
.LBB2_1:
0x1a: {  	s2 =	rddreg [dreg:$0x3];
	s5 =	simm.s32 $0x11  }
0x1b: {  	[tilespmem:s8], [sflag:$0x11] =	stream.linear.gather [hbm4b:s2+s4], $0x2780, $0x38;
	[tilespmem:$0x12B80] =	vst v63  }
0x1c: {  	_ =	swait.ge [sflag:s5], $0x2780  }
0x1d: {  	p0 =	por $0x1, $0x1;
	[sflag:s5] =	ssyncset.done $0x0  }
0x1e: {  	[sflag:s5] =	ssyncadd.s32 $0xFFFFD880;
	s5 =	simm.s32 @!p0 $0x9  }
0x1f: {  	_ =	swait.ge @!p0 [sflag:s5], $0x4000  }
0x20: {  	[sflag:s5] =	ssyncset.done @!p0 $0x0  }
0x21: {  	[sflag:s5] =	ssyncadd.s32 @!p0 $0xFFFFC000;
	s5 =	simm.s32 @!p0 $0xB  }
0x22: {  	_ =	swait.ge @!p0 [sflag:s5], $0x4000  }
0x23: {  	[sflag:s5] =	ssyncset.done @!p0 $0x0  }
0x24: {  	[sflag:s5] =	ssyncadd.s32 @!p0 $0xFFFFC000;
	s5 =	simm.s32 @!p0 $0xD  }
0x25: {  	_ =	swait.ge @!p0 [sflag:s5], $0x80  }
0x26: {  	[sflag:s5] =	ssyncset.done @!p0 $0x0  }
0x27: {  	[sflag:s5] =	ssyncadd.s32 @!p0 $0xFFFFFF80;
	s5 =	simm.s32 @!p0 $0xF  }
0x28: {  	_ =	swait.ge @!p0 [sflag:s5], $0x80  }
0x29: {  	[sflag:s5] =	ssyncset.done @!p0 $0x0  }
0x2a: {  	[sflag:s5] =	ssyncadd.s32 @!p0 $0xFFFFFF80;
	s5 =	simm.s32 @!p0 $0xA  }
0x2b: {  	_ =	swait.ge @!p0 [sflag:s5], $0x4000  }
0x2c: {  	[sflag:s5] =	ssyncset.done @!p0 $0x0  }
0x2d: {  	[sflag:s5] =	ssyncadd.s32 @!p0 $0xFFFFC000;
	s5 =	simm.s32 @!p0 $0xC  }
0x2e: {  	_ =	swait.ge @!p0 [sflag:s5], $0x4000  }
0x2f: {  	[sflag:s5] =	ssyncset.done @!p0 $0x0  }
0x30: {  	[sflag:s5] =	ssyncadd.s32 @!p0 $0xFFFFC000;
	s5 =	simm.s32 @!p0 $0xE  }
0x31: {  	_ =	swait.ge @!p0 [sflag:s5], $0x80  }
0x32: {  	[sflag:s5] =	ssyncset.done @!p0 $0x0  }
0x33: {  	[sflag:s5] =	ssyncadd.s32 @!p0 $0xFFFFFF80;
	s5 =	simm.s32 @!p0 $0x10  }
0x34: {  	_ =	swait.ge @!p0 [sflag:s5], $0x80  }
0x35: {  	s9 =	rddreg [dreg:$0xc];
	[sflag:s5] =	ssyncset.done @!p0 $0x0  }
0x36: {  	s25 =	rddreg [dreg:$0xb];
	[sflag:s5] =	ssyncadd.s32 @!p0 $0xFFFFFF80;
	s9 =	sadd.s32 $0x0, s9  }
0x37: {  	[tilespmem:s4], [sflag:$0x1] =	stream.linear.gather [hbm4b:s9+s4], $0x80, $0x38;
	[tilespmem:$0x12B80] =	vst v63  }
0x38: {  	s26 =	rddreg [dreg:$0x8];
	s31 =	sadd.s32 $0x0, s25  }
0x39: {  	[tilespmem:s10], [sflag:$0x3] =	stream.linear.gather [hbm4b:s31+s4], $0x80, $0x38;
	[tilespmem:$0x12B80] =	vst v63  }
0x3a: {  	s2 =	rddreg [dreg:$0x7];
	s9 =	sadd.s32 $0x0, s26  }
0x3b: {  	[tilespmem:s11], [sflag:$0x2] =	stream.linear.gather [hbm4b:s9+s4], $0x80, $0x38;
	[tilespmem:$0x12B80] =	vst v63  }
0x3c: {  	s26 =	sadd.s32 $0x0, s2  }
0x3d: {  	[tilespmem:s12], [sflag:$0x4] =	stream.linear.gather [hbm4b:s26+s4], $0x80, $0x38;
	[tilespmem:$0x12B80] =	vst v63  }
0x3e: {  	_ =	swait.ge [sflag:s13], $0x80  }
0x3f: {  	[sflag:s13] =	ssyncset.done $0x0  }
0x40: {  	[sflag:s13] =	ssyncadd.s32 $0xFFFFFF80  }
0x41: {  	_ =	swait.ge [sflag:s14], $0x80  }
0x42: {  	[sflag:s14] =	ssyncset.done $0x0  }
0x43: {  	[sflag:s14] =	ssyncadd.s32 $0xFFFFFF80  }
0x44: {  	[tilespmem:s15], [sflag:$0x5] =	stream.indirect.gather [hbm4b:s1+s11], $0x80, s4, s11, $0xb8;
	[tilespmem:$0x12B80] =	vst v63  }
0x45: {  	_ = 	snop  }
0x46: {  	[tilespmem:s16], [sflag:$0x7] =	stream.indirect.gather [hbm4b:s1+s11], $0x80, s10, s11, $0xb8;
	[tilespmem:$0x12B80] =	vst v63  }
0x47: {  	v0 =	vld [tilespmem:$0x0];
	_ =	sdelay $0x5  }
0x48: {  	v1 =	vld [tilespmem:$0x100];
	_ =	sdelay $0x1  }
0x49: {  	v0 =	vld.idx.msk [tilespmem:v0+s8+$0x0], $0xffff;
	_ =	sdelay $0x3  }
0x4a: {  	v2 =	vld [tilespmem:$0x10]  }
0x4b: {  	[tilespmem:$0x12980] =	vst v0  }
0x4c: {  	v0 =	vld.idx.msk [tilespmem:v1+s8+$0x0], $0xffff;
	_ =	sdelay $0x3  }
0x4d: {  	v35 =	vld [tilespmem:$0x110]  }
0x4e: {  	[tilespmem:$0x12A80] =	vst v0  }
0x4f: {  	v0 =	vld.idx.msk [tilespmem:v2+s8+$0x0], $0xffff;
	_ =	sdelay $0x3  }
0x50: {  	v36 =	vld [tilespmem:$0x20]  }
0x51: {  	[tilespmem:$0x12990] =	vst v0  }
0x52: {  	v0 =	vld.idx.msk [tilespmem:v35+s8+$0x0], $0xffff;
	_ =	sdelay $0x3  }
0x53: {  	v37 =	vld [tilespmem:$0x120]  }
0x54: {  	[tilespmem:$0x12A90] =	vst v0  }
0x55: {  	v0 =	vld.idx.msk [tilespmem:v36+s8+$0x0], $0xffff;
	_ =	sdelay $0x3  }
0x56: {  	v38 =	vld [tilespmem:$0x30]  }
0x57: {  	[tilespmem:$0x129A0] =	vst v0  }
0x58: {  	v0 =	vld.idx.msk [tilespmem:v37+s8+$0x0], $0xffff;
	_ =	sdelay $0x3  }
0x59: {  	v39 =	vld [tilespmem:$0x130]  }
0x5a: {  	[tilespmem:$0x12AA0] =	vst v0  }
0x5b: {  	v0 =	vld.idx.msk [tilespmem:v38+s8+$0x0], $0xffff;
	_ =	sdelay $0x3  }
0x5c: {  	v40 =	vld [tilespmem:$0x40]  }
0x5d: {  	[tilespmem:$0x129B0] =	vst v0  }
0x5e: {  	v0 =	vld.idx.msk [tilespmem:v39+s8+$0x0], $0xffff;
	_ =	sdelay $0x3  }
0x5f: {  	v41 =	vld [tilespmem:$0x140]  }
0x60: {  	[tilespmem:$0x12AB0] =	vst v0  }
0x61: {  	v0 =	vld.idx.msk [tilespmem:v40+s8+$0x0], $0xffff;
	_ =	sdelay $0x3  }
0x62: {  	v42 =	vld [tilespmem:$0x50]  }
0x63: {  	[tilespmem:$0x129C0] =	vst v0  }
0x64: {  	v0 =	vld.idx.msk [tilespmem:v41+s8+$0x0], $0xffff;
	_ =	sdelay $0x3  }
0x65: {  	v43 =	vld [tilespmem:$0x150]  }
0x66: {  	[tilespmem:$0x12AC0] =	vst v0  }
0x67: {  	v0 =	vld.idx.msk [tilespmem:v42+s8+$0x0], $0xffff;
	_ =	sdelay $0x3  }
0x68: {  	v44 =	vld [tilespmem:$0x60]  }
0x69: {  	[tilespmem:$0x129D0] =	vst v0  }
0x6a: {  	v0 =	vld.idx.msk [tilespmem:v43+s8+$0x0], $0xffff;
	_ =	sdelay $0x3  }
0x6b: {  	v45 =	vld [tilespmem:$0x160]  }
0x6c: {  	[tilespmem:$0x12AD0] =	vst v0  }
0x6d: {  	v0 =	vld.idx.msk [tilespmem:v44+s8+$0x0], $0xffff;
	_ =	sdelay $0x3  }
0x6e: {  	v46 =	vld [tilespmem:$0x70]  }
0x6f: {  	[tilespmem:$0x129E0] =	vst v0  }
0x70: {  	v0 =	vld.idx.msk [tilespmem:v45+s8+$0x0], $0xffff;
	_ =	sdelay $0x3  }
0x71: {  	v47 =	vld [tilespmem:$0x170]  }
0x72: {  	[tilespmem:$0x12AE0] =	vst v0  }
0x73: {  	v0 =	vld.idx.msk [tilespmem:v46+s8+$0x0], $0xffff;
	_ =	sdelay $0x4  }
0x74: {  	[tilespmem:$0x129F0] =	vst v0  }
0x75: {  	v0 =	vld.idx.msk [tilespmem:v47+s8+$0x0], $0xffff;
	_ =	sdelay $0x4  }
0x76: {  	[tilespmem:$0x12AF0] =	vst v0  }
0x77: {  	_ =	swait.ge [sflag:s17], $0x80  }
0x78: {  	[sflag:s17] =	ssyncset.done $0x0  }
0x79: {  	[sflag:s17] =	ssyncadd.s32 $0xFFFFFF80  }
0x7a: {  	_ =	swait.ge [sflag:s18], $0x80  }
0x7b: {  	[sflag:s18] =	ssyncset.done $0x0  }
0x7c: {  	[sflag:s18] =	ssyncadd.s32 $0xFFFFFF80  }
0x7d: {  	[tilespmem:s19], [sflag:$0x6] =	stream.indirect.gather [hbm4b:s1+s11], $0x80, s11, s11, $0xb8;
	[tilespmem:$0x12B80] =	vst v63  }
0x7e: {  	_ = 	snop  }
0x7f: {  	[tilespmem:s20], [sflag:$0x8] =	stream.indirect.gather [hbm4b:s1+s11], $0x80, s12, s11, $0xb8;
	[tilespmem:$0x12B80] =	vst v63  }
0x80: {  	v48 =	vld [tilespmem:$0x80];
	_ =	sdelay $0x5  }
0x81: {  	v49 =	vld [tilespmem:$0x180];
	_ =	sdelay $0x1  }
0x82: {  	v0 =	vld.idx.msk [tilespmem:v48+s8+$0x0], $0xffff;
	_ =	sdelay $0x3  }
0x83: {  	v50 =	vld [tilespmem:$0x90]  }
0x84: {  	[tilespmem:$0x12A00] =	vst v0  }
0x85: {  	v0 =	vld.idx.msk [tilespmem:v49+s8+$0x0], $0xffff;
	_ =	sdelay $0x3  }
0x86: {  	v51 =	vld [tilespmem:$0x190]  }
0x87: {  	[tilespmem:$0x12B00] =	vst v0  }
0x88: {  	v0 =	vld.idx.msk [tilespmem:v50+s8+$0x0], $0xffff;
	_ =	sdelay $0x3  }
0x89: {  	v52 =	vld [tilespmem:$0xA0]  }
0x8a: {  	[tilespmem:$0x12A10] =	vst v0  }
0x8b: {  	v0 =	vld.idx.msk [tilespmem:v51+s8+$0x0], $0xffff;
	_ =	sdelay $0x3  }
0x8c: {  	v53 =	vld [tilespmem:$0x1A0]  }
0x8d: {  	[tilespmem:$0x12B10] =	vst v0  }
0x8e: {  	v0 =	vld.idx.msk [tilespmem:v52+s8+$0x0], $0xffff;
	_ =	sdelay $0x3  }
0x8f: {  	v54 =	vld [tilespmem:$0xB0]  }
0x90: {  	[tilespmem:$0x12A20] =	vst v0  }
0x91: {  	v0 =	vld.idx.msk [tilespmem:v53+s8+$0x0], $0xffff;
	_ =	sdelay $0x3  }
0x92: {  	v55 =	vld [tilespmem:$0x1B0]  }
0x93: {  	[tilespmem:$0x12B20] =	vst v0  }
0x94: {  	v0 =	vld.idx.msk [tilespmem:v54+s8+$0x0], $0xffff;
	_ =	sdelay $0x3  }
0x95: {  	v56 =	vld [tilespmem:$0xC0]  }
0x96: {  	[tilespmem:$0x12A30] =	vst v0  }
0x97: {  	v0 =	vld.idx.msk [tilespmem:v55+s8+$0x0], $0xffff;
	_ =	sdelay $0x3  }
0x98: {  	v57 =	vld [tilespmem:$0x1C0]  }
0x99: {  	[tilespmem:$0x12B30] =	vst v0  }
0x9a: {  	v0 =	vld.idx.msk [tilespmem:v56+s8+$0x0], $0xffff;
	_ =	sdelay $0x3  }
0x9b: {  	v58 =	vld [tilespmem:$0xD0]  }
0x9c: {  	[tilespmem:$0x12A40] =	vst v0  }
0x9d: {  	v0 =	vld.idx.msk [tilespmem:v57+s8+$0x0], $0xffff;
	_ =	sdelay $0x3  }
0x9e: {  	v59 =	vld [tilespmem:$0x1D0]  }
0x9f: {  	[tilespmem:$0x12B40] =	vst v0  }
0xa0: {  	v0 =	vld.idx.msk [tilespmem:v58+s8+$0x0], $0xffff;
	_ =	sdelay $0x3  }
0xa1: {  	v60 =	vld [tilespmem:$0xE0]  }
0xa2: {  	[tilespmem:$0x12A50] =	vst v0  }
0xa3: {  	v0 =	vld.idx.msk [tilespmem:v59+s8+$0x0], $0xffff;
	_ =	sdelay $0x3  }
0xa4: {  	v61 =	vld [tilespmem:$0x1E0]  }
0xa5: {  	[tilespmem:$0x12B50] =	vst v0  }
0xa6: {  	v0 =	vld.idx.msk [tilespmem:v60+s8+$0x0], $0xffff;
	_ =	sdelay $0x3  }
0xa7: {  	v62 =	vld [tilespmem:$0xF0]  }
0xa8: {  	[tilespmem:$0x12A60] =	vst v0  }
0xa9: {  	v0 =	vld.idx.msk [tilespmem:v61+s8+$0x0], $0xffff;
	_ =	sdelay $0x3  }
0xaa: {  	v63 =	vld [tilespmem:$0x1F0]  }
0xab: {  	[tilespmem:$0x12B60] =	vst v0  }
0xac: {  	v0 =	vld.idx.msk [tilespmem:v62+s8+$0x0], $0xffff;
	_ =	sdelay $0x4  }
0xad: {  	[tilespmem:$0x12A70] =	vst v0  }
0xae: {  	v0 =	vld.idx.msk [tilespmem:v63+s8+$0x0], $0xffff;
	_ =	sdelay $0x4  }
0xaf: {  	[tilespmem:$0x12B70] =	vst v0  }
0xb0: {  	_ =	swait.ge [sflag:s21], $0x4000  }
0xb1: {  	[sflag:s21] =	ssyncset.done $0x0  }
0xb2: {  	s31 =	sadd.s32 $0xFFFFF800, s6;
	[sflag:s21] =	ssyncadd.s32 $0xFFFFC000  }
0xb3: {  	[hbm4b:s31+s4] =	stream.linear.scatter [tilespmem:s15], [sflag:$0x9], $0x4000, $0x38;
	[tilespmem:$0x12B80] =	vst v63  }
0xb4: {  	_ =	swait.ge [sflag:s22], $0x4000  }
0xb5: {  	s5 =	rddreg [dreg:$0xd];
	[sflag:s22] =	ssyncset.done $0x0  }
0xb6: {  	s31 =	sadd.s32 $0xFFFFF800, s7;
	s2 =	rddreg [dreg:$0xa];
	[sflag:s22] =	ssyncadd.s32 $0xFFFFC000  }
0xb7: {  	[hbm4b:s31+s4] =	stream.linear.scatter [tilespmem:s16], [sflag:$0xB], $0x4000, $0x38;
	[tilespmem:$0x12B80] =	vst v63  }
0xb8: {  	s26 =	rddreg [dreg:$0x9];
	s9 =	sadd.s32 $0x0, s2  }
0xb9: {  	[hbm4b:s9+s4] =	stream.linear.scatter [tilespmem:s5], [sflag:$0xD], $0x80, $0x38;
	[tilespmem:$0x12B80] =	vst v63  }
0xba: {  	s2 =	rddreg [dreg:$0xe];
	s31 =	sadd.s32 $0x0, s26  }
0xbb: {  	[hbm4b:s31+s4] =	stream.linear.scatter [tilespmem:s2], [sflag:$0xF], $0x80, $0x38;
	[tilespmem:$0x12B80] =	vst v63  }
0xbc: {  	_ =	swait.ge [sflag:s23], $0x4000  }
0xbd: {  	[sflag:s23] =	ssyncset.done $0x0  }
0xbe: {  	[sflag:s23] =	ssyncadd.s32 $0xFFFFC000  }
0xbf: {  	[hbm4b:s6+s4] =	stream.linear.scatter [tilespmem:s19], [sflag:$0xA], $0x4000, $0x38;
	[tilespmem:$0x12B80] =	vst v63  }
0xc0: {  	_ =	swait.ge [sflag:s24], $0x4000  }
0xc1: {  	s25 =	sadd.s32 $0x1000, s7;
	s26 =	simm.s32 $0x0;
	s28 =	rddreg [dreg:$0xf]  }
0xc2: {  	s5 =	simm.s32 $0x20;
	[sflag:s24] =	ssyncset.done $0x0;
	s30 =	rddreg [dreg:$0x6]  }
0xc3: {  	s9 =	sadd.s32 $0x1000, s6;
	s29 =	rddreg [dreg:$0x5];
	[sflag:s24] =	ssyncadd.s32 $0xFFFFC000  }
0xc4: {  	[hbm4b:s7+s4] =	stream.linear.scatter [tilespmem:s20], [sflag:$0xC], $0x4000, $0x38;
	[tilespmem:$0x12B80] =	vst v63  }
.LBB2_2:
0xc5: {  	p1 =	seq.s32 s5, $0x0;
	s30 =	sadd.s32 s26, s30  }
0xc6: {  	[hbm4b:s30+s4] =	stream.linear.scatter [tilespmem:s28], [sflag:$0xE], $0x80, $0x38;
	[tilespmem:$0x12B80] =	vst v63  }
0xc7: {  	s31 =	rddreg [dreg:$0x10];
	s26 =	sadd.s32 s26, s29;
	s28 =	simm.s32 @!p1 $0x9  }
0xc8: {  	[hbm4b:s26+s4] =	stream.linear.scatter [tilespmem:s31], [sflag:$0x10], $0x80, $0x38;
	[tilespmem:$0x12B80] =	vst v63  }
0xc9: {  	_ =	swait.ge @!p1 [sflag:s28], $0x4000  }
0xca: {  	s2 =	smov.u32 s5;
	[sflag:s28] =	ssyncset.done @!p1 $0x0  }
0xcb: {  	s26 =	smov.u32 s2;
	s2 =	simm.s32 @!p1 $0xB;
	[sflag:s28] =	ssyncadd.s32 @!p1 $0xFFFFC000  }
0xcc: {  	_ =	swait.ge @!p1 [sflag:s2], $0x4000  }
0xcd: {  	[sflag:s2] =	ssyncset.done @!p1 $0x0  }
0xce: {  	[sflag:s2] =	ssyncadd.s32 @!p1 $0xFFFFC000;
	s2 =	simm.s32 @!p1 $0xD  }
0xcf: {  	_ =	swait.ge @!p1 [sflag:s2], $0x80  }
0xd0: {  	[sflag:s2] =	ssyncset.done @!p1 $0x0  }
0xd1: {  	[sflag:s2] =	ssyncadd.s32 @!p1 $0xFFFFFF80;
	s2 =	simm.s32 @!p1 $0xF  }
0xd2: {  	_ =	swait.ge @!p1 [sflag:s2], $0x80  }
0xd3: {  	[sflag:s2] =	ssyncset.done @!p1 $0x0  }
0xd4: {  	[sflag:s2] =	ssyncadd.s32 @!p1 $0xFFFFFF80;
	s2 =	simm.s32 @!p1 $0xA  }
0xd5: {  	_ =	swait.ge @!p1 [sflag:s2], $0x4000  }
0xd6: {  	[sflag:s2] =	ssyncset.done @!p1 $0x0  }
0xd7: {  	[sflag:s2] =	ssyncadd.s32 @!p1 $0xFFFFC000;
	s2 =	simm.s32 @!p1 $0xC  }
0xd8: {  	_ =	swait.ge @!p1 [sflag:s2], $0x4000  }
0xd9: {  	[sflag:s2] =	ssyncset.done @!p1 $0x0  }
0xda: {  	[sflag:s2] =	ssyncadd.s32 @!p1 $0xFFFFC000;
	s2 =	simm.s32 @!p1 $0xE  }
0xdb: {  	_ =	swait.ge @!p1 [sflag:s2], $0x80  }
0xdc: {  	[sflag:s2] =	ssyncset.done @!p1 $0x0  }
0xdd: {  	[sflag:s2] =	ssyncadd.s32 @!p1 $0xFFFFFF80;
	s2 =	simm.s32 @!p1 $0x10  }
0xde: {  	_ =	swait.ge @!p1 [sflag:s2], $0x80  }
0xdf: {  	s28 =	rddreg [dreg:$0xc];
	[sflag:s2] =	ssyncset.done @!p1 $0x0  }
0xe0: {  	s29 =	rddreg [dreg:$0xb];
	[sflag:s2] =	ssyncadd.s32 @!p1 $0xFFFFFF80;
	s31 =	sadd.s32 s26, s28  }
0xe1: {  	[tilespmem:s4], [sflag:$0x1] =	stream.linear.gather [hbm4b:s31+s4], $0x80, $0x38;
	[tilespmem:$0x12B80] =	vst v63  }
0xe2: {  	s28 =	rddreg [dreg:$0x8];
	s31 =	sadd.s32 s26, s29  }
0xe3: {  	[tilespmem:s10], [sflag:$0x3] =	stream.linear.gather [hbm4b:s31+s4], $0x80, $0x38;
	[tilespmem:$0x12B80] =	vst v63  }
0xe4: {  	s29 =	rddreg [dreg:$0x7];
	s31 =	sadd.s32 s26, s28  }
0xe5: {  	[tilespmem:s11], [sflag:$0x2] =	stream.linear.gather [hbm4b:s31+s4], $0x80, $0x38;
	[tilespmem:$0x12B80] =	vst v63  }
0xe6: {  	s31 =	sadd.s32 s26, s29  }
0xe7: {  	[tilespmem:s12], [sflag:$0x4] =	stream.linear.gather [hbm4b:s31+s4], $0x80, $0x38;
	[tilespmem:$0x12B80] =	vst v63  }
0xe8: {  	_ =	swait.ge [sflag:s13], $0x80  }
0xe9: {  	[sflag:s13] =	ssyncset.done $0x0  }
0xea: {  	[sflag:s13] =	ssyncadd.s32 $0xFFFFFF80  }
0xeb: {  	_ =	swait.ge [sflag:s14], $0x80  }
0xec: {  	[sflag:s14] =	ssyncset.done $0x0  }
0xed: {  	[sflag:s14] =	ssyncadd.s32 $0xFFFFFF80  }
0xee: {  	[tilespmem:s15], [sflag:$0x5] =	stream.indirect.gather [hbm4b:s1+s11], $0x80, s4, s11, $0xb8;
	[tilespmem:$0x12B80] =	vst v63  }
0xef: {  	_ = 	snop  }
0xf0: {  	[tilespmem:s16], [sflag:$0x7] =	stream.indirect.gather [hbm4b:s1+s11], $0x80, s10, s11, $0xb8;
	[tilespmem:$0x12B80] =	vst v63  }
0xf1: {  	v0 =	vld [tilespmem:$0x0];
	_ =	sdelay $0x5  }
0xf2: {  	v1 =	vld [tilespmem:$0x100];
	_ =	sdelay $0x1  }
0xf3: {  	v0 =	vld.idx.msk [tilespmem:v0+s8+$0x0], $0xffff;
	_ =	sdelay $0x3  }
0xf4: {  	v2 =	vld [tilespmem:$0x10]  }
0xf5: {  	[tilespmem:$0x12980] =	vst v0  }
0xf6: {  	v1 =	vld.idx.msk [tilespmem:v1+s8+$0x0], $0xffff;
	_ =	sdelay $0x3  }
0xf7: {  	v3 =	vld [tilespmem:$0x110]  }
0xf8: {  	[tilespmem:$0x12A80] =	vst v1  }
0xf9: {  	v1 =	vld.idx.msk [tilespmem:v2+s8+$0x0], $0xffff;
	_ =	sdelay $0x3  }
0xfa: {  	v4 =	vld [tilespmem:$0x20]  }
0xfb: {  	[tilespmem:$0x12990] =	vst v1  }
0xfc: {  	v1 =	vld.idx.msk [tilespmem:v3+s8+$0x0], $0xffff;
	_ =	sdelay $0x3  }
0xfd: {  	v5 =	vld [tilespmem:$0x120]  }
0xfe: {  	[tilespmem:$0x12A90] =	vst v1  }
0xff: {  	v1 =	vld.idx.msk [tilespmem:v4+s8+$0x0], $0xffff;
	_ =	sdelay $0x3  }
0x100: {  	v6 =	vld [tilespmem:$0x30]  }
0x101: {  	[tilespmem:$0x129A0] =	vst v1  }
0x102: {  	v1 =	vld.idx.msk [tilespmem:v5+s8+$0x0], $0xffff;
	_ =	sdelay $0x3  }
0x103: {  	v7 =	vld [tilespmem:$0x130]  }
0x104: {  	[tilespmem:$0x12AA0] =	vst v1  }
0x105: {  	v1 =	vld.idx.msk [tilespmem:v6+s8+$0x0], $0xffff;
	_ =	sdelay $0x3  }
0x106: {  	v8 =	vld [tilespmem:$0x40]  }
0x107: {  	[tilespmem:$0x129B0] =	vst v1  }
0x108: {  	v1 =	vld.idx.msk [tilespmem:v7+s8+$0x0], $0xffff;
	_ =	sdelay $0x3  }
0x109: {  	v9 =	vld [tilespmem:$0x140]  }
0x10a: {  	[tilespmem:$0x12AB0] =	vst v1  }
0x10b: {  	v1 =	vld.idx.msk [tilespmem:v8+s8+$0x0], $0xffff;
	_ =	sdelay $0x3  }
0x10c: {  	v10 =	vld [tilespmem:$0x50]  }
0x10d: {  	[tilespmem:$0x129C0] =	vst v1  }
0x10e: {  	v1 =	vld.idx.msk [tilespmem:v9+s8+$0x0], $0xffff;
	_ =	sdelay $0x3  }
0x10f: {  	v11 =	vld [tilespmem:$0x150]  }
0x110: {  	[tilespmem:$0x12AC0] =	vst v1  }
0x111: {  	v1 =	vld.idx.msk [tilespmem:v10+s8+$0x0], $0xffff;
	_ =	sdelay $0x3  }
0x112: {  	v12 =	vld [tilespmem:$0x60]  }
0x113: {  	[tilespmem:$0x129D0] =	vst v1  }
0x114: {  	v1 =	vld.idx.msk [tilespmem:v11+s8+$0x0], $0xffff;
	_ =	sdelay $0x3  }
0x115: {  	v47 =	vld [tilespmem:$0x160]  }
0x116: {  	[tilespmem:$0x12AD0] =	vst v1  }
0x117: {  	v1 =	vld.idx.msk [tilespmem:v12+s8+$0x0], $0xffff;
	_ =	sdelay $0x3  }
0x118: {  	v13 =	vld [tilespmem:$0x70]  }
0x119: {  	[tilespmem:$0x129E0] =	vst v1  }
0x11a: {  	v0 =	vld.idx.msk [tilespmem:v47+s8+$0x0], $0xffff;
	_ =	sdelay $0x3  }
0x11b: {  	v14 =	vld [tilespmem:$0x170]  }
0x11c: {  	[tilespmem:$0x12AE0] =	vst v0  }
0x11d: {  	v0 =	vld.idx.msk [tilespmem:v13+s8+$0x0], $0xffff;
	_ =	sdelay $0x4  }
0x11e: {  	[tilespmem:$0x129F0] =	vst v0  }
0x11f: {  	v0 =	vld.idx.msk [tilespmem:v14+s8+$0x0], $0xffff;
	_ =	sdelay $0x4  }
0x120: {  	[tilespmem:$0x12AF0] =	vst v0  }
0x121: {  	_ =	swait.ge [sflag:s17], $0x80  }
0x122: {  	[sflag:s17] =	ssyncset.done $0x0  }
0x123: {  	[sflag:s17] =	ssyncadd.s32 $0xFFFFFF80  }
0x124: {  	_ =	swait.ge [sflag:s18], $0x80  }
0x125: {  	[sflag:s18] =	ssyncset.done $0x0  }
0x126: {  	[sflag:s18] =	ssyncadd.s32 $0xFFFFFF80  }
0x127: {  	[tilespmem:s19], [sflag:$0x6] =	stream.indirect.gather [hbm4b:s1+s11], $0x80, s11, s11, $0xb8;
	[tilespmem:$0x12B80] =	vst v63  }
0x128: {  	_ = 	snop  }
0x129: {  	[tilespmem:s20], [sflag:$0x8] =	stream.indirect.gather [hbm4b:s1+s11], $0x80, s12, s11, $0xb8;
	[tilespmem:$0x12B80] =	vst v63  }
0x12a: {  	v48 =	vld [tilespmem:$0x80];
	_ =	sdelay $0x5  }
0x12b: {  	v49 =	vld [tilespmem:$0x180];
	_ =	sdelay $0x1  }
0x12c: {  	v0 =	vld.idx.msk [tilespmem:v48+s8+$0x0], $0xffff;
	_ =	sdelay $0x3  }
0x12d: {  	v50 =	vld [tilespmem:$0x90]  }
0x12e: {  	[tilespmem:$0x12A00] =	vst v0  }
0x12f: {  	v1 =	vld.idx.msk [tilespmem:v49+s8+$0x0], $0xffff;
	_ =	sdelay $0x3  }
0x130: {  	v51 =	vld [tilespmem:$0x190]  }
0x131: {  	[tilespmem:$0x12B00] =	vst v1  }
0x132: {  	v1 =	vld.idx.msk [tilespmem:v50+s8+$0x0], $0xffff;
	_ =	sdelay $0x3  }
0x133: {  	v52 =	vld [tilespmem:$0xA0]  }
0x134: {  	[tilespmem:$0x12A10] =	vst v1  }
0x135: {  	v1 =	vld.idx.msk [tilespmem:v51+s8+$0x0], $0xffff;
	_ =	sdelay $0x3  }
0x136: {  	v53 =	vld [tilespmem:$0x1A0]  }
0x137: {  	[tilespmem:$0x12B10] =	vst v1  }
0x138: {  	v1 =	vld.idx.msk [tilespmem:v52+s8+$0x0], $0xffff;
	_ =	sdelay $0x3  }
0x139: {  	v54 =	vld [tilespmem:$0xB0]  }
0x13a: {  	[tilespmem:$0x12A20] =	vst v1  }
0x13b: {  	v1 =	vld.idx.msk [tilespmem:v53+s8+$0x0], $0xffff;
	_ =	sdelay $0x3  }
0x13c: {  	v55 =	vld [tilespmem:$0x1B0]  }
0x13d: {  	[tilespmem:$0x12B20] =	vst v1  }
0x13e: {  	v1 =	vld.idx.msk [tilespmem:v54+s8+$0x0], $0xffff;
	_ =	sdelay $0x3  }
0x13f: {  	v56 =	vld [tilespmem:$0xC0]  }
0x140: {  	[tilespmem:$0x12A30] =	vst v1  }
0x141: {  	v1 =	vld.idx.msk [tilespmem:v55+s8+$0x0], $0xffff;
	_ =	sdelay $0x3  }
0x142: {  	v57 =	vld [tilespmem:$0x1C0]  }
0x143: {  	[tilespmem:$0x12B30] =	vst v1  }
0x144: {  	v1 =	vld.idx.msk [tilespmem:v56+s8+$0x0], $0xffff;
	_ =	sdelay $0x3  }
0x145: {  	v58 =	vld [tilespmem:$0xD0]  }
0x146: {  	[tilespmem:$0x12A40] =	vst v1  }
0x147: {  	v1 =	vld.idx.msk [tilespmem:v57+s8+$0x0], $0xffff;
	_ =	sdelay $0x3  }
0x148: {  	v59 =	vld [tilespmem:$0x1D0]  }
0x149: {  	[tilespmem:$0x12B40] =	vst v1  }
0x14a: {  	v1 =	vld.idx.msk [tilespmem:v58+s8+$0x0], $0xffff;
	_ =	sdelay $0x3  }
0x14b: {  	v60 =	vld [tilespmem:$0xE0]  }
0x14c: {  	[tilespmem:$0x12A50] =	vst v1  }
0x14d: {  	v1 =	vld.idx.msk [tilespmem:v59+s8+$0x0], $0xffff;
	_ =	sdelay $0x3  }
0x14e: {  	v61 =	vld [tilespmem:$0x1E0]  }
0x14f: {  	[tilespmem:$0x12B50] =	vst v1  }
0x150: {  	v1 =	vld.idx.msk [tilespmem:v60+s8+$0x0], $0xffff;
	_ =	sdelay $0x3  }
0x151: {  	v62 =	vld [tilespmem:$0xF0]  }
0x152: {  	[tilespmem:$0x12A60] =	vst v1  }
0x153: {  	v0 =	vld.idx.msk [tilespmem:v61+s8+$0x0], $0xffff;
	_ =	sdelay $0x3  }
0x154: {  	v63 =	vld [tilespmem:$0x1F0]  }
0x155: {  	[tilespmem:$0x12B60] =	vst v0  }
0x156: {  	v0 =	vld.idx.msk [tilespmem:v62+s8+$0x0], $0xffff;
	_ =	sdelay $0x4  }
0x157: {  	[tilespmem:$0x12A70] =	vst v0  }
0x158: {  	v0 =	vld.idx.msk [tilespmem:v63+s8+$0x0], $0xffff;
	_ =	sdelay $0x4  }
0x159: {  	[tilespmem:$0x12B70] =	vst v0  }
0x15a: {  	_ =	swait.ge [sflag:s21], $0x4000  }
0x15b: {  	[sflag:s21] =	ssyncset.done $0x0  }
0x15c: {  	s31 =	sadd.s32 $0xFFFFF800, s9;
	[sflag:s21] =	ssyncadd.s32 $0xFFFFC000  }
0x15d: {  	[hbm4b:s31+s4] =	stream.linear.scatter [tilespmem:s15], [sflag:$0x9], $0x4000, $0x38;
	[tilespmem:$0x12B80] =	vst v63  }
0x15e: {  	_ =	swait.ge [sflag:s22], $0x4000  }
0x15f: {  	[sflag:s22] =	ssyncset.done $0x0;
	s31 =	rddreg [dreg:$0xd]  }
0x160: {  	s29 =	sadd.s32 $0xFFFFF800, s25;
	s28 =	rddreg [dreg:$0xa];
	[sflag:s22] =	ssyncadd.s32 $0xFFFFC000  }
0x161: {  	[hbm4b:s29+s4] =	stream.linear.scatter [tilespmem:s16], [sflag:$0xB], $0x4000, $0x38;
	[tilespmem:$0x12B80] =	vst v63  }
0x162: {  	s30 =	rddreg [dreg:$0x9];
	s28 =	sadd.s32 s26, s28  }
0x163: {  	[hbm4b:s28+s4] =	stream.linear.scatter [tilespmem:s31], [sflag:$0xD], $0x80, $0x38;
	[tilespmem:$0x12B80] =	vst v63  }
0x164: {  	s29 =	rddreg [dreg:$0xe];
	s31 =	sadd.s32 s26, s30  }
0x165: {  	[hbm4b:s31+s4] =	stream.linear.scatter [tilespmem:s29], [sflag:$0xF], $0x80, $0x38;
	[tilespmem:$0x12B80] =	vst v63  }
0x166: {  	_ =	swait.ge [sflag:s23], $0x4000  }
0x167: {  	s5 =	sadd.s32 $0x20, s5;
	[sflag:s23] =	ssyncset.done $0x0  }
0x168: {  	p0 =	sne.s32 s5, $0x140;
	[sflag:s23] =	ssyncadd.s32 $0xFFFFC000  }
0x169: {  	[hbm4b:s9+s4] =	stream.linear.scatter [tilespmem:s19], [sflag:$0xA], $0x4000, $0x38;
	[tilespmem:$0x12B80] =	vst v63  }
.Ltmp0:
0x16a: {  	_ =	swait.ge [sflag:s24], $0x4000;
	(pc) =	sbr.rel @p0 .LBB2_2-.Ltmp0, $4  }
0x16b: {  	[sflag:s24] =	ssyncset.done $0x0;
	s28 =	rddreg [dreg:$0xf]  }
0x16c: {  	s30 =	rddreg [dreg:$0x6];
	[sflag:s24] =	ssyncadd.s32 $0xFFFFC000  }
0x16d: {  	[hbm4b:s25+s4] =	stream.linear.scatter [tilespmem:s20], [sflag:$0xC], $0x4000, $0x38;
	[tilespmem:$0x12B80] =	vst v63  }
0x16e: {  	s9 =	sadd.s32 $0x1000, s9;
	s29 =	rddreg [dreg:$0x5];
	s25 =	sadd.s32 $0x1000, s25  }
0x16f: {  	s2 =	sadd.s32 s26, s30  }
0x170: {  	[hbm4b:s2+s4] =	stream.linear.scatter [tilespmem:s28], [sflag:$0xE], $0x80, $0x38;
	[tilespmem:$0x12B80] =	vst v63  }
0x171: {  	s5 =	rddreg [dreg:$0x10];
	s31 =	sadd.s32 s26, s29  }
0x172: {  	[hbm4b:s31+s4] =	stream.linear.scatter [tilespmem:s5], [sflag:$0x10], $0x80, $0x38;
	[tilespmem:$0x12B80] =	vst v63  }
0x173: {  	s5 =	simm.s32 $0x9  }
0x174: {  	_ =	swait.ge [sflag:s5], $0x4000  }
0x175: {  	[sflag:s5] =	ssyncset.done $0x0  }
0x176: {  	s9 =	simm.s32 $0xB;
	[sflag:s5] =	ssyncadd.s32 $0xFFFFC000  }
0x177: {  	_ =	swait.ge [sflag:s9], $0x4000  }
0x178: {  	[sflag:s9] =	ssyncset.done $0x0  }
0x179: {  	s25 =	simm.s32 $0xD;
	[sflag:s9] =	ssyncadd.s32 $0xFFFFC000  }
0x17a: {  	_ =	swait.ge [sflag:s25], $0x80  }
0x17b: {  	[sflag:s25] =	ssyncset.done $0x0  }
0x17c: {  	s26 =	simm.s32 $0xF;
	[sflag:s25] =	ssyncadd.s32 $0xFFFFFF80  }
0x17d: {  	_ =	swait.ge [sflag:s26], $0x80  }
0x17e: {  	[sflag:s26] =	ssyncset.done $0x0  }
0x17f: {  	s28 =	simm.s32 $0xA;
	[sflag:s26] =	ssyncadd.s32 $0xFFFFFF80  }
0x180: {  	_ =	swait.ge [sflag:s28], $0x4000  }
0x181: {  	[sflag:s28] =	ssyncset.done $0x0  }
0x182: {  	s29 =	simm.s32 $0xC;
	[sflag:s28] =	ssyncadd.s32 $0xFFFFC000  }
0x183: {  	_ =	swait.ge [sflag:s29], $0x4000  }
0x184: {  	[sflag:s29] =	ssyncset.done $0x0  }
0x185: {  	s30 =	simm.s32 $0xE;
	[sflag:s29] =	ssyncadd.s32 $0xFFFFC000  }
0x186: {  	_ =	swait.ge [sflag:s30], $0x80  }
0x187: {  	[sflag:s30] =	ssyncset.done $0x0  }
0x188: {  	[sflag:s30] =	ssyncadd.s32 $0xFFFFFF80  }
0x189: {  	_ =	swait.ge [sflag:s0], $0x80  }
0x18a: {  	s3 =	sadd.s32 $0x1, s3;
	s31 =	rddreg [dreg:$0x11]  }
0x18b: {  	p0 =	sne.s32 s3, s31  }
.Ltmp1:
0x18c: {  	_ = 	snop;
	(pc) =	sbr.rel @p0 .LBB2_1-.Ltmp1, $3  }
0x18d: {  	_ =	sdelay $0x1  }
0x18e: {  	[sflag:s0] =	ssyncset.done $0x0  }
0x18f: {  	[sflag:s0] =	ssyncadd.s32 $0xFFFFFF80  }
0x190: {  	_ =	sfence.sel $0x180000  }
0x191: {  	[bflag:$0x0] =	sbarrier.arrive $0xFFFF  }
0x192: {  	_ =	strace $0x9000004D  }
0x193: {  	s0 =	stileid.u32;
	[bflag:$0x2] =	sbarrier.arrive $0xFFFF  }
0x194: {  	p0 =	sne.s32 s0, $0x0;
	s0 =	rddreg [dreg:$0x4]  }
0x195: {  	s0 =	sadd.s32 @!p0 $0x100000, s0  }
0x196: {  	[sflag:s0] =	ssyncadd.tile.s32 @!p0 $0x1;
	_ =	shalt  }
.Lfunc_end2:
_tile_overlayer_lowered:
.L_overlay_start_2:
0x197: {  	(tag) =	ssettag $0x2  }
0x198: {  	s0 =	rddreg [dreg:$0x0];
	s2 =	stileid.u32  }
0x199: {  	s1 =	rddreg [dreg:$0x1];
	p0 =	sne.s32 s2, $0x0  }
0x19a: {  	s3 =	rddreg [dreg:$0x2];
	[bflag:$0x3] =	sbarrier.arrive $0xFFFF;
	s2 =	simm.s32 @!p0 $0x1C11  }
0x19b: {  	[timem:s3], [sflag:s2] =	dma.local @!p0 [hbm:s0], s1  }
0x19c: {  	s0 =	simm.s32 @!p0 $0x11  }
0x19d: {  	_ =	swait.ge @!p0 [sflag:s0], s1  }
0x19e: {  	s1 =	ssub.s32 @!p0 $0x0, s1;
	[sflag:s0] =	ssyncset.done @!p0 $0x0  }
0x19f: {  	[sflag:s0] =	ssyncadd.s32 @!p0 s1  }
0x1a0: {  	[bflag:$0x3] =	sbarrier.arrive $0xFFFF  }
0x1a1: {  	_ =	shalt  }

// kernel: kernel.20.cloned.1.call-start
scs
__scs_entry_jumppad:
0x0: {  	(pc) =	sbr.rel $0x88, $3  }
0x1: {  	(tag) =	ssettag $0x0;
	lr =	simm.s32 $0x1  }
0x2: {  	[smem:$0x3F82] =	sst lr;
	_ =	strace $0xD0000000  }
0x3: {  	_ = 	snop  }
0x4: {  	_ = 	snop  }
0x5: {  	_ = 	snop  }
0x6: {  	_ = 	snop  }
0x7: {  	_ = 	snop  }
__scs_overlays_trampoline_lowered:
0x8: {  	[smem:$0x3F91] =	sst s0  }
0x9: {  	[smem:$0x3F92] =	sst s1  }
0xa: {  	[smem:$0x3F93] =	sst s2  }
0xb: {  	[smem:$0x3F94] =	sst s3  }
0xc: {  	[smem:$0x3F95] =	sst s4  }
0xd: {  	[smem:$0x3F96] =	sst s5  }
0xe: {  	[smem:$0x3F97] =	sst s6  }
0xf: {  	[smem:$0x3F98] =	sst s7  }
0x10: {  	[smem:$0x3F99] =	sst s8  }
0x11: {  	[smem:$0x3F9A] =	sst s9;
	s0 =	simm.s32 @!p0 $0x0  }
0x12: {  	s1 =	sld [smem:$0x3F80];
	s0 =	simm.s32 @p0 $0x1  }
0x13: {  	[smem:$0x3F9B] =	sst s0;
	s0 =	simm.s32 @!p1 $0x0  }
0x14: {  	s2 =	sld [smem:$0x3F7F];
	s0 =	simm.s32 @p1 $0x1  }
0x15: {  	[smem:$0x3F9C] =	sst s0;
	s0 =	simm.s32 @!p2 $0x0  }
0x16: {  	s3 =	sld [smem:$0x3FDB];
	s0 =	simm.s32 @p2 $0x1  }
0x17: {  	s4 =	simm.s32 $0x1BF5;
	[smem:$0x3F9E] =	sst s0  }
0x18: {  	s0 =	sld [smem:$0x3F81];
	_ =	swait.ge [sflag:s4], $0x0  }
0x19: {  	s7 =	sld [smem:$0x3F82]  }
0x1a: {  	s8 =	sadd.s32 $0xFFFFE003, lr  }
0x1b: {  	s9 =	sadd.s32 $0xFFFFFEF7, lr;
	s5 =	simm.s32 $0xFFFFFFFF;
	p2 =	slt.u32 s8, $0xFFFFF086  }
0x1c: {  	p1 =	slt.u32 s9, $0xF7A;
	s5 =	simm.s32 @!p2 $0x0  }
0x1d: {  	s5 =	simm.s32 @p1 $0x1;
	p0 =	seq.s32 s7, s2  }
0x1e: {  	s7 =	smul.u32 @!p0 $0xF7A, s2;
	p2 =	seq.s32 @!p0 s5, $0x0  }
0x1f: {  	s9 =	smul.u32 $0xF7A, s1;
	s8 =	simm.s32 @!p0 $0x1BF5;
	p2 =	por !p2, p0  }
0x20: {  	[sflag:s8] =	ssyncset.s32 @!p0 $0xFFFFF086;
	s6 =	sadd.s32 @!p0 s3, s7;
	s7 =	simm.s32 @!p0 $0x108  }
0x21: {  	s3 =	sadd.s32 s3, s9;
	s6 =	sadd.s32 @!p0 $0x88, s6;
	s7 =	simm.s32 @p2 $0x1082  }
0x22: {  	[simem:s7], [sflag:s8] =	dma.local @!p0 [hbm:s6], $0xF7A  }
0x23: {  	s9 =	sor.u32 $0xD0000000, s2;
	s6 =	simm.s32 $0x108;
	_ =	swait.ge @!p0 [sflag:s8], $0x0  }
0x24: {  	s3 =	sadd.s32 $0x88, s3;
	s6 =	simm.s32 @!p1 $0x1082;
	[sflag:s4] =	ssyncset.s32 $0xFFFFF086  }
0x25: {  	[simem:s6], [sflag:s4] =	dma.local [hbm:s3], $0xF7A  }
0x26: {  	[smem:$0x3F82] =	sst s1;
	(tag) =	ssettag s2;
	_ =	strace s9  }
0x27: {  	s1 =	sld [smem:$0x3F92]  }
0x28: {  	s2 =	sld [smem:$0x3F93]  }
0x29: {  	s4 =	sld [smem:$0x3F95]  }
0x2a: {  	p0 =	seq.s32 s5, $0x0;
	s5 =	sld [smem:$0x3F96]  }
0x2b: {  	s6 =	sld [smem:$0x3F97]  }
0x2c: {  	s7 =	sld [smem:$0x3F98]  }
0x2d: {  	s3 =	simm.s32 $0x108;
	s8 =	sld [smem:$0x3F99]  }
0x2e: {  	s3 =	simm.s32 @!p0 $0x1082;
	s9 =	sld [smem:$0x3F9A]  }
0x2f: {  	lr =	sadd.s32 s0, s3;
	s0 =	sld [smem:$0x3F91]  }
0x30: {  	s3 =	sld [smem:$0x3F94]  }
0x31: {  	[smem:$0x3F9D] =	sst s10  }
0x32: {  	s10 =	sld [smem:$0x3F9B];
	_ =	sdelay $0x3  }
0x33: {  	p0 =	seq.s32 s10, $0x1;
	s10 =	sld [smem:$0x3F9D];
	_ =	sdelay $0x3  }
0x34: {  	[smem:$0x3F9D] =	sst s10  }
0x35: {  	s10 =	sld [smem:$0x3F9C];
	_ =	sdelay $0x3  }
0x36: {  	p1 =	seq.s32 s10, $0x1;
	s10 =	sld [smem:$0x3F9D];
	_ =	sdelay $0x3  }
0x37: {  	[smem:$0x3F9D] =	sst s10  }
0x38: {  	s10 =	sld [smem:$0x3F9E]  }
0x39: {  	_ = 	snop;
	(pc) =	sbr.ind lr, $3  }
0x3a: {  	_ = 	snop  }
0x3b: {  	_ = 	snop  }
0x3c: {  	p2 =	seq.s32 s10, $0x1;
	s10 =	sld [smem:$0x3F9D]  }
0x3d: {  	_ =	shalt  }
0x3e: {  	_ =	shalt  }
0x3f: {  	_ =	shalt  }
0x40: {  	_ =	shalt  }
0x41: {  	_ =	shalt  }
0x42: {  	_ =	shalt  }
0x43: {  	_ =	shalt  }
0x44: {  	_ =	shalt  }
0x45: {  	_ =	shalt  }
0x46: {  	_ =	shalt  }
0x47: {  	_ =	shalt  }
0x48: {  	_ =	shalt  }
0x49: {  	_ =	shalt  }
0x4a: {  	_ =	shalt  }
0x4b: {  	_ =	shalt  }
0x4c: {  	_ =	shalt  }
0x4d: {  	_ =	shalt  }
0x4e: {  	_ =	shalt  }
0x4f: {  	_ =	shalt  }
0x50: {  	_ =	shalt  }
0x51: {  	_ =	shalt  }
0x52: {  	_ =	shalt  }
0x53: {  	_ =	shalt  }
0x54: {  	_ =	shalt  }
0x55: {  	_ =	shalt  }
0x56: {  	_ =	shalt  }
0x57: {  	_ =	shalt  }
0x58: {  	_ =	shalt  }
0x59: {  	_ =	shalt  }
0x5a: {  	_ =	shalt  }
0x5b: {  	_ =	shalt  }
0x5c: {  	_ =	shalt  }
0x5d: {  	_ =	shalt  }
0x5e: {  	_ =	shalt  }
0x5f: {  	_ =	shalt  }
0x60: {  	_ =	shalt  }
0x61: {  	_ =	shalt  }
0x62: {  	_ =	shalt  }
0x63: {  	_ =	shalt  }
0x64: {  	_ =	shalt  }
0x65: {  	_ =	shalt  }
0x66: {  	_ =	shalt  }
0x67: {  	_ =	shalt  }
0x68: {  	_ =	shalt  }
0x69: {  	_ =	shalt  }
0x6a: {  	_ =	shalt  }
0x6b: {  	_ =	shalt  }
0x6c: {  	_ =	shalt  }
0x6d: {  	_ =	shalt  }
0x6e: {  	_ =	shalt  }
0x6f: {  	_ =	shalt  }
0x70: {  	_ =	shalt  }
0x71: {  	_ =	shalt  }
0x72: {  	_ =	shalt  }
0x73: {  	_ =	shalt  }
0x74: {  	_ =	shalt  }
0x75: {  	_ =	shalt  }
0x76: {  	_ =	shalt  }
0x77: {  	_ =	shalt  }
0x78: {  	_ =	shalt  }
0x79: {  	_ =	shalt  }
0x7a: {  	_ =	shalt  }
0x7b: {  	_ =	shalt  }
0x7c: {  	_ =	shalt  }
0x7d: {  	_ =	shalt  }
0x7e: {  	_ =	shalt  }
0x7f: {  	_ =	shalt  }
0x80: {  	_ =	shalt  }
0x81: {  	_ =	shalt  }
0x82: {  	_ =	shalt  }
0x83: {  	_ =	shalt  }
0x84: {  	_ =	shalt  }
0x85: {  	_ =	shalt  }
0x86: {  	_ =	shalt  }
0x87: {  	_ =	shalt  }
.Lfunc_end0:
.L_simem_size_0:
called_computation.2_lowered:
.L_overlay_start_0:
0x88: {  	s2 =	sld [smem:$0x3FD9]  }
0x89: {  	s3 =	sld [smem:$0x3FFE];
	_ =	sdelay $0x1  }
0x8a: {  	s1 =	srdreg.scid  }
0x8b: {  	s0 =	sand.u32 $0x1, s1  }
0x8c: {  	s14 =	sshll.u32 s0, $0xA;
	s2 =	sadd.s32 s3, s2  }
0x8d: {  	s2 =	sadd.s32 s2, s14  }
0x8e: {  	[smem:$0x3FA9] =	sst s2  }
0x8f: {  	_ = 	snop  }
0x90: {  	s2 =	sld [smem:$0x3FD0];
	_ =	sdelay $0x2  }
0x91: {  	s4 =	simm.s32 $0xB;
	s5 =	simm.s32 $0x10;
	s15 =	sld [smem:$0x3FC5]  }
0x92: {  	[smem:s5], [sflag:s4] =	dma.local [hbm:s2], $0x1  }
0x93: {  	_ =	swait.eq [sflag:s4], $0x1  }
0x94: {  	[sflag:s4] =	ssyncset.done $0x0  }
0x95: {  	[sflag:s4] =	ssyncadd.s32 $0xFFFFFFFF  }
0x96: {  	s16 =	sld [smem:$0x10];
	(tm) =	ssettm $0x1  }
0x97: {  	s17 =	sld [smem:$0x3FFB];
	_ =	sdelay $0x3  }
0x98: {  	_ =	strace s17  }
0x99: {  	s4 =	sld [smem:$0x3FFC];
	_ =	sdelay $0x3  }
0x9a: {  	_ =	strace s4  }
0x9b: {  	s4 =	sld [smem:$0x3FFD];
	_ =	sdelay $0x3  }
0x9c: {  	_ =	strace s4  }
0x9d: {  	_ =	strace $0x8FFFFFFF  }
0x9e: {  	s18 =	sld [smem:$0x3FDB];
	_ =	sdelay $0x1  }
0x9f: {  	s19 =	simm.s32 $_scs_section_size  }
0xa0: {  	s6 =	simm.s32 $_size__tile_overlayer_lowered;
	s7 =	simm.s32 $_tile_overlayer_lowered  }
0xa1: {  	s22 =	simm.s32 $0x1BFF;
	s21 =	sshll.u32 s7, $0x1;
	s4 =	sadd.s32 s19, s18  }
0xa2: {  	s8 =	simm.s32 $0x0;
	s20 =	sshll.u32 s6, $0x1;
	s6 =	sadd.s32 s21, s4  }
0xa3: {  	[timem:s8], [sflag:s22] =	dma.local [hbm:s6], s20  }
0xa4: {  	_ =	swait.ge [sflag:s22], s20  }
0xa5: {  	s5 =	ssub.s32 $0x0, s20;
	[sflag:s22] =	ssyncset.done $0x0  }
0xa6: {  	[sflag:s22] =	ssyncadd.s32 s5;
	_ =	sdelay $0x1  }
0xa7: {  	s23 =	simm.s32 $0x1B8B  }
0xa8: {  	_ =	swait.ge [sflag:s23], $0x1  }
0xa9: {  	[sflag:s23] =	ssyncset.done $0x0  }
0xaa: {  	s25 =	simm.s32 $0x1B8E;
	s24 =	sld [smem:$0x3FFE];
	[sflag:s23] =	ssyncadd.s32 $0xFFFFFFFF  }
0xab: {  	s26 =	simm.s32 $execute0_lowered;
	[smem:$0x3FD2] =	sst s25  }
0xac: {  	s6 =	sshll.u32 s26, $0x1;
	_ =	strace $0x80000049;
	[dreg:$0x1] =	wrdreg $0xFFFFFFFF  }
0xad: {  	s28 =	simm.s32 $_size_execute0_lowered;
	s4 =	sadd.s32 s4, s6;
	[dreg:$0x0] =	wrdreg $0x0  }
0xae: {  	s6 =	sshll.u32 s28, $0x1;
	[dreg:$0x2] =	wrdreg s4  }
0xaf: {  	[dreg:$0x3] =	wrdreg s6  }
0xb0: {  	[dreg:$0x4] =	wrdreg $0xC0  }
0xb1: {  	_ =	task [dreg:s8], $0x5FFFF  }
0xb2: {  	[dreg:$0x1] =	wrdreg $0xFFFFFFFF  }
0xb3: {  	[dreg:$0x0] =	wrdreg $0x60  }
0xb4: {  	[dreg:$0x2] =	wrdreg s16  }
0xb5: {  	[dreg:$0x3] =	wrdreg s24  }
0xb6: {  	[dreg:$0x4] =	wrdreg s15  }
0xb7: {  	[dreg:$0x5] =	wrdreg $0xA  }
0xb8: {  	_ =	task.clear_ibuf [dreg:s8], $0x6FFFF;
	_ =	strace $0x90000049  }
0xb9: {  	s29 =	simm.s32 $0xA;
	_ =	strace $0x8000004B  }
0xba: {  	_ =	swait.ge [sflag:s29], $0x1  }
0xbb: {  	[sflag:s29] =	ssyncadd.s32 $0xFFFFFFFF  }
0xbc: {  	_ =	strace $0x9000004B  }
0xbd: {  	_ =	sfence  }
0xbe: {  	s30 =	sld [smem:$0x0];
	_ =	sdelay $0x2  }
0xbf: {  	s31 =	sshll.u32 s1, $0xD;
	s1 =	sshrl.u32 s1, $0x2  }
0xc0: {  	s3 =	sand.u32 $0x4000, s31;
	s1 =	sadd.s32 s1, s30  }
0xc1: {  	s0 =	sor.u32 s3, s0;
	s1 =	sshll.u32 s1, $0x11  }
0xc2: {  	s0 =	sor.u32 s1, s0  }
0xc3: {  	s0 =	sadd.s32 $0x8F2B, s0  }
0xc4: {  	[sflag:s0] =	ssyncadd.remote.s32 $0x1  }
0xc5: {  	_ =	sfence.sel $0xFFFF  }
0xc6: {  	[dreg:$0x0] =	wrdreg $0xFFFFFFFF;
	(pc) =	sbr.abs _section_cstart, $3  }
0xc7: {  	[dreg:$0x1] =	wrdreg $0xFFFFFFFF  }
0xc8: {  	_ =	task.clear_ibuf [dreg:s8], $0x2FFFF;
	_ =	strace $0x9FFFFFFF  }
0xc9: {  	(tm) =	ssettm $0x7FFFFFFF  }
tec
execute0_lowered:
.L_overlay_start_1:
0x0: {  	(tag) =	ssettag $0x1  }
0x1: {  	s1 =	rddreg [dreg:$0x0]  }
0x2: {  	s0 =	rddreg [dreg:$0x1]  }
0x3: {  	s6 =	stileid.u32;
	s2 =	srdreg.scid;
	s4 =	simm.s32 $0x0  }
0x4: {  	s13 =	simm.s32 $0x1;
	s14 =	simm.s32 $0x3;
	s15 =	simm.s32 $0x200  }
0x5: {  	s16 =	simm.s32 $0x8200;
	s17 =	simm.s32 $0x2;
	s18 =	simm.s32 $0x4  }
0x6: {  	s19 =	simm.s32 $0x4200;
	s28 =	simm.s32 $0x12980;
	s29 =	simm.s32 $0x12A80  }
0x7: {  	s30 =	simm.s32 $0x12A00;
	s31 =	simm.s32 $0x12B00;
	s3 =	smul.u32 $0x1400, s6  }
0x8: {  	s2 =	sand.u32 $0x1, s2;
	[smem:$0x7FF] =	sst s4;
	s6 =	smul.u32 $0x14000, s6  }
0x9: {  	s20 =	sadd.s32 $0x9E00, s0;
	_ =	strace $0x8000004A;
	[dreg:$0xc] =	wrdreg s28  }
0xa: {  	s7 =	sadd.s32 $0x7600, s0;
	s9 =	sadd.s32 $0x16600, s0;
	[dreg:$0xd] =	wrdreg s29  }
0xb: {  	s5 =	smul.u32 $0xA00, s2;
	s10 =	ssub.s32 $0x2, s2;
	[dreg:$0xe] =	wrdreg s30  }
0xc: {  	s2 =	smul.u32 $0xA000, s2;
	[dreg:$0xf] =	wrdreg s31;
	s6 =	sadd.s32 s6, s0  }
0xd: {  	s0 =	sadd.s32 $0x13E00, s0;
	s12 =	sshrl.u32 s10, $0x1;
	s3 =	sadd.s32 s5, s3  }
0xe: {  	s10 =	ssub.s32 s10, s12;
	s2 =	sadd.s32 s2, s6;
	s12 =	simm.s32 $0x180  }
0xf: {  	s8 =	sor.u32 $0x80, s3;
	s3 =	sshrl.u32 s3, $0x3;
	s24 =	smax.u32 s10, $0x1  }
0x10: {  	s6 =	sadd.s32 $0x19600, s2;
	s23 =	sadd.s32 s3, s9;
	[dreg:$0x10] =	wrdreg s24  }
0x11: {  	s10 =	simm.s32 $0x100;
	s25 =	sadd.s32 s3, s7;
	[dreg:$0x8] =	wrdreg s23  }
0x12: {  	s8 =	sshrl.u32 s8, $0x3;
	s26 =	sadd.s32 s3, s20;
	[dreg:$0xa] =	wrdreg s25  }
0x13: {  	s24 =	simm.s32 $0x8;
	s11 =	sadd.s32 s8, s9;
	[dreg:$0xb] =	wrdreg s26  }
0x14: {  	s21 =	sadd.s32 s8, s0;
	s22 =	sadd.s32 s8, s7;
	[dreg:$0x4] =	wrdreg s11  }
0x15: {  	s8 =	sadd.s32 s8, s20;
	s0 =	sadd.s32 s3, s0;
	[dreg:$0x5] =	wrdreg s21  }
0x16: {  	s7 =	sadd.s32 $0x159600, s2;
	s20 =	simm.s32 $0xC200;
	[dreg:$0x6] =	wrdreg s22  }
0x17: {  	s23 =	simm.s32 $0x6;
	s3 =	simm.s32 $0x0;
	[dreg:$0x7] =	wrdreg s8  }
0x18: {  	[dreg:$0x9] =	wrdreg s0;
	s8 =	simm.s32 $0x10200;
	s11 =	simm.s32 $0x80  }
0x19: {  	s21 =	simm.s32 $0x5;
	s22 =	simm.s32 $0x7;
	s0 =	simm.s32 $0x10  }
.LBB2_1:
0x1a: {  	s2 =	rddreg [dreg:$0x2];
	s5 =	simm.s32 $0x11  }
0x1b: {  	[tilespmem:s8], [sflag:$0x11] =	stream.linear.gather [hbm4b:s2+s4], $0x2780, $0x38;
	[tilespmem:$0x12B80] =	vst v63  }
0x1c: {  	_ =	swait.ge [sflag:s5], $0x2780  }
0x1d: {  	p0 =	por $0x1, $0x1;
	[sflag:s5] =	ssyncset.done $0x0  }
0x1e: {  	[sflag:s5] =	ssyncadd.s32 $0xFFFFD880;
	s5 =	simm.s32 @!p0 $0x9  }
0x1f: {  	_ =	swait.ge @!p0 [sflag:s5], $0x4000  }
0x20: {  	[sflag:s5] =	ssyncset.done @!p0 $0x0  }
0x21: {  	[sflag:s5] =	ssyncadd.s32 @!p0 $0xFFFFC000;
	s5 =	simm.s32 @!p0 $0xB  }
0x22: {  	_ =	swait.ge @!p0 [sflag:s5], $0x4000  }
0x23: {  	[sflag:s5] =	ssyncset.done @!p0 $0x0  }
0x24: {  	[sflag:s5] =	ssyncadd.s32 @!p0 $0xFFFFC000;
	s5 =	simm.s32 @!p0 $0xD  }
0x25: {  	_ =	swait.ge @!p0 [sflag:s5], $0x80  }
0x26: {  	[sflag:s5] =	ssyncset.done @!p0 $0x0  }
0x27: {  	[sflag:s5] =	ssyncadd.s32 @!p0 $0xFFFFFF80;
	s5 =	simm.s32 @!p0 $0xF  }
0x28: {  	_ =	swait.ge @!p0 [sflag:s5], $0x80  }
0x29: {  	[sflag:s5] =	ssyncset.done @!p0 $0x0  }
0x2a: {  	[sflag:s5] =	ssyncadd.s32 @!p0 $0xFFFFFF80;
	s5 =	simm.s32 @!p0 $0xA  }
0x2b: {  	_ =	swait.ge @!p0 [sflag:s5], $0x4000  }
0x2c: {  	[sflag:s5] =	ssyncset.done @!p0 $0x0  }
0x2d: {  	[sflag:s5] =	ssyncadd.s32 @!p0 $0xFFFFC000;
	s5 =	simm.s32 @!p0 $0xC  }
0x2e: {  	_ =	swait.ge @!p0 [sflag:s5], $0x4000  }
0x2f: {  	[sflag:s5] =	ssyncset.done @!p0 $0x0  }
0x30: {  	[sflag:s5] =	ssyncadd.s32 @!p0 $0xFFFFC000;
	s5 =	simm.s32 @!p0 $0xE  }
0x31: {  	_ =	swait.ge @!p0 [sflag:s5], $0x80  }
0x32: {  	[sflag:s5] =	ssyncset.done @!p0 $0x0  }
0x33: {  	[sflag:s5] =	ssyncadd.s32 @!p0 $0xFFFFFF80;
	s5 =	simm.s32 @!p0 $0x10  }
0x34: {  	_ =	swait.ge @!p0 [sflag:s5], $0x80  }
0x35: {  	s9 =	rddreg [dreg:$0xb];
	[sflag:s5] =	ssyncset.done @!p0 $0x0  }
0x36: {  	s25 =	rddreg [dreg:$0xa];
	[sflag:s5] =	ssyncadd.s32 @!p0 $0xFFFFFF80;
	s9 =	sadd.s32 $0x0, s9  }
0x37: {  	[tilespmem:s4], [sflag:$0x1] =	stream.linear.gather [hbm4b:s9+s4], $0x80, $0x38;
	[tilespmem:$0x12B80] =	vst v63  }
0x38: {  	s26 =	rddreg [dreg:$0x7];
	s31 =	sadd.s32 $0x0, s25  }
0x39: {  	[tilespmem:s10], [sflag:$0x3] =	stream.linear.gather [hbm4b:s31+s4], $0x80, $0x38;
	[tilespmem:$0x12B80] =	vst v63  }
0x3a: {  	s2 =	rddreg [dreg:$0x6];
	s9 =	sadd.s32 $0x0, s26  }
0x3b: {  	[tilespmem:s11], [sflag:$0x2] =	stream.linear.gather [hbm4b:s9+s4], $0x80, $0x38;
	[tilespmem:$0x12B80] =	vst v63  }
0x3c: {  	s26 =	sadd.s32 $0x0, s2  }
0x3d: {  	[tilespmem:s12], [sflag:$0x4] =	stream.linear.gather [hbm4b:s26+s4], $0x80, $0x38;
	[tilespmem:$0x12B80] =	vst v63  }
0x3e: {  	_ =	swait.ge [sflag:s13], $0x80  }
0x3f: {  	[sflag:s13] =	ssyncset.done $0x0  }
0x40: {  	[sflag:s13] =	ssyncadd.s32 $0xFFFFFF80  }
0x41: {  	_ =	swait.ge [sflag:s14], $0x80  }
0x42: {  	[sflag:s14] =	ssyncset.done $0x0  }
0x43: {  	[sflag:s14] =	ssyncadd.s32 $0xFFFFFF80  }
0x44: {  	[tilespmem:s15], [sflag:$0x5] =	stream.indirect.gather [hbm4b:s1+s11], $0x80, s4, s11, $0xb8;
	[tilespmem:$0x12B80] =	vst v63  }
0x45: {  	_ = 	snop  }
0x46: {  	[tilespmem:s16], [sflag:$0x7] =	stream.indirect.gather [hbm4b:s1+s11], $0x80, s10, s11, $0xb8;
	[tilespmem:$0x12B80] =	vst v63  }
0x47: {  	v0 =	vld [tilespmem:$0x0];
	_ =	sdelay $0x5  }
0x48: {  	v1 =	vld [tilespmem:$0x100];
	_ =	sdelay $0x1  }
0x49: {  	v0 =	vld.idx.msk [tilespmem:v0+s8+$0x0], $0xffff;
	_ =	sdelay $0x3  }
0x4a: {  	v2 =	vld [tilespmem:$0x10]  }
0x4b: {  	[tilespmem:$0x12980] =	vst v0  }
0x4c: {  	v0 =	vld.idx.msk [tilespmem:v1+s8+$0x0], $0xffff;
	_ =	sdelay $0x3  }
0x4d: {  	v35 =	vld [tilespmem:$0x110]  }
0x4e: {  	[tilespmem:$0x12A80] =	vst v0  }
0x4f: {  	v0 =	vld.idx.msk [tilespmem:v2+s8+$0x0], $0xffff;
	_ =	sdelay $0x3  }
0x50: {  	v36 =	vld [tilespmem:$0x20]  }
0x51: {  	[tilespmem:$0x12990] =	vst v0  }
0x52: {  	v0 =	vld.idx.msk [tilespmem:v35+s8+$0x0], $0xffff;
	_ =	sdelay $0x3  }
0x53: {  	v37 =	vld [tilespmem:$0x120]  }
0x54: {  	[tilespmem:$0x12A90] =	vst v0  }
0x55: {  	v0 =	vld.idx.msk [tilespmem:v36+s8+$0x0], $0xffff;
	_ =	sdelay $0x3  }
0x56: {  	v38 =	vld [tilespmem:$0x30]  }
0x57: {  	[tilespmem:$0x129A0] =	vst v0  }
0x58: {  	v0 =	vld.idx.msk [tilespmem:v37+s8+$0x0], $0xffff;
	_ =	sdelay $0x3  }
0x59: {  	v39 =	vld [tilespmem:$0x130]  }
0x5a: {  	[tilespmem:$0x12AA0] =	vst v0  }
0x5b: {  	v0 =	vld.idx.msk [tilespmem:v38+s8+$0x0], $0xffff;
	_ =	sdelay $0x3  }
0x5c: {  	v40 =	vld [tilespmem:$0x40]  }
0x5d: {  	[tilespmem:$0x129B0] =	vst v0  }
0x5e: {  	v0 =	vld.idx.msk [tilespmem:v39+s8+$0x0], $0xffff;
	_ =	sdelay $0x3  }
0x5f: {  	v41 =	vld [tilespmem:$0x140]  }
0x60: {  	[tilespmem:$0x12AB0] =	vst v0  }
0x61: {  	v0 =	vld.idx.msk [tilespmem:v40+s8+$0x0], $0xffff;
	_ =	sdelay $0x3  }
0x62: {  	v42 =	vld [tilespmem:$0x50]  }
0x63: {  	[tilespmem:$0x129C0] =	vst v0  }
0x64: {  	v0 =	vld.idx.msk [tilespmem:v41+s8+$0x0], $0xffff;
	_ =	sdelay $0x3  }
0x65: {  	v43 =	vld [tilespmem:$0x150]  }
0x66: {  	[tilespmem:$0x12AC0] =	vst v0  }
0x67: {  	v0 =	vld.idx.msk [tilespmem:v42+s8+$0x0], $0xffff;
	_ =	sdelay $0x3  }
0x68: {  	v44 =	vld [tilespmem:$0x60]  }
0x69: {  	[tilespmem:$0x129D0] =	vst v0  }
0x6a: {  	v0 =	vld.idx.msk [tilespmem:v43+s8+$0x0], $0xffff;
	_ =	sdelay $0x3  }
0x6b: {  	v45 =	vld [tilespmem:$0x160]  }
0x6c: {  	[tilespmem:$0x12AD0] =	vst v0  }
0x6d: {  	v0 =	vld.idx.msk [tilespmem:v44+s8+$0x0], $0xffff;
	_ =	sdelay $0x3  }
0x6e: {  	v46 =	vld [tilespmem:$0x70]  }
0x6f: {  	[tilespmem:$0x129E0] =	vst v0  }
0x70: {  	v0 =	vld.idx.msk [tilespmem:v45+s8+$0x0], $0xffff;
	_ =	sdelay $0x3  }
0x71: {  	v47 =	vld [tilespmem:$0x170]  }
0x72: {  	[tilespmem:$0x12AE0] =	vst v0  }
0x73: {  	v0 =	vld.idx.msk [tilespmem:v46+s8+$0x0], $0xffff;
	_ =	sdelay $0x4  }
0x74: {  	[tilespmem:$0x129F0] =	vst v0  }
0x75: {  	v0 =	vld.idx.msk [tilespmem:v47+s8+$0x0], $0xffff;
	_ =	sdelay $0x4  }
0x76: {  	[tilespmem:$0x12AF0] =	vst v0  }
0x77: {  	_ =	swait.ge [sflag:s17], $0x80  }
0x78: {  	[sflag:s17] =	ssyncset.done $0x0  }
0x79: {  	[sflag:s17] =	ssyncadd.s32 $0xFFFFFF80  }
0x7a: {  	_ =	swait.ge [sflag:s18], $0x80  }
0x7b: {  	[sflag:s18] =	ssyncset.done $0x0  }
0x7c: {  	[sflag:s18] =	ssyncadd.s32 $0xFFFFFF80  }
0x7d: {  	[tilespmem:s19], [sflag:$0x6] =	stream.indirect.gather [hbm4b:s1+s11], $0x80, s11, s11, $0xb8;
	[tilespmem:$0x12B80] =	vst v63  }
0x7e: {  	_ = 	snop  }
0x7f: {  	[tilespmem:s20], [sflag:$0x8] =	stream.indirect.gather [hbm4b:s1+s11], $0x80, s12, s11, $0xb8;
	[tilespmem:$0x12B80] =	vst v63  }
0x80: {  	v48 =	vld [tilespmem:$0x80];
	_ =	sdelay $0x5  }
0x81: {  	v49 =	vld [tilespmem:$0x180];
	_ =	sdelay $0x1  }
0x82: {  	v0 =	vld.idx.msk [tilespmem:v48+s8+$0x0], $0xffff;
	_ =	sdelay $0x3  }
0x83: {  	v50 =	vld [tilespmem:$0x90]  }
0x84: {  	[tilespmem:$0x12A00] =	vst v0  }
0x85: {  	v0 =	vld.idx.msk [tilespmem:v49+s8+$0x0], $0xffff;
	_ =	sdelay $0x3  }
0x86: {  	v51 =	vld [tilespmem:$0x190]  }
0x87: {  	[tilespmem:$0x12B00] =	vst v0  }
0x88: {  	v0 =	vld.idx.msk [tilespmem:v50+s8+$0x0], $0xffff;
	_ =	sdelay $0x3  }
0x89: {  	v52 =	vld [tilespmem:$0xA0]  }
0x8a: {  	[tilespmem:$0x12A10] =	vst v0  }
0x8b: {  	v0 =	vld.idx.msk [tilespmem:v51+s8+$0x0], $0xffff;
	_ =	sdelay $0x3  }
0x8c: {  	v53 =	vld [tilespmem:$0x1A0]  }
0x8d: {  	[tilespmem:$0x12B10] =	vst v0  }
0x8e: {  	v0 =	vld.idx.msk [tilespmem:v52+s8+$0x0], $0xffff;
	_ =	sdelay $0x3  }
0x8f: {  	v54 =	vld [tilespmem:$0xB0]  }
0x90: {  	[tilespmem:$0x12A20] =	vst v0  }
0x91: {  	v0 =	vld.idx.msk [tilespmem:v53+s8+$0x0], $0xffff;
	_ =	sdelay $0x3  }
0x92: {  	v55 =	vld [tilespmem:$0x1B0]  }
0x93: {  	[tilespmem:$0x12B20] =	vst v0  }
0x94: {  	v0 =	vld.idx.msk [tilespmem:v54+s8+$0x0], $0xffff;
	_ =	sdelay $0x3  }
0x95: {  	v56 =	vld [tilespmem:$0xC0]  }
0x96: {  	[tilespmem:$0x12A30] =	vst v0  }
0x97: {  	v0 =	vld.idx.msk [tilespmem:v55+s8+$0x0], $0xffff;
	_ =	sdelay $0x3  }
0x98: {  	v57 =	vld [tilespmem:$0x1C0]  }
0x99: {  	[tilespmem:$0x12B30] =	vst v0  }
0x9a: {  	v0 =	vld.idx.msk [tilespmem:v56+s8+$0x0], $0xffff;
	_ =	sdelay $0x3  }
0x9b: {  	v58 =	vld [tilespmem:$0xD0]  }
0x9c: {  	[tilespmem:$0x12A40] =	vst v0  }
0x9d: {  	v0 =	vld.idx.msk [tilespmem:v57+s8+$0x0], $0xffff;
	_ =	sdelay $0x3  }
0x9e: {  	v59 =	vld [tilespmem:$0x1D0]  }
0x9f: {  	[tilespmem:$0x12B40] =	vst v0  }
0xa0: {  	v0 =	vld.idx.msk [tilespmem:v58+s8+$0x0], $0xffff;
	_ =	sdelay $0x3  }
0xa1: {  	v60 =	vld [tilespmem:$0xE0]  }
0xa2: {  	[tilespmem:$0x12A50] =	vst v0  }
0xa3: {  	v0 =	vld.idx.msk [tilespmem:v59+s8+$0x0], $0xffff;
	_ =	sdelay $0x3  }
0xa4: {  	v61 =	vld [tilespmem:$0x1E0]  }
0xa5: {  	[tilespmem:$0x12B50] =	vst v0  }
0xa6: {  	v0 =	vld.idx.msk [tilespmem:v60+s8+$0x0], $0xffff;
	_ =	sdelay $0x3  }
0xa7: {  	v62 =	vld [tilespmem:$0xF0]  }
0xa8: {  	[tilespmem:$0x12A60] =	vst v0  }
0xa9: {  	v0 =	vld.idx.msk [tilespmem:v61+s8+$0x0], $0xffff;
	_ =	sdelay $0x3  }
0xaa: {  	v63 =	vld [tilespmem:$0x1F0]  }
0xab: {  	[tilespmem:$0x12B60] =	vst v0  }
0xac: {  	v0 =	vld.idx.msk [tilespmem:v62+s8+$0x0], $0xffff;
	_ =	sdelay $0x4  }
0xad: {  	[tilespmem:$0x12A70] =	vst v0  }
0xae: {  	v0 =	vld.idx.msk [tilespmem:v63+s8+$0x0], $0xffff;
	_ =	sdelay $0x4  }
0xaf: {  	[tilespmem:$0x12B70] =	vst v0  }
0xb0: {  	_ =	swait.ge [sflag:s21], $0x4000  }
0xb1: {  	[sflag:s21] =	ssyncset.done $0x0  }
0xb2: {  	s31 =	sadd.s32 $0xFFFFF800, s6;
	[sflag:s21] =	ssyncadd.s32 $0xFFFFC000  }
0xb3: {  	[hbm4b:s31+s4] =	stream.linear.scatter [tilespmem:s15], [sflag:$0x9], $0x4000, $0x38;
	[tilespmem:$0x12B80] =	vst v63  }
0xb4: {  	_ =	swait.ge [sflag:s22], $0x4000  }
0xb5: {  	s5 =	rddreg [dreg:$0xc];
	[sflag:s22] =	ssyncset.done $0x0  }
0xb6: {  	s31 =	sadd.s32 $0xFFFFF800, s7;
	s2 =	rddreg [dreg:$0x9];
	[sflag:s22] =	ssyncadd.s32 $0xFFFFC000  }
0xb7: {  	[hbm4b:s31+s4] =	stream.linear.scatter [tilespmem:s16], [sflag:$0xB], $0x4000, $0x38;
	[tilespmem:$0x12B80] =	vst v63  }
0xb8: {  	s26 =	rddreg [dreg:$0x8];
	s9 =	sadd.s32 $0x0, s2  }
0xb9: {  	[hbm4b:s9+s4] =	stream.linear.scatter [tilespmem:s5], [sflag:$0xD], $0x80, $0x38;
	[tilespmem:$0x12B80] =	vst v63  }
0xba: {  	s2 =	rddreg [dreg:$0xd];
	s31 =	sadd.s32 $0x0, s26  }
0xbb: {  	[hbm4b:s31+s4] =	stream.linear.scatter [tilespmem:s2], [sflag:$0xF], $0x80, $0x38;
	[tilespmem:$0x12B80] =	vst v63  }
0xbc: {  	_ =	swait.ge [sflag:s23], $0x4000  }
0xbd: {  	[sflag:s23] =	ssyncset.done $0x0  }
0xbe: {  	[sflag:s23] =	ssyncadd.s32 $0xFFFFC000  }
0xbf: {  	[hbm4b:s6+s4] =	stream.linear.scatter [tilespmem:s19], [sflag:$0xA], $0x4000, $0x38;
	[tilespmem:$0x12B80] =	vst v63  }
0xc0: {  	_ =	swait.ge [sflag:s24], $0x4000  }
0xc1: {  	s25 =	sadd.s32 $0x1000, s7;
	s26 =	simm.s32 $0x0;
	s28 =	rddreg [dreg:$0xe]  }
0xc2: {  	s5 =	simm.s32 $0x20;
	[sflag:s24] =	ssyncset.done $0x0;
	s30 =	rddreg [dreg:$0x5]  }
0xc3: {  	s9 =	sadd.s32 $0x1000, s6;
	s29 =	rddreg [dreg:$0x4];
	[sflag:s24] =	ssyncadd.s32 $0xFFFFC000  }
0xc4: {  	[hbm4b:s7+s4] =	stream.linear.scatter [tilespmem:s20], [sflag:$0xC], $0x4000, $0x38;
	[tilespmem:$0x12B80] =	vst v63  }
.LBB2_2:
0xc5: {  	p1 =	seq.s32 s5, $0x0;
	s30 =	sadd.s32 s26, s30  }
0xc6: {  	[hbm4b:s30+s4] =	stream.linear.scatter [tilespmem:s28], [sflag:$0xE], $0x80, $0x38;
	[tilespmem:$0x12B80] =	vst v63  }
0xc7: {  	s31 =	rddreg [dreg:$0xf];
	s26 =	sadd.s32 s26, s29;
	s28 =	simm.s32 @!p1 $0x9  }
0xc8: {  	[hbm4b:s26+s4] =	stream.linear.scatter [tilespmem:s31], [sflag:$0x10], $0x80, $0x38;
	[tilespmem:$0x12B80] =	vst v63  }
0xc9: {  	_ =	swait.ge @!p1 [sflag:s28], $0x4000  }
0xca: {  	s2 =	smov.u32 s5;
	[sflag:s28] =	ssyncset.done @!p1 $0x0  }
0xcb: {  	s26 =	smov.u32 s2;
	s2 =	simm.s32 @!p1 $0xB;
	[sflag:s28] =	ssyncadd.s32 @!p1 $0xFFFFC000  }
0xcc: {  	_ =	swait.ge @!p1 [sflag:s2], $0x4000  }
0xcd: {  	[sflag:s2] =	ssyncset.done @!p1 $0x0  }
0xce: {  	[sflag:s2] =	ssyncadd.s32 @!p1 $0xFFFFC000;
	s2 =	simm.s32 @!p1 $0xD  }
0xcf: {  	_ =	swait.ge @!p1 [sflag:s2], $0x80  }
0xd0: {  	[sflag:s2] =	ssyncset.done @!p1 $0x0  }
0xd1: {  	[sflag:s2] =	ssyncadd.s32 @!p1 $0xFFFFFF80;
	s2 =	simm.s32 @!p1 $0xF  }
0xd2: {  	_ =	swait.ge @!p1 [sflag:s2], $0x80  }
0xd3: {  	[sflag:s2] =	ssyncset.done @!p1 $0x0  }
0xd4: {  	[sflag:s2] =	ssyncadd.s32 @!p1 $0xFFFFFF80;
	s2 =	simm.s32 @!p1 $0xA  }
0xd5: {  	_ =	swait.ge @!p1 [sflag:s2], $0x4000  }
0xd6: {  	[sflag:s2] =	ssyncset.done @!p1 $0x0  }
0xd7: {  	[sflag:s2] =	ssyncadd.s32 @!p1 $0xFFFFC000;
	s2 =	simm.s32 @!p1 $0xC  }
0xd8: {  	_ =	swait.ge @!p1 [sflag:s2], $0x4000  }
0xd9: {  	[sflag:s2] =	ssyncset.done @!p1 $0x0  }
0xda: {  	[sflag:s2] =	ssyncadd.s32 @!p1 $0xFFFFC000;
	s2 =	simm.s32 @!p1 $0xE  }
0xdb: {  	_ =	swait.ge @!p1 [sflag:s2], $0x80  }
0xdc: {  	[sflag:s2] =	ssyncset.done @!p1 $0x0  }
0xdd: {  	[sflag:s2] =	ssyncadd.s32 @!p1 $0xFFFFFF80;
	s2 =	simm.s32 @!p1 $0x10  }
0xde: {  	_ =	swait.ge @!p1 [sflag:s2], $0x80  }
0xdf: {  	s28 =	rddreg [dreg:$0xb];
	[sflag:s2] =	ssyncset.done @!p1 $0x0  }
0xe0: {  	s29 =	rddreg [dreg:$0xa];
	[sflag:s2] =	ssyncadd.s32 @!p1 $0xFFFFFF80;
	s31 =	sadd.s32 s26, s28  }
0xe1: {  	[tilespmem:s4], [sflag:$0x1] =	stream.linear.gather [hbm4b:s31+s4], $0x80, $0x38;
	[tilespmem:$0x12B80] =	vst v63  }
0xe2: {  	s28 =	rddreg [dreg:$0x7];
	s31 =	sadd.s32 s26, s29  }
0xe3: {  	[tilespmem:s10], [sflag:$0x3] =	stream.linear.gather [hbm4b:s31+s4], $0x80, $0x38;
	[tilespmem:$0x12B80] =	vst v63  }
0xe4: {  	s29 =	rddreg [dreg:$0x6];
	s31 =	sadd.s32 s26, s28  }
0xe5: {  	[tilespmem:s11], [sflag:$0x2] =	stream.linear.gather [hbm4b:s31+s4], $0x80, $0x38;
	[tilespmem:$0x12B80] =	vst v63  }
0xe6: {  	s31 =	sadd.s32 s26, s29  }
0xe7: {  	[tilespmem:s12], [sflag:$0x4] =	stream.linear.gather [hbm4b:s31+s4], $0x80, $0x38;
	[tilespmem:$0x12B80] =	vst v63  }
0xe8: {  	_ =	swait.ge [sflag:s13], $0x80  }
0xe9: {  	[sflag:s13] =	ssyncset.done $0x0  }
0xea: {  	[sflag:s13] =	ssyncadd.s32 $0xFFFFFF80  }
0xeb: {  	_ =	swait.ge [sflag:s14], $0x80  }
0xec: {  	[sflag:s14] =	ssyncset.done $0x0  }
0xed: {  	[sflag:s14] =	ssyncadd.s32 $0xFFFFFF80  }
0xee: {  	[tilespmem:s15], [sflag:$0x5] =	stream.indirect.gather [hbm4b:s1+s11], $0x80, s4, s11, $0xb8;
	[tilespmem:$0x12B80] =	vst v63  }
0xef: {  	_ = 	snop  }
0xf0: {  	[tilespmem:s16], [sflag:$0x7] =	stream.indirect.gather [hbm4b:s1+s11], $0x80, s10, s11, $0xb8;
	[tilespmem:$0x12B80] =	vst v63  }
0xf1: {  	v0 =	vld [tilespmem:$0x0];
	_ =	sdelay $0x5  }
0xf2: {  	v1 =	vld [tilespmem:$0x100];
	_ =	sdelay $0x1  }
0xf3: {  	v0 =	vld.idx.msk [tilespmem:v0+s8+$0x0], $0xffff;
	_ =	sdelay $0x3  }
0xf4: {  	v2 =	vld [tilespmem:$0x10]  }
0xf5: {  	[tilespmem:$0x12980] =	vst v0  }
0xf6: {  	v1 =	vld.idx.msk [tilespmem:v1+s8+$0x0], $0xffff;
	_ =	sdelay $0x3  }
0xf7: {  	v3 =	vld [tilespmem:$0x110]  }
0xf8: {  	[tilespmem:$0x12A80] =	vst v1  }
0xf9: {  	v1 =	vld.idx.msk [tilespmem:v2+s8+$0x0], $0xffff;
	_ =	sdelay $0x3  }
0xfa: {  	v4 =	vld [tilespmem:$0x20]  }
0xfb: {  	[tilespmem:$0x12990] =	vst v1  }
0xfc: {  	v1 =	vld.idx.msk [tilespmem:v3+s8+$0x0], $0xffff;
	_ =	sdelay $0x3  }
0xfd: {  	v5 =	vld [tilespmem:$0x120]  }
0xfe: {  	[tilespmem:$0x12A90] =	vst v1  }
0xff: {  	v1 =	vld.idx.msk [tilespmem:v4+s8+$0x0], $0xffff;
	_ =	sdelay $0x3  }
0x100: {  	v6 =	vld [tilespmem:$0x30]  }
0x101: {  	[tilespmem:$0x129A0] =	vst v1  }
0x102: {  	v1 =	vld.idx.msk [tilespmem:v5+s8+$0x0], $0xffff;
	_ =	sdelay $0x3  }
0x103: {  	v7 =	vld [tilespmem:$0x130]  }
0x104: {  	[tilespmem:$0x12AA0] =	vst v1  }
0x105: {  	v1 =	vld.idx.msk [tilespmem:v6+s8+$0x0], $0xffff;
	_ =	sdelay $0x3  }
0x106: {  	v8 =	vld [tilespmem:$0x40]  }
0x107: {  	[tilespmem:$0x129B0] =	vst v1  }
0x108: {  	v1 =	vld.idx.msk [tilespmem:v7+s8+$0x0], $0xffff;
	_ =	sdelay $0x3  }
0x109: {  	v9 =	vld [tilespmem:$0x140]  }
0x10a: {  	[tilespmem:$0x12AB0] =	vst v1  }
0x10b: {  	v1 =	vld.idx.msk [tilespmem:v8+s8+$0x0], $0xffff;
	_ =	sdelay $0x3  }
0x10c: {  	v10 =	vld [tilespmem:$0x50]  }
0x10d: {  	[tilespmem:$0x129C0] =	vst v1  }
0x10e: {  	v1 =	vld.idx.msk [tilespmem:v9+s8+$0x0], $0xffff;
	_ =	sdelay $0x3  }
0x10f: {  	v11 =	vld [tilespmem:$0x150]  }
0x110: {  	[tilespmem:$0x12AC0] =	vst v1  }
0x111: {  	v1 =	vld.idx.msk [tilespmem:v10+s8+$0x0], $0xffff;
	_ =	sdelay $0x3  }
0x112: {  	v12 =	vld [tilespmem:$0x60]  }
0x113: {  	[tilespmem:$0x129D0] =	vst v1  }
0x114: {  	v1 =	vld.idx.msk [tilespmem:v11+s8+$0x0], $0xffff;
	_ =	sdelay $0x3  }
0x115: {  	v47 =	vld [tilespmem:$0x160]  }
0x116: {  	[tilespmem:$0x12AD0] =	vst v1  }
0x117: {  	v1 =	vld.idx.msk [tilespmem:v12+s8+$0x0], $0xffff;
	_ =	sdelay $0x3  }
0x118: {  	v13 =	vld [tilespmem:$0x70]  }
0x119: {  	[tilespmem:$0x129E0] =	vst v1  }
0x11a: {  	v0 =	vld.idx.msk [tilespmem:v47+s8+$0x0], $0xffff;
	_ =	sdelay $0x3  }
0x11b: {  	v14 =	vld [tilespmem:$0x170]  }
0x11c: {  	[tilespmem:$0x12AE0] =	vst v0  }
0x11d: {  	v0 =	vld.idx.msk [tilespmem:v13+s8+$0x0], $0xffff;
	_ =	sdelay $0x4  }
0x11e: {  	[tilespmem:$0x129F0] =	vst v0  }
0x11f: {  	v0 =	vld.idx.msk [tilespmem:v14+s8+$0x0], $0xffff;
	_ =	sdelay $0x4  }
0x120: {  	[tilespmem:$0x12AF0] =	vst v0  }
0x121: {  	_ =	swait.ge [sflag:s17], $0x80  }
0x122: {  	[sflag:s17] =	ssyncset.done $0x0  }
0x123: {  	[sflag:s17] =	ssyncadd.s32 $0xFFFFFF80  }
0x124: {  	_ =	swait.ge [sflag:s18], $0x80  }
0x125: {  	[sflag:s18] =	ssyncset.done $0x0  }
0x126: {  	[sflag:s18] =	ssyncadd.s32 $0xFFFFFF80  }
0x127: {  	[tilespmem:s19], [sflag:$0x6] =	stream.indirect.gather [hbm4b:s1+s11], $0x80, s11, s11, $0xb8;
	[tilespmem:$0x12B80] =	vst v63  }
0x128: {  	_ = 	snop  }
0x129: {  	[tilespmem:s20], [sflag:$0x8] =	stream.indirect.gather [hbm4b:s1+s11], $0x80, s12, s11, $0xb8;
	[tilespmem:$0x12B80] =	vst v63  }
0x12a: {  	v48 =	vld [tilespmem:$0x80];
	_ =	sdelay $0x5  }
0x12b: {  	v49 =	vld [tilespmem:$0x180];
	_ =	sdelay $0x1  }
0x12c: {  	v0 =	vld.idx.msk [tilespmem:v48+s8+$0x0], $0xffff;
	_ =	sdelay $0x3  }
0x12d: {  	v50 =	vld [tilespmem:$0x90]  }
0x12e: {  	[tilespmem:$0x12A00] =	vst v0  }
0x12f: {  	v1 =	vld.idx.msk [tilespmem:v49+s8+$0x0], $0xffff;
	_ =	sdelay $0x3  }
0x130: {  	v51 =	vld [tilespmem:$0x190]  }
0x131: {  	[tilespmem:$0x12B00] =	vst v1  }
0x132: {  	v1 =	vld.idx.msk [tilespmem:v50+s8+$0x0], $0xffff;
	_ =	sdelay $0x3  }
0x133: {  	v52 =	vld [tilespmem:$0xA0]  }
0x134: {  	[tilespmem:$0x12A10] =	vst v1  }
0x135: {  	v1 =	vld.idx.msk [tilespmem:v51+s8+$0x0], $0xffff;
	_ =	sdelay $0x3  }
0x136: {  	v53 =	vld [tilespmem:$0x1A0]  }
0x137: {  	[tilespmem:$0x12B10] =	vst v1  }
0x138: {  	v1 =	vld.idx.msk [tilespmem:v52+s8+$0x0], $0xffff;
	_ =	sdelay $0x3  }
0x139: {  	v54 =	vld [tilespmem:$0xB0]  }
0x13a: {  	[tilespmem:$0x12A20] =	vst v1  }
0x13b: {  	v1 =	vld.idx.msk [tilespmem:v53+s8+$0x0], $0xffff;
	_ =	sdelay $0x3  }
0x13c: {  	v55 =	vld [tilespmem:$0x1B0]  }
0x13d: {  	[tilespmem:$0x12B20] =	vst v1  }
0x13e: {  	v1 =	vld.idx.msk [tilespmem:v54+s8+$0x0], $0xffff;
	_ =	sdelay $0x3  }
0x13f: {  	v56 =	vld [tilespmem:$0xC0]  }
0x140: {  	[tilespmem:$0x12A30] =	vst v1  }
0x141: {  	v1 =	vld.idx.msk [tilespmem:v55+s8+$0x0], $0xffff;
	_ =	sdelay $0x3  }
0x142: {  	v57 =	vld [tilespmem:$0x1C0]  }
0x143: {  	[tilespmem:$0x12B30] =	vst v1  }
0x144: {  	v1 =	vld.idx.msk [tilespmem:v56+s8+$0x0], $0xffff;
	_ =	sdelay $0x3  }
0x145: {  	v58 =	vld [tilespmem:$0xD0]  }
0x146: {  	[tilespmem:$0x12A40] =	vst v1  }
0x147: {  	v1 =	vld.idx.msk [tilespmem:v57+s8+$0x0], $0xffff;
	_ =	sdelay $0x3  }
0x148: {  	v59 =	vld [tilespmem:$0x1D0]  }
0x149: {  	[tilespmem:$0x12B40] =	vst v1  }
0x14a: {  	v1 =	vld.idx.msk [tilespmem:v58+s8+$0x0], $0xffff;
	_ =	sdelay $0x3  }
0x14b: {  	v60 =	vld [tilespmem:$0xE0]  }
0x14c: {  	[tilespmem:$0x12A50] =	vst v1  }
0x14d: {  	v1 =	vld.idx.msk [tilespmem:v59+s8+$0x0], $0xffff;
	_ =	sdelay $0x3  }
0x14e: {  	v61 =	vld [tilespmem:$0x1E0]  }
0x14f: {  	[tilespmem:$0x12B50] =	vst v1  }
0x150: {  	v1 =	vld.idx.msk [tilespmem:v60+s8+$0x0], $0xffff;
	_ =	sdelay $0x3  }
0x151: {  	v62 =	vld [tilespmem:$0xF0]  }
0x152: {  	[tilespmem:$0x12A60] =	vst v1  }
0x153: {  	v0 =	vld.idx.msk [tilespmem:v61+s8+$0x0], $0xffff;
	_ =	sdelay $0x3  }
0x154: {  	v63 =	vld [tilespmem:$0x1F0]  }
0x155: {  	[tilespmem:$0x12B60] =	vst v0  }
0x156: {  	v0 =	vld.idx.msk [tilespmem:v62+s8+$0x0], $0xffff;
	_ =	sdelay $0x4  }
0x157: {  	[tilespmem:$0x12A70] =	vst v0  }
0x158: {  	v0 =	vld.idx.msk [tilespmem:v63+s8+$0x0], $0xffff;
	_ =	sdelay $0x4  }
0x159: {  	[tilespmem:$0x12B70] =	vst v0  }
0x15a: {  	_ =	swait.ge [sflag:s21], $0x4000  }
0x15b: {  	[sflag:s21] =	ssyncset.done $0x0  }
0x15c: {  	s31 =	sadd.s32 $0xFFFFF800, s9;
	[sflag:s21] =	ssyncadd.s32 $0xFFFFC000  }
0x15d: {  	[hbm4b:s31+s4] =	stream.linear.scatter [tilespmem:s15], [sflag:$0x9], $0x4000, $0x38;
	[tilespmem:$0x12B80] =	vst v63  }
0x15e: {  	_ =	swait.ge [sflag:s22], $0x4000  }
0x15f: {  	[sflag:s22] =	ssyncset.done $0x0;
	s31 =	rddreg [dreg:$0xc]  }
0x160: {  	s29 =	sadd.s32 $0xFFFFF800, s25;
	s28 =	rddreg [dreg:$0x9];
	[sflag:s22] =	ssyncadd.s32 $0xFFFFC000  }
0x161: {  	[hbm4b:s29+s4] =	stream.linear.scatter [tilespmem:s16], [sflag:$0xB], $0x4000, $0x38;
	[tilespmem:$0x12B80] =	vst v63  }
0x162: {  	s30 =	rddreg [dreg:$0x8];
	s28 =	sadd.s32 s26, s28  }
0x163: {  	[hbm4b:s28+s4] =	stream.linear.scatter [tilespmem:s31], [sflag:$0xD], $0x80, $0x38;
	[tilespmem:$0x12B80] =	vst v63  }
0x164: {  	s29 =	rddreg [dreg:$0xd];
	s31 =	sadd.s32 s26, s30  }
0x165: {  	[hbm4b:s31+s4] =	stream.linear.scatter [tilespmem:s29], [sflag:$0xF], $0x80, $0x38;
	[tilespmem:$0x12B80] =	vst v63  }
0x166: {  	_ =	swait.ge [sflag:s23], $0x4000  }
0x167: {  	s5 =	sadd.s32 $0x20, s5;
	[sflag:s23] =	ssyncset.done $0x0  }
0x168: {  	p0 =	sne.s32 s5, $0x140;
	[sflag:s23] =	ssyncadd.s32 $0xFFFFC000  }
0x169: {  	[hbm4b:s9+s4] =	stream.linear.scatter [tilespmem:s19], [sflag:$0xA], $0x4000, $0x38;
	[tilespmem:$0x12B80] =	vst v63  }
.Ltmp0:
0x16a: {  	_ =	swait.ge [sflag:s24], $0x4000;
	(pc) =	sbr.rel @p0 .LBB2_2-.Ltmp0, $4  }
0x16b: {  	[sflag:s24] =	ssyncset.done $0x0;
	s28 =	rddreg [dreg:$0xe]  }
0x16c: {  	s30 =	rddreg [dreg:$0x5];
	[sflag:s24] =	ssyncadd.s32 $0xFFFFC000  }
0x16d: {  	[hbm4b:s25+s4] =	stream.linear.scatter [tilespmem:s20], [sflag:$0xC], $0x4000, $0x38;
	[tilespmem:$0x12B80] =	vst v63  }
0x16e: {  	s9 =	sadd.s32 $0x1000, s9;
	s29 =	rddreg [dreg:$0x4];
	s25 =	sadd.s32 $0x1000, s25  }
0x16f: {  	s2 =	sadd.s32 s26, s30  }
0x170: {  	[hbm4b:s2+s4] =	stream.linear.scatter [tilespmem:s28], [sflag:$0xE], $0x80, $0x38;
	[tilespmem:$0x12B80] =	vst v63  }
0x171: {  	s5 =	rddreg [dreg:$0xf];
	s31 =	sadd.s32 s26, s29  }
0x172: {  	[hbm4b:s31+s4] =	stream.linear.scatter [tilespmem:s5], [sflag:$0x10], $0x80, $0x38;
	[tilespmem:$0x12B80] =	vst v63  }
0x173: {  	s5 =	simm.s32 $0x9  }
0x174: {  	_ =	swait.ge [sflag:s5], $0x4000  }
0x175: {  	[sflag:s5] =	ssyncset.done $0x0  }
0x176: {  	s9 =	simm.s32 $0xB;
	[sflag:s5] =	ssyncadd.s32 $0xFFFFC000  }
0x177: {  	_ =	swait.ge [sflag:s9], $0x4000  }
0x178: {  	[sflag:s9] =	ssyncset.done $0x0  }
0x179: {  	s25 =	simm.s32 $0xD;
	[sflag:s9] =	ssyncadd.s32 $0xFFFFC000  }
0x17a: {  	_ =	swait.ge [sflag:s25], $0x80  }
0x17b: {  	[sflag:s25] =	ssyncset.done $0x0  }
0x17c: {  	s26 =	simm.s32 $0xF;
	[sflag:s25] =	ssyncadd.s32 $0xFFFFFF80  }
0x17d: {  	_ =	swait.ge [sflag:s26], $0x80  }
0x17e: {  	[sflag:s26] =	ssyncset.done $0x0  }
0x17f: {  	s28 =	simm.s32 $0xA;
	[sflag:s26] =	ssyncadd.s32 $0xFFFFFF80  }
0x180: {  	_ =	swait.ge [sflag:s28], $0x4000  }
0x181: {  	[sflag:s28] =	ssyncset.done $0x0  }
0x182: {  	s29 =	simm.s32 $0xC;
	[sflag:s28] =	ssyncadd.s32 $0xFFFFC000  }
0x183: {  	_ =	swait.ge [sflag:s29], $0x4000  }
0x184: {  	[sflag:s29] =	ssyncset.done $0x0  }
0x185: {  	s30 =	simm.s32 $0xE;
	[sflag:s29] =	ssyncadd.s32 $0xFFFFC000  }
0x186: {  	_ =	swait.ge [sflag:s30], $0x80  }
0x187: {  	[sflag:s30] =	ssyncset.done $0x0  }
0x188: {  	[sflag:s30] =	ssyncadd.s32 $0xFFFFFF80  }
0x189: {  	_ =	swait.ge [sflag:s0], $0x80  }
0x18a: {  	s3 =	sadd.s32 $0x1, s3;
	s31 =	rddreg [dreg:$0x10]  }
0x18b: {  	p0 =	sne.s32 s3, s31  }
.Ltmp1:
0x18c: {  	_ = 	snop;
	(pc) =	sbr.rel @p0 .LBB2_1-.Ltmp1, $3  }
0x18d: {  	_ =	sdelay $0x1  }
0x18e: {  	[sflag:s0] =	ssyncset.done $0x0  }
0x18f: {  	[sflag:s0] =	ssyncadd.s32 $0xFFFFFF80  }
0x190: {  	_ =	sfence.sel $0x180000  }
0x191: {  	[bflag:$0x0] =	sbarrier.arrive $0xFFFF  }
0x192: {  	_ =	strace $0x9000004A  }
0x193: {  	s0 =	stileid.u32;
	[bflag:$0x2] =	sbarrier.arrive $0xFFFF  }
0x194: {  	p0 =	sne.s32 s0, $0x0;
	s0 =	rddreg [dreg:$0x3]  }
0x195: {  	s0 =	sadd.s32 @!p0 $0x100000, s0  }
0x196: {  	[sflag:s0] =	ssyncadd.tile.s32 @!p0 $0x1;
	_ =	shalt  }
.Lfunc_end2:
_tile_overlayer_lowered:
.L_overlay_start_2:
0x197: {  	(tag) =	ssettag $0x2  }
0x198: {  	s0 =	rddreg [dreg:$0x0];
	s2 =	stileid.u32  }
0x199: {  	s1 =	rddreg [dreg:$0x1];
	p0 =	sne.s32 s2, $0x0  }
0x19a: {  	s3 =	rddreg [dreg:$0x2];
	[bflag:$0x3] =	sbarrier.arrive $0xFFFF;
	s2 =	simm.s32 @!p0 $0x1C11  }
0x19b: {  	[timem:s3], [sflag:s2] =	dma.local @!p0 [hbm:s0], s1  }
0x19c: {  	s0 =	simm.s32 @!p0 $0x11  }
0x19d: {  	_ =	swait.ge @!p0 [sflag:s0], s1  }
0x19e: {  	s1 =	ssub.s32 @!p0 $0x0, s1;
	[sflag:s0] =	ssyncset.done @!p0 $0x0  }
0x19f: {  	[sflag:s0] =	ssyncadd.s32 @!p0 s1  }
0x1a0: {  	[bflag:$0x3] =	sbarrier.arrive $0xFFFF  }
0x1a1: {  	_ =	shalt  }

// kernel: kernel.23.cloned.1.call-start
scs
__scs_entry_jumppad:
0x0: {  	(pc) =	sbr.rel $0x88, $3  }
0x1: {  	(tag) =	ssettag $0x0;
	lr =	simm.s32 $0x1  }
0x2: {  	[smem:$0x3F82] =	sst lr;
	_ =	strace $0xD0000000  }
0x3: {  	_ = 	snop  }
0x4: {  	_ = 	snop  }
0x5: {  	_ = 	snop  }
0x6: {  	_ = 	snop  }
0x7: {  	_ = 	snop  }
__scs_overlays_trampoline_lowered:
0x8: {  	[smem:$0x3F91] =	sst s0  }
0x9: {  	[smem:$0x3F92] =	sst s1  }
0xa: {  	[smem:$0x3F93] =	sst s2  }
0xb: {  	[smem:$0x3F94] =	sst s3  }
0xc: {  	[smem:$0x3F95] =	sst s4  }
0xd: {  	[smem:$0x3F96] =	sst s5  }
0xe: {  	[smem:$0x3F97] =	sst s6  }
0xf: {  	[smem:$0x3F98] =	sst s7  }
0x10: {  	[smem:$0x3F99] =	sst s8  }
0x11: {  	[smem:$0x3F9A] =	sst s9;
	s0 =	simm.s32 @!p0 $0x0  }
0x12: {  	s1 =	sld [smem:$0x3F80];
	s0 =	simm.s32 @p0 $0x1  }
0x13: {  	[smem:$0x3F9B] =	sst s0;
	s0 =	simm.s32 @!p1 $0x0  }
0x14: {  	s2 =	sld [smem:$0x3F7F];
	s0 =	simm.s32 @p1 $0x1  }
0x15: {  	[smem:$0x3F9C] =	sst s0;
	s0 =	simm.s32 @!p2 $0x0  }
0x16: {  	s3 =	sld [smem:$0x3FDB];
	s0 =	simm.s32 @p2 $0x1  }
0x17: {  	s4 =	simm.s32 $0x1BF5;
	[smem:$0x3F9E] =	sst s0  }
0x18: {  	s0 =	sld [smem:$0x3F81];
	_ =	swait.ge [sflag:s4], $0x0  }
0x19: {  	s7 =	sld [smem:$0x3F82]  }
0x1a: {  	s8 =	sadd.s32 $0xFFFFE003, lr  }
0x1b: {  	s9 =	sadd.s32 $0xFFFFFEF7, lr;
	s5 =	simm.s32 $0xFFFFFFFF;
	p2 =	slt.u32 s8, $0xFFFFF086  }
0x1c: {  	p1 =	slt.u32 s9, $0xF7A;
	s5 =	simm.s32 @!p2 $0x0  }
0x1d: {  	s5 =	simm.s32 @p1 $0x1;
	p0 =	seq.s32 s7, s2  }
0x1e: {  	s7 =	smul.u32 @!p0 $0xF7A, s2;
	p2 =	seq.s32 @!p0 s5, $0x0  }
0x1f: {  	s9 =	smul.u32 $0xF7A, s1;
	s8 =	simm.s32 @!p0 $0x1BF5;
	p2 =	por !p2, p0  }
0x20: {  	[sflag:s8] =	ssyncset.s32 @!p0 $0xFFFFF086;
	s6 =	sadd.s32 @!p0 s3, s7;
	s7 =	simm.s32 @!p0 $0x108  }
0x21: {  	s3 =	sadd.s32 s3, s9;
	s6 =	sadd.s32 @!p0 $0x88, s6;
	s7 =	simm.s32 @p2 $0x1082  }
0x22: {  	[simem:s7], [sflag:s8] =	dma.local @!p0 [hbm:s6], $0xF7A  }
0x23: {  	s9 =	sor.u32 $0xD0000000, s2;
	s6 =	simm.s32 $0x108;
	_ =	swait.ge @!p0 [sflag:s8], $0x0  }
0x24: {  	s3 =	sadd.s32 $0x88, s3;
	s6 =	simm.s32 @!p1 $0x1082;
	[sflag:s4] =	ssyncset.s32 $0xFFFFF086  }
0x25: {  	[simem:s6], [sflag:s4] =	dma.local [hbm:s3], $0xF7A  }
0x26: {  	[smem:$0x3F82] =	sst s1;
	(tag) =	ssettag s2;
	_ =	strace s9  }
0x27: {  	s1 =	sld [smem:$0x3F92]  }
0x28: {  	s2 =	sld [smem:$0x3F93]  }
0x29: {  	s4 =	sld [smem:$0x3F95]  }
0x2a: {  	p0 =	seq.s32 s5, $0x0;
	s5 =	sld [smem:$0x3F96]  }
0x2b: {  	s6 =	sld [smem:$0x3F97]  }
0x2c: {  	s7 =	sld [smem:$0x3F98]  }
0x2d: {  	s3 =	simm.s32 $0x108;
	s8 =	sld [smem:$0x3F99]  }
0x2e: {  	s3 =	simm.s32 @!p0 $0x1082;
	s9 =	sld [smem:$0x3F9A]  }
0x2f: {  	lr =	sadd.s32 s0, s3;
	s0 =	sld [smem:$0x3F91]  }
0x30: {  	s3 =	sld [smem:$0x3F94]  }
0x31: {  	[smem:$0x3F9D] =	sst s10  }
0x32: {  	s10 =	sld [smem:$0x3F9B];
	_ =	sdelay $0x3  }
0x33: {  	p0 =	seq.s32 s10, $0x1;
	s10 =	sld [smem:$0x3F9D];
	_ =	sdelay $0x3  }
0x34: {  	[smem:$0x3F9D] =	sst s10  }
0x35: {  	s10 =	sld [smem:$0x3F9C];
	_ =	sdelay $0x3  }
0x36: {  	p1 =	seq.s32 s10, $0x1;
	s10 =	sld [smem:$0x3F9D];
	_ =	sdelay $0x3  }
0x37: {  	[smem:$0x3F9D] =	sst s10  }
0x38: {  	s10 =	sld [smem:$0x3F9E]  }
0x39: {  	_ = 	snop;
	(pc) =	sbr.ind lr, $3  }
0x3a: {  	_ = 	snop  }
0x3b: {  	_ = 	snop  }
0x3c: {  	p2 =	seq.s32 s10, $0x1;
	s10 =	sld [smem:$0x3F9D]  }
0x3d: {  	_ =	shalt  }
0x3e: {  	_ =	shalt  }
0x3f: {  	_ =	shalt  }
0x40: {  	_ =	shalt  }
0x41: {  	_ =	shalt  }
0x42: {  	_ =	shalt  }
0x43: {  	_ =	shalt  }
0x44: {  	_ =	shalt  }
0x45: {  	_ =	shalt  }
0x46: {  	_ =	shalt  }
0x47: {  	_ =	shalt  }
0x48: {  	_ =	shalt  }
0x49: {  	_ =	shalt  }
0x4a: {  	_ =	shalt  }
0x4b: {  	_ =	shalt  }
0x4c: {  	_ =	shalt  }
0x4d: {  	_ =	shalt  }
0x4e: {  	_ =	shalt  }
0x4f: {  	_ =	shalt  }
0x50: {  	_ =	shalt  }
0x51: {  	_ =	shalt  }
0x52: {  	_ =	shalt  }
0x53: {  	_ =	shalt  }
0x54: {  	_ =	shalt  }
0x55: {  	_ =	shalt  }
0x56: {  	_ =	shalt  }
0x57: {  	_ =	shalt  }
0x58: {  	_ =	shalt  }
0x59: {  	_ =	shalt  }
0x5a: {  	_ =	shalt  }
0x5b: {  	_ =	shalt  }
0x5c: {  	_ =	shalt  }
0x5d: {  	_ =	shalt  }
0x5e: {  	_ =	shalt  }
0x5f: {  	_ =	shalt  }
0x60: {  	_ =	shalt  }
0x61: {  	_ =	shalt  }
0x62: {  	_ =	shalt  }
0x63: {  	_ =	shalt  }
0x64: {  	_ =	shalt  }
0x65: {  	_ =	shalt  }
0x66: {  	_ =	shalt  }
0x67: {  	_ =	shalt  }
0x68: {  	_ =	shalt  }
0x69: {  	_ =	shalt  }
0x6a: {  	_ =	shalt  }
0x6b: {  	_ =	shalt  }
0x6c: {  	_ =	shalt  }
0x6d: {  	_ =	shalt  }
0x6e: {  	_ =	shalt  }
0x6f: {  	_ =	shalt  }
0x70: {  	_ =	shalt  }
0x71: {  	_ =	shalt  }
0x72: {  	_ =	shalt  }
0x73: {  	_ =	shalt  }
0x74: {  	_ =	shalt  }
0x75: {  	_ =	shalt  }
0x76: {  	_ =	shalt  }
0x77: {  	_ =	shalt  }
0x78: {  	_ =	shalt  }
0x79: {  	_ =	shalt  }
0x7a: {  	_ =	shalt  }
0x7b: {  	_ =	shalt  }
0x7c: {  	_ =	shalt  }
0x7d: {  	_ =	shalt  }
0x7e: {  	_ =	shalt  }
0x7f: {  	_ =	shalt  }
0x80: {  	_ =	shalt  }
0x81: {  	_ =	shalt  }
0x82: {  	_ =	shalt  }
0x83: {  	_ =	shalt  }
0x84: {  	_ =	shalt  }
0x85: {  	_ =	shalt  }
0x86: {  	_ =	shalt  }
0x87: {  	_ =	shalt  }
.Lfunc_end0:
.L_simem_size_0:
called_computation.3_lowered:
.L_overlay_start_0:
0x88: {  	s2 =	sld [smem:$0x3FD9]  }
0x89: {  	s3 =	sld [smem:$0x3FFE];
	_ =	sdelay $0x1  }
0x8a: {  	s1 =	srdreg.scid  }
0x8b: {  	s0 =	sand.u32 $0x1, s1  }
0x8c: {  	s14 =	sshll.u32 s0, $0xA;
	s2 =	sadd.s32 s3, s2  }
0x8d: {  	s2 =	sadd.s32 s2, s14  }
0x8e: {  	[smem:$0x3FA9] =	sst s2  }
0x8f: {  	_ = 	snop  }
0x90: {  	s2 =	sld [smem:$0x3FD0];
	_ =	sdelay $0x2  }
0x91: {  	s15 =	simm.s32 $0xB;
	s4 =	simm.s32 $0x10  }
0x92: {  	[smem:s4], [sflag:s15] =	dma.local [hbm:s2], $0x1  }
0x93: {  	_ =	swait.eq [sflag:s15], $0x1  }
0x94: {  	[sflag:s15] =	ssyncset.done $0x0  }
0x95: {  	[sflag:s15] =	ssyncadd.s32 $0xFFFFFFFF  }
0x96: {  	s16 =	sld [smem:$0x11];
	(tm) =	ssettm $0x1  }
0x97: {  	s17 =	sld [smem:$0x3FFB];
	_ =	sdelay $0x3  }
0x98: {  	_ =	strace s17  }
0x99: {  	s3 =	sld [smem:$0x3FFC];
	_ =	sdelay $0x3  }
0x9a: {  	_ =	strace s3  }
0x9b: {  	s3 =	sld [smem:$0x3FFD];
	_ =	sdelay $0x3  }
0x9c: {  	_ =	strace s3  }
0x9d: {  	_ =	strace $0x8FFFFFFF  }
0x9e: {  	s18 =	sld [smem:$0x3FDB];
	_ =	sdelay $0x1  }
0x9f: {  	s19 =	simm.s32 $_scs_section_size  }
0xa0: {  	s5 =	simm.s32 $_size__tile_overlayer_lowered;
	s6 =	simm.s32 $_tile_overlayer_lowered  }
0xa1: {  	s22 =	simm.s32 $0x1BFF;
	s21 =	sshll.u32 s6, $0x1;
	s3 =	sadd.s32 s19, s18  }
0xa2: {  	s7 =	simm.s32 $0x0;
	s20 =	sshll.u32 s5, $0x1;
	s5 =	sadd.s32 s21, s3  }
0xa3: {  	[timem:s7], [sflag:s22] =	dma.local [hbm:s5], s20  }
0xa4: {  	_ =	swait.ge [sflag:s22], s20  }
0xa5: {  	s4 =	ssub.s32 $0x0, s20;
	[sflag:s22] =	ssyncset.done $0x0  }
0xa6: {  	[sflag:s22] =	ssyncadd.s32 s4;
	_ =	sdelay $0x1  }
0xa7: {  	s23 =	simm.s32 $0x1B8B  }
0xa8: {  	_ =	swait.ge [sflag:s23], $0x1  }
0xa9: {  	[sflag:s23] =	ssyncset.done $0x0  }
0xaa: {  	s25 =	simm.s32 $0x1B8E;
	s24 =	sld [smem:$0x3FFE];
	[sflag:s23] =	ssyncadd.s32 $0xFFFFFFFF  }
0xab: {  	s26 =	simm.s32 $execute0_lowered;
	[smem:$0x3FD2] =	sst s25  }
0xac: {  	s5 =	sshll.u32 s26, $0x1;
	_ =	strace $0x8000004F;
	[dreg:$0x1] =	wrdreg $0xFFFFFFFF  }
0xad: {  	s28 =	simm.s32 $_size_execute0_lowered;
	s3 =	sadd.s32 s3, s5;
	[dreg:$0x0] =	wrdreg $0x0  }
0xae: {  	s5 =	sshll.u32 s28, $0x1;
	[dreg:$0x2] =	wrdreg s3  }
0xaf: {  	[dreg:$0x3] =	wrdreg s5  }
0xb0: {  	[dreg:$0x4] =	wrdreg $0xC0  }
0xb1: {  	_ =	task [dreg:s7], $0x5FFFF  }
0xb2: {  	[dreg:$0x1] =	wrdreg $0xFFFFFFFF  }
0xb3: {  	[dreg:$0x0] =	wrdreg $0x60  }
0xb4: {  	[dreg:$0x2] =	wrdreg s24  }
0xb5: {  	[dreg:$0x3] =	wrdreg s16  }
0xb6: {  	[dreg:$0x4] =	wrdreg $0x0  }
0xb7: {  	[dreg:$0x5] =	wrdreg $0x9  }
0xb8: {  	_ =	task.clear_ibuf [dreg:s7], $0x6FFFF;
	_ =	strace $0x9000004F  }
0xb9: {  	s29 =	simm.s32 $0x9;
	_ =	strace $0x80000051  }
0xba: {  	_ =	swait.ge [sflag:s29], $0x1  }
0xbb: {  	[sflag:s29] =	ssyncadd.s32 $0xFFFFFFFF  }
0xbc: {  	_ =	strace $0x90000051  }
0xbd: {  	_ =	sfence  }
0xbe: {  	s30 =	sld [smem:$0x0];
	_ =	sdelay $0x2  }
0xbf: {  	s31 =	sshll.u32 s1, $0xD;
	s1 =	sshrl.u32 s1, $0x2  }
0xc0: {  	s3 =	sand.u32 $0x4000, s31;
	s1 =	sadd.s32 s1, s30  }
0xc1: {  	s0 =	sor.u32 s3, s0;
	s1 =	sshll.u32 s1, $0x11  }
0xc2: {  	s0 =	sor.u32 s1, s0  }
0xc3: {  	s0 =	sadd.s32 $0x8F2B, s0  }
0xc4: {  	[sflag:s0] =	ssyncadd.remote.s32 $0x1  }
0xc5: {  	_ =	sfence.sel $0xFFFF  }
0xc6: {  	[dreg:$0x0] =	wrdreg $0xFFFFFFFF;
	(pc) =	sbr.abs _section_cstart, $3  }
0xc7: {  	[dreg:$0x1] =	wrdreg $0xFFFFFFFF  }
0xc8: {  	_ =	task.clear_ibuf [dreg:s7], $0x2FFFF;
	_ =	strace $0x9FFFFFFF  }
0xc9: {  	(tm) =	ssettm $0x7FFFFFFF  }
tec
execute0_lowered:
.L_overlay_start_1:
0x0: {  	(tag) =	ssettag $0x1  }
0x1: {  	s0 =	rddreg [dreg:$0x0]  }
0x2: {  	s6 =	rddreg [dreg:$0x1]  }
0x3: {  	s1 =	rddreg [dreg:$0x2];
	s2 =	simm.s32 $0x0;
	s4 =	srdreg.scid  }
0x4: {  	s3 =	stileid.u32;
	s17 =	simm.s32 $0x18100;
	s28 =	simm.s32 $0x4  }
0x5: {  	s29 =	simm.s32 $0x5;
	s30 =	simm.s32 $0x6;
	s5 =	smul.u32 $0x50000, s3  }
0x6: {  	s31 =	simm.s32 $0x0;
	[smem:$0x7FF] =	sst s2;
	s9 =	smul.u32 $0x1400, s3  }
0x7: {  	s8 =	sadd.s32 $0x13E00, s0;
	s13 =	sadd.s32 $0x520600, s0;
	s11 =	smul.u32 $0x14000, s3  }
0x8: {  	s14 =	sand.u32 $0x1, s4;
	s15 =	sadd.s32 $0x298E00, s0;
	s22 =	smul.u32 $0x280, s3  }
0x9: {  	s0 =	sadd.s32 $0xC600, s0;
	s25 =	smul.u32 $0x2800, s3;
	_ =	strace $0x80000050  }
0xa: {  	s4 =	ssub.s32 $0x2, s14;
	p0 =	seq.s32 s14, $0x1;
	s23 =	smul.u32 $0x28000, s14  }
0xb: {  	s7 =	sshrl.u32 s4, $0x1;
	s18 =	sshrl.u32 s5, $0x2;
	s19 =	sor.u32 $0x40, s9  }
0xc: {  	s10 =	sshrl.u32 s9, $0x3;
	s24 =	sadd.s32 s22, s15;
	s7 =	ssub.s32 s4, s7  }
0xd: {  	s4 =	sadd.s32 s18, s1;
	s9 =	sadd.s32 s15, s10;
	s12 =	sshrl.u32 s19, $0x3  }
0xe: {  	s16 =	sshll.u32 s19, $0x4;
	s21 =	sadd.s32 s0, s10;
	s14 =	sadd.s32 $0x18, s24  }
0xf: {  	s26 =	sadd.s32 s23, s6;
	s18 =	simm.s32 $0x7;
	s19 =	simm.s32 $0x14000  }
0x10: {  	s23 =	simm.s32 $0x1;
	s24 =	simm.s32 $0x3;
	s5 =	smax.u32 s7, $0x1  }
0x11: {  	[dreg:$0x4] =	wrdreg s9;
	s7 =	sadd.s32 s8, s11;
	s20 =	sadd.s32 s15, s12  }
0x12: {  	s8 =	sadd.s32 s8, s16;
	[dreg:$0x7] =	wrdreg s21;
	s11 =	sadd.s32 s13, s11  }
0x13: {  	s12 =	sadd.s32 s0, s12;
	s13 =	sadd.s32 s13, s16;
	s0 =	sadd.s32 s22, s0  }
0x14: {  	s16 =	sadd.s32 s25, s26;
	s21 =	simm.s32 $0x14080;
	s22 =	simm.s32 $0x16100  }
0x15: {  	s25 =	simm.s32 $0x40;
	s26 =	simm.s32 $0x2;
	[dreg:$0x5] =	wrdreg s20  }
0x16: {  	v0 =	vimm.f32 $0.0e+00;
	[dreg:$0x6] =	wrdreg s8;
	s15 =	sadd.s32 $0x18, s0;
	s20 =	simm.s32 $0x14100  }
.LBB2_1:
0x17: {  	s0 =	simm.s32 $0x0;
	s6 =	simm.s32 $0x200  }
.LBB2_2:
0x18: {  	p1 =	sne.s32 s6, $0x1E00;
	[tilespmem:s0+$0x18170] =	vst v0  }
0x19: {  	[tilespmem:s0+$0x18100] =	vst v0  }
0x1a: {  	[tilespmem:s0+$0x18110] =	vst v0  }
.Ltmp0:
0x1b: {  	[tilespmem:s0+$0x18120] =	vst v0;
	(pc) =	sbr.rel @p1 .LBB2_2-.Ltmp0, $4  }
0x1c: {  	[tilespmem:s0+$0x18130] =	vst v0  }
0x1d: {  	[tilespmem:s0+$0x18140] =	vst v0  }
0x1e: {  	[tilespmem:s0+$0x18150] =	vst v0  }
0x1f: {  	[tilespmem:s0+$0x18160] =	vst v0;
	s0 =	sshra.s32 s6, $0x2;
	s6 =	sadd.s32 $0x200, s6  }
0x20: {  	[tilespmem:s0+$0x18170] =	vst v0  }
0x21: {  	[tilespmem:s0+$0x18100] =	vst v0  }
0x22: {  	[tilespmem:s0+$0x18110] =	vst v0  }
0x23: {  	[tilespmem:s0+$0x18120] =	vst v0  }
0x24: {  	[tilespmem:s0+$0x18130] =	vst v0  }
0x25: {  	[tilespmem:s0+$0x18140] =	vst v0  }
0x26: {  	[tilespmem:s0+$0x18150] =	vst v0  }
0x27: {  	[tilespmem:s0+$0x18160] =	vst v0;
	s10 =	sadd.s32 $0x0, s4  }
0x28: {  	[spmem:s10] =	stream.linear.scatter [tilespmem:s17], [sflag:$0x7], $0x800, $0x38;
	[tilespmem:$0x18900] =	vst v63  }
0x29: {  	s0 =	simm.s32 $0x2000;
	_ =	swait.ge [sflag:s18], $0x800  }
.LBB2_4:
0x2a: {  	s6 =	sshra.s32 s0, $0x2;
	[sflag:s18] =	ssyncset.done $0x0;
	p1 =	sne.s32 s0, $0x4E000  }
.Ltmp1:
0x2b: {  	s6 =	sadd.s32 s6, s4;
	[sflag:s18] =	ssyncadd.s32 $0xFFFFF800;
	(pc) =	sbr.rel @p1 .LBB2_4-.Ltmp1, $3  }
0x2c: {  	[spmem:s6] =	stream.linear.scatter [tilespmem:s17], [sflag:$0x7], $0x800, $0x38;
	[tilespmem:$0x18900] =	vst v63  }
0x2d: {  	s0 =	sadd.s32 $0x2000, s0;
	_ =	sdelay $0x1  }
0x2e: {  	_ =	swait.ge [sflag:s18], $0x800  }
.Ltmp2:
0x2f: {  	(pc) =	sbr.rel @!p0 .LBB2_6-.Ltmp2, $4  }
0x30: {  	[sflag:s18] =	ssyncset.done $0x0  }
0x31: {  	[sflag:s18] =	ssyncadd.s32 $0xFFFFF800  }
0x32: {  	[bflag:$0x0] =	sbarrier.arrive $0xFFFF  }
0x33: {  	s0 =	simm.s32 $0x0  }
0x34: {  	s6 =	rddreg [dreg:$0x7]  }
0x35: {  	[tilespmem:s19], [sflag:$0x1] =	stream.linear.gather [hbm4b:s6+s0], $0x40, $0x38;
	[tilespmem:$0x18900] =	vst v63  }
0x36: {  	_ = 	snop  }
0x37: {  	[tilespmem:s20], [sflag:$0x3] =	stream.linear.gather [hbm4b:s11+s0], $0x2000, $0x38;
	[tilespmem:$0x18900] =	vst v63  }
0x38: {  	_ = 	snop  }
0x39: {  	[tilespmem:s21], [sflag:$0x2] =	stream.linear.gather [hbm4b:s12+s0], $0x40, $0x38;
	[tilespmem:$0x18900] =	vst v63  }
0x3a: {  	_ = 	snop  }
0x3b: {  	[tilespmem:s22], [sflag:$0x4] =	stream.linear.gather [hbm4b:s13+s0], $0x2000, $0x38;
	[tilespmem:$0x18900] =	vst v63  }
0x3c: {  	_ =	swait.ge [sflag:s23], $0x40  }
0x3d: {  	[sflag:s23] =	ssyncset.done $0x0  }
0x3e: {  	[sflag:s23] =	ssyncadd.s32 $0xFFFFFFC0  }
0x3f: {  	_ =	swait.ge [sflag:s24], $0x2000  }
0x40: {  	[sflag:s24] =	ssyncset.done $0x0  }
0x41: {  	[sflag:s24] =	ssyncadd.s32 $0xFFFFE000  }
0x42: {  	[spmem:s1] =	stream.indirect.scatter.add.f32 [tilespmem:s20], [sflag:$0x5], $0x80, s19, s25, $0xb8;
	[tilespmem:$0x18900] =	vst v63  }
0x43: {  	_ =	swait.ge [sflag:s26], $0x40  }
0x44: {  	[sflag:s26] =	ssyncset.done $0x0  }
0x45: {  	[sflag:s26] =	ssyncadd.s32 $0xFFFFFFC0  }
0x46: {  	_ =	swait.ge [sflag:s28], $0x2000  }
0x47: {  	[sflag:s28] =	ssyncset.done $0x0  }
0x48: {  	[sflag:s28] =	ssyncadd.s32 $0xFFFFE000  }
0x49: {  	[spmem:s1] =	stream.indirect.scatter.add.f32 [tilespmem:s22], [sflag:$0x6], $0x80, s21, s25, $0xb8;
	[tilespmem:$0x18900] =	vst v63  }
0x4a: {  	_ =	swait.ge [sflag:s29], $0x2000  }
0x4b: {  	[sflag:s29] =	ssyncset.done $0x0  }
0x4c: {  	[sflag:s29] =	ssyncadd.s32 $0xFFFFE000  }
0x4d: {  	_ =	swait.ge [sflag:s30], $0x2000  }
0x4e: {  	[sflag:s30] =	ssyncset.done $0x0  }
0x4f: {  	s8 =	sadd.s32 $0x0, s11;
	s6 =	sadd.s32 $0xFFFFFFF8, s15;
	[sflag:s30] =	ssyncadd.s32 $0xFFFFE000  }
0x50: {  	[tilespmem:s19], [sflag:$0x1] =	stream.linear.gather [hbm4b:s6+s2], $0x40, $0x38;
	[tilespmem:$0x18900] =	vst v63  }
0x51: {  	s9 =	sadd.s32 $0x800, s8  }
0x52: {  	[tilespmem:s20], [sflag:$0x3] =	stream.linear.gather [hbm4b:s9+s2], $0x2000, $0x38;
	[tilespmem:$0x18900] =	vst v63  }
0x53: {  	_ = 	snop  }
0x54: {  	[tilespmem:s21], [sflag:$0x2] =	stream.linear.gather [hbm4b:s15+s2], $0x40, $0x38;
	[tilespmem:$0x18900] =	vst v63  }
0x55: {  	s10 =	sadd.s32 $0xC00, s8  }
0x56: {  	[tilespmem:s22], [sflag:$0x4] =	stream.linear.gather [hbm4b:s10+s2], $0x2000, $0x38;
	[tilespmem:$0x18900] =	vst v63  }
0x57: {  	_ =	swait.ge [sflag:s23], $0x40  }
0x58: {  	[sflag:s23] =	ssyncset.done $0x0  }
0x59: {  	[sflag:s23] =	ssyncadd.s32 $0xFFFFFFC0  }
0x5a: {  	_ =	swait.ge [sflag:s24], $0x2000  }
0x5b: {  	[sflag:s24] =	ssyncset.done $0x0  }
0x5c: {  	[sflag:s24] =	ssyncadd.s32 $0xFFFFE000  }
0x5d: {  	[spmem:s1] =	stream.indirect.scatter.add.f32 [tilespmem:s20], [sflag:$0x5], $0x80, s19, s25, $0xb8;
	[tilespmem:$0x18900] =	vst v63  }
0x5e: {  	_ =	swait.ge [sflag:s26], $0x40  }
0x5f: {  	[sflag:s26] =	ssyncset.done $0x0  }
0x60: {  	[sflag:s26] =	ssyncadd.s32 $0xFFFFFFC0  }
0x61: {  	_ =	swait.ge [sflag:s28], $0x2000  }
0x62: {  	[sflag:s28] =	ssyncset.done $0x0  }
0x63: {  	s0 =	simm.s32 $0x800;
	s6 =	sadd.s32 $0x10, s15;
	[sflag:s28] =	ssyncadd.s32 $0xFFFFE000  }
.LBB2_10:
0x64: {  	[spmem:s1] =	stream.indirect.scatter.add.f32 [tilespmem:s22], [sflag:$0x6], $0x80, s21, s25, $0xb8;
	[tilespmem:$0x18900] =	vst v63  }
0x65: {  	s8 =	smov.u32 s0  }
0x66: {  	p1 =	sne.s32 s0, $0x13000;
	s0 =	sadd.s32 $0x800, s0;
	_ =	swait.ge [sflag:s29], $0x2000  }
0x67: {  	[sflag:s29] =	ssyncset.done $0x0  }
0x68: {  	[sflag:s29] =	ssyncadd.s32 $0xFFFFE000  }
0x69: {  	_ =	swait.ge [sflag:s30], $0x2000  }
0x6a: {  	[sflag:s30] =	ssyncset.done $0x0  }
0x6b: {  	s9 =	sadd.s32 $0xFFFFFFF8, s6;
	s8 =	sadd.s32 s8, s11;
	[sflag:s30] =	ssyncadd.s32 $0xFFFFE000  }
0x6c: {  	[tilespmem:s19], [sflag:$0x1] =	stream.linear.gather [hbm4b:s9+s2], $0x40, $0x38;
	[tilespmem:$0x18900] =	vst v63  }
0x6d: {  	s9 =	sadd.s32 $0x800, s8  }
0x6e: {  	[tilespmem:s20], [sflag:$0x3] =	stream.linear.gather [hbm4b:s9+s2], $0x2000, $0x38;
	[tilespmem:$0x18900] =	vst v63  }
0x6f: {  	_ = 	snop  }
0x70: {  	[tilespmem:s21], [sflag:$0x2] =	stream.linear.gather [hbm4b:s6+s2], $0x40, $0x38;
	[tilespmem:$0x18900] =	vst v63  }
0x71: {  	s8 =	sadd.s32 $0xC00, s8  }
0x72: {  	[tilespmem:s22], [sflag:$0x4] =	stream.linear.gather [hbm4b:s8+s2], $0x2000, $0x38;
	[tilespmem:$0x18900] =	vst v63  }
0x73: {  	_ =	swait.ge [sflag:s23], $0x40  }
0x74: {  	[sflag:s23] =	ssyncset.done $0x0  }
0x75: {  	[sflag:s23] =	ssyncadd.s32 $0xFFFFFFC0  }
0x76: {  	_ =	swait.ge [sflag:s24], $0x2000  }
0x77: {  	[sflag:s24] =	ssyncset.done $0x0  }
0x78: {  	[sflag:s24] =	ssyncadd.s32 $0xFFFFE000  }
0x79: {  	[spmem:s1] =	stream.indirect.scatter.add.f32 [tilespmem:s20], [sflag:$0x5], $0x80, s19, s25, $0xb8;
	[tilespmem:$0x18900] =	vst v63  }
0x7a: {  	_ =	swait.ge [sflag:s26], $0x40  }
.Ltmp3:
0x7b: {  	[sflag:s26] =	ssyncset.done $0x0;
	(pc) =	sbr.rel @p1 .LBB2_10-.Ltmp3, $4  }
0x7c: {  	[sflag:s26] =	ssyncadd.s32 $0xFFFFFFC0  }
0x7d: {  	_ =	swait.ge [sflag:s28], $0x2000  }
0x7e: {  	[sflag:s28] =	ssyncset.done $0x0  }
0x7f: {  	s6 =	sadd.s32 $0x10, s6;
	[sflag:s28] =	ssyncadd.s32 $0xFFFFE000  }
.Ltmp4:
0x80: {  	(pc) =	sbr.rel .LBB2_12-.Ltmp4, $2  }
0x81: {  	_ =	sdelay $0x2  }
0x82: {  	[spmem:s1] =	stream.indirect.scatter.add.f32 [tilespmem:s22], [sflag:$0x6], $0x80, s21, s25, $0xb8;
	[tilespmem:$0x18900] =	vst v63  }
.LBB2_6:
0x83: {  	s6 =	rddreg [dreg:$0x4]  }
0x84: {  	[tilespmem:s19], [sflag:$0x1] =	stream.linear.gather [hbm4b:s6+s0], $0x40, $0x38;
	[tilespmem:$0x18900] =	vst v63  }
0x85: {  	_ = 	snop  }
0x86: {  	[tilespmem:s20], [sflag:$0x3] =	stream.linear.gather [hbm4b:s7+s0], $0x2000, $0x38;
	[tilespmem:$0x18900] =	vst v63  }
0x87: {  	s9 =	rddreg [dreg:$0x5]  }
0x88: {  	[tilespmem:s21], [sflag:$0x2] =	stream.linear.gather [hbm4b:s9+s0], $0x40, $0x38;
	[tilespmem:$0x18900] =	vst v63  }
0x89: {  	s10 =	rddreg [dreg:$0x6]  }
0x8a: {  	[tilespmem:s22], [sflag:$0x4] =	stream.linear.gather [hbm4b:s10+s0], $0x2000, $0x38;
	[tilespmem:$0x18900] =	vst v63  }
0x8b: {  	_ =	swait.ge [sflag:s23], $0x40  }
0x8c: {  	[sflag:s23] =	ssyncset.done $0x0  }
0x8d: {  	[sflag:s23] =	ssyncadd.s32 $0xFFFFFFC0  }
0x8e: {  	_ =	swait.ge [sflag:s24], $0x2000  }
0x8f: {  	[sflag:s24] =	ssyncset.done $0x0  }
0x90: {  	[sflag:s24] =	ssyncadd.s32 $0xFFFFE000  }
0x91: {  	[spmem:s1] =	stream.indirect.scatter.add.f32 [tilespmem:s20], [sflag:$0x5], $0x80, s19, s25, $0xb8;
	[tilespmem:$0x18900] =	vst v63  }
0x92: {  	_ =	swait.ge [sflag:s26], $0x40  }
0x93: {  	[sflag:s26] =	ssyncset.done $0x0  }
0x94: {  	[sflag:s26] =	ssyncadd.s32 $0xFFFFFFC0  }
0x95: {  	_ =	swait.ge [sflag:s28], $0x2000  }
0x96: {  	[sflag:s28] =	ssyncset.done $0x0  }
0x97: {  	[sflag:s28] =	ssyncadd.s32 $0xFFFFE000  }
0x98: {  	[spmem:s1] =	stream.indirect.scatter.add.f32 [tilespmem:s22], [sflag:$0x6], $0x80, s21, s25, $0xb8;
	[tilespmem:$0x18900] =	vst v63  }
0x99: {  	_ =	swait.ge [sflag:s29], $0x2000  }
0x9a: {  	[sflag:s29] =	ssyncset.done $0x0  }
0x9b: {  	[sflag:s29] =	ssyncadd.s32 $0xFFFFE000  }
0x9c: {  	_ =	swait.ge [sflag:s30], $0x2000  }
0x9d: {  	[sflag:s30] =	ssyncset.done $0x0  }
0x9e: {  	s8 =	sadd.s32 $0x0, s7;
	s6 =	sadd.s32 $0xFFFFFFF8, s14;
	[sflag:s30] =	ssyncadd.s32 $0xFFFFE000  }
0x9f: {  	[tilespmem:s19], [sflag:$0x1] =	stream.linear.gather [hbm4b:s6+s2], $0x40, $0x38;
	[tilespmem:$0x18900] =	vst v63  }
0xa0: {  	s9 =	sadd.s32 $0x800, s8  }
0xa1: {  	[tilespmem:s20], [sflag:$0x3] =	stream.linear.gather [hbm4b:s9+s2], $0x2000, $0x38;
	[tilespmem:$0x18900] =	vst v63  }
0xa2: {  	_ = 	snop  }
0xa3: {  	[tilespmem:s21], [sflag:$0x2] =	stream.linear.gather [hbm4b:s14+s2], $0x40, $0x38;
	[tilespmem:$0x18900] =	vst v63  }
0xa4: {  	s10 =	sadd.s32 $0xC00, s8  }
0xa5: {  	[tilespmem:s22], [sflag:$0x4] =	stream.linear.gather [hbm4b:s10+s2], $0x2000, $0x38;
	[tilespmem:$0x18900] =	vst v63  }
0xa6: {  	_ =	swait.ge [sflag:s23], $0x40  }
0xa7: {  	[sflag:s23] =	ssyncset.done $0x0  }
0xa8: {  	[sflag:s23] =	ssyncadd.s32 $0xFFFFFFC0  }
0xa9: {  	_ =	swait.ge [sflag:s24], $0x2000  }
0xaa: {  	[sflag:s24] =	ssyncset.done $0x0  }
0xab: {  	[sflag:s24] =	ssyncadd.s32 $0xFFFFE000  }
0xac: {  	[spmem:s1] =	stream.indirect.scatter.add.f32 [tilespmem:s20], [sflag:$0x5], $0x80, s19, s25, $0xb8;
	[tilespmem:$0x18900] =	vst v63  }
0xad: {  	_ =	swait.ge [sflag:s26], $0x40  }
0xae: {  	[sflag:s26] =	ssyncset.done $0x0  }
0xaf: {  	[sflag:s26] =	ssyncadd.s32 $0xFFFFFFC0  }
0xb0: {  	_ =	swait.ge [sflag:s28], $0x2000  }
0xb1: {  	[sflag:s28] =	ssyncset.done $0x0  }
0xb2: {  	s0 =	simm.s32 $0x800;
	s6 =	sadd.s32 $0x10, s14;
	[sflag:s28] =	ssyncadd.s32 $0xFFFFE000  }
.LBB2_7:
0xb3: {  	[spmem:s1] =	stream.indirect.scatter.add.f32 [tilespmem:s22], [sflag:$0x6], $0x80, s21, s25, $0xb8;
	[tilespmem:$0x18900] =	vst v63  }
0xb4: {  	s8 =	smov.u32 s0  }
0xb5: {  	p1 =	seq.s32 s0, $0x13000;
	s0 =	sadd.s32 $0x800, s0;
	_ =	swait.ge [sflag:s29], $0x2000  }
0xb6: {  	[sflag:s29] =	ssyncset.done $0x0  }
0xb7: {  	[sflag:s29] =	ssyncadd.s32 $0xFFFFE000  }
0xb8: {  	_ =	swait.ge [sflag:s30], $0x2000  }
0xb9: {  	[sflag:s30] =	ssyncset.done $0x0  }
0xba: {  	s9 =	sadd.s32 $0xFFFFFFF8, s6;
	s8 =	sadd.s32 s8, s7;
	[sflag:s30] =	ssyncadd.s32 $0xFFFFE000  }
0xbb: {  	[tilespmem:s19], [sflag:$0x1] =	stream.linear.gather [hbm4b:s9+s2], $0x40, $0x38;
	[tilespmem:$0x18900] =	vst v63  }
0xbc: {  	s9 =	sadd.s32 $0x800, s8  }
0xbd: {  	[tilespmem:s20], [sflag:$0x3] =	stream.linear.gather [hbm4b:s9+s2], $0x2000, $0x38;
	[tilespmem:$0x18900] =	vst v63  }
0xbe: {  	_ = 	snop  }
0xbf: {  	[tilespmem:s21], [sflag:$0x2] =	stream.linear.gather [hbm4b:s6+s2], $0x40, $0x38;
	[tilespmem:$0x18900] =	vst v63  }
0xc0: {  	s8 =	sadd.s32 $0xC00, s8  }
0xc1: {  	[tilespmem:s22], [sflag:$0x4] =	stream.linear.gather [hbm4b:s8+s2], $0x2000, $0x38;
	[tilespmem:$0x18900] =	vst v63  }
0xc2: {  	_ =	swait.ge [sflag:s23], $0x40  }
0xc3: {  	[sflag:s23] =	ssyncset.done $0x0  }
0xc4: {  	[sflag:s23] =	ssyncadd.s32 $0xFFFFFFC0  }
0xc5: {  	_ =	swait.ge [sflag:s24], $0x2000  }
0xc6: {  	[sflag:s24] =	ssyncset.done $0x0  }
0xc7: {  	[sflag:s24] =	ssyncadd.s32 $0xFFFFE000  }
0xc8: {  	[spmem:s1] =	stream.indirect.scatter.add.f32 [tilespmem:s20], [sflag:$0x5], $0x80, s19, s25, $0xb8;
	[tilespmem:$0x18900] =	vst v63  }
0xc9: {  	_ =	swait.ge [sflag:s26], $0x40  }
.Ltmp5:
0xca: {  	[sflag:s26] =	ssyncset.done $0x0;
	(pc) =	sbr.rel @!p1 .LBB2_7-.Ltmp5, $4  }
0xcb: {  	[sflag:s26] =	ssyncadd.s32 $0xFFFFFFC0  }
0xcc: {  	_ =	swait.ge [sflag:s28], $0x2000  }
0xcd: {  	[sflag:s28] =	ssyncset.done $0x0  }
0xce: {  	s6 =	sadd.s32 $0x10, s6;
	[sflag:s28] =	ssyncadd.s32 $0xFFFFE000  }
0xcf: {  	[spmem:s1] =	stream.indirect.scatter.add.f32 [tilespmem:s22], [sflag:$0x6], $0x80, s21, s25, $0xb8;
	[tilespmem:$0x18900] =	vst v63  }
.LBB2_12:
0xd0: {  	_ =	swait.ge [sflag:s29], $0x2000  }
0xd1: {  	[sflag:s29] =	ssyncset.done $0x0  }
0xd2: {  	[sflag:s29] =	ssyncadd.s32 $0xFFFFE000  }
0xd3: {  	_ =	swait.ge [sflag:s30], $0x2000  }
0xd4: {  	[sflag:s30] =	ssyncset.done $0x0  }
0xd5: {  	s0 =	sshll.u32 s3, $0x6;
	s6 =	sadd.s32 $0x0, s16;
	[sflag:s30] =	ssyncadd.s32 $0xFFFFE000  }
0xd6: {  	s8 =	sshrl.u32 s4, $0x3;
	s0 =	sor.u32 $0x1C07, s0;
	[bflag:$0x0] =	sbarrier.arrive $0xFFFF  }
0xd7: {  	[hbm:s6], [sflag:s0] =	dma.local [spmem:s8], $0x100  }
0xd8: {  	s6 =	simm.s32 $0x100;
	s8 =	sadd.s32 $0x800, s4;
	_ =	swait.ge [sflag:s18], $0x100  }
.LBB2_13:
0xd9: {  	s9 =	sadd.s32 s6, s16;
	[sflag:s18] =	ssyncset.done $0x0;
	p1 =	sne.s32 s6, $0x2700  }
.Ltmp6:
0xda: {  	s10 =	sshrl.u32 s8, $0x3;
	[sflag:s18] =	ssyncadd.s32 $0xFFFFFF00;
	(pc) =	sbr.rel @p1 .LBB2_13-.Ltmp6, $3  }
0xdb: {  	[hbm:s9], [sflag:s0] =	dma.local [spmem:s10], $0x100  }
0xdc: {  	s6 =	sadd.s32 $0x100, s6;
	_ =	sdelay $0x1  }
0xdd: {  	s8 =	sadd.s32 $0x800, s8;
	_ =	swait.ge [sflag:s18], $0x100  }
0xde: {  	s31 =	sadd.s32 $0x1, s31  }
0xdf: {  	p1 =	sne.s32 s31, s5  }
.Ltmp7:
0xe0: {  	_ = 	snop;
	(pc) =	sbr.rel @p1 .LBB2_1-.Ltmp7, $3  }
0xe1: {  	_ =	sdelay $0x1  }
0xe2: {  	[sflag:s18] =	ssyncset.done $0x0  }
0xe3: {  	[sflag:s18] =	ssyncadd.s32 $0xFFFFFF00  }
0xe4: {  	_ =	sfence.sel $0x180000  }
0xe5: {  	[bflag:$0x0] =	sbarrier.arrive $0xFFFF  }
0xe6: {  	_ =	strace $0x90000050  }
0xe7: {  	[bflag:$0x2] =	sbarrier.arrive $0xFFFF  }
0xe8: {  	p0 =	sne.s32 s3, $0x0;
	s0 =	rddreg [dreg:$0x3]  }
0xe9: {  	s0 =	sadd.s32 @!p0 $0x100000, s0  }
0xea: {  	[sflag:s0] =	ssyncadd.tile.s32 @!p0 $0x1;
	_ =	shalt  }
.Lfunc_end2:
_tile_overlayer_lowered:
.L_overlay_start_2:
0xeb: {  	(tag) =	ssettag $0x2  }
0xec: {  	s0 =	rddreg [dreg:$0x0];
	s2 =	stileid.u32  }
0xed: {  	s1 =	rddreg [dreg:$0x1];
	p0 =	sne.s32 s2, $0x0  }
0xee: {  	s3 =	rddreg [dreg:$0x2];
	[bflag:$0x3] =	sbarrier.arrive $0xFFFF;
	s2 =	simm.s32 @!p0 $0x1C07  }
0xef: {  	[timem:s3], [sflag:s2] =	dma.local @!p0 [hbm:s0], s1  }
0xf0: {  	s0 =	simm.s32 @!p0 $0x7  }
0xf1: {  	_ =	swait.ge @!p0 [sflag:s0], s1  }
0xf2: {  	s1 =	ssub.s32 @!p0 $0x0, s1;
	[sflag:s0] =	ssyncset.done @!p0 $0x0  }
0xf3: {  	[sflag:s0] =	ssyncadd.s32 @!p0 s1  }
0xf4: {  	[bflag:$0x3] =	sbarrier.arrive $0xFFFF  }
0xf5: {  	_ =	shalt  }

// kernel: kernel.26.cloned.1.call-start
scs
__scs_entry_jumppad:
0x0: {  	(pc) =	sbr.rel $0x88, $3  }
0x1: {  	(tag) =	ssettag $0x0;
	lr =	simm.s32 $0x1  }
0x2: {  	[smem:$0x3F82] =	sst lr;
	_ =	strace $0xD0000000  }
0x3: {  	_ = 	snop  }
0x4: {  	_ = 	snop  }
0x5: {  	_ = 	snop  }
0x6: {  	_ = 	snop  }
0x7: {  	_ = 	snop  }
__scs_overlays_trampoline_lowered:
0x8: {  	[smem:$0x3F91] =	sst s0  }
0x9: {  	[smem:$0x3F92] =	sst s1  }
0xa: {  	[smem:$0x3F93] =	sst s2  }
0xb: {  	[smem:$0x3F94] =	sst s3  }
0xc: {  	[smem:$0x3F95] =	sst s4  }
0xd: {  	[smem:$0x3F96] =	sst s5  }
0xe: {  	[smem:$0x3F97] =	sst s6  }
0xf: {  	[smem:$0x3F98] =	sst s7  }
0x10: {  	[smem:$0x3F99] =	sst s8  }
0x11: {  	[smem:$0x3F9A] =	sst s9;
	s0 =	simm.s32 @!p0 $0x0  }
0x12: {  	s1 =	sld [smem:$0x3F80];
	s0 =	simm.s32 @p0 $0x1  }
0x13: {  	[smem:$0x3F9B] =	sst s0;
	s0 =	simm.s32 @!p1 $0x0  }
0x14: {  	s2 =	sld [smem:$0x3F7F];
	s0 =	simm.s32 @p1 $0x1  }
0x15: {  	[smem:$0x3F9C] =	sst s0;
	s0 =	simm.s32 @!p2 $0x0  }
0x16: {  	s3 =	sld [smem:$0x3FDB];
	s0 =	simm.s32 @p2 $0x1  }
0x17: {  	s4 =	simm.s32 $0x1BF5;
	[smem:$0x3F9E] =	sst s0  }
0x18: {  	s0 =	sld [smem:$0x3F81];
	_ =	swait.ge [sflag:s4], $0x0  }
0x19: {  	s7 =	sld [smem:$0x3F82]  }
0x1a: {  	s8 =	sadd.s32 $0xFFFFE003, lr  }
0x1b: {  	s9 =	sadd.s32 $0xFFFFFEF7, lr;
	s5 =	simm.s32 $0xFFFFFFFF;
	p2 =	slt.u32 s8, $0xFFFFF086  }
0x1c: {  	p1 =	slt.u32 s9, $0xF7A;
	s5 =	simm.s32 @!p2 $0x0  }
0x1d: {  	s5 =	simm.s32 @p1 $0x1;
	p0 =	seq.s32 s7, s2  }
0x1e: {  	s7 =	smul.u32 @!p0 $0xF7A, s2;
	p2 =	seq.s32 @!p0 s5, $0x0  }
0x1f: {  	s9 =	smul.u32 $0xF7A, s1;
	s8 =	simm.s32 @!p0 $0x1BF5;
	p2 =	por !p2, p0  }
0x20: {  	[sflag:s8] =	ssyncset.s32 @!p0 $0xFFFFF086;
	s6 =	sadd.s32 @!p0 s3, s7;
	s7 =	simm.s32 @!p0 $0x108  }
0x21: {  	s3 =	sadd.s32 s3, s9;
	s6 =	sadd.s32 @!p0 $0x88, s6;
	s7 =	simm.s32 @p2 $0x1082  }
0x22: {  	[simem:s7], [sflag:s8] =	dma.local @!p0 [hbm:s6], $0xF7A  }
0x23: {  	s9 =	sor.u32 $0xD0000000, s2;
	s6 =	simm.s32 $0x108;
	_ =	swait.ge @!p0 [sflag:s8], $0x0  }
0x24: {  	s3 =	sadd.s32 $0x88, s3;
	s6 =	simm.s32 @!p1 $0x1082;
	[sflag:s4] =	ssyncset.s32 $0xFFFFF086  }
0x25: {  	[simem:s6], [sflag:s4] =	dma.local [hbm:s3], $0xF7A  }
0x26: {  	[smem:$0x3F82] =	sst s1;
	(tag) =	ssettag s2;
	_ =	strace s9  }
0x27: {  	s1 =	sld [smem:$0x3F92]  }
0x28: {  	s2 =	sld [smem:$0x3F93]  }
0x29: {  	s4 =	sld [smem:$0x3F95]  }
0x2a: {  	p0 =	seq.s32 s5, $0x0;
	s5 =	sld [smem:$0x3F96]  }
0x2b: {  	s6 =	sld [smem:$0x3F97]  }
0x2c: {  	s7 =	sld [smem:$0x3F98]  }
0x2d: {  	s3 =	simm.s32 $0x108;
	s8 =	sld [smem:$0x3F99]  }
0x2e: {  	s3 =	simm.s32 @!p0 $0x1082;
	s9 =	sld [smem:$0x3F9A]  }
0x2f: {  	lr =	sadd.s32 s0, s3;
	s0 =	sld [smem:$0x3F91]  }
0x30: {  	s3 =	sld [smem:$0x3F94]  }
0x31: {  	[smem:$0x3F9D] =	sst s10  }
0x32: {  	s10 =	sld [smem:$0x3F9B];
	_ =	sdelay $0x3  }
0x33: {  	p0 =	seq.s32 s10, $0x1;
	s10 =	sld [smem:$0x3F9D];
	_ =	sdelay $0x3  }
0x34: {  	[smem:$0x3F9D] =	sst s10  }
0x35: {  	s10 =	sld [smem:$0x3F9C];
	_ =	sdelay $0x3  }
0x36: {  	p1 =	seq.s32 s10, $0x1;
	s10 =	sld [smem:$0x3F9D];
	_ =	sdelay $0x3  }
0x37: {  	[smem:$0x3F9D] =	sst s10  }
0x38: {  	s10 =	sld [smem:$0x3F9E]  }
0x39: {  	_ = 	snop;
	(pc) =	sbr.ind lr, $3  }
0x3a: {  	_ = 	snop  }
0x3b: {  	_ = 	snop  }
0x3c: {  	p2 =	seq.s32 s10, $0x1;
	s10 =	sld [smem:$0x3F9D]  }
0x3d: {  	_ =	shalt  }
0x3e: {  	_ =	shalt  }
0x3f: {  	_ =	shalt  }
0x40: {  	_ =	shalt  }
0x41: {  	_ =	shalt  }
0x42: {  	_ =	shalt  }
0x43: {  	_ =	shalt  }
0x44: {  	_ =	shalt  }
0x45: {  	_ =	shalt  }
0x46: {  	_ =	shalt  }
0x47: {  	_ =	shalt  }
0x48: {  	_ =	shalt  }
0x49: {  	_ =	shalt  }
0x4a: {  	_ =	shalt  }
0x4b: {  	_ =	shalt  }
0x4c: {  	_ =	shalt  }
0x4d: {  	_ =	shalt  }
0x4e: {  	_ =	shalt  }
0x4f: {  	_ =	shalt  }
0x50: {  	_ =	shalt  }
0x51: {  	_ =	shalt  }
0x52: {  	_ =	shalt  }
0x53: {  	_ =	shalt  }
0x54: {  	_ =	shalt  }
0x55: {  	_ =	shalt  }
0x56: {  	_ =	shalt  }
0x57: {  	_ =	shalt  }
0x58: {  	_ =	shalt  }
0x59: {  	_ =	shalt  }
0x5a: {  	_ =	shalt  }
0x5b: {  	_ =	shalt  }
0x5c: {  	_ =	shalt  }
0x5d: {  	_ =	shalt  }
0x5e: {  	_ =	shalt  }
0x5f: {  	_ =	shalt  }
0x60: {  	_ =	shalt  }
0x61: {  	_ =	shalt  }
0x62: {  	_ =	shalt  }
0x63: {  	_ =	shalt  }
0x64: {  	_ =	shalt  }
0x65: {  	_ =	shalt  }
0x66: {  	_ =	shalt  }
0x67: {  	_ =	shalt  }
0x68: {  	_ =	shalt  }
0x69: {  	_ =	shalt  }
0x6a: {  	_ =	shalt  }
0x6b: {  	_ =	shalt  }
0x6c: {  	_ =	shalt  }
0x6d: {  	_ =	shalt  }
0x6e: {  	_ =	shalt  }
0x6f: {  	_ =	shalt  }
0x70: {  	_ =	shalt  }
0x71: {  	_ =	shalt  }
0x72: {  	_ =	shalt  }
0x73: {  	_ =	shalt  }
0x74: {  	_ =	shalt  }
0x75: {  	_ =	shalt  }
0x76: {  	_ =	shalt  }
0x77: {  	_ =	shalt  }
0x78: {  	_ =	shalt  }
0x79: {  	_ =	shalt  }
0x7a: {  	_ =	shalt  }
0x7b: {  	_ =	shalt  }
0x7c: {  	_ =	shalt  }
0x7d: {  	_ =	shalt  }
0x7e: {  	_ =	shalt  }
0x7f: {  	_ =	shalt  }
0x80: {  	_ =	shalt  }
0x81: {  	_ =	shalt  }
0x82: {  	_ =	shalt  }
0x83: {  	_ =	shalt  }
0x84: {  	_ =	shalt  }
0x85: {  	_ =	shalt  }
0x86: {  	_ =	shalt  }
0x87: {  	_ =	shalt  }
.Lfunc_end0:
.L_simem_size_0:
called_computation.4_lowered:
.L_overlay_start_0:
0x88: {  	s2 =	sld [smem:$0x3FD9]  }
0x89: {  	s3 =	sld [smem:$0x3FFE];
	_ =	sdelay $0x1  }
0x8a: {  	s1 =	srdreg.scid  }
0x8b: {  	s0 =	sand.u32 $0x1, s1  }
0x8c: {  	s14 =	sshll.u32 s0, $0xA;
	s2 =	sadd.s32 s3, s2  }
0x8d: {  	s2 =	sadd.s32 s2, s14  }
0x8e: {  	[smem:$0x3FA9] =	sst s2  }
0x8f: {  	_ = 	snop  }
0x90: {  	s2 =	sld [smem:$0x3FD0];
	_ =	sdelay $0x2  }
0x91: {  	s15 =	simm.s32 $0xB;
	s4 =	simm.s32 $0x10  }
0x92: {  	[smem:s4], [sflag:s15] =	dma.local [hbm:s2], $0x1  }
0x93: {  	_ =	swait.eq [sflag:s15], $0x1  }
0x94: {  	[sflag:s15] =	ssyncset.done $0x0  }
0x95: {  	[sflag:s15] =	ssyncadd.s32 $0xFFFFFFFF  }
0x96: {  	s16 =	sld [smem:$0x11];
	(tm) =	ssettm $0x1  }
0x97: {  	s17 =	sld [smem:$0x3FFB];
	_ =	sdelay $0x3  }
0x98: {  	_ =	strace s17  }
0x99: {  	s3 =	sld [smem:$0x3FFC];
	_ =	sdelay $0x3  }
0x9a: {  	_ =	strace s3  }
0x9b: {  	s3 =	sld [smem:$0x3FFD];
	_ =	sdelay $0x3  }
0x9c: {  	_ =	strace s3  }
0x9d: {  	_ =	strace $0x8FFFFFFF  }
0x9e: {  	s18 =	sld [smem:$0x3FDB];
	_ =	sdelay $0x1  }
0x9f: {  	s19 =	simm.s32 $_scs_section_size  }
0xa0: {  	s5 =	simm.s32 $_size__tile_overlayer_lowered;
	s6 =	simm.s32 $_tile_overlayer_lowered  }
0xa1: {  	s22 =	simm.s32 $0x1BFF;
	s21 =	sshll.u32 s6, $0x1;
	s3 =	sadd.s32 s19, s18  }
0xa2: {  	s7 =	simm.s32 $0x0;
	s20 =	sshll.u32 s5, $0x1;
	s5 =	sadd.s32 s21, s3  }
0xa3: {  	[timem:s7], [sflag:s22] =	dma.local [hbm:s5], s20  }
0xa4: {  	_ =	swait.ge [sflag:s22], s20  }
0xa5: {  	s4 =	ssub.s32 $0x0, s20;
	[sflag:s22] =	ssyncset.done $0x0  }
0xa6: {  	[sflag:s22] =	ssyncadd.s32 s4;
	_ =	sdelay $0x1  }
0xa7: {  	s23 =	simm.s32 $0x1B8B  }
0xa8: {  	_ =	swait.ge [sflag:s23], $0x1  }
0xa9: {  	[sflag:s23] =	ssyncset.done $0x0  }
0xaa: {  	s25 =	simm.s32 $0x1B8E;
	s24 =	sld [smem:$0x3FFE];
	[sflag:s23] =	ssyncadd.s32 $0xFFFFFFFF  }
0xab: {  	s26 =	simm.s32 $execute0_lowered;
	[smem:$0x3FD2] =	sst s25  }
0xac: {  	s5 =	sshll.u32 s26, $0x1;
	_ =	strace $0x80000052;
	[dreg:$0x1] =	wrdreg $0xFFFFFFFF  }
0xad: {  	s28 =	simm.s32 $_size_execute0_lowered;
	s3 =	sadd.s32 s3, s5;
	[dreg:$0x0] =	wrdreg $0x0  }
0xae: {  	s5 =	sshll.u32 s28, $0x1;
	[dreg:$0x2] =	wrdreg s3  }
0xaf: {  	[dreg:$0x3] =	wrdreg s5  }
0xb0: {  	[dreg:$0x4] =	wrdreg $0xC0  }
0xb1: {  	_ =	task [dreg:s7], $0x5FFFF  }
0xb2: {  	[dreg:$0x1] =	wrdreg $0xFFFFFFFF  }
0xb3: {  	[dreg:$0x0] =	wrdreg $0x60  }
0xb4: {  	[dreg:$0x2] =	wrdreg s16  }
0xb5: {  	[dreg:$0x3] =	wrdreg s24  }
0xb6: {  	[dreg:$0x4] =	wrdreg $0x9  }
0xb7: {  	_ =	task.clear_ibuf [dreg:s7], $0x5FFFF;
	_ =	strace $0x90000052  }
0xb8: {  	s29 =	simm.s32 $0x9;
	_ =	strace $0x80000054  }
0xb9: {  	_ =	swait.ge [sflag:s29], $0x1  }
0xba: {  	[sflag:s29] =	ssyncadd.s32 $0xFFFFFFFF  }
0xbb: {  	_ =	strace $0x90000054  }
0xbc: {  	_ =	sfence  }
0xbd: {  	s30 =	sld [smem:$0x0];
	_ =	sdelay $0x2  }
0xbe: {  	s31 =	sshll.u32 s1, $0xD;
	s1 =	sshrl.u32 s1, $0x2  }
0xbf: {  	s3 =	sand.u32 $0x4000, s31;
	s1 =	sadd.s32 s1, s30  }
0xc0: {  	s0 =	sor.u32 s3, s0;
	s1 =	sshll.u32 s1, $0x11  }
0xc1: {  	s0 =	sor.u32 s1, s0  }
0xc2: {  	s0 =	sadd.s32 $0x8F2B, s0  }
0xc3: {  	[sflag:s0] =	ssyncadd.remote.s32 $0x1  }
0xc4: {  	_ =	sfence.sel $0xFFFF  }
0xc5: {  	[dreg:$0x0] =	wrdreg $0xFFFFFFFF;
	(pc) =	sbr.abs _section_cstart, $3  }
0xc6: {  	[dreg:$0x1] =	wrdreg $0xFFFFFFFF  }
0xc7: {  	_ =	task.clear_ibuf [dreg:s7], $0x2FFFF;
	_ =	strace $0x9FFFFFFF  }
0xc8: {  	(tm) =	ssettm $0x7FFFFFFF  }
0xc9: {  	_ =	shalt  }
tec
execute0_lowered:
.L_overlay_start_1:
0x0: {  	(tag) =	ssettag $0x1  }
0x1: {  	s2 =	rddreg [dreg:$0x0]  }
0x2: {  	s0 =	rddreg [dreg:$0x1]  }
0x3: {  	s7 =	stileid.u32;
	s1 =	srdreg.scid;
	s3 =	simm.s32 $0x0  }
0x4: {  	s10 =	simm.s32 $0x80;
	s11 =	simm.s32 $0x180;
	s12 =	simm.s32 $0x1  }
0x5: {  	s13 =	simm.s32 $0x3;
	s14 =	simm.s32 $0x200;
	s15 =	simm.s32 $0x8200  }
0x6: {  	s16 =	simm.s32 $0x2;
	s17 =	simm.s32 $0x4;
	s18 =	simm.s32 $0x4200  }
0x7: {  	s19 =	simm.s32 $0xC200;
	s20 =	simm.s32 $0x5;
	s21 =	simm.s32 $0x7  }
0x8: {  	s22 =	simm.s32 $0x6;
	s23 =	simm.s32 $0x8;
	s26 =	simm.s32 $0xA  }
0x9: {  	s28 =	simm.s32 $0xC;
	s29 =	simm.s32 $0x0;
	s5 =	smul.u32 $0x14000, s7  }
0xa: {  	s1 =	sand.u32 $0x1, s1;
	[smem:$0x7FF] =	sst s3;
	s7 =	smul.u32 $0x1400, s7  }
0xb: {  	s4 =	sadd.s32 $0x9E00, s0;
	s6 =	smul.u32 $0xA000, s1;
	_ =	strace $0x80000053  }
0xc: {  	s9 =	ssub.s32 $0x2, s1;
	s1 =	smul.u32 $0xA00, s1;
	s8 =	sadd.s32 s5, s0  }
0xd: {  	s5 =	sadd.s32 $0x7600, s0;
	s31 =	sshrl.u32 s9, $0x1;
	s6 =	sadd.s32 s6, s8  }
0xe: {  	s0 =	ssub.s32 s9, s31;
	s1 =	sadd.s32 s1, s7;
	s8 =	sadd.s32 $0x13E00, s6  }
0xf: {  	s9 =	simm.s32 $0x100;
	s0 =	smax.u32 s0, $0x1;
	[dreg:$0x3] =	wrdreg s8  }
0x10: {  	s6 =	sadd.s32 $0x153E00, s6;
	s7 =	sor.u32 $0x80, s1;
	[dreg:$0x5] =	wrdreg s0  }
0x11: {  	[dreg:$0x4] =	wrdreg s6;
	s7 =	sshrl.u32 s7, $0x3;
	s8 =	sshrl.u32 s1, $0x3  }
.LBB2_1:
0x12: {  	p0 =	por $0x1, $0x1  }
0x13: {  	s0 =	simm.s32 @!p0 $0x9  }
0x14: {  	_ =	swait.ge @!p0 [sflag:s0], $0x4000  }
0x15: {  	[sflag:s0] =	ssyncset.done @!p0 $0x0  }
0x16: {  	[sflag:s0] =	ssyncadd.s32 @!p0 $0xFFFFC000;
	s0 =	simm.s32 @!p0 $0xB  }
0x17: {  	_ =	swait.ge @!p0 [sflag:s0], $0x4000  }
0x18: {  	[sflag:s0] =	ssyncset.done @!p0 $0x0  }
0x19: {  	[sflag:s0] =	ssyncadd.s32 @!p0 $0xFFFFC000;
	s0 =	simm.s32 @!p0 $0xA  }
0x1a: {  	_ =	swait.ge @!p0 [sflag:s0], $0x4000  }
0x1b: {  	[sflag:s0] =	ssyncset.done @!p0 $0x0  }
0x1c: {  	[sflag:s0] =	ssyncadd.s32 @!p0 $0xFFFFC000;
	s0 =	simm.s32 @!p0 $0xC  }
0x1d: {  	_ =	swait.ge @!p0 [sflag:s0], $0x4000  }
0x1e: {  	[sflag:s0] =	ssyncset.done @!p0 $0x0  }
0x1f: {  	s25 =	sadd.s32 s4, s8;
	[sflag:s0] =	ssyncadd.s32 @!p0 $0xFFFFC000  }
0x20: {  	[tilespmem:s3], [sflag:$0x1] =	stream.linear.gather [hbm4b:s25+s3], $0x80, $0x38;
	[tilespmem:$0x10200] =	vst v63  }
0x21: {  	s1 =	sadd.s32 s5, s8  }
0x22: {  	[tilespmem:s9], [sflag:$0x3] =	stream.linear.gather [hbm4b:s1+s3], $0x80, $0x38;
	[tilespmem:$0x10200] =	vst v63  }
0x23: {  	s6 =	sadd.s32 s4, s7  }
0x24: {  	[tilespmem:s10], [sflag:$0x2] =	stream.linear.gather [hbm4b:s6+s3], $0x80, $0x38;
	[tilespmem:$0x10200] =	vst v63  }
0x25: {  	s24 =	sadd.s32 s5, s7  }
0x26: {  	[tilespmem:s11], [sflag:$0x4] =	stream.linear.gather [hbm4b:s24+s3], $0x80, $0x38;
	[tilespmem:$0x10200] =	vst v63  }
0x27: {  	_ =	swait.ge [sflag:s12], $0x80  }
0x28: {  	[sflag:s12] =	ssyncset.done $0x0  }
0x29: {  	[sflag:s12] =	ssyncadd.s32 $0xFFFFFF80  }
0x2a: {  	_ =	swait.ge [sflag:s13], $0x80  }
0x2b: {  	[sflag:s13] =	ssyncset.done $0x0  }
0x2c: {  	[sflag:s13] =	ssyncadd.s32 $0xFFFFFF80  }
0x2d: {  	[tilespmem:s14], [sflag:$0x5] =	stream.indirect.gather [hbm4b:s2+s10], $0x80, s3, s10, $0xb8;
	[tilespmem:$0x10200] =	vst v63  }
0x2e: {  	_ = 	snop  }
0x2f: {  	[tilespmem:s15], [sflag:$0x7] =	stream.indirect.gather [hbm4b:s2+s10], $0x80, s9, s10, $0xb8;
	[tilespmem:$0x10200] =	vst v63  }
0x30: {  	_ =	swait.ge [sflag:s16], $0x80  }
0x31: {  	[sflag:s16] =	ssyncset.done $0x0  }
0x32: {  	[sflag:s16] =	ssyncadd.s32 $0xFFFFFF80  }
0x33: {  	_ =	swait.ge [sflag:s17], $0x80  }
0x34: {  	[sflag:s17] =	ssyncset.done $0x0  }
0x35: {  	[sflag:s17] =	ssyncadd.s32 $0xFFFFFF80  }
0x36: {  	[tilespmem:s18], [sflag:$0x6] =	stream.indirect.gather [hbm4b:s2+s10], $0x80, s10, s10, $0xb8;
	[tilespmem:$0x10200] =	vst v63  }
0x37: {  	_ = 	snop  }
0x38: {  	[tilespmem:s19], [sflag:$0x8] =	stream.indirect.gather [hbm4b:s2+s10], $0x80, s11, s10, $0xb8;
	[tilespmem:$0x10200] =	vst v63  }
0x39: {  	_ =	swait.ge [sflag:s20], $0x4000  }
0x3a: {  	s25 =	rddreg [dreg:$0x3];
	[sflag:s20] =	ssyncset.done $0x0  }
0x3b: {  	[sflag:s20] =	ssyncadd.s32 $0xFFFFC000;
	s0 =	sadd.s32 $0x0, s25  }
0x3c: {  	[hbm4b:s0+s3] =	stream.linear.scatter [tilespmem:s14], [sflag:$0x9], $0x4000, $0x38;
	[tilespmem:$0x10200] =	vst v63  }
0x3d: {  	_ =	swait.ge [sflag:s21], $0x4000  }
0x3e: {  	s1 =	rddreg [dreg:$0x4];
	[sflag:s21] =	ssyncset.done $0x0  }
0x3f: {  	[sflag:s21] =	ssyncadd.s32 $0xFFFFC000;
	s6 =	sadd.s32 $0x0, s1  }
0x40: {  	[hbm4b:s6+s3] =	stream.linear.scatter [tilespmem:s15], [sflag:$0xB], $0x4000, $0x38;
	[tilespmem:$0x10200] =	vst v63  }
0x41: {  	_ =	swait.ge [sflag:s22], $0x4000  }
0x42: {  	s30 =	simm.s32 $0x1000;
	[sflag:s22] =	ssyncset.done $0x0  }
0x43: {  	s31 =	sadd.s32 $0x20, s5;
	s0 =	sadd.s32 $0x800, s0;
	[sflag:s22] =	ssyncadd.s32 $0xFFFFC000  }
0x44: {  	[hbm4b:s0+s3] =	stream.linear.scatter [tilespmem:s18], [sflag:$0xA], $0x4000, $0x38;
	[tilespmem:$0x10200] =	vst v63  }
0x45: {  	p1 =	por $0x0, $0x0;
	s1 =	simm.s32 $0x2000;
	_ =	swait.ge [sflag:s23], $0x4000  }
0x46: {  	s24 =	sadd.s32 $0x800, s6;
	s0 =	sadd.s32 $0x20, s4;
	[sflag:s23] =	ssyncset.done $0x0  }
.LBB2_2:
0x47: {  	s25 =	simm.s32 @!p1 $0x9;
	[sflag:s23] =	ssyncadd.s32 $0xFFFFC000  }
0x48: {  	[hbm4b:s24+s3] =	stream.linear.scatter [tilespmem:s19], [sflag:$0xC], $0x4000, $0x38;
	[tilespmem:$0x10200] =	vst v63  }
0x49: {  	_ =	swait.ge @!p1 [sflag:s25], $0x4000  }
0x4a: {  	[sflag:s25] =	ssyncset.done @!p1 $0x0  }
0x4b: {  	s24 =	simm.s32 @!p1 $0xB;
	[sflag:s25] =	ssyncadd.s32 @!p1 $0xFFFFC000  }
0x4c: {  	_ =	swait.ge @!p1 [sflag:s24], $0x4000  }
0x4d: {  	[sflag:s24] =	ssyncset.done @!p1 $0x0  }
0x4e: {  	[sflag:s24] =	ssyncadd.s32 @!p1 $0xFFFFC000;
	s24 =	simm.s32 @!p1 $0xA  }
0x4f: {  	_ =	swait.ge @!p1 [sflag:s24], $0x4000  }
0x50: {  	[sflag:s24] =	ssyncset.done @!p1 $0x0  }
0x51: {  	[sflag:s24] =	ssyncadd.s32 @!p1 $0xFFFFC000;
	s24 =	simm.s32 @!p1 $0xC  }
0x52: {  	_ =	swait.ge @!p1 [sflag:s24], $0x4000  }
0x53: {  	[sflag:s24] =	ssyncset.done @!p1 $0x0  }
0x54: {  	s25 =	sadd.s32 s0, s8;
	[sflag:s24] =	ssyncadd.s32 @!p1 $0xFFFFC000  }
0x55: {  	[tilespmem:s3], [sflag:$0x1] =	stream.linear.gather [hbm4b:s25+s3], $0x80, $0x38;
	[tilespmem:$0x10200] =	vst v63  }
0x56: {  	s25 =	sadd.s32 s31, s8  }
0x57: {  	[tilespmem:s9], [sflag:$0x3] =	stream.linear.gather [hbm4b:s25+s3], $0x80, $0x38;
	[tilespmem:$0x10200] =	vst v63  }
0x58: {  	s25 =	sadd.s32 s0, s7  }
0x59: {  	[tilespmem:s10], [sflag:$0x2] =	stream.linear.gather [hbm4b:s25+s3], $0x80, $0x38;
	[tilespmem:$0x10200] =	vst v63  }
0x5a: {  	s25 =	sadd.s32 s31, s7  }
0x5b: {  	[tilespmem:s11], [sflag:$0x4] =	stream.linear.gather [hbm4b:s25+s3], $0x80, $0x38;
	[tilespmem:$0x10200] =	vst v63  }
0x5c: {  	_ =	swait.ge [sflag:s12], $0x80  }
0x5d: {  	[sflag:s12] =	ssyncset.done $0x0  }
0x5e: {  	[sflag:s12] =	ssyncadd.s32 $0xFFFFFF80  }
0x5f: {  	_ =	swait.ge [sflag:s13], $0x80  }
0x60: {  	[sflag:s13] =	ssyncset.done $0x0  }
0x61: {  	[sflag:s13] =	ssyncadd.s32 $0xFFFFFF80  }
0x62: {  	[tilespmem:s14], [sflag:$0x5] =	stream.indirect.gather [hbm4b:s2+s10], $0x80, s3, s10, $0xb8;
	[tilespmem:$0x10200] =	vst v63  }
0x63: {  	_ = 	snop  }
0x64: {  	[tilespmem:s15], [sflag:$0x7] =	stream.indirect.gather [hbm4b:s2+s10], $0x80, s9, s10, $0xb8;
	[tilespmem:$0x10200] =	vst v63  }
0x65: {  	_ =	swait.ge [sflag:s16], $0x80  }
0x66: {  	[sflag:s16] =	ssyncset.done $0x0  }
0x67: {  	[sflag:s16] =	ssyncadd.s32 $0xFFFFFF80  }
0x68: {  	_ =	swait.ge [sflag:s17], $0x80  }
0x69: {  	[sflag:s17] =	ssyncset.done $0x0  }
0x6a: {  	[sflag:s17] =	ssyncadd.s32 $0xFFFFFF80  }
0x6b: {  	[tilespmem:s18], [sflag:$0x6] =	stream.indirect.gather [hbm4b:s2+s10], $0x80, s10, s10, $0xb8;
	[tilespmem:$0x10200] =	vst v63  }
0x6c: {  	_ = 	snop  }
0x6d: {  	[tilespmem:s19], [sflag:$0x8] =	stream.indirect.gather [hbm4b:s2+s10], $0x80, s11, s10, $0xb8;
	[tilespmem:$0x10200] =	vst v63  }
0x6e: {  	_ =	swait.ge [sflag:s20], $0x4000  }
0x6f: {  	s25 =	rddreg [dreg:$0x3];
	[sflag:s20] =	ssyncset.done $0x0  }
0x70: {  	[sflag:s20] =	ssyncadd.s32 $0xFFFFC000;
	s24 =	sadd.s32 s30, s25  }
0x71: {  	[hbm4b:s24+s3] =	stream.linear.scatter [tilespmem:s14], [sflag:$0x9], $0x4000, $0x38;
	[tilespmem:$0x10200] =	vst v63  }
0x72: {  	_ =	swait.ge [sflag:s21], $0x4000  }
0x73: {  	s6 =	smov.u32 s1;
	s25 =	rddreg [dreg:$0x4];
	[sflag:s21] =	ssyncset.done $0x0  }
0x74: {  	s1 =	sadd.s32 $0x1000, s1;
	[sflag:s21] =	ssyncadd.s32 $0xFFFFC000;
	s25 =	sadd.s32 s30, s25  }
0x75: {  	[hbm4b:s25+s3] =	stream.linear.scatter [tilespmem:s15], [sflag:$0xB], $0x4000, $0x38;
	[tilespmem:$0x10200] =	vst v63  }
0x76: {  	p0 =	sne.s32 s1, $0xA000;
	_ =	swait.ge [sflag:s22], $0x4000  }
.Ltmp0:
0x77: {  	[sflag:s22] =	ssyncset.done $0x0;
	(pc) =	sbr.rel @p0 .LBB2_2-.Ltmp0, $4  }
0x78: {  	s0 =	sadd.s32 $0x20, s0;
	s24 =	sadd.s32 $0x800, s24;
	[sflag:s22] =	ssyncadd.s32 $0xFFFFC000  }
0x79: {  	[hbm4b:s24+s3] =	stream.linear.scatter [tilespmem:s18], [sflag:$0xA], $0x4000, $0x38;
	[tilespmem:$0x10200] =	vst v63  }
0x7a: {  	s31 =	sadd.s32 $0x20, s31;
	s30 =	smov.u32 s6;
	_ =	swait.ge [sflag:s23], $0x4000  }
0x7b: {  	p1 =	seq.s32 s30, $0x0;
	s24 =	sadd.s32 $0x800, s25;
	[sflag:s23] =	ssyncset.done $0x0  }
0x7c: {  	[sflag:s23] =	ssyncadd.s32 $0xFFFFC000;
	s1 =	simm.s32 @!p1 $0x9  }
0x7d: {  	[hbm4b:s24+s3] =	stream.linear.scatter [tilespmem:s19], [sflag:$0xC], $0x4000, $0x38;
	[tilespmem:$0x10200] =	vst v63  }
0x7e: {  	_ =	swait.ge @!p1 [sflag:s1], $0x4000  }
0x7f: {  	[sflag:s1] =	ssyncset.done @!p1 $0x0  }
0x80: {  	[sflag:s1] =	ssyncadd.s32 @!p1 $0xFFFFC000;
	s1 =	simm.s32 @!p1 $0xB  }
0x81: {  	_ =	swait.ge @!p1 [sflag:s1], $0x4000  }
0x82: {  	[sflag:s1] =	ssyncset.done @!p1 $0x0  }
0x83: {  	[sflag:s1] =	ssyncadd.s32 @!p1 $0xFFFFC000;
	s1 =	simm.s32 @!p1 $0xA  }
0x84: {  	_ =	swait.ge @!p1 [sflag:s1], $0x4000  }
0x85: {  	[sflag:s1] =	ssyncset.done @!p1 $0x0  }
0x86: {  	[sflag:s1] =	ssyncadd.s32 @!p1 $0xFFFFC000;
	s1 =	simm.s32 @!p1 $0xC  }
0x87: {  	_ =	swait.ge @!p1 [sflag:s1], $0x4000  }
0x88: {  	[sflag:s1] =	ssyncset.done @!p1 $0x0  }
0x89: {  	s6 =	sadd.s32 s0, s8;
	[sflag:s1] =	ssyncadd.s32 @!p1 $0xFFFFC000  }
0x8a: {  	[tilespmem:s3], [sflag:$0x1] =	stream.linear.gather [hbm4b:s6+s3], $0x80, $0x38;
	[tilespmem:$0x10200] =	vst v63  }
0x8b: {  	s24 =	sadd.s32 s31, s8  }
0x8c: {  	[tilespmem:s9], [sflag:$0x3] =	stream.linear.gather [hbm4b:s24+s3], $0x80, $0x38;
	[tilespmem:$0x10200] =	vst v63  }
0x8d: {  	s25 =	sadd.s32 s0, s7  }
0x8e: {  	[tilespmem:s10], [sflag:$0x2] =	stream.linear.gather [hbm4b:s25+s3], $0x80, $0x38;
	[tilespmem:$0x10200] =	vst v63  }
0x8f: {  	s31 =	sadd.s32 s31, s7  }
0x90: {  	[tilespmem:s11], [sflag:$0x4] =	stream.linear.gather [hbm4b:s31+s3], $0x80, $0x38;
	[tilespmem:$0x10200] =	vst v63  }
0x91: {  	_ =	swait.ge [sflag:s12], $0x80  }
0x92: {  	[sflag:s12] =	ssyncset.done $0x0  }
0x93: {  	[sflag:s12] =	ssyncadd.s32 $0xFFFFFF80  }
0x94: {  	_ =	swait.ge [sflag:s13], $0x80  }
0x95: {  	[sflag:s13] =	ssyncset.done $0x0  }
0x96: {  	[sflag:s13] =	ssyncadd.s32 $0xFFFFFF80  }
0x97: {  	[tilespmem:s14], [sflag:$0x5] =	stream.indirect.gather [hbm4b:s2+s10], $0x80, s3, s10, $0xb8;
	[tilespmem:$0x10200] =	vst v63  }
0x98: {  	_ = 	snop  }
0x99: {  	[tilespmem:s15], [sflag:$0x7] =	stream.indirect.gather [hbm4b:s2+s10], $0x80, s9, s10, $0xb8;
	[tilespmem:$0x10200] =	vst v63  }
0x9a: {  	_ =	swait.ge [sflag:s16], $0x80  }
0x9b: {  	[sflag:s16] =	ssyncset.done $0x0  }
0x9c: {  	[sflag:s16] =	ssyncadd.s32 $0xFFFFFF80  }
0x9d: {  	_ =	swait.ge [sflag:s17], $0x80  }
0x9e: {  	[sflag:s17] =	ssyncset.done $0x0  }
0x9f: {  	[sflag:s17] =	ssyncadd.s32 $0xFFFFFF80  }
0xa0: {  	[tilespmem:s18], [sflag:$0x6] =	stream.indirect.gather [hbm4b:s2+s10], $0x80, s10, s10, $0xb8;
	[tilespmem:$0x10200] =	vst v63  }
0xa1: {  	_ = 	snop  }
0xa2: {  	[tilespmem:s19], [sflag:$0x8] =	stream.indirect.gather [hbm4b:s2+s10], $0x80, s11, s10, $0xb8;
	[tilespmem:$0x10200] =	vst v63  }
0xa3: {  	_ =	swait.ge [sflag:s20], $0x4000  }
0xa4: {  	s1 =	rddreg [dreg:$0x3];
	[sflag:s20] =	ssyncset.done $0x0  }
0xa5: {  	[sflag:s20] =	ssyncadd.s32 $0xFFFFC000;
	s0 =	sadd.s32 s30, s1  }
0xa6: {  	[hbm4b:s0+s3] =	stream.linear.scatter [tilespmem:s14], [sflag:$0x9], $0x4000, $0x38;
	[tilespmem:$0x10200] =	vst v63  }
0xa7: {  	_ =	swait.ge [sflag:s21], $0x4000  }
0xa8: {  	s6 =	rddreg [dreg:$0x4];
	[sflag:s21] =	ssyncset.done $0x0  }
0xa9: {  	s1 =	sadd.s32 s30, s6;
	[sflag:s21] =	ssyncadd.s32 $0xFFFFC000  }
0xaa: {  	[hbm4b:s1+s3] =	stream.linear.scatter [tilespmem:s15], [sflag:$0xB], $0x4000, $0x38;
	[tilespmem:$0x10200] =	vst v63  }
0xab: {  	_ =	swait.ge [sflag:s22], $0x4000  }
0xac: {  	[sflag:s22] =	ssyncset.done $0x0  }
0xad: {  	s0 =	sadd.s32 $0x800, s0;
	[sflag:s22] =	ssyncadd.s32 $0xFFFFC000  }
0xae: {  	[hbm4b:s0+s3] =	stream.linear.scatter [tilespmem:s18], [sflag:$0xA], $0x4000, $0x38;
	[tilespmem:$0x10200] =	vst v63  }
0xaf: {  	_ =	swait.ge [sflag:s23], $0x4000  }
0xb0: {  	[sflag:s23] =	ssyncset.done $0x0  }
0xb1: {  	s25 =	simm.s32 $0x9;
	s24 =	sadd.s32 $0x800, s1;
	[sflag:s23] =	ssyncadd.s32 $0xFFFFC000  }
0xb2: {  	[hbm4b:s24+s3] =	stream.linear.scatter [tilespmem:s19], [sflag:$0xC], $0x4000, $0x38;
	[tilespmem:$0x10200] =	vst v63  }
0xb3: {  	_ =	swait.ge [sflag:s25], $0x4000  }
0xb4: {  	[sflag:s25] =	ssyncset.done $0x0  }
0xb5: {  	s30 =	simm.s32 $0xB;
	[sflag:s25] =	ssyncadd.s32 $0xFFFFC000  }
0xb6: {  	_ =	swait.ge [sflag:s30], $0x4000  }
0xb7: {  	[sflag:s30] =	ssyncset.done $0x0  }
0xb8: {  	[sflag:s30] =	ssyncadd.s32 $0xFFFFC000  }
0xb9: {  	_ =	swait.ge [sflag:s26], $0x4000  }
0xba: {  	[sflag:s26] =	ssyncset.done $0x0  }
0xbb: {  	[sflag:s26] =	ssyncadd.s32 $0xFFFFC000  }
0xbc: {  	_ =	swait.ge [sflag:s28], $0x4000  }
0xbd: {  	s29 =	sadd.s32 $0x1, s29;
	s31 =	rddreg [dreg:$0x5]  }
0xbe: {  	p0 =	sne.s32 s29, s31  }
.Ltmp1:
0xbf: {  	_ = 	snop;
	(pc) =	sbr.rel @p0 .LBB2_1-.Ltmp1, $3  }
0xc0: {  	_ =	sdelay $0x1  }
0xc1: {  	[sflag:s28] =	ssyncset.done $0x0  }
0xc2: {  	[sflag:s28] =	ssyncadd.s32 $0xFFFFC000  }
0xc3: {  	_ =	sfence.sel $0x180000  }
0xc4: {  	[bflag:$0x0] =	sbarrier.arrive $0xFFFF  }
0xc5: {  	_ =	strace $0x90000053  }
0xc6: {  	s0 =	stileid.u32;
	[bflag:$0x2] =	sbarrier.arrive $0xFFFF  }
0xc7: {  	p0 =	sne.s32 s0, $0x0;
	s0 =	rddreg [dreg:$0x2]  }
0xc8: {  	s0 =	sadd.s32 @!p0 $0x100000, s0  }
0xc9: {  	[sflag:s0] =	ssyncadd.tile.s32 @!p0 $0x1;
	_ =	shalt  }
.Lfunc_end2:
_tile_overlayer_lowered:
.L_overlay_start_2:
0xca: {  	(tag) =	ssettag $0x2  }
0xcb: {  	s0 =	rddreg [dreg:$0x0];
	s2 =	stileid.u32  }
0xcc: {  	s1 =	rddreg [dreg:$0x1];
	p0 =	sne.s32 s2, $0x0  }
0xcd: {  	s3 =	rddreg [dreg:$0x2];
	[bflag:$0x3] =	sbarrier.arrive $0xFFFF;
	s2 =	simm.s32 @!p0 $0x1C0D  }
0xce: {  	[timem:s3], [sflag:s2] =	dma.local @!p0 [hbm:s0], s1  }
0xcf: {  	s0 =	simm.s32 @!p0 $0xD  }
0xd0: {  	_ =	swait.ge @!p0 [sflag:s0], s1  }
0xd1: {  	s1 =	ssub.s32 @!p0 $0x0, s1;
	[sflag:s0] =	ssyncset.done @!p0 $0x0  }
0xd2: {  	[sflag:s0] =	ssyncadd.s32 @!p0 s1  }
0xd3: {  	[bflag:$0x3] =	sbarrier.arrive $0xFFFF  }
0xd4: {  	_ =	shalt  }

// kernel: kernel.29.cloned.1.call-start
scs
__scs_entry_jumppad:
0x0: {  	(pc) =	sbr.rel $0x88, $3  }
0x1: {  	(tag) =	ssettag $0x0;
	lr =	simm.s32 $0x1  }
0x2: {  	[smem:$0x3F82] =	sst lr;
	_ =	strace $0xD0000000  }
0x3: {  	_ = 	snop  }
0x4: {  	_ = 	snop  }
0x5: {  	_ = 	snop  }
0x6: {  	_ = 	snop  }
0x7: {  	_ = 	snop  }
__scs_overlays_trampoline_lowered:
0x8: {  	[smem:$0x3F91] =	sst s0  }
0x9: {  	[smem:$0x3F92] =	sst s1  }
0xa: {  	[smem:$0x3F93] =	sst s2  }
0xb: {  	[smem:$0x3F94] =	sst s3  }
0xc: {  	[smem:$0x3F95] =	sst s4  }
0xd: {  	[smem:$0x3F96] =	sst s5  }
0xe: {  	[smem:$0x3F97] =	sst s6  }
0xf: {  	[smem:$0x3F98] =	sst s7  }
0x10: {  	[smem:$0x3F99] =	sst s8  }
0x11: {  	[smem:$0x3F9A] =	sst s9;
	s0 =	simm.s32 @!p0 $0x0  }
0x12: {  	s1 =	sld [smem:$0x3F80];
	s0 =	simm.s32 @p0 $0x1  }
0x13: {  	[smem:$0x3F9B] =	sst s0;
	s0 =	simm.s32 @!p1 $0x0  }
0x14: {  	s2 =	sld [smem:$0x3F7F];
	s0 =	simm.s32 @p1 $0x1  }
0x15: {  	[smem:$0x3F9C] =	sst s0;
	s0 =	simm.s32 @!p2 $0x0  }
0x16: {  	s3 =	sld [smem:$0x3FDB];
	s0 =	simm.s32 @p2 $0x1  }
0x17: {  	s4 =	simm.s32 $0x1BF5;
	[smem:$0x3F9E] =	sst s0  }
0x18: {  	s0 =	sld [smem:$0x3F81];
	_ =	swait.ge [sflag:s4], $0x0  }
0x19: {  	s7 =	sld [smem:$0x3F82]  }
0x1a: {  	s8 =	sadd.s32 $0xFFFFE003, lr  }
0x1b: {  	s9 =	sadd.s32 $0xFFFFFEF7, lr;
	s5 =	simm.s32 $0xFFFFFFFF;
	p2 =	slt.u32 s8, $0xFFFFF086  }
0x1c: {  	p1 =	slt.u32 s9, $0xF7A;
	s5 =	simm.s32 @!p2 $0x0  }
0x1d: {  	s5 =	simm.s32 @p1 $0x1;
	p0 =	seq.s32 s7, s2  }
0x1e: {  	s7 =	smul.u32 @!p0 $0xF7A, s2;
	p2 =	seq.s32 @!p0 s5, $0x0  }
0x1f: {  	s9 =	smul.u32 $0xF7A, s1;
	s8 =	simm.s32 @!p0 $0x1BF5;
	p2 =	por !p2, p0  }
0x20: {  	[sflag:s8] =	ssyncset.s32 @!p0 $0xFFFFF086;
	s6 =	sadd.s32 @!p0 s3, s7;
	s7 =	simm.s32 @!p0 $0x108  }
0x21: {  	s3 =	sadd.s32 s3, s9;
	s6 =	sadd.s32 @!p0 $0x88, s6;
	s7 =	simm.s32 @p2 $0x1082  }
0x22: {  	[simem:s7], [sflag:s8] =	dma.local @!p0 [hbm:s6], $0xF7A  }
0x23: {  	s9 =	sor.u32 $0xD0000000, s2;
	s6 =	simm.s32 $0x108;
	_ =	swait.ge @!p0 [sflag:s8], $0x0  }
0x24: {  	s3 =	sadd.s32 $0x88, s3;
	s6 =	simm.s32 @!p1 $0x1082;
	[sflag:s4] =	ssyncset.s32 $0xFFFFF086  }
0x25: {  	[simem:s6], [sflag:s4] =	dma.local [hbm:s3], $0xF7A  }
0x26: {  	[smem:$0x3F82] =	sst s1;
	(tag) =	ssettag s2;
	_ =	strace s9  }
0x27: {  	s1 =	sld [smem:$0x3F92]  }
0x28: {  	s2 =	sld [smem:$0x3F93]  }
0x29: {  	s4 =	sld [smem:$0x3F95]  }
0x2a: {  	p0 =	seq.s32 s5, $0x0;
	s5 =	sld [smem:$0x3F96]  }
0x2b: {  	s6 =	sld [smem:$0x3F97]  }
0x2c: {  	s7 =	sld [smem:$0x3F98]  }
0x2d: {  	s3 =	simm.s32 $0x108;
	s8 =	sld [smem:$0x3F99]  }
0x2e: {  	s3 =	simm.s32 @!p0 $0x1082;
	s9 =	sld [smem:$0x3F9A]  }
0x2f: {  	lr =	sadd.s32 s0, s3;
	s0 =	sld [smem:$0x3F91]  }
0x30: {  	s3 =	sld [smem:$0x3F94]  }
0x31: {  	[smem:$0x3F9D] =	sst s10  }
0x32: {  	s10 =	sld [smem:$0x3F9B];
	_ =	sdelay $0x3  }
0x33: {  	p0 =	seq.s32 s10, $0x1;
	s10 =	sld [smem:$0x3F9D];
	_ =	sdelay $0x3  }
0x34: {  	[smem:$0x3F9D] =	sst s10  }
0x35: {  	s10 =	sld [smem:$0x3F9C];
	_ =	sdelay $0x3  }
0x36: {  	p1 =	seq.s32 s10, $0x1;
	s10 =	sld [smem:$0x3F9D];
	_ =	sdelay $0x3  }
0x37: {  	[smem:$0x3F9D] =	sst s10  }
0x38: {  	s10 =	sld [smem:$0x3F9E]  }
0x39: {  	_ = 	snop;
	(pc) =	sbr.ind lr, $3  }
0x3a: {  	_ = 	snop  }
0x3b: {  	_ = 	snop  }
0x3c: {  	p2 =	seq.s32 s10, $0x1;
	s10 =	sld [smem:$0x3F9D]  }
0x3d: {  	_ =	shalt  }
0x3e: {  	_ =	shalt  }
0x3f: {  	_ =	shalt  }
0x40: {  	_ =	shalt  }
0x41: {  	_ =	shalt  }
0x42: {  	_ =	shalt  }
0x43: {  	_ =	shalt  }
0x44: {  	_ =	shalt  }
0x45: {  	_ =	shalt  }
0x46: {  	_ =	shalt  }
0x47: {  	_ =	shalt  }
0x48: {  	_ =	shalt  }
0x49: {  	_ =	shalt  }
0x4a: {  	_ =	shalt  }
0x4b: {  	_ =	shalt  }
0x4c: {  	_ =	shalt  }
0x4d: {  	_ =	shalt  }
0x4e: {  	_ =	shalt  }
0x4f: {  	_ =	shalt  }
0x50: {  	_ =	shalt  }
0x51: {  	_ =	shalt  }
0x52: {  	_ =	shalt  }
0x53: {  	_ =	shalt  }
0x54: {  	_ =	shalt  }
0x55: {  	_ =	shalt  }
0x56: {  	_ =	shalt  }
0x57: {  	_ =	shalt  }
0x58: {  	_ =	shalt  }
0x59: {  	_ =	shalt  }
0x5a: {  	_ =	shalt  }
0x5b: {  	_ =	shalt  }
0x5c: {  	_ =	shalt  }
0x5d: {  	_ =	shalt  }
0x5e: {  	_ =	shalt  }
0x5f: {  	_ =	shalt  }
0x60: {  	_ =	shalt  }
0x61: {  	_ =	shalt  }
0x62: {  	_ =	shalt  }
0x63: {  	_ =	shalt  }
0x64: {  	_ =	shalt  }
0x65: {  	_ =	shalt  }
0x66: {  	_ =	shalt  }
0x67: {  	_ =	shalt  }
0x68: {  	_ =	shalt  }
0x69: {  	_ =	shalt  }
0x6a: {  	_ =	shalt  }
0x6b: {  	_ =	shalt  }
0x6c: {  	_ =	shalt  }
0x6d: {  	_ =	shalt  }
0x6e: {  	_ =	shalt  }
0x6f: {  	_ =	shalt  }
0x70: {  	_ =	shalt  }
0x71: {  	_ =	shalt  }
0x72: {  	_ =	shalt  }
0x73: {  	_ =	shalt  }
0x74: {  	_ =	shalt  }
0x75: {  	_ =	shalt  }
0x76: {  	_ =	shalt  }
0x77: {  	_ =	shalt  }
0x78: {  	_ =	shalt  }
0x79: {  	_ =	shalt  }
0x7a: {  	_ =	shalt  }
0x7b: {  	_ =	shalt  }
0x7c: {  	_ =	shalt  }
0x7d: {  	_ =	shalt  }
0x7e: {  	_ =	shalt  }
0x7f: {  	_ =	shalt  }
0x80: {  	_ =	shalt  }
0x81: {  	_ =	shalt  }
0x82: {  	_ =	shalt  }
0x83: {  	_ =	shalt  }
0x84: {  	_ =	shalt  }
0x85: {  	_ =	shalt  }
0x86: {  	_ =	shalt  }
0x87: {  	_ =	shalt  }
.Lfunc_end0:
.L_simem_size_0:
called_computation.5_lowered:
.L_overlay_start_0:
0x88: {  	s2 =	sld [smem:$0x3FD9]  }
0x89: {  	s3 =	sld [smem:$0x3FFE];
	_ =	sdelay $0x1  }
0x8a: {  	s1 =	srdreg.scid  }
0x8b: {  	s0 =	sand.u32 $0x1, s1  }
0x8c: {  	s15 =	sshll.u32 s0, $0xA;
	s2 =	sadd.s32 s3, s2  }
0x8d: {  	s2 =	sadd.s32 s2, s15  }
0x8e: {  	[smem:$0x3FA9] =	sst s2  }
0x8f: {  	_ = 	snop  }
0x90: {  	s2 =	sld [smem:$0x3FD0];
	_ =	sdelay $0x2  }
0x91: {  	s16 =	simm.s32 $0xB;
	s4 =	simm.s32 $0x10  }
0x92: {  	[smem:s4], [sflag:s16] =	dma.local [hbm:s2], $0x1  }
0x93: {  	_ =	swait.eq [sflag:s16], $0x1  }
0x94: {  	[sflag:s16] =	ssyncset.done $0x0  }
0x95: {  	[sflag:s16] =	ssyncadd.s32 $0xFFFFFFFF  }
0x96: {  	s17 =	sld [smem:$0x11];
	(tm) =	ssettm $0x1  }
0x97: {  	s18 =	sld [smem:$0x3FFB];
	_ =	sdelay $0x3  }
0x98: {  	_ =	strace s18  }
0x99: {  	s2 =	sld [smem:$0x3FFC];
	_ =	sdelay $0x3  }
0x9a: {  	_ =	strace s2  }
0x9b: {  	s2 =	sld [smem:$0x3FFD];
	_ =	sdelay $0x3  }
0x9c: {  	_ =	strace s2  }
0x9d: {  	_ =	strace $0x8FFFFFFF  }
0x9e: {  	s19 =	sld [smem:$0x3FDB];
	_ =	sdelay $0x1  }
0x9f: {  	s20 =	simm.s32 $_scs_section_size  }
0xa0: {  	s5 =	simm.s32 $_size__tile_overlayer_lowered;
	s6 =	simm.s32 $_tile_overlayer_lowered  }
0xa1: {  	s7 =	simm.s32 $0x1BFF;
	s21 =	sshll.u32 s6, $0x1;
	s4 =	sadd.s32 s20, s19  }
0xa2: {  	s22 =	simm.s32 $0x0;
	s5 =	sshll.u32 s5, $0x1;
	s6 =	sadd.s32 s21, s4  }
0xa3: {  	[timem:s22], [sflag:s7] =	dma.local [hbm:s6], s5  }
0xa4: {  	_ =	swait.ge [sflag:s7], s5  }
0xa5: {  	s5 =	ssub.s32 $0x0, s5;
	[sflag:s7] =	ssyncset.done $0x0  }
0xa6: {  	[sflag:s7] =	ssyncadd.s32 s5;
	_ =	sdelay $0x1  }
0xa7: {  	s23 =	simm.s32 $0x1B8B  }
0xa8: {  	_ =	swait.ge [sflag:s23], $0x1  }
0xa9: {  	[sflag:s23] =	ssyncset.done $0x0  }
0xaa: {  	[sflag:s23] =	ssyncadd.s32 $0xFFFFFFFF  }
0xab: {  	s5 =	sld [smem:$0x0]  }
0xac: {  	s6 =	sand.u32 $0xFFFFFFFE, s1  }
0xad: {  	p0 =	sne.s32 s1, s6  }
0xae: {  	s6 =	sshll.u32 @p0 s6, $0xE  }
0xaf: {  	s6 =	sadd.s32 @p0 $0x11B8D, s6;
	s7 =	sshll.u32 @p0 s5, $0x11  }
0xb0: {  	s6 =	sor.u32 @p0 s7, s6  }
0xb1: {  	[sflag:s6] =	ssyncadd.remote.s32 @p0 $0x1;
	_ =	sdelay $0x1  }
0xb2: {  	s6 =	simm.s32 @p0 $0x1B8D  }
0xb3: {  	_ =	swait.eq @p0 [sflag:s6], $0x1  }
0xb4: {  	[sflag:s6] =	ssyncadd.s32 @p0 $0xFFFFFFFF  }
0xb5: {  	s7 =	sshll.u32 @!p0 s1, $0xE  }
0xb6: {  	s7 =	sor.u32 @!p0 $0x4000, s7;
	s6 =	simm.s32 @!p0 $0x1B8D  }
0xb7: {  	s5 =	sshll.u32 @!p0 s5, $0x11;
	s7 =	sadd.s32 @!p0 $0x11B8D, s7;
	_ =	swait.eq @!p0 [sflag:s6], $0x1  }
0xb8: {  	s5 =	sor.u32 @!p0 s5, s7;
	[sflag:s6] =	ssyncadd.s32 @!p0 $0xFFFFFFFF  }
0xb9: {  	s25 =	simm.s32 $0x1B8E;
	s24 =	sld [smem:$0x3FFE];
	[sflag:s5] =	ssyncadd.remote.s32 @!p0 $0x1  }
0xba: {  	s26 =	simm.s32 $execute0_lowered;
	[smem:$0x3FD2] =	sst s25  }
0xbb: {  	s6 =	sshll.u32 s26, $0x1;
	_ =	strace $0x80000055;
	[dreg:$0x1] =	wrdreg $0xFFFFFFFF  }
0xbc: {  	s28 =	simm.s32 $_size_execute0_lowered;
	s4 =	sadd.s32 s4, s6;
	[dreg:$0x0] =	wrdreg $0x0  }
0xbd: {  	s6 =	sshll.u32 s28, $0x1;
	[dreg:$0x2] =	wrdreg s4  }
0xbe: {  	[dreg:$0x3] =	wrdreg s6  }
0xbf: {  	[dreg:$0x4] =	wrdreg $0xC0  }
0xc0: {  	_ =	task [dreg:s22], $0x5FFFF  }
0xc1: {  	[dreg:$0x1] =	wrdreg $0xFFFFFFFF  }
0xc2: {  	[dreg:$0x0] =	wrdreg $0x60  }
0xc3: {  	[dreg:$0x2] =	wrdreg s17  }
0xc4: {  	[dreg:$0x3] =	wrdreg s24  }
0xc5: {  	[dreg:$0x4] =	wrdreg $0xA  }
0xc6: {  	_ =	task.clear_ibuf [dreg:s22], $0x5FFFF;
	_ =	strace $0x90000055  }
0xc7: {  	s29 =	simm.s32 $0xA;
	_ =	strace $0x80000057  }
0xc8: {  	_ =	swait.ge [sflag:s29], $0x1  }
0xc9: {  	[sflag:s29] =	ssyncadd.s32 $0xFFFFFFFF  }
0xca: {  	_ =	strace $0x90000057  }
0xcb: {  	_ =	sfence  }
0xcc: {  	s30 =	sld [smem:$0x0];
	_ =	sdelay $0x2  }
0xcd: {  	s31 =	sshll.u32 s1, $0xD;
	s1 =	sshrl.u32 s1, $0x2  }
0xce: {  	s4 =	sand.u32 $0x4000, s31;
	s1 =	sadd.s32 s1, s30  }
0xcf: {  	s0 =	sor.u32 s4, s0;
	s1 =	sshll.u32 s1, $0x11  }
0xd0: {  	s0 =	sor.u32 s1, s0  }
0xd1: {  	s0 =	sadd.s32 $0x8F2B, s0  }
0xd2: {  	[sflag:s0] =	ssyncadd.remote.s32 $0x1  }
0xd3: {  	_ =	sfence.sel $0xFFFF  }
0xd4: {  	[dreg:$0x0] =	wrdreg $0xFFFFFFFF;
	(pc) =	sbr.abs _section_cstart, $3  }
0xd5: {  	[dreg:$0x1] =	wrdreg $0xFFFFFFFF  }
0xd6: {  	_ =	task.clear_ibuf [dreg:s22], $0x2FFFF;
	_ =	strace $0x9FFFFFFF  }
0xd7: {  	(tm) =	ssettm $0x7FFFFFFF  }
tec
execute0_lowered:
.L_overlay_start_1:
0x0: {  	(tag) =	ssettag $0x1  }
0x1: {  	s2 =	rddreg [dreg:$0x0]  }
0x2: {  	s0 =	rddreg [dreg:$0x1]  }
0x3: {  	s7 =	stileid.u32;
	s1 =	srdreg.scid;
	s3 =	simm.s32 $0x0  }
0x4: {  	s10 =	simm.s32 $0x80;
	s11 =	simm.s32 $0x180;
	s12 =	simm.s32 $0x1  }
0x5: {  	s13 =	simm.s32 $0x3;
	s14 =	simm.s32 $0x200;
	s15 =	simm.s32 $0x8200  }
0x6: {  	s16 =	simm.s32 $0x2;
	s17 =	simm.s32 $0x4;
	s18 =	simm.s32 $0x4200  }
0x7: {  	s19 =	simm.s32 $0xC200;
	s20 =	simm.s32 $0x5;
	s21 =	simm.s32 $0x7  }
0x8: {  	s22 =	simm.s32 $0x6;
	s23 =	simm.s32 $0x8;
	s26 =	simm.s32 $0xA  }
0x9: {  	s28 =	simm.s32 $0xC;
	s29 =	simm.s32 $0x0;
	s5 =	smul.u32 $0x14000, s7  }
0xa: {  	s1 =	sand.u32 $0x1, s1;
	[smem:$0x7FF] =	sst s3;
	s7 =	smul.u32 $0x1400, s7  }
0xb: {  	s4 =	sadd.s32 $0x11600, s0;
	s6 =	smul.u32 $0xA000, s1;
	_ =	strace $0x80000056  }
0xc: {  	s9 =	ssub.s32 $0x2, s1;
	s1 =	smul.u32 $0xA00, s1;
	s8 =	sadd.s32 s5, s0  }
0xd: {  	s5 =	sadd.s32 $0xEE00, s0;
	s31 =	sshrl.u32 s9, $0x1;
	s6 =	sadd.s32 s6, s8  }
0xe: {  	s0 =	ssub.s32 s9, s31;
	s1 =	sadd.s32 s1, s7;
	s8 =	sadd.s32 $0x293E00, s6  }
0xf: {  	s9 =	simm.s32 $0x100;
	s0 =	smax.u32 s0, $0x1;
	[dreg:$0x3] =	wrdreg s8  }
0x10: {  	s6 =	sadd.s32 $0x3D3E00, s6;
	s7 =	sor.u32 $0x80, s1;
	[dreg:$0x5] =	wrdreg s0  }
0x11: {  	[dreg:$0x4] =	wrdreg s6;
	s7 =	sshrl.u32 s7, $0x3;
	s8 =	sshrl.u32 s1, $0x3  }
.LBB2_1:
0x12: {  	p0 =	por $0x1, $0x1  }
0x13: {  	s0 =	simm.s32 @!p0 $0x9  }
0x14: {  	_ =	swait.ge @!p0 [sflag:s0], $0x4000  }
0x15: {  	[sflag:s0] =	ssyncset.done @!p0 $0x0  }
0x16: {  	[sflag:s0] =	ssyncadd.s32 @!p0 $0xFFFFC000;
	s0 =	simm.s32 @!p0 $0xB  }
0x17: {  	_ =	swait.ge @!p0 [sflag:s0], $0x4000  }
0x18: {  	[sflag:s0] =	ssyncset.done @!p0 $0x0  }
0x19: {  	[sflag:s0] =	ssyncadd.s32 @!p0 $0xFFFFC000;
	s0 =	simm.s32 @!p0 $0xA  }
0x1a: {  	_ =	swait.ge @!p0 [sflag:s0], $0x4000  }
0x1b: {  	[sflag:s0] =	ssyncset.done @!p0 $0x0  }
0x1c: {  	[sflag:s0] =	ssyncadd.s32 @!p0 $0xFFFFC000;
	s0 =	simm.s32 @!p0 $0xC  }
0x1d: {  	_ =	swait.ge @!p0 [sflag:s0], $0x4000  }
0x1e: {  	[sflag:s0] =	ssyncset.done @!p0 $0x0  }
0x1f: {  	s25 =	sadd.s32 s4, s8;
	[sflag:s0] =	ssyncadd.s32 @!p0 $0xFFFFC000  }
0x20: {  	[tilespmem:s3], [sflag:$0x1] =	stream.linear.gather [hbm4b:s25+s3], $0x80, $0x38;
	[tilespmem:$0x10200] =	vst v63  }
0x21: {  	s1 =	sadd.s32 s5, s8  }
0x22: {  	[tilespmem:s9], [sflag:$0x3] =	stream.linear.gather [hbm4b:s1+s3], $0x80, $0x38;
	[tilespmem:$0x10200] =	vst v63  }
0x23: {  	s6 =	sadd.s32 s4, s7  }
0x24: {  	[tilespmem:s10], [sflag:$0x2] =	stream.linear.gather [hbm4b:s6+s3], $0x80, $0x38;
	[tilespmem:$0x10200] =	vst v63  }
0x25: {  	s24 =	sadd.s32 s5, s7  }
0x26: {  	[tilespmem:s11], [sflag:$0x4] =	stream.linear.gather [hbm4b:s24+s3], $0x80, $0x38;
	[tilespmem:$0x10200] =	vst v63  }
0x27: {  	_ =	swait.ge [sflag:s12], $0x80  }
0x28: {  	[sflag:s12] =	ssyncset.done $0x0  }
0x29: {  	[sflag:s12] =	ssyncadd.s32 $0xFFFFFF80  }
0x2a: {  	_ =	swait.ge [sflag:s13], $0x80  }
0x2b: {  	[sflag:s13] =	ssyncset.done $0x0  }
0x2c: {  	[sflag:s13] =	ssyncadd.s32 $0xFFFFFF80  }
0x2d: {  	[tilespmem:s14], [sflag:$0x5] =	stream.indirect.gather [hbm4b:s2+s10], $0x80, s3, s10, $0xb8;
	[tilespmem:$0x10200] =	vst v63  }
0x2e: {  	_ = 	snop  }
0x2f: {  	[tilespmem:s15], [sflag:$0x7] =	stream.indirect.gather [hbm4b:s2+s10], $0x80, s9, s10, $0xb8;
	[tilespmem:$0x10200] =	vst v63  }
0x30: {  	_ =	swait.ge [sflag:s16], $0x80  }
0x31: {  	[sflag:s16] =	ssyncset.done $0x0  }
0x32: {  	[sflag:s16] =	ssyncadd.s32 $0xFFFFFF80  }
0x33: {  	_ =	swait.ge [sflag:s17], $0x80  }
0x34: {  	[sflag:s17] =	ssyncset.done $0x0  }
0x35: {  	[sflag:s17] =	ssyncadd.s32 $0xFFFFFF80  }
0x36: {  	[tilespmem:s18], [sflag:$0x6] =	stream.indirect.gather [hbm4b:s2+s10], $0x80, s10, s10, $0xb8;
	[tilespmem:$0x10200] =	vst v63  }
0x37: {  	_ = 	snop  }
0x38: {  	[tilespmem:s19], [sflag:$0x8] =	stream.indirect.gather [hbm4b:s2+s10], $0x80, s11, s10, $0xb8;
	[tilespmem:$0x10200] =	vst v63  }
0x39: {  	_ =	swait.ge [sflag:s20], $0x4000  }
0x3a: {  	s25 =	rddreg [dreg:$0x3];
	[sflag:s20] =	ssyncset.done $0x0  }
0x3b: {  	[sflag:s20] =	ssyncadd.s32 $0xFFFFC000;
	s0 =	sadd.s32 $0x0, s25  }
0x3c: {  	[hbm4b:s0+s3] =	stream.linear.scatter [tilespmem:s14], [sflag:$0x9], $0x4000, $0x38;
	[tilespmem:$0x10200] =	vst v63  }
0x3d: {  	_ =	swait.ge [sflag:s21], $0x4000  }
0x3e: {  	s1 =	rddreg [dreg:$0x4];
	[sflag:s21] =	ssyncset.done $0x0  }
0x3f: {  	[sflag:s21] =	ssyncadd.s32 $0xFFFFC000;
	s6 =	sadd.s32 $0x0, s1  }
0x40: {  	[hbm4b:s6+s3] =	stream.linear.scatter [tilespmem:s15], [sflag:$0xB], $0x4000, $0x38;
	[tilespmem:$0x10200] =	vst v63  }
0x41: {  	_ =	swait.ge [sflag:s22], $0x4000  }
0x42: {  	s30 =	simm.s32 $0x1000;
	[sflag:s22] =	ssyncset.done $0x0  }
0x43: {  	s31 =	sadd.s32 $0x20, s5;
	s0 =	sadd.s32 $0x800, s0;
	[sflag:s22] =	ssyncadd.s32 $0xFFFFC000  }
0x44: {  	[hbm4b:s0+s3] =	stream.linear.scatter [tilespmem:s18], [sflag:$0xA], $0x4000, $0x38;
	[tilespmem:$0x10200] =	vst v63  }
0x45: {  	p1 =	por $0x0, $0x0;
	s1 =	simm.s32 $0x2000;
	_ =	swait.ge [sflag:s23], $0x4000  }
0x46: {  	s24 =	sadd.s32 $0x800, s6;
	s0 =	sadd.s32 $0x20, s4;
	[sflag:s23] =	ssyncset.done $0x0  }
.LBB2_2:
0x47: {  	s25 =	simm.s32 @!p1 $0x9;
	[sflag:s23] =	ssyncadd.s32 $0xFFFFC000  }
0x48: {  	[hbm4b:s24+s3] =	stream.linear.scatter [tilespmem:s19], [sflag:$0xC], $0x4000, $0x38;
	[tilespmem:$0x10200] =	vst v63  }
0x49: {  	_ =	swait.ge @!p1 [sflag:s25], $0x4000  }
0x4a: {  	[sflag:s25] =	ssyncset.done @!p1 $0x0  }
0x4b: {  	s24 =	simm.s32 @!p1 $0xB;
	[sflag:s25] =	ssyncadd.s32 @!p1 $0xFFFFC000  }
0x4c: {  	_ =	swait.ge @!p1 [sflag:s24], $0x4000  }
0x4d: {  	[sflag:s24] =	ssyncset.done @!p1 $0x0  }
0x4e: {  	[sflag:s24] =	ssyncadd.s32 @!p1 $0xFFFFC000;
	s24 =	simm.s32 @!p1 $0xA  }
0x4f: {  	_ =	swait.ge @!p1 [sflag:s24], $0x4000  }
0x50: {  	[sflag:s24] =	ssyncset.done @!p1 $0x0  }
0x51: {  	[sflag:s24] =	ssyncadd.s32 @!p1 $0xFFFFC000;
	s24 =	simm.s32 @!p1 $0xC  }
0x52: {  	_ =	swait.ge @!p1 [sflag:s24], $0x4000  }
0x53: {  	[sflag:s24] =	ssyncset.done @!p1 $0x0  }
0x54: {  	s25 =	sadd.s32 s0, s8;
	[sflag:s24] =	ssyncadd.s32 @!p1 $0xFFFFC000  }
0x55: {  	[tilespmem:s3], [sflag:$0x1] =	stream.linear.gather [hbm4b:s25+s3], $0x80, $0x38;
	[tilespmem:$0x10200] =	vst v63  }
0x56: {  	s25 =	sadd.s32 s31, s8  }
0x57: {  	[tilespmem:s9], [sflag:$0x3] =	stream.linear.gather [hbm4b:s25+s3], $0x80, $0x38;
	[tilespmem:$0x10200] =	vst v63  }
0x58: {  	s25 =	sadd.s32 s0, s7  }
0x59: {  	[tilespmem:s10], [sflag:$0x2] =	stream.linear.gather [hbm4b:s25+s3], $0x80, $0x38;
	[tilespmem:$0x10200] =	vst v63  }
0x5a: {  	s25 =	sadd.s32 s31, s7  }
0x5b: {  	[tilespmem:s11], [sflag:$0x4] =	stream.linear.gather [hbm4b:s25+s3], $0x80, $0x38;
	[tilespmem:$0x10200] =	vst v63  }
0x5c: {  	_ =	swait.ge [sflag:s12], $0x80  }
0x5d: {  	[sflag:s12] =	ssyncset.done $0x0  }
0x5e: {  	[sflag:s12] =	ssyncadd.s32 $0xFFFFFF80  }
0x5f: {  	_ =	swait.ge [sflag:s13], $0x80  }
0x60: {  	[sflag:s13] =	ssyncset.done $0x0  }
0x61: {  	[sflag:s13] =	ssyncadd.s32 $0xFFFFFF80  }
0x62: {  	[tilespmem:s14], [sflag:$0x5] =	stream.indirect.gather [hbm4b:s2+s10], $0x80, s3, s10, $0xb8;
	[tilespmem:$0x10200] =	vst v63  }
0x63: {  	_ = 	snop  }
0x64: {  	[tilespmem:s15], [sflag:$0x7] =	stream.indirect.gather [hbm4b:s2+s10], $0x80, s9, s10, $0xb8;
	[tilespmem:$0x10200] =	vst v63  }
0x65: {  	_ =	swait.ge [sflag:s16], $0x80  }
0x66: {  	[sflag:s16] =	ssyncset.done $0x0  }
0x67: {  	[sflag:s16] =	ssyncadd.s32 $0xFFFFFF80  }
0x68: {  	_ =	swait.ge [sflag:s17], $0x80  }
0x69: {  	[sflag:s17] =	ssyncset.done $0x0  }
0x6a: {  	[sflag:s17] =	ssyncadd.s32 $0xFFFFFF80  }
0x6b: {  	[tilespmem:s18], [sflag:$0x6] =	stream.indirect.gather [hbm4b:s2+s10], $0x80, s10, s10, $0xb8;
	[tilespmem:$0x10200] =	vst v63  }
0x6c: {  	_ = 	snop  }
0x6d: {  	[tilespmem:s19], [sflag:$0x8] =	stream.indirect.gather [hbm4b:s2+s10], $0x80, s11, s10, $0xb8;
	[tilespmem:$0x10200] =	vst v63  }
0x6e: {  	_ =	swait.ge [sflag:s20], $0x4000  }
0x6f: {  	s25 =	rddreg [dreg:$0x3];
	[sflag:s20] =	ssyncset.done $0x0  }
0x70: {  	[sflag:s20] =	ssyncadd.s32 $0xFFFFC000;
	s24 =	sadd.s32 s30, s25  }
0x71: {  	[hbm4b:s24+s3] =	stream.linear.scatter [tilespmem:s14], [sflag:$0x9], $0x4000, $0x38;
	[tilespmem:$0x10200] =	vst v63  }
0x72: {  	_ =	swait.ge [sflag:s21], $0x4000  }
0x73: {  	s6 =	smov.u32 s1;
	s25 =	rddreg [dreg:$0x4];
	[sflag:s21] =	ssyncset.done $0x0  }
0x74: {  	s1 =	sadd.s32 $0x1000, s1;
	[sflag:s21] =	ssyncadd.s32 $0xFFFFC000;
	s25 =	sadd.s32 s30, s25  }
0x75: {  	[hbm4b:s25+s3] =	stream.linear.scatter [tilespmem:s15], [sflag:$0xB], $0x4000, $0x38;
	[tilespmem:$0x10200] =	vst v63  }
0x76: {  	p0 =	sne.s32 s1, $0xA000;
	_ =	swait.ge [sflag:s22], $0x4000  }
.Ltmp0:
0x77: {  	[sflag:s22] =	ssyncset.done $0x0;
	(pc) =	sbr.rel @p0 .LBB2_2-.Ltmp0, $4  }
0x78: {  	s0 =	sadd.s32 $0x20, s0;
	s24 =	sadd.s32 $0x800, s24;
	[sflag:s22] =	ssyncadd.s32 $0xFFFFC000  }
0x79: {  	[hbm4b:s24+s3] =	stream.linear.scatter [tilespmem:s18], [sflag:$0xA], $0x4000, $0x38;
	[tilespmem:$0x10200] =	vst v63  }
0x7a: {  	s31 =	sadd.s32 $0x20, s31;
	s30 =	smov.u32 s6;
	_ =	swait.ge [sflag:s23], $0x4000  }
0x7b: {  	p1 =	seq.s32 s30, $0x0;
	s24 =	sadd.s32 $0x800, s25;
	[sflag:s23] =	ssyncset.done $0x0  }
0x7c: {  	[sflag:s23] =	ssyncadd.s32 $0xFFFFC000;
	s1 =	simm.s32 @!p1 $0x9  }
0x7d: {  	[hbm4b:s24+s3] =	stream.linear.scatter [tilespmem:s19], [sflag:$0xC], $0x4000, $0x38;
	[tilespmem:$0x10200] =	vst v63  }
0x7e: {  	_ =	swait.ge @!p1 [sflag:s1], $0x4000  }
0x7f: {  	[sflag:s1] =	ssyncset.done @!p1 $0x0  }
0x80: {  	[sflag:s1] =	ssyncadd.s32 @!p1 $0xFFFFC000;
	s1 =	simm.s32 @!p1 $0xB  }
0x81: {  	_ =	swait.ge @!p1 [sflag:s1], $0x4000  }
0x82: {  	[sflag:s1] =	ssyncset.done @!p1 $0x0  }
0x83: {  	[sflag:s1] =	ssyncadd.s32 @!p1 $0xFFFFC000;
	s1 =	simm.s32 @!p1 $0xA  }
0x84: {  	_ =	swait.ge @!p1 [sflag:s1], $0x4000  }
0x85: {  	[sflag:s1] =	ssyncset.done @!p1 $0x0  }
0x86: {  	[sflag:s1] =	ssyncadd.s32 @!p1 $0xFFFFC000;
	s1 =	simm.s32 @!p1 $0xC  }
0x87: {  	_ =	swait.ge @!p1 [sflag:s1], $0x4000  }
0x88: {  	[sflag:s1] =	ssyncset.done @!p1 $0x0  }
0x89: {  	s6 =	sadd.s32 s0, s8;
	[sflag:s1] =	ssyncadd.s32 @!p1 $0xFFFFC000  }
0x8a: {  	[tilespmem:s3], [sflag:$0x1] =	stream.linear.gather [hbm4b:s6+s3], $0x80, $0x38;
	[tilespmem:$0x10200] =	vst v63  }
0x8b: {  	s24 =	sadd.s32 s31, s8  }
0x8c: {  	[tilespmem:s9], [sflag:$0x3] =	stream.linear.gather [hbm4b:s24+s3], $0x80, $0x38;
	[tilespmem:$0x10200] =	vst v63  }
0x8d: {  	s25 =	sadd.s32 s0, s7  }
0x8e: {  	[tilespmem:s10], [sflag:$0x2] =	stream.linear.gather [hbm4b:s25+s3], $0x80, $0x38;
	[tilespmem:$0x10200] =	vst v63  }
0x8f: {  	s31 =	sadd.s32 s31, s7  }
0x90: {  	[tilespmem:s11], [sflag:$0x4] =	stream.linear.gather [hbm4b:s31+s3], $0x80, $0x38;
	[tilespmem:$0x10200] =	vst v63  }
0x91: {  	_ =	swait.ge [sflag:s12], $0x80  }
0x92: {  	[sflag:s12] =	ssyncset.done $0x0  }
0x93: {  	[sflag:s12] =	ssyncadd.s32 $0xFFFFFF80  }
0x94: {  	_ =	swait.ge [sflag:s13], $0x80  }
0x95: {  	[sflag:s13] =	ssyncset.done $0x0  }
0x96: {  	[sflag:s13] =	ssyncadd.s32 $0xFFFFFF80  }
0x97: {  	[tilespmem:s14], [sflag:$0x5] =	stream.indirect.gather [hbm4b:s2+s10], $0x80, s3, s10, $0xb8;
	[tilespmem:$0x10200] =	vst v63  }
0x98: {  	_ = 	snop  }
0x99: {  	[tilespmem:s15], [sflag:$0x7] =	stream.indirect.gather [hbm4b:s2+s10], $0x80, s9, s10, $0xb8;
	[tilespmem:$0x10200] =	vst v63  }
0x9a: {  	_ =	swait.ge [sflag:s16], $0x80  }
0x9b: {  	[sflag:s16] =	ssyncset.done $0x0  }
0x9c: {  	[sflag:s16] =	ssyncadd.s32 $0xFFFFFF80  }
0x9d: {  	_ =	swait.ge [sflag:s17], $0x80  }
0x9e: {  	[sflag:s17] =	ssyncset.done $0x0  }
0x9f: {  	[sflag:s17] =	ssyncadd.s32 $0xFFFFFF80  }
0xa0: {  	[tilespmem:s18], [sflag:$0x6] =	stream.indirect.gather [hbm4b:s2+s10], $0x80, s10, s10, $0xb8;
	[tilespmem:$0x10200] =	vst v63  }
0xa1: {  	_ = 	snop  }
0xa2: {  	[tilespmem:s19], [sflag:$0x8] =	stream.indirect.gather [hbm4b:s2+s10], $0x80, s11, s10, $0xb8;
	[tilespmem:$0x10200] =	vst v63  }
0xa3: {  	_ =	swait.ge [sflag:s20], $0x4000  }
0xa4: {  	s1 =	rddreg [dreg:$0x3];
	[sflag:s20] =	ssyncset.done $0x0  }
0xa5: {  	[sflag:s20] =	ssyncadd.s32 $0xFFFFC000;
	s0 =	sadd.s32 s30, s1  }
0xa6: {  	[hbm4b:s0+s3] =	stream.linear.scatter [tilespmem:s14], [sflag:$0x9], $0x4000, $0x38;
	[tilespmem:$0x10200] =	vst v63  }
0xa7: {  	_ =	swait.ge [sflag:s21], $0x4000  }
0xa8: {  	s6 =	rddreg [dreg:$0x4];
	[sflag:s21] =	ssyncset.done $0x0  }
0xa9: {  	s1 =	sadd.s32 s30, s6;
	[sflag:s21] =	ssyncadd.s32 $0xFFFFC000  }
0xaa: {  	[hbm4b:s1+s3] =	stream.linear.scatter [tilespmem:s15], [sflag:$0xB], $0x4000, $0x38;
	[tilespmem:$0x10200] =	vst v63  }
0xab: {  	_ =	swait.ge [sflag:s22], $0x4000  }
0xac: {  	[sflag:s22] =	ssyncset.done $0x0  }
0xad: {  	s0 =	sadd.s32 $0x800, s0;
	[sflag:s22] =	ssyncadd.s32 $0xFFFFC000  }
0xae: {  	[hbm4b:s0+s3] =	stream.linear.scatter [tilespmem:s18], [sflag:$0xA], $0x4000, $0x38;
	[tilespmem:$0x10200] =	vst v63  }
0xaf: {  	_ =	swait.ge [sflag:s23], $0x4000  }
0xb0: {  	[sflag:s23] =	ssyncset.done $0x0  }
0xb1: {  	s25 =	simm.s32 $0x9;
	s24 =	sadd.s32 $0x800, s1;
	[sflag:s23] =	ssyncadd.s32 $0xFFFFC000  }
0xb2: {  	[hbm4b:s24+s3] =	stream.linear.scatter [tilespmem:s19], [sflag:$0xC], $0x4000, $0x38;
	[tilespmem:$0x10200] =	vst v63  }
0xb3: {  	_ =	swait.ge [sflag:s25], $0x4000  }
0xb4: {  	[sflag:s25] =	ssyncset.done $0x0  }
0xb5: {  	s30 =	simm.s32 $0xB;
	[sflag:s25] =	ssyncadd.s32 $0xFFFFC000  }
0xb6: {  	_ =	swait.ge [sflag:s30], $0x4000  }
0xb7: {  	[sflag:s30] =	ssyncset.done $0x0  }
0xb8: {  	[sflag:s30] =	ssyncadd.s32 $0xFFFFC000  }
0xb9: {  	_ =	swait.ge [sflag:s26], $0x4000  }
0xba: {  	[sflag:s26] =	ssyncset.done $0x0  }
0xbb: {  	[sflag:s26] =	ssyncadd.s32 $0xFFFFC000  }
0xbc: {  	_ =	swait.ge [sflag:s28], $0x4000  }
0xbd: {  	s29 =	sadd.s32 $0x1, s29;
	s31 =	rddreg [dreg:$0x5]  }
0xbe: {  	p0 =	sne.s32 s29, s31  }
.Ltmp1:
0xbf: {  	_ = 	snop;
	(pc) =	sbr.rel @p0 .LBB2_1-.Ltmp1, $3  }
0xc0: {  	_ =	sdelay $0x1  }
0xc1: {  	[sflag:s28] =	ssyncset.done $0x0  }
0xc2: {  	[sflag:s28] =	ssyncadd.s32 $0xFFFFC000  }
0xc3: {  	_ =	sfence.sel $0x180000  }
0xc4: {  	[bflag:$0x0] =	sbarrier.arrive $0xFFFF  }
0xc5: {  	_ =	strace $0x90000056  }
0xc6: {  	s0 =	stileid.u32;
	[bflag:$0x2] =	sbarrier.arrive $0xFFFF  }
0xc7: {  	p0 =	sne.s32 s0, $0x0;
	s0 =	rddreg [dreg:$0x2]  }
0xc8: {  	s0 =	sadd.s32 @!p0 $0x100000, s0  }
0xc9: {  	[sflag:s0] =	ssyncadd.tile.s32 @!p0 $0x1;
	_ =	shalt  }
.Lfunc_end2:
_tile_overlayer_lowered:
.L_overlay_start_2:
0xca: {  	(tag) =	ssettag $0x2  }
0xcb: {  	s0 =	rddreg [dreg:$0x0];
	s2 =	stileid.u32  }
0xcc: {  	s1 =	rddreg [dreg:$0x1];
	p0 =	sne.s32 s2, $0x0  }
0xcd: {  	s3 =	rddreg [dreg:$0x2];
	[bflag:$0x3] =	sbarrier.arrive $0xFFFF;
	s2 =	simm.s32 @!p0 $0x1C0D  }
0xce: {  	[timem:s3], [sflag:s2] =	dma.local @!p0 [hbm:s0], s1  }
0xcf: {  	s0 =	simm.s32 @!p0 $0xD  }
0xd0: {  	_ =	swait.ge @!p0 [sflag:s0], s1  }
0xd1: {  	s1 =	ssub.s32 @!p0 $0x0, s1;
	[sflag:s0] =	ssyncset.done @!p0 $0x0  }
0xd2: {  	[sflag:s0] =	ssyncadd.s32 @!p0 s1  }
0xd3: {  	[bflag:$0x3] =	sbarrier.arrive $0xFFFF  }
0xd4: {  	_ =	shalt  }

</sc_bundles>
